<compile_context>
chip_gen: v7x
topology: tpu7x:2x2x1
jax: 0.10.2.dev20260603
libtpu: 0.0.44.dev20260713+nightly
codegen_flags: <defaults>
</compile_context>

<pallas_src>
import functools

import jax
import jax.numpy as jnp
from jax import lax
from jax.experimental import pallas as pl
from jax.experimental.pallas import tpu as pltpu
from jax.experimental.pallas import tpu_sc as plsc

DIM = 64
NC, NS = 2, 16
NW = NC * NS
NBUF = 8
LOOKAHEAD = 4


@functools.lru_cache(maxsize=None)
def _make_sc_gather(batch: int, hist: int, vocab: int):
    assert batch % NW == 0
    bw = batch // NW
    mesh = plsc.VectorSubcoreMesh(core_axis_name="c", subcore_axis_name="s")

    @functools.partial(
        pl.kernel,
        mesh=mesh,
        compiler_params=pltpu.CompilerParams(use_tc_tiling_on_sc=False),
        out_type=jax.ShapeDtypeStruct((batch, hist, DIM), jnp.float32),
        scratch_types=[
            pltpu.VMEM((hist, bw), jnp.int32),
            pltpu.VMEM((NBUF, bw, DIM), jnp.float32),
        ]
        + [pltpu.SemaphoreType.DMA] * NBUF
        + [pltpu.SemaphoreType.DMA] * NBUF,
    )
    def k(idx_hbm, table_hbm, out_hbm, idx_v, rows_v, *sems):
        gsem = sems[:NBUF]
        wsem = sems[NBUF:]
        wid = lax.axis_index("s") * NC + lax.axis_index("c")
        base = wid * bw
        pltpu.sync_copy(idx_hbm.at[:, pl.ds(base, bw)], idx_v)

        def gather(h, i):
            pltpu.async_copy(table_hbm.at[idx_v.at[h]], rows_v.at[i], gsem[i])

        for h in range(LOOKAHEAD):
            gather(h, h)

        for h in range(hist):
            i = h % NBUF
            pltpu.make_async_copy(
                table_hbm.at[idx_v.at[h]], rows_v.at[i], gsem[i]
            ).wait()
            pltpu.async_copy(
                rows_v.at[i], out_hbm.at[pl.ds(base, bw), h], wsem[i]
            )
            g = h + LOOKAHEAD
            if g < hist:
                j = g % NBUF
                if g >= NBUF:
                    pltpu.make_async_copy(
                        rows_v.at[j], out_hbm.at[pl.ds(base, bw), 0], wsem[j]
                    ).wait()
                gather(g, j)

        for t in range(min(NBUF, hist)):
            i = (hist - 1 - t) % NBUF
            pltpu.make_async_copy(
                rows_v.at[i], out_hbm.at[pl.ds(base, bw), 0], wsem[i]
            ).wait()

    return k


def kernel(inputs, table):
    batch, hist = inputs.shape
    return _make_sc_gather(batch, hist, table.shape[0])(inputs.T, table)

# --- scband reference (transcript-rebuilt; emitter-appended) ---
"""Pipeline reference for scband-embedding-table-32796370272756 (READ-ONLY COPY).

The authoritative reference and input builder live on the scoring server;
editing this copy changes nothing except your own understanding.
"""

import jax, jax.numpy as jnp
import numpy as np

VOCAB = 1000000
DIM = 64
BATCH = 4096
HIST = 50


def setup_inputs(seed: int = 0) -> dict:
    key = jax.random.key(seed)
    k1, k2 = jax.random.split(key)
    inputs = jax.random.randint(k1, (BATCH, HIST), 0, VOCAB, dtype=jnp.int32)
    # learned embedding table (nn.Embedding(input_dim, dim)), default normal init
    table = jax.random.normal(k2, (VOCAB, DIM), dtype=jnp.float32)
    return {"inputs": inputs, "table": table}


def reference(inputs, table):
    # EmbeddingTable._call_table with sequence_combiner=None and
    # l2_batch_regularization_factor=0.0:
    # inputs.dim() == 2, so no squeeze; out = self.table(inputs)
    out = jnp.take(table, inputs, axis=0)
    return out

if __name__ == "__main__":
    import jax
    _d = setup_inputs()
    print(jax.jit(kernel)(*tuple(_d.values())))

</pallas_src>

<mosaic_0001>
#map = affine_map<(d0, d1) -> (0, 0)>
#map1 = affine_map<(d0, d1) -> (0, 0, 0)>
module attributes {stable_mosaic.version = 14 : i64} {
  func.func @k(%arg0: i32, %arg1: i32, %arg2: memref<50x4096xi32, #tpu.memory_space<hbm>>, %arg3: memref<1000000x64xf32, #tpu.memory_space<hbm>>, %arg4: memref<4096x50x64xf32, #tpu.memory_space<hbm>>, %arg5: memref<50x128xi32, #tpu.memory_space<vmem>>, %arg6: memref<8x128x64xf32, #tpu.memory_space<vmem>>, %arg7: memref<!tpu.dma_semaphore, #tpu.memory_space<semaphore_mem>>, %arg8: memref<!tpu.dma_semaphore, #tpu.memory_space<semaphore_mem>>, %arg9: memref<!tpu.dma_semaphore, #tpu.memory_space<semaphore_mem>>, %arg10: memref<!tpu.dma_semaphore, #tpu.memory_space<semaphore_mem>>, %arg11: memref<!tpu.dma_semaphore, #tpu.memory_space<semaphore_mem>>, %arg12: memref<!tpu.dma_semaphore, #tpu.memory_space<semaphore_mem>>, %arg13: memref<!tpu.dma_semaphore, #tpu.memory_space<semaphore_mem>>, %arg14: memref<!tpu.dma_semaphore, #tpu.memory_space<semaphore_mem>>, %arg15: memref<!tpu.dma_semaphore, #tpu.memory_space<semaphore_mem>>, %arg16: memref<!tpu.dma_semaphore, #tpu.memory_space<semaphore_mem>>, %arg17: memref<!tpu.dma_semaphore, #tpu.memory_space<semaphore_mem>>, %arg18: memref<!tpu.dma_semaphore, #tpu.memory_space<semaphore_mem>>, %arg19: memref<!tpu.dma_semaphore, #tpu.memory_space<semaphore_mem>>, %arg20: memref<!tpu.dma_semaphore, #tpu.memory_space<semaphore_mem>>, %arg21: memref<!tpu.dma_semaphore, #tpu.memory_space<semaphore_mem>>, %arg22: memref<!tpu.dma_semaphore, #tpu.memory_space<semaphore_mem>>) attributes {dimension_semantics = [#tpu.dimension_semantics<core_parallel>, #tpu.dimension_semantics<subcore_parallel>], iteration_bounds = array<i64: 2, 16>, scalar_prefetch = 0 : i64, scratch_operands = 18 : i64, tpu.core_type = #tpu.core_type<sc_vector_subcore>, window_params = [{transform_indices = #map}, {transform_indices = #map}, {transform_indices = #map1}]} {
    %mul3A = arith.constant 2 : i32
    %mul3A_0 = arith.muli %arg1, %mul3A : i32
    %add3A = arith.addi %mul3A_0, %arg0 : i32
    %mul3A_1 = arith.constant 128 : i32
    %mul3A_2 = arith.muli %add3A, %mul3A_1 : i32
    "tpu.region"() ({
      %run_scoped3A = tpu.sem_alloc : memref<!tpu.dma_semaphore, #tpu.memory_space<semaphore_mem>>
      %dma_start3A_2801 = arith.constant 0 : i32
      %dma_start3A_2802 = tpu.memref_slice %arg2[%dma_start3A_2801, %mul3A_2] : memref<50x4096xi32, #tpu.memory_space<hbm>> -> memref<50x128xi32, #tpu.memory_space<hbm>>
      %dma_start3A_2803 = arith.constant 0 : i32
      %dma_start3A_2804 = tpu.memref_slice %arg2[%dma_start3A_2803, %mul3A_2] : memref<50x4096xi32, #tpu.memory_space<hbm>> -> memref<50x128xi32, #tpu.memory_space<hbm>>
      tpu.enqueue_dma source(%dma_start3A_2804 : memref<50x128xi32, #tpu.memory_space<hbm>>) target(%arg5 : memref<50x128xi32, #tpu.memory_space<vmem>>) target_semaphore(%run_scoped3A : memref<!tpu.dma_semaphore, #tpu.memory_space<semaphore_mem>>)
      %dma_wait3A_2805 = arith.constant 0 : i32
      %dma_wait3A_2806 = tpu.memref_slice %arg2[%dma_wait3A_2805, %mul3A_2] : memref<50x4096xi32, #tpu.memory_space<hbm>> -> memref<50x128xi32, #tpu.memory_space<hbm>>
      %dma_wait3A_2807 = arith.constant 0 : i32
      %dma_wait3A_2808 = tpu.memref_slice %arg2[%dma_wait3A_2807, %mul3A_2] : memref<50x4096xi32, #tpu.memory_space<hbm>> -> memref<50x128xi32, #tpu.memory_space<hbm>>
      tpu.wait_dma2 semaphore(%run_scoped3A : memref<!tpu.dma_semaphore, #tpu.memory_space<semaphore_mem>>) src(%dma_wait3A_2808 : memref<50x128xi32, #tpu.memory_space<hbm>>) dst(%arg5 : memref<50x128xi32, #tpu.memory_space<vmem>>)
      tpu.yield
    }) : () -> ()
    %dma_start3A = arith.constant 0 : i32
    %dma_start3A_3 = arith.constant 0 : i32
    %dma_start3A_4 = arith.constant 0 : i32
    %dma_start3A_5 = arith.constant 0 : i32
    %dma_start3A_6 = tpu.memref_slice %arg6[%dma_start3A_3, %dma_start3A_4, %dma_start3A_5] : memref<8x128x64xf32, #tpu.memory_space<vmem>> -> memref<1x128x64xf32, #tpu.memory_space<vmem>>
    %dma_start3A_7 = tpu.memref_squeeze %dma_start3A_6 : memref<1x128x64xf32, #tpu.memory_space<vmem>> -> memref<128x64xf32, #tpu.memory_space<vmem>>
    %dma_start3A_8 = arith.constant 0 : i32
    %dma_start3A_9 = tpu.memref_slice %arg5[%dma_start3A, %dma_start3A_8] : memref<50x128xi32, #tpu.memory_space<vmem>> -> memref<1x128xi32, #tpu.memory_space<vmem>>
    %dma_start3A_10 = tpu.memref_squeeze %dma_start3A_9 : memref<1x128xi32, #tpu.memory_space<vmem>> -> memref<128xi32, #tpu.memory_space<vmem>>
    %dma_start3A_11 = arith.constant 0 : i32
    %dma_start3A_12 = arith.constant 0 : i32
    %dma_start3A_13 = tpu.memref_slice %arg3[%dma_start3A_11, %dma_start3A_12] : memref<1000000x64xf32, #tpu.memory_space<hbm>> -> memref<1000000x64xf32, #tpu.memory_space<hbm>>
    tpu.enqueue_indirect_dma source(%dma_start3A_13 : memref<1000000x64xf32, #tpu.memory_space<hbm>>) target(%dma_start3A_7 : memref<128x64xf32, #tpu.memory_space<vmem>>) offsets(%dma_start3A_10 : memref<128xi32, #tpu.memory_space<vmem>>) semaphore(%arg7 : memref<!tpu.dma_semaphore, #tpu.memory_space<semaphore_mem>>)
    %dma_start3A_14 = arith.constant 1 : i32
    %dma_start3A_15 = arith.constant 1 : i32
    %dma_start3A_16 = arith.constant 0 : i32
    %dma_start3A_17 = arith.constant 0 : i32
    %dma_start3A_18 = tpu.memref_slice %arg6[%dma_start3A_15, %dma_start3A_16, %dma_start3A_17] : memref<8x128x64xf32, #tpu.memory_space<vmem>> -> memref<1x128x64xf32, #tpu.memory_space<vmem>>
    %dma_start3A_19 = tpu.memref_squeeze %dma_start3A_18 : memref<1x128x64xf32, #tpu.memory_space<vmem>> -> memref<128x64xf32, #tpu.memory_space<vmem>>
    %dma_start3A_20 = arith.constant 0 : i32
    %dma_start3A_21 = tpu.memref_slice %arg5[%dma_start3A_14, %dma_start3A_20] : memref<50x128xi32, #tpu.memory_space<vmem>> -> memref<1x128xi32, #tpu.memory_space<vmem>>
    %dma_start3A_22 = tpu.memref_squeeze %dma_start3A_21 : memref<1x128xi32, #tpu.memory_space<vmem>> -> memref<128xi32, #tpu.memory_space<vmem>>
    %dma_start3A_23 = arith.constant 0 : i32
    %dma_start3A_24 = arith.constant 0 : i32
    %dma_start3A_25 = tpu.memref_slice %arg3[%dma_start3A_23, %dma_start3A_24] : memref<1000000x64xf32, #tpu.memory_space<hbm>> -> memref<1000000x64xf32, #tpu.memory_space<hbm>>
    tpu.enqueue_indirect_dma source(%dma_start3A_25 : memref<1000000x64xf32, #tpu.memory_space<hbm>>) target(%dma_start3A_19 : memref<128x64xf32, #tpu.memory_space<vmem>>) offsets(%dma_start3A_22 : memref<128xi32, #tpu.memory_space<vmem>>) semaphore(%arg8 : memref<!tpu.dma_semaphore, #tpu.memory_space<semaphore_mem>>)
    %dma_start3A_26 = arith.constant 2 : i32
    %dma_start3A_27 = arith.constant 2 : i32
    %dma_start3A_28 = arith.constant 0 : i32
    %dma_start3A_29 = arith.constant 0 : i32
    %dma_start3A_30 = tpu.memref_slice %arg6[%dma_start3A_27, %dma_start3A_28, %dma_start3A_29] : memref<8x128x64xf32, #tpu.memory_space<vmem>> -> memref<1x128x64xf32, #tpu.memory_space<vmem>>
    %dma_start3A_31 = tpu.memref_squeeze %dma_start3A_30 : memref<1x128x64xf32, #tpu.memory_space<vmem>> -> memref<128x64xf32, #tpu.memory_space<vmem>>
    %dma_start3A_32 = arith.constant 0 : i32
    %dma_start3A_33 = tpu.memref_slice %arg5[%dma_start3A_26, %dma_start3A_32] : memref<50x128xi32, #tpu.memory_space<vmem>> -> memref<1x128xi32, #tpu.memory_space<vmem>>
    %dma_start3A_34 = tpu.memref_squeeze %dma_start3A_33 : memref<1x128xi32, #tpu.memory_space<vmem>> -> memref<128xi32, #tpu.memory_space<vmem>>
    %dma_start3A_35 = arith.constant 0 : i32
    %dma_start3A_36 = arith.constant 0 : i32
    %dma_start3A_37 = tpu.memref_slice %arg3[%dma_start3A_35, %dma_start3A_36] : memref<1000000x64xf32, #tpu.memory_space<hbm>> -> memref<1000000x64xf32, #tpu.memory_space<hbm>>
    tpu.enqueue_indirect_dma source(%dma_start3A_37 : memref<1000000x64xf32, #tpu.memory_space<hbm>>) target(%dma_start3A_31 : memref<128x64xf32, #tpu.memory_space<vmem>>) offsets(%dma_start3A_34 : memref<128xi32, #tpu.memory_space<vmem>>) semaphore(%arg9 : memref<!tpu.dma_semaphore, #tpu.memory_space<semaphore_mem>>)
    %dma_start3A_38 = arith.constant 3 : i32
    %dma_start3A_39 = arith.constant 3 : i32
    %dma_start3A_40 = arith.constant 0 : i32
    %dma_start3A_41 = arith.constant 0 : i32
    %dma_start3A_42 = tpu.memref_slice %arg6[%dma_start3A_39, %dma_start3A_40, %dma_start3A_41] : memref<8x128x64xf32, #tpu.memory_space<vmem>> -> memref<1x128x64xf32, #tpu.memory_space<vmem>>
    %dma_start3A_43 = tpu.memref_squeeze %dma_start3A_42 : memref<1x128x64xf32, #tpu.memory_space<vmem>> -> memref<128x64xf32, #tpu.memory_space<vmem>>
    %dma_start3A_44 = arith.constant 0 : i32
    %dma_start3A_45 = tpu.memref_slice %arg5[%dma_start3A_38, %dma_start3A_44] : memref<50x128xi32, #tpu.memory_space<vmem>> -> memref<1x128xi32, #tpu.memory_space<vmem>>
    %dma_start3A_46 = tpu.memref_squeeze %dma_start3A_45 : memref<1x128xi32, #tpu.memory_space<vmem>> -> memref<128xi32, #tpu.memory_space<vmem>>
    %dma_start3A_47 = arith.constant 0 : i32
    %dma_start3A_48 = arith.constant 0 : i32
    %dma_start3A_49 = tpu.memref_slice %arg3[%dma_start3A_47, %dma_start3A_48] : memref<1000000x64xf32, #tpu.memory_space<hbm>> -> memref<1000000x64xf32, #tpu.memory_space<hbm>>
    tpu.enqueue_indirect_dma source(%dma_start3A_49 : memref<1000000x64xf32, #tpu.memory_space<hbm>>) target(%dma_start3A_43 : memref<128x64xf32, #tpu.memory_space<vmem>>) offsets(%dma_start3A_46 : memref<128xi32, #tpu.memory_space<vmem>>) semaphore(%arg10 : memref<!tpu.dma_semaphore, #tpu.memory_space<semaphore_mem>>)
    %dma_wait3A = arith.constant 0 : i32
    %dma_wait3A_50 = arith.constant 0 : i32
    %dma_wait3A_51 = arith.constant 0 : i32
    %dma_wait3A_52 = arith.constant 0 : i32
    %dma_wait3A_53 = tpu.memref_slice %arg6[%dma_wait3A_50, %dma_wait3A_51, %dma_wait3A_52] : memref<8x128x64xf32, #tpu.memory_space<vmem>> -> memref<1x128x64xf32, #tpu.memory_space<vmem>>
    %dma_wait3A_54 = tpu.memref_squeeze %dma_wait3A_53 : memref<1x128x64xf32, #tpu.memory_space<vmem>> -> memref<128x64xf32, #tpu.memory_space<vmem>>
    %dma_wait3A_55 = arith.constant 0 : i32
    %dma_wait3A_56 = tpu.memref_slice %arg5[%dma_wait3A, %dma_wait3A_55] : memref<50x128xi32, #tpu.memory_space<vmem>> -> memref<1x128xi32, #tpu.memory_space<vmem>>
    %dma_wait3A_57 = tpu.memref_squeeze %dma_wait3A_56 : memref<1x128xi32, #tpu.memory_space<vmem>> -> memref<128xi32, #tpu.memory_space<vmem>>
    %dma_wait3A_58 = arith.constant 0 : i32
    %dma_wait3A_59 = arith.constant 0 : i32
    %dma_wait3A_60 = tpu.memref_slice %arg3[%dma_wait3A_58, %dma_wait3A_59] : memref<1000000x64xf32, #tpu.memory_space<hbm>> -> memref<1000000x64xf32, #tpu.memory_space<hbm>>
    tpu.wait_indirect_dma semaphore(%arg7 : memref<!tpu.dma_semaphore, #tpu.memory_space<semaphore_mem>>) src(%dma_wait3A_60 : memref<1000000x64xf32, #tpu.memory_space<hbm>>) dst(%dma_wait3A_54 : memref<128x64xf32, #tpu.memory_space<vmem>>)
    %dma_start3A_61 = arith.constant 0 : i32
    %dma_start3A_62 = arith.constant 0 : i32
    %dma_start3A_63 = arith.constant 0 : i32
    %dma_start3A_64 = arith.constant 0 : i32
    %dma_start3A_65 = tpu.memref_slice %arg6[%dma_start3A_61, %dma_start3A_63, %dma_start3A_64] : memref<8x128x64xf32, #tpu.memory_space<vmem>> -> memref<1x128x64xf32, #tpu.memory_space<vmem>>
    %dma_start3A_66 = tpu.memref_squeeze %dma_start3A_65 : memref<1x128x64xf32, #tpu.memory_space<vmem>> -> memref<128x64xf32, #tpu.memory_space<vmem>>
    %dma_start3A_67 = arith.constant 0 : i32
    %dma_start3A_68 = tpu.memref_slice %arg4[%mul3A_2, %dma_start3A_62, %dma_start3A_67] : memref<4096x50x64xf32, #tpu.memory_space<hbm>> -> memref<128x1x64xf32, #tpu.memory_space<hbm>>
    %dma_start3A_69 = tpu.memref_squeeze %dma_start3A_68 : memref<128x1x64xf32, #tpu.memory_space<hbm>> -> memref<128x64xf32, #tpu.memory_space<hbm>>
    %dma_start3A_70 = arith.constant 0 : i32
    %dma_start3A_71 = tpu.memref_slice %arg4[%mul3A_2, %dma_start3A_62, %dma_start3A_70] : memref<4096x50x64xf32, #tpu.memory_space<hbm>> -> memref<128x1x64xf32, #tpu.memory_space<hbm>>
    %dma_start3A_72 = tpu.memref_squeeze %dma_start3A_71 : memref<128x1x64xf32, #tpu.memory_space<hbm>> -> memref<128x64xf32, #tpu.memory_space<hbm>>
    %dma_start3A_73 = arith.constant 0 : i32
    %dma_start3A_74 = arith.constant 0 : i32
    %dma_start3A_75 = tpu.memref_slice %arg6[%dma_start3A_61, %dma_start3A_73, %dma_start3A_74] : memref<8x128x64xf32, #tpu.memory_space<vmem>> -> memref<1x128x64xf32, #tpu.memory_space<vmem>>
    %dma_start3A_76 = tpu.memref_squeeze %dma_start3A_75 : memref<1x128x64xf32, #tpu.memory_space<vmem>> -> memref<128x64xf32, #tpu.memory_space<vmem>>
    tpu.enqueue_dma source(%dma_start3A_76 : memref<128x64xf32, #tpu.memory_space<vmem>>) target(%dma_start3A_72 : memref<128x64xf32, #tpu.memory_space<hbm>>) target_semaphore(%arg15 : memref<!tpu.dma_semaphore, #tpu.memory_space<semaphore_mem>>)
    %dma_start3A_77 = arith.constant 4 : i32
    %dma_start3A_78 = arith.constant 4 : i32
    %dma_start3A_79 = arith.constant 0 : i32
    %dma_start3A_80 = arith.constant 0 : i32
    %dma_start3A_81 = tpu.memref_slice %arg6[%dma_start3A_78, %dma_start3A_79, %dma_start3A_80] : memref<8x128x64xf32, #tpu.memory_space<vmem>> -> memref<1x128x64xf32, #tpu.memory_space<vmem>>
    %dma_start3A_82 = tpu.memref_squeeze %dma_start3A_81 : memref<1x128x64xf32, #tpu.memory_space<vmem>> -> memref<128x64xf32, #tpu.memory_space<vmem>>
    %dma_start3A_83 = arith.constant 0 : i32
    %dma_start3A_84 = tpu.memref_slice %arg5[%dma_start3A_77, %dma_start3A_83] : memref<50x128xi32, #tpu.memory_space<vmem>> -> memref<1x128xi32, #tpu.memory_space<vmem>>
    %dma_start3A_85 = tpu.memref_squeeze %dma_start3A_84 : memref<1x128xi32, #tpu.memory_space<vmem>> -> memref<128xi32, #tpu.memory_space<vmem>>
    %dma_start3A_86 = arith.constant 0 : i32
    %dma_start3A_87 = arith.constant 0 : i32
    %dma_start3A_88 = tpu.memref_slice %arg3[%dma_start3A_86, %dma_start3A_87] : memref<1000000x64xf32, #tpu.memory_space<hbm>> -> memref<1000000x64xf32, #tpu.memory_space<hbm>>
    tpu.enqueue_indirect_dma source(%dma_start3A_88 : memref<1000000x64xf32, #tpu.memory_space<hbm>>) target(%dma_start3A_82 : memref<128x64xf32, #tpu.memory_space<vmem>>) offsets(%dma_start3A_85 : memref<128xi32, #tpu.memory_space<vmem>>) semaphore(%arg11 : memref<!tpu.dma_semaphore, #tpu.memory_space<semaphore_mem>>)
    %dma_wait3A_89 = arith.constant 1 : i32
    %dma_wait3A_90 = arith.constant 1 : i32
    %dma_wait3A_91 = arith.constant 0 : i32
    %dma_wait3A_92 = arith.constant 0 : i32
    %dma_wait3A_93 = tpu.memref_slice %arg6[%dma_wait3A_90, %dma_wait3A_91, %dma_wait3A_92] : memref<8x128x64xf32, #tpu.memory_space<vmem>> -> memref<1x128x64xf32, #tpu.memory_space<vmem>>
    %dma_wait3A_94 = tpu.memref_squeeze %dma_wait3A_93 : memref<1x128x64xf32, #tpu.memory_space<vmem>> -> memref<128x64xf32, #tpu.memory_space<vmem>>
    %dma_wait3A_95 = arith.constant 0 : i32
    %dma_wait3A_96 = tpu.memref_slice %arg5[%dma_wait3A_89, %dma_wait3A_95] : memref<50x128xi32, #tpu.memory_space<vmem>> -> memref<1x128xi32, #tpu.memory_space<vmem>>
    %dma_wait3A_97 = tpu.memref_squeeze %dma_wait3A_96 : memref<1x128xi32, #tpu.memory_space<vmem>> -> memref<128xi32, #tpu.memory_space<vmem>>
    %dma_wait3A_98 = arith.constant 0 : i32
    %dma_wait3A_99 = arith.constant 0 : i32
    %dma_wait3A_100 = tpu.memref_slice %arg3[%dma_wait3A_98, %dma_wait3A_99] : memref<1000000x64xf32, #tpu.memory_space<hbm>> -> memref<1000000x64xf32, #tpu.memory_space<hbm>>
    tpu.wait_indirect_dma semaphore(%arg8 : memref<!tpu.dma_semaphore, #tpu.memory_space<semaphore_mem>>) src(%dma_wait3A_100 : memref<1000000x64xf32, #tpu.memory_space<hbm>>) dst(%dma_wait3A_94 : memref<128x64xf32, #tpu.memory_space<vmem>>)
    %dma_start3A_101 = arith.constant 1 : i32
    %dma_start3A_102 = arith.constant 1 : i32
    %dma_start3A_103 = arith.constant 0 : i32
    %dma_start3A_104 = arith.constant 0 : i32
    %dma_start3A_105 = tpu.memref_slice %arg6[%dma_start3A_101, %dma_start3A_103, %dma_start3A_104] : memref<8x128x64xf32, #tpu.memory_space<vmem>> -> memref<1x128x64xf32, #tpu.memory_space<vmem>>
    %dma_start3A_106 = tpu.memref_squeeze %dma_start3A_105 : memref<1x128x64xf32, #tpu.memory_space<vmem>> -> memref<128x64xf32, #tpu.memory_space<vmem>>
    %dma_start3A_107 = arith.constant 0 : i32
    %dma_start3A_108 = tpu.memref_slice %arg4[%mul3A_2, %dma_start3A_102, %dma_start3A_107] : memref<4096x50x64xf32, #tpu.memory_space<hbm>> -> memref<128x1x64xf32, #tpu.memory_space<hbm>>
    %dma_start3A_109 = tpu.memref_squeeze %dma_start3A_108 : memref<128x1x64xf32, #tpu.memory_space<hbm>> -> memref<128x64xf32, #tpu.memory_space<hbm>>
    %dma_start3A_110 = arith.constant 0 : i32
    %dma_start3A_111 = tpu.memref_slice %arg4[%mul3A_2, %dma_start3A_102, %dma_start3A_110] : memref<4096x50x64xf32, #tpu.memory_space<hbm>> -> memref<128x1x64xf32, #tpu.memory_space<hbm>>
    %dma_start3A_112 = tpu.memref_squeeze %dma_start3A_111 : memref<128x1x64xf32, #tpu.memory_space<hbm>> -> memref<128x64xf32, #tpu.memory_space<hbm>>
    %dma_start3A_113 = arith.constant 0 : i32
    %dma_start3A_114 = arith.constant 0 : i32
    %dma_start3A_115 = tpu.memref_slice %arg6[%dma_start3A_101, %dma_start3A_113, %dma_start3A_114] : memref<8x128x64xf32, #tpu.memory_space<vmem>> -> memref<1x128x64xf32, #tpu.memory_space<vmem>>
    %dma_start3A_116 = tpu.memref_squeeze %dma_start3A_115 : memref<1x128x64xf32, #tpu.memory_space<vmem>> -> memref<128x64xf32, #tpu.memory_space<vmem>>
    tpu.enqueue_dma source(%dma_start3A_116 : memref<128x64xf32, #tpu.memory_space<vmem>>) target(%dma_start3A_112 : memref<128x64xf32, #tpu.memory_space<hbm>>) target_semaphore(%arg16 : memref<!tpu.dma_semaphore, #tpu.memory_space<semaphore_mem>>)
    %dma_start3A_117 = arith.constant 5 : i32
    %dma_start3A_118 = arith.constant 5 : i32
    %dma_start3A_119 = arith.constant 0 : i32
    %dma_start3A_120 = arith.constant 0 : i32
    %dma_start3A_121 = tpu.memref_slice %arg6[%dma_start3A_118, %dma_start3A_119, %dma_start3A_120] : memref<8x128x64xf32, #tpu.memory_space<vmem>> -> memref<1x128x64xf32, #tpu.memory_space<vmem>>
    %dma_start3A_122 = tpu.memref_squeeze %dma_start3A_121 : memref<1x128x64xf32, #tpu.memory_space<vmem>> -> memref<128x64xf32, #tpu.memory_space<vmem>>
    %dma_start3A_123 = arith.constant 0 : i32
    %dma_start3A_124 = tpu.memref_slice %arg5[%dma_start3A_117, %dma_start3A_123] : memref<50x128xi32, #tpu.memory_space<vmem>> -> memref<1x128xi32, #tpu.memory_space<vmem>>
    %dma_start3A_125 = tpu.memref_squeeze %dma_start3A_124 : memref<1x128xi32, #tpu.memory_space<vmem>> -> memref<128xi32, #tpu.memory_space<vmem>>
    %dma_start3A_126 = arith.constant 0 : i32
    %dma_start3A_127 = arith.constant 0 : i32
    %dma_start3A_128 = tpu.memref_slice %arg3[%dma_start3A_126, %dma_start3A_127] : memref<1000000x64xf32, #tpu.memory_space<hbm>> -> memref<1000000x64xf32, #tpu.memory_space<hbm>>
    tpu.enqueue_indirect_dma source(%dma_start3A_128 : memref<1000000x64xf32, #tpu.memory_space<hbm>>) target(%dma_start3A_122 : memref<128x64xf32, #tpu.memory_space<vmem>>) offsets(%dma_start3A_125 : memref<128xi32, #tpu.memory_space<vmem>>) semaphore(%arg12 : memref<!tpu.dma_semaphore, #tpu.memory_space<semaphore_mem>>)
    %dma_wait3A_129 = arith.constant 2 : i32
    %dma_wait3A_130 = arith.constant 2 : i32
    %dma_wait3A_131 = arith.constant 0 : i32
    %dma_wait3A_132 = arith.constant 0 : i32
    %dma_wait3A_133 = tpu.memref_slice %arg6[%dma_wait3A_130, %dma_wait3A_131, %dma_wait3A_132] : memref<8x128x64xf32, #tpu.memory_space<vmem>> -> memref<1x128x64xf32, #tpu.memory_space<vmem>>
    %dma_wait3A_134 = tpu.memref_squeeze %dma_wait3A_133 : memref<1x128x64xf32, #tpu.memory_space<vmem>> -> memref<128x64xf32, #tpu.memory_space<vmem>>
    %dma_wait3A_135 = arith.constant 0 : i32
    %dma_wait3A_136 = tpu.memref_slice %arg5[%dma_wait3A_129, %dma_wait3A_135] : memref<50x128xi32, #tpu.memory_space<vmem>> -> memref<1x128xi32, #tpu.memory_space<vmem>>
    %dma_wait3A_137 = tpu.memref_squeeze %dma_wait3A_136 : memref<1x128xi32, #tpu.memory_space<vmem>> -> memref<128xi32, #tpu.memory_space<vmem>>
    %dma_wait3A_138 = arith.constant 0 : i32
    %dma_wait3A_139 = arith.constant 0 : i32
    %dma_wait3A_140 = tpu.memref_slice %arg3[%dma_wait3A_138, %dma_wait3A_139] : memref<1000000x64xf32, #tpu.memory_space<hbm>> -> memref<1000000x64xf32, #tpu.memory_space<hbm>>
    tpu.wait_indirect_dma semaphore(%arg9 : memref<!tpu.dma_semaphore, #tpu.memory_space<semaphore_mem>>) src(%dma_wait3A_140 : memref<1000000x64xf32, #tpu.memory_space<hbm>>) dst(%dma_wait3A_134 : memref<128x64xf32, #tpu.memory_space<vmem>>)
    %dma_start3A_141 = arith.constant 2 : i32
    %dma_start3A_142 = arith.constant 2 : i32
    %dma_start3A_143 = arith.constant 0 : i32
    %dma_start3A_144 = arith.constant 0 : i32
    %dma_start3A_145 = tpu.memref_slice %arg6[%dma_start3A_141, %dma_start3A_143, %dma_start3A_144] : memref<8x128x64xf32, #tpu.memory_space<vmem>> -> memref<1x128x64xf32, #tpu.memory_space<vmem>>
    %dma_start3A_146 = tpu.memref_squeeze %dma_start3A_145 : memref<1x128x64xf32, #tpu.memory_space<vmem>> -> memref<128x64xf32, #tpu.memory_space<vmem>>
    %dma_start3A_147 = arith.constant 0 : i32
    %dma_start3A_148 = tpu.memref_slice %arg4[%mul3A_2, %dma_start3A_142, %dma_start3A_147] : memref<4096x50x64xf32, #tpu.memory_space<hbm>> -> memref<128x1x64xf32, #tpu.memory_space<hbm>>
    %dma_start3A_149 = tpu.memref_squeeze %dma_start3A_148 : memref<128x1x64xf32, #tpu.memory_space<hbm>> -> memref<128x64xf32, #tpu.memory_space<hbm>>
    %dma_start3A_150 = arith.constant 0 : i32
    %dma_start3A_151 = tpu.memref_slice %arg4[%mul3A_2, %dma_start3A_142, %dma_start3A_150] : memref<4096x50x64xf32, #tpu.memory_space<hbm>> -> memref<128x1x64xf32, #tpu.memory_space<hbm>>
    %dma_start3A_152 = tpu.memref_squeeze %dma_start3A_151 : memref<128x1x64xf32, #tpu.memory_space<hbm>> -> memref<128x64xf32, #tpu.memory_space<hbm>>
    %dma_start3A_153 = arith.constant 0 : i32
    %dma_start3A_154 = arith.constant 0 : i32
    %dma_start3A_155 = tpu.memref_slice %arg6[%dma_start3A_141, %dma_start3A_153, %dma_start3A_154] : memref<8x128x64xf32, #tpu.memory_space<vmem>> -> memref<1x128x64xf32, #tpu.memory_space<vmem>>
    %dma_start3A_156 = tpu.memref_squeeze %dma_start3A_155 : memref<1x128x64xf32, #tpu.memory_space<vmem>> -> memref<128x64xf32, #tpu.memory_space<vmem>>
    tpu.enqueue_dma source(%dma_start3A_156 : memref<128x64xf32, #tpu.memory_space<vmem>>) target(%dma_start3A_152 : memref<128x64xf32, #tpu.memory_space<hbm>>) target_semaphore(%arg17 : memref<!tpu.dma_semaphore, #tpu.memory_space<semaphore_mem>>)
    %dma_start3A_157 = arith.constant 6 : i32
    %dma_start3A_158 = arith.constant 6 : i32
    %dma_start3A_159 = arith.constant 0 : i32
    %dma_start3A_160 = arith.constant 0 : i32
    %dma_start3A_161 = tpu.memref_slice %arg6[%dma_start3A_158, %dma_start3A_159, %dma_start3A_160] : memref<8x128x64xf32, #tpu.memory_space<vmem>> -> memref<1x128x64xf32, #tpu.memory_space<vmem>>
    %dma_start3A_162 = tpu.memref_squeeze %dma_start3A_161 : memref<1x128x64xf32, #tpu.memory_space<vmem>> -> memref<128x64xf32, #tpu.memory_space<vmem>>
    %dma_start3A_163 = arith.constant 0 : i32
    %dma_start3A_164 = tpu.memref_slice %arg5[%dma_start3A_157, %dma_start3A_163] : memref<50x128xi32, #tpu.memory_space<vmem>> -> memref<1x128xi32, #tpu.memory_space<vmem>>
    %dma_start3A_165 = tpu.memref_squeeze %dma_start3A_164 : memref<1x128xi32, #tpu.memory_space<vmem>> -> memref<128xi32, #tpu.memory_space<vmem>>
    %dma_start3A_166 = arith.constant 0 : i32
    %dma_start3A_167 = arith.constant 0 : i32
    %dma_start3A_168 = tpu.memref_slice %arg3[%dma_start3A_166, %dma_start3A_167] : memref<1000000x64xf32, #tpu.memory_space<hbm>> -> memref<1000000x64xf32, #tpu.memory_space<hbm>>
    tpu.enqueue_indirect_dma source(%dma_start3A_168 : memref<1000000x64xf32, #tpu.memory_space<hbm>>) target(%dma_start3A_162 : memref<128x64xf32, #tpu.memory_space<vmem>>) offsets(%dma_start3A_165 : memref<128xi32, #tpu.memory_space<vmem>>) semaphore(%arg13 : memref<!tpu.dma_semaphore, #tpu.memory_space<semaphore_mem>>)
    %dma_wait3A_169 = arith.constant 3 : i32
    %dma_wait3A_170 = arith.constant 3 : i32
    %dma_wait3A_171 = arith.constant 0 : i32
    %dma_wait3A_172 = arith.constant 0 : i32
    %dma_wait3A_173 = tpu.memref_slice %arg6[%dma_wait3A_170, %dma_wait3A_171, %dma_wait3A_172] : memref<8x128x64xf32, #tpu.memory_space<vmem>> -> memref<1x128x64xf32, #tpu.memory_space<vmem>>
    %dma_wait3A_174 = tpu.memref_squeeze %dma_wait3A_173 : memref<1x128x64xf32, #tpu.memory_space<vmem>> -> memref<128x64xf32, #tpu.memory_space<vmem>>
    %dma_wait3A_175 = arith.constant 0 : i32
    %dma_wait3A_176 = tpu.memref_slice %arg5[%dma_wait3A_169, %dma_wait3A_175] : memref<50x128xi32, #tpu.memory_space<vmem>> -> memref<1x128xi32, #tpu.memory_space<vmem>>
    %dma_wait3A_177 = tpu.memref_squeeze %dma_wait3A_176 : memref<1x128xi32, #tpu.memory_space<vmem>> -> memref<128xi32, #tpu.memory_space<vmem>>
    %dma_wait3A_178 = arith.constant 0 : i32
    %dma_wait3A_179 = arith.constant 0 : i32
    %dma_wait3A_180 = tpu.memref_slice %arg3[%dma_wait3A_178, %dma_wait3A_179] : memref<1000000x64xf32, #tpu.memory_space<hbm>> -> memref<1000000x64xf32, #tpu.memory_space<hbm>>
    tpu.wait_indirect_dma semaphore(%arg10 : memref<!tpu.dma_semaphore, #tpu.memory_space<semaphore_mem>>) src(%dma_wait3A_180 : memref<1000000x64xf32, #tpu.memory_space<hbm>>) dst(%dma_wait3A_174 : memref<128x64xf32, #tpu.memory_space<vmem>>)
    %dma_start3A_181 = arith.constant 3 : i32
    %dma_start3A_182 = arith.constant 3 : i32
    %dma_start3A_183 = arith.constant 0 : i32
    %dma_start3A_184 = arith.constant 0 : i32
    %dma_start3A_185 = tpu.memref_slice %arg6[%dma_start3A_181, %dma_start3A_183, %dma_start3A_184] : memref<8x128x64xf32, #tpu.memory_space<vmem>> -> memref<1x128x64xf32, #tpu.memory_space<vmem>>
    %dma_start3A_186 = tpu.memref_squeeze %dma_start3A_185 : memref<1x128x64xf32, #tpu.memory_space<vmem>> -> memref<128x64xf32, #tpu.memory_space<vmem>>
    %dma_start3A_187 = arith.constant 0 : i32
    %dma_start3A_188 = tpu.memref_slice %arg4[%mul3A_2, %dma_start3A_182, %dma_start3A_187] : memref<4096x50x64xf32, #tpu.memory_space<hbm>> -> memref<128x1x64xf32, #tpu.memory_space<hbm>>
    %dma_start3A_189 = tpu.memref_squeeze %dma_start3A_188 : memref<128x1x64xf32, #tpu.memory_space<hbm>> -> memref<128x64xf32, #tpu.memory_space<hbm>>
    %dma_start3A_190 = arith.constant 0 : i32
    %dma_start3A_191 = tpu.memref_slice %arg4[%mul3A_2, %dma_start3A_182, %dma_start3A_190] : memref<4096x50x64xf32, #tpu.memory_space<hbm>> -> memref<128x1x64xf32, #tpu.memory_space<hbm>>
    %dma_start3A_192 = tpu.memref_squeeze %dma_start3A_191 : memref<128x1x64xf32, #tpu.memory_space<hbm>> -> memref<128x64xf32, #tpu.memory_space<hbm>>
    %dma_start3A_193 = arith.constant 0 : i32
    %dma_start3A_194 = arith.constant 0 : i32
    %dma_start3A_195 = tpu.memref_slice %arg6[%dma_start3A_181, %dma_start3A_193, %dma_start3A_194] : memref<8x128x64xf32, #tpu.memory_space<vmem>> -> memref<1x128x64xf32, #tpu.memory_space<vmem>>
    %dma_start3A_196 = tpu.memref_squeeze %dma_start3A_195 : memref<1x128x64xf32, #tpu.memory_space<vmem>> -> memref<128x64xf32, #tpu.memory_space<vmem>>
    tpu.enqueue_dma source(%dma_start3A_196 : memref<128x64xf32, #tpu.memory_space<vmem>>) target(%dma_start3A_192 : memref<128x64xf32, #tpu.memory_space<hbm>>) target_semaphore(%arg18 : memref<!tpu.dma_semaphore, #tpu.memory_space<semaphore_mem>>)
    %dma_start3A_197 = arith.constant 7 : i32
    %dma_start3A_198 = arith.constant 7 : i32
    %dma_start3A_199 = arith.constant 0 : i32
    %dma_start3A_200 = arith.constant 0 : i32
    %dma_start3A_201 = tpu.memref_slice %arg6[%dma_start3A_198, %dma_start3A_199, %dma_start3A_200] : memref<8x128x64xf32, #tpu.memory_space<vmem>> -> memref<1x128x64xf32, #tpu.memory_space<vmem>>
    %dma_start3A_202 = tpu.memref_squeeze %dma_start3A_201 : memref<1x128x64xf32, #tpu.memory_space<vmem>> -> memref<128x64xf32, #tpu.memory_space<vmem>>
    %dma_start3A_203 = arith.constant 0 : i32
    %dma_start3A_204 = tpu.memref_slice %arg5[%dma_start3A_197, %dma_start3A_203] : memref<50x128xi32, #tpu.memory_space<vmem>> -> memref<1x128xi32, #tpu.memory_space<vmem>>
    %dma_start3A_205 = tpu.memref_squeeze %dma_start3A_204 : memref<1x128xi32, #tpu.memory_space<vmem>> -> memref<128xi32, #tpu.memory_space<vmem>>
    %dma_start3A_206 = arith.constant 0 : i32
    %dma_start3A_207 = arith.constant 0 : i32
    %dma_start3A_208 = tpu.memref_slice %arg3[%dma_start3A_206, %dma_start3A_207] : memref<1000000x64xf32, #tpu.memory_space<hbm>> -> memref<1000000x64xf32, #tpu.memory_space<hbm>>
    tpu.enqueue_indirect_dma source(%dma_start3A_208 : memref<1000000x64xf32, #tpu.memory_space<hbm>>) target(%dma_start3A_202 : memref<128x64xf32, #tpu.memory_space<vmem>>) offsets(%dma_start3A_205 : memref<128xi32, #tpu.memory_space<vmem>>) semaphore(%arg14 : memref<!tpu.dma_semaphore, #tpu.memory_space<semaphore_mem>>)
    %dma_wait3A_209 = arith.constant 4 : i32
    %dma_wait3A_210 = arith.constant 4 : i32
    %dma_wait3A_211 = arith.constant 0 : i32
    %dma_wait3A_212 = arith.constant 0 : i32
    %dma_wait3A_213 = tpu.memref_slice %arg6[%dma_wait3A_210, %dma_wait3A_211, %dma_wait3A_212] : memref<8x128x64xf32, #tpu.memory_space<vmem>> -> memref<1x128x64xf32, #tpu.memory_space<vmem>>
    %dma_wait3A_214 = tpu.memref_squeeze %dma_wait3A_213 : memref<1x128x64xf32, #tpu.memory_space<vmem>> -> memref<128x64xf32, #tpu.memory_space<vmem>>
    %dma_wait3A_215 = arith.constant 0 : i32
    %dma_wait3A_216 = tpu.memref_slice %arg5[%dma_wait3A_209, %dma_wait3A_215] : memref<50x128xi32, #tpu.memory_space<vmem>> -> memref<1x128xi32, #tpu.memory_space<vmem>>
    %dma_wait3A_217 = tpu.memref_squeeze %dma_wait3A_216 : memref<1x128xi32, #tpu.memory_space<vmem>> -> memref<128xi32, #tpu.memory_space<vmem>>
    %dma_wait3A_218 = arith.constant 0 : i32
    %dma_wait3A_219 = arith.constant 0 : i32
    %dma_wait3A_220 = tpu.memref_slice %arg3[%dma_wait3A_218, %dma_wait3A_219] : memref<1000000x64xf32, #tpu.memory_space<hbm>> -> memref<1000000x64xf32, #tpu.memory_space<hbm>>
    tpu.wait_indirect_dma semaphore(%arg11 : memref<!tpu.dma_semaphore, #tpu.memory_space<semaphore_mem>>) src(%dma_wait3A_220 : memref<1000000x64xf32, #tpu.memory_space<hbm>>) dst(%dma_wait3A_214 : memref<128x64xf32, #tpu.memory_space<vmem>>)
    %dma_start3A_221 = arith.constant 4 : i32
    %dma_start3A_222 = arith.constant 4 : i32
    %dma_start3A_223 = arith.constant 0 : i32
    %dma_start3A_224 = arith.constant 0 : i32
    %dma_start3A_225 = tpu.memref_slice %arg6[%dma_start3A_221, %dma_start3A_223, %dma_start3A_224] : memref<8x128x64xf32, #tpu.memory_space<vmem>> -> memref<1x128x64xf32, #tpu.memory_space<vmem>>
    %dma_start3A_226 = tpu.memref_squeeze %dma_start3A_225 : memref<1x128x64xf32, #tpu.memory_space<vmem>> -> memref<128x64xf32, #tpu.memory_space<vmem>>
    %dma_start3A_227 = arith.constant 0 : i32
    %dma_start3A_228 = tpu.memref_slice %arg4[%mul3A_2, %dma_start3A_222, %dma_start3A_227] : memref<4096x50x64xf32, #tpu.memory_space<hbm>> -> memref<128x1x64xf32, #tpu.memory_space<hbm>>
    %dma_start3A_229 = tpu.memref_squeeze %dma_start3A_228 : memref<128x1x64xf32, #tpu.memory_space<hbm>> -> memref<128x64xf32, #tpu.memory_space<hbm>>
    %dma_start3A_230 = arith.constant 0 : i32
    %dma_start3A_231 = tpu.memref_slice %arg4[%mul3A_2, %dma_start3A_222, %dma_start3A_230] : memref<4096x50x64xf32, #tpu.memory_space<hbm>> -> memref<128x1x64xf32, #tpu.memory_space<hbm>>
    %dma_start3A_232 = tpu.memref_squeeze %dma_start3A_231 : memref<128x1x64xf32, #tpu.memory_space<hbm>> -> memref<128x64xf32, #tpu.memory_space<hbm>>
    %dma_start3A_233 = arith.constant 0 : i32
    %dma_start3A_234 = arith.constant 0 : i32
    %dma_start3A_235 = tpu.memref_slice %arg6[%dma_start3A_221, %dma_start3A_233, %dma_start3A_234] : memref<8x128x64xf32, #tpu.memory_space<vmem>> -> memref<1x128x64xf32, #tpu.memory_space<vmem>>
    %dma_start3A_236 = tpu.memref_squeeze %dma_start3A_235 : memref<1x128x64xf32, #tpu.memory_space<vmem>> -> memref<128x64xf32, #tpu.memory_space<vmem>>
    tpu.enqueue_dma source(%dma_start3A_236 : memref<128x64xf32, #tpu.memory_space<vmem>>) target(%dma_start3A_232 : memref<128x64xf32, #tpu.memory_space<hbm>>) target_semaphore(%arg19 : memref<!tpu.dma_semaphore, #tpu.memory_space<semaphore_mem>>)
    %dma_wait3A_237 = arith.constant 0 : i32
    %dma_wait3A_238 = arith.constant 0 : i32
    %dma_wait3A_239 = arith.constant 0 : i32
    %dma_wait3A_240 = arith.constant 0 : i32
    %dma_wait3A_241 = tpu.memref_slice %arg6[%dma_wait3A_237, %dma_wait3A_239, %dma_wait3A_240] : memref<8x128x64xf32, #tpu.memory_space<vmem>> -> memref<1x128x64xf32, #tpu.memory_space<vmem>>
    %dma_wait3A_242 = tpu.memref_squeeze %dma_wait3A_241 : memref<1x128x64xf32, #tpu.memory_space<vmem>> -> memref<128x64xf32, #tpu.memory_space<vmem>>
    %dma_wait3A_243 = arith.constant 0 : i32
    %dma_wait3A_244 = tpu.memref_slice %arg4[%mul3A_2, %dma_wait3A_238, %dma_wait3A_243] : memref<4096x50x64xf32, #tpu.memory_space<hbm>> -> memref<128x1x64xf32, #tpu.memory_space<hbm>>
    %dma_wait3A_245 = tpu.memref_squeeze %dma_wait3A_244 : memref<128x1x64xf32, #tpu.memory_space<hbm>> -> memref<128x64xf32, #tpu.memory_space<hbm>>
    %dma_wait3A_246 = arith.constant 0 : i32
    %dma_wait3A_247 = tpu.memref_slice %arg4[%mul3A_2, %dma_wait3A_238, %dma_wait3A_246] : memref<4096x50x64xf32, #tpu.memory_space<hbm>> -> memref<128x1x64xf32, #tpu.memory_space<hbm>>
    %dma_wait3A_248 = tpu.memref_squeeze %dma_wait3A_247 : memref<128x1x64xf32, #tpu.memory_space<hbm>> -> memref<128x64xf32, #tpu.memory_space<hbm>>
    %dma_wait3A_249 = arith.constant 0 : i32
    %dma_wait3A_250 = arith.constant 0 : i32
    %dma_wait3A_251 = tpu.memref_slice %arg6[%dma_wait3A_237, %dma_wait3A_249, %dma_wait3A_250] : memref<8x128x64xf32, #tpu.memory_space<vmem>> -> memref<1x128x64xf32, #tpu.memory_space<vmem>>
    %dma_wait3A_252 = tpu.memref_squeeze %dma_wait3A_251 : memref<1x128x64xf32, #tpu.memory_space<vmem>> -> memref<128x64xf32, #tpu.memory_space<vmem>>
    tpu.wait_dma2 semaphore(%arg15 : memref<!tpu.dma_semaphore, #tpu.memory_space<semaphore_mem>>) src(%dma_wait3A_252 : memref<128x64xf32, #tpu.memory_space<vmem>>) dst(%dma_wait3A_248 : memref<128x64xf32, #tpu.memory_space<hbm>>)
    %dma_start3A_253 = arith.constant 8 : i32
    %dma_start3A_254 = arith.constant 0 : i32
    %dma_start3A_255 = arith.constant 0 : i32
    %dma_start3A_256 = arith.constant 0 : i32
    %dma_start3A_257 = tpu.memref_slice %arg6[%dma_start3A_254, %dma_start3A_255, %dma_start3A_256] : memref<8x128x64xf32, #tpu.memory_space<vmem>> -> memref<1x128x64xf32, #tpu.memory_space<vmem>>
    %dma_start3A_258 = tpu.memref_squeeze %dma_start3A_257 : memref<1x128x64xf32, #tpu.memory_space<vmem>> -> memref<128x64xf32, #tpu.memory_space<vmem>>
    %dma_start3A_259 = arith.constant 0 : i32
    %dma_start3A_260 = tpu.memref_slice %arg5[%dma_start3A_253, %dma_start3A_259] : memref<50x128xi32, #tpu.memory_space<vmem>> -> memref<1x128xi32, #tpu.memory_space<vmem>>
    %dma_start3A_261 = tpu.memref_squeeze %dma_start3A_260 : memref<1x128xi32, #tpu.memory_space<vmem>> -> memref<128xi32, #tpu.memory_space<vmem>>
    %dma_start3A_262 = arith.constant 0 : i32
    %dma_start3A_263 = arith.constant 0 : i32
    %dma_start3A_264 = tpu.memref_slice %arg3[%dma_start3A_262, %dma_start3A_263] : memref<1000000x64xf32, #tpu.memory_space<hbm>> -> memref<1000000x64xf32, #tpu.memory_space<hbm>>
    tpu.enqueue_indirect_dma source(%dma_start3A_264 : memref<1000000x64xf32, #tpu.memory_space<hbm>>) target(%dma_start3A_258 : memref<128x64xf32, #tpu.memory_space<vmem>>) offsets(%dma_start3A_261 : memref<128xi32, #tpu.memory_space<vmem>>) semaphore(%arg7 : memref<!tpu.dma_semaphore, #tpu.memory_space<semaphore_mem>>)
    %dma_wait3A_265 = arith.constant 5 : i32
    %dma_wait3A_266 = arith.constant 5 : i32
    %dma_wait3A_267 = arith.constant 0 : i32
    %dma_wait3A_268 = arith.constant 0 : i32
    %dma_wait3A_269 = tpu.memref_slice %arg6[%dma_wait3A_266, %dma_wait3A_267, %dma_wait3A_268] : memref<8x128x64xf32, #tpu.memory_space<vmem>> -> memref<1x128x64xf32, #tpu.memory_space<vmem>>
    %dma_wait3A_270 = tpu.memref_squeeze %dma_wait3A_269 : memref<1x128x64xf32, #tpu.memory_space<vmem>> -> memref<128x64xf32, #tpu.memory_space<vmem>>
    %dma_wait3A_271 = arith.constant 0 : i32
    %dma_wait3A_272 = tpu.memref_slice %arg5[%dma_wait3A_265, %dma_wait3A_271] : memref<50x128xi32, #tpu.memory_space<vmem>> -> memref<1x128xi32, #tpu.memory_space<vmem>>
    %dma_wait3A_273 = tpu.memref_squeeze %dma_wait3A_272 : memref<1x128xi32, #tpu.memory_space<vmem>> -> memref<128xi32, #tpu.memory_space<vmem>>
    %dma_wait3A_274 = arith.constant 0 : i32
    %dma_wait3A_275 = arith.constant 0 : i32
    %dma_wait3A_276 = tpu.memref_slice %arg3[%dma_wait3A_274, %dma_wait3A_275] : memref<1000000x64xf32, #tpu.memory_space<hbm>> -> memref<1000000x64xf32, #tpu.memory_space<hbm>>
    tpu.wait_indirect_dma semaphore(%arg12 : memref<!tpu.dma_semaphore, #tpu.memory_space<semaphore_mem>>) src(%dma_wait3A_276 : memref<1000000x64xf32, #tpu.memory_space<hbm>>) dst(%dma_wait3A_270 : memref<128x64xf32, #tpu.memory_space<vmem>>)
    %dma_start3A_277 = arith.constant 5 : i32
    %dma_start3A_278 = arith.constant 5 : i32
    %dma_start3A_279 = arith.constant 0 : i32
    %dma_start3A_280 = arith.constant 0 : i32
    %dma_start3A_281 = tpu.memref_slice %arg6[%dma_start3A_277, %dma_start3A_279, %dma_start3A_280] : memref<8x128x64xf32, #tpu.memory_space<vmem>> -> memref<1x128x64xf32, #tpu.memory_space<vmem>>
    %dma_start3A_282 = tpu.memref_squeeze %dma_start3A_281 : memref<1x128x64xf32, #tpu.memory_space<vmem>> -> memref<128x64xf32, #tpu.memory_space<vmem>>
    %dma_start3A_283 = arith.constant 0 : i32
    %dma_start3A_284 = tpu.memref_slice %arg4[%mul3A_2, %dma_start3A_278, %dma_start3A_283] : memref<4096x50x64xf32, #tpu.memory_space<hbm>> -> memref<128x1x64xf32, #tpu.memory_space<hbm>>
    %dma_start3A_285 = tpu.memref_squeeze %dma_start3A_284 : memref<128x1x64xf32, #tpu.memory_space<hbm>> -> memref<128x64xf32, #tpu.memory_space<hbm>>
    %dma_start3A_286 = arith.constant 0 : i32
    %dma_start3A_287 = tpu.memref_slice %arg4[%mul3A_2, %dma_start3A_278, %dma_start3A_286] : memref<4096x50x64xf32, #tpu.memory_space<hbm>> -> memref<128x1x64xf32, #tpu.memory_space<hbm>>
    %dma_start3A_288 = tpu.memref_squeeze %dma_start3A_287 : memref<128x1x64xf32, #tpu.memory_space<hbm>> -> memref<128x64xf32, #tpu.memory_space<hbm>>
    %dma_start3A_289 = arith.constant 0 : i32
    %dma_start3A_290 = arith.constant 0 : i32
    %dma_start3A_291 = tpu.memref_slice %arg6[%dma_start3A_277, %dma_start3A_289, %dma_start3A_290] : memref<8x128x64xf32, #tpu.memory_space<vmem>> -> memref<1x128x64xf32, #tpu.memory_space<vmem>>
    %dma_start3A_292 = tpu.memref_squeeze %dma_start3A_291 : memref<1x128x64xf32, #tpu.memory_space<vmem>> -> memref<128x64xf32, #tpu.memory_space<vmem>>
    tpu.enqueue_dma source(%dma_start3A_292 : memref<128x64xf32, #tpu.memory_space<vmem>>) target(%dma_start3A_288 : memref<128x64xf32, #tpu.memory_space<hbm>>) target_semaphore(%arg20 : memref<!tpu.dma_semaphore, #tpu.memory_space<semaphore_mem>>)
    %dma_wait3A_293 = arith.constant 1 : i32
    %dma_wait3A_294 = arith.constant 0 : i32
    %dma_wait3A_295 = arith.constant 0 : i32
    %dma_wait3A_296 = arith.constant 0 : i32
    %dma_wait3A_297 = tpu.memref_slice %arg6[%dma_wait3A_293, %dma_wait3A_295, %dma_wait3A_296] : memref<8x128x64xf32, #tpu.memory_space<vmem>> -> memref<1x128x64xf32, #tpu.memory_space<vmem>>
    %dma_wait3A_298 = tpu.memref_squeeze %dma_wait3A_297 : memref<1x128x64xf32, #tpu.memory_space<vmem>> -> memref<128x64xf32, #tpu.memory_space<vmem>>
    %dma_wait3A_299 = arith.constant 0 : i32
    %dma_wait3A_300 = tpu.memref_slice %arg4[%mul3A_2, %dma_wait3A_294, %dma_wait3A_299] : memref<4096x50x64xf32, #tpu.memory_space<hbm>> -> memref<128x1x64xf32, #tpu.memory_space<hbm>>
    %dma_wait3A_301 = tpu.memref_squeeze %dma_wait3A_300 : memref<128x1x64xf32, #tpu.memory_space<hbm>> -> memref<128x64xf32, #tpu.memory_space<hbm>>
    %dma_wait3A_302 = arith.constant 0 : i32
    %dma_wait3A_303 = tpu.memref_slice %arg4[%mul3A_2, %dma_wait3A_294, %dma_wait3A_302] : memref<4096x50x64xf32, #tpu.memory_space<hbm>> -> memref<128x1x64xf32, #tpu.memory_space<hbm>>
    %dma_wait3A_304 = tpu.memref_squeeze %dma_wait3A_303 : memref<128x1x64xf32, #tpu.memory_space<hbm>> -> memref<128x64xf32, #tpu.memory_space<hbm>>
    %dma_wait3A_305 = arith.constant 0 : i32
    %dma_wait3A_306 = arith.constant 0 : i32
    %dma_wait3A_307 = tpu.memref_slice %arg6[%dma_wait3A_293, %dma_wait3A_305, %dma_wait3A_306] : memref<8x128x64xf32, #tpu.memory_space<vmem>> -> memref<1x128x64xf32, #tpu.memory_space<vmem>>
    %dma_wait3A_308 = tpu.memref_squeeze %dma_wait3A_307 : memref<1x128x64xf32, #tpu.memory_space<vmem>> -> memref<128x64xf32, #tpu.memory_space<vmem>>
    tpu.wait_dma2 semaphore(%arg16 : memref<!tpu.dma_semaphore, #tpu.memory_space<semaphore_mem>>) src(%dma_wait3A_308 : memref<128x64xf32, #tpu.memory_space<vmem>>) dst(%dma_wait3A_304 : memref<128x64xf32, #tpu.memory_space<hbm>>)
    %dma_start3A_309 = arith.constant 9 : i32
    %dma_start3A_310 = arith.constant 1 : i32
    %dma_start3A_311 = arith.constant 0 : i32
    %dma_start3A_312 = arith.constant 0 : i32
    %dma_start3A_313 = tpu.memref_slice %arg6[%dma_start3A_310, %dma_start3A_311, %dma_start3A_312] : memref<8x128x64xf32, #tpu.memory_space<vmem>> -> memref<1x128x64xf32, #tpu.memory_space<vmem>>
    %dma_start3A_314 = tpu.memref_squeeze %dma_start3A_313 : memref<1x128x64xf32, #tpu.memory_space<vmem>> -> memref<128x64xf32, #tpu.memory_space<vmem>>
    %dma_start3A_315 = arith.constant 0 : i32
    %dma_start3A_316 = tpu.memref_slice %arg5[%dma_start3A_309, %dma_start3A_315] : memref<50x128xi32, #tpu.memory_space<vmem>> -> memref<1x128xi32, #tpu.memory_space<vmem>>
    %dma_start3A_317 = tpu.memref_squeeze %dma_start3A_316 : memref<1x128xi32, #tpu.memory_space<vmem>> -> memref<128xi32, #tpu.memory_space<vmem>>
    %dma_start3A_318 = arith.constant 0 : i32
    %dma_start3A_319 = arith.constant 0 : i32
    %dma_start3A_320 = tpu.memref_slice %arg3[%dma_start3A_318, %dma_start3A_319] : memref<1000000x64xf32, #tpu.memory_space<hbm>> -> memref<1000000x64xf32, #tpu.memory_space<hbm>>
    tpu.enqueue_indirect_dma source(%dma_start3A_320 : memref<1000000x64xf32, #tpu.memory_space<hbm>>) target(%dma_start3A_314 : memref<128x64xf32, #tpu.memory_space<vmem>>) offsets(%dma_start3A_317 : memref<128xi32, #tpu.memory_space<vmem>>) semaphore(%arg8 : memref<!tpu.dma_semaphore, #tpu.memory_space<semaphore_mem>>)
    %dma_wait3A_321 = arith.constant 6 : i32
    %dma_wait3A_322 = arith.constant 6 : i32
    %dma_wait3A_323 = arith.constant 0 : i32
    %dma_wait3A_324 = arith.constant 0 : i32
    %dma_wait3A_325 = tpu.memref_slice %arg6[%dma_wait3A_322, %dma_wait3A_323, %dma_wait3A_324] : memref<8x128x64xf32, #tpu.memory_space<vmem>> -> memref<1x128x64xf32, #tpu.memory_space<vmem>>
    %dma_wait3A_326 = tpu.memref_squeeze %dma_wait3A_325 : memref<1x128x64xf32, #tpu.memory_space<vmem>> -> memref<128x64xf32, #tpu.memory_space<vmem>>
    %dma_wait3A_327 = arith.constant 0 : i32
    %dma_wait3A_328 = tpu.memref_slice %arg5[%dma_wait3A_321, %dma_wait3A_327] : memref<50x128xi32, #tpu.memory_space<vmem>> -> memref<1x128xi32, #tpu.memory_space<vmem>>
    %dma_wait3A_329 = tpu.memref_squeeze %dma_wait3A_328 : memref<1x128xi32, #tpu.memory_space<vmem>> -> memref<128xi32, #tpu.memory_space<vmem>>
    %dma_wait3A_330 = arith.constant 0 : i32
    %dma_wait3A_331 = arith.constant 0 : i32
    %dma_wait3A_332 = tpu.memref_slice %arg3[%dma_wait3A_330, %dma_wait3A_331] : memref<1000000x64xf32, #tpu.memory_space<hbm>> -> memref<1000000x64xf32, #tpu.memory_space<hbm>>
    tpu.wait_indirect_dma semaphore(%arg13 : memref<!tpu.dma_semaphore, #tpu.memory_space<semaphore_mem>>) src(%dma_wait3A_332 : memref<1000000x64xf32, #tpu.memory_space<hbm>>) dst(%dma_wait3A_326 : memref<128x64xf32, #tpu.memory_space<vmem>>)
    %dma_start3A_333 = arith.constant 6 : i32
    %dma_start3A_334 = arith.constant 6 : i32
    %dma_start3A_335 = arith.constant 0 : i32
    %dma_start3A_336 = arith.constant 0 : i32
    %dma_start3A_337 = tpu.memref_slice %arg6[%dma_start3A_333, %dma_start3A_335, %dma_start3A_336] : memref<8x128x64xf32, #tpu.memory_space<vmem>> -> memref<1x128x64xf32, #tpu.memory_space<vmem>>
    %dma_start3A_338 = tpu.memref_squeeze %dma_start3A_337 : memref<1x128x64xf32, #tpu.memory_space<vmem>> -> memref<128x64xf32, #tpu.memory_space<vmem>>
    %dma_start3A_339 = arith.constant 0 : i32
    %dma_start3A_340 = tpu.memref_slice %arg4[%mul3A_2, %dma_start3A_334, %dma_start3A_339] : memref<4096x50x64xf32, #tpu.memory_space<hbm>> -> memref<128x1x64xf32, #tpu.memory_space<hbm>>
    %dma_start3A_341 = tpu.memref_squeeze %dma_start3A_340 : memref<128x1x64xf32, #tpu.memory_space<hbm>> -> memref<128x64xf32, #tpu.memory_space<hbm>>
    %dma_start3A_342 = arith.constant 0 : i32
    %dma_start3A_343 = tpu.memref_slice %arg4[%mul3A_2, %dma_start3A_334, %dma_start3A_342] : memref<4096x50x64xf32, #tpu.memory_space<hbm>> -> memref<128x1x64xf32, #tpu.memory_space<hbm>>
    %dma_start3A_344 = tpu.memref_squeeze %dma_start3A_343 : memref<128x1x64xf32, #tpu.memory_space<hbm>> -> memref<128x64xf32, #tpu.memory_space<hbm>>
    %dma_start3A_345 = arith.constant 0 : i32
    %dma_start3A_346 = arith.constant 0 : i32
    %dma_start3A_347 = tpu.memref_slice %arg6[%dma_start3A_333, %dma_start3A_345, %dma_start3A_346] : memref<8x128x64xf32, #tpu.memory_space<vmem>> -> memref<1x128x64xf32, #tpu.memory_space<vmem>>
    %dma_start3A_348 = tpu.memref_squeeze %dma_start3A_347 : memref<1x128x64xf32, #tpu.memory_space<vmem>> -> memref<128x64xf32, #tpu.memory_space<vmem>>
    tpu.enqueue_dma source(%dma_start3A_348 : memref<128x64xf32, #tpu.memory_space<vmem>>) target(%dma_start3A_344 : memref<128x64xf32, #tpu.memory_space<hbm>>) target_semaphore(%arg21 : memref<!tpu.dma_semaphore, #tpu.memory_space<semaphore_mem>>)
    %dma_wait3A_349 = arith.constant 2 : i32
    %dma_wait3A_350 = arith.constant 0 : i32
    %dma_wait3A_351 = arith.constant 0 : i32
    %dma_wait3A_352 = arith.constant 0 : i32
    %dma_wait3A_353 = tpu.memref_slice %arg6[%dma_wait3A_349, %dma_wait3A_351, %dma_wait3A_352] : memref<8x128x64xf32, #tpu.memory_space<vmem>> -> memref<1x128x64xf32, #tpu.memory_space<vmem>>
    %dma_wait3A_354 = tpu.memref_squeeze %dma_wait3A_353 : memref<1x128x64xf32, #tpu.memory_space<vmem>> -> memref<128x64xf32, #tpu.memory_space<vmem>>
    %dma_wait3A_355 = arith.constant 0 : i32
    %dma_wait3A_356 = tpu.memref_slice %arg4[%mul3A_2, %dma_wait3A_350, %dma_wait3A_355] : memref<4096x50x64xf32, #tpu.memory_space<hbm>> -> memref<128x1x64xf32, #tpu.memory_space<hbm>>
    %dma_wait3A_357 = tpu.memref_squeeze %dma_wait3A_356 : memref<128x1x64xf32, #tpu.memory_space<hbm>> -> memref<128x64xf32, #tpu.memory_space<hbm>>
    %dma_wait3A_358 = arith.constant 0 : i32
    %dma_wait3A_359 = tpu.memref_slice %arg4[%mul3A_2, %dma_wait3A_350, %dma_wait3A_358] : memref<4096x50x64xf32, #tpu.memory_space<hbm>> -> memref<128x1x64xf32, #tpu.memory_space<hbm>>
    %dma_wait3A_360 = tpu.memref_squeeze %dma_wait3A_359 : memref<128x1x64xf32, #tpu.memory_space<hbm>> -> memref<128x64xf32, #tpu.memory_space<hbm>>
    %dma_wait3A_361 = arith.constant 0 : i32
    %dma_wait3A_362 = arith.constant 0 : i32
    %dma_wait3A_363 = tpu.memref_slice %arg6[%dma_wait3A_349, %dma_wait3A_361, %dma_wait3A_362] : memref<8x128x64xf32, #tpu.memory_space<vmem>> -> memref<1x128x64xf32, #tpu.memory_space<vmem>>
    %dma_wait3A_364 = tpu.memref_squeeze %dma_wait3A_363 : memref<1x128x64xf32, #tpu.memory_space<vmem>> -> memref<128x64xf32, #tpu.memory_space<vmem>>
    tpu.wait_dma2 semaphore(%arg17 : memref<!tpu.dma_semaphore, #tpu.memory_space<semaphore_mem>>) src(%dma_wait3A_364 : memref<128x64xf32, #tpu.memory_space<vmem>>) dst(%dma_wait3A_360 : memref<128x64xf32, #tpu.memory_space<hbm>>)
    %dma_start3A_365 = arith.constant 10 : i32
    %dma_start3A_366 = arith.constant 2 : i32
    %dma_start3A_367 = arith.constant 0 : i32
    %dma_start3A_368 = arith.constant 0 : i32
    %dma_start3A_369 = tpu.memref_slice %arg6[%dma_start3A_366, %dma_start3A_367, %dma_start3A_368] : memref<8x128x64xf32, #tpu.memory_space<vmem>> -> memref<1x128x64xf32, #tpu.memory_space<vmem>>
    %dma_start3A_370 = tpu.memref_squeeze %dma_start3A_369 : memref<1x128x64xf32, #tpu.memory_space<vmem>> -> memref<128x64xf32, #tpu.memory_space<vmem>>
    %dma_start3A_371 = arith.constant 0 : i32
    %dma_start3A_372 = tpu.memref_slice %arg5[%dma_start3A_365, %dma_start3A_371] : memref<50x128xi32, #tpu.memory_space<vmem>> -> memref<1x128xi32, #tpu.memory_space<vmem>>
    %dma_start3A_373 = tpu.memref_squeeze %dma_start3A_372 : memref<1x128xi32, #tpu.memory_space<vmem>> -> memref<128xi32, #tpu.memory_space<vmem>>
    %dma_start3A_374 = arith.constant 0 : i32
    %dma_start3A_375 = arith.constant 0 : i32
    %dma_start3A_376 = tpu.memref_slice %arg3[%dma_start3A_374, %dma_start3A_375] : memref<1000000x64xf32, #tpu.memory_space<hbm>> -> memref<1000000x64xf32, #tpu.memory_space<hbm>>
    tpu.enqueue_indirect_dma source(%dma_start3A_376 : memref<1000000x64xf32, #tpu.memory_space<hbm>>) target(%dma_start3A_370 : memref<128x64xf32, #tpu.memory_space<vmem>>) offsets(%dma_start3A_373 : memref<128xi32, #tpu.memory_space<vmem>>) semaphore(%arg9 : memref<!tpu.dma_semaphore, #tpu.memory_space<semaphore_mem>>)
    %dma_wait3A_377 = arith.constant 7 : i32
    %dma_wait3A_378 = arith.constant 7 : i32
    %dma_wait3A_379 = arith.constant 0 : i32
    %dma_wait3A_380 = arith.constant 0 : i32
    %dma_wait3A_381 = tpu.memref_slice %arg6[%dma_wait3A_378, %dma_wait3A_379, %dma_wait3A_380] : memref<8x128x64xf32, #tpu.memory_space<vmem>> -> memref<1x128x64xf32, #tpu.memory_space<vmem>>
    %dma_wait3A_382 = tpu.memref_squeeze %dma_wait3A_381 : memref<1x128x64xf32, #tpu.memory_space<vmem>> -> memref<128x64xf32, #tpu.memory_space<vmem>>
    %dma_wait3A_383 = arith.constant 0 : i32
    %dma_wait3A_384 = tpu.memref_slice %arg5[%dma_wait3A_377, %dma_wait3A_383] : memref<50x128xi32, #tpu.memory_space<vmem>> -> memref<1x128xi32, #tpu.memory_space<vmem>>
    %dma_wait3A_385 = tpu.memref_squeeze %dma_wait3A_384 : memref<1x128xi32, #tpu.memory_space<vmem>> -> memref<128xi32, #tpu.memory_space<vmem>>
    %dma_wait3A_386 = arith.constant 0 : i32
    %dma_wait3A_387 = arith.constant 0 : i32
    %dma_wait3A_388 = tpu.memref_slice %arg3[%dma_wait3A_386, %dma_wait3A_387] : memref<1000000x64xf32, #tpu.memory_space<hbm>> -> memref<1000000x64xf32, #tpu.memory_space<hbm>>
    tpu.wait_indirect_dma semaphore(%arg14 : memref<!tpu.dma_semaphore, #tpu.memory_space<semaphore_mem>>) src(%dma_wait3A_388 : memref<1000000x64xf32, #tpu.memory_space<hbm>>) dst(%dma_wait3A_382 : memref<128x64xf32, #tpu.memory_space<vmem>>)
    %dma_start3A_389 = arith.constant 7 : i32
    %dma_start3A_390 = arith.constant 7 : i32
    %dma_start3A_391 = arith.constant 0 : i32
    %dma_start3A_392 = arith.constant 0 : i32
    %dma_start3A_393 = tpu.memref_slice %arg6[%dma_start3A_389, %dma_start3A_391, %dma_start3A_392] : memref<8x128x64xf32, #tpu.memory_space<vmem>> -> memref<1x128x64xf32, #tpu.memory_space<vmem>>
    %dma_start3A_394 = tpu.memref_squeeze %dma_start3A_393 : memref<1x128x64xf32, #tpu.memory_space<vmem>> -> memref<128x64xf32, #tpu.memory_space<vmem>>
    %dma_start3A_395 = arith.constant 0 : i32
    %dma_start3A_396 = tpu.memref_slice %arg4[%mul3A_2, %dma_start3A_390, %dma_start3A_395] : memref<4096x50x64xf32, #tpu.memory_space<hbm>> -> memref<128x1x64xf32, #tpu.memory_space<hbm>>
    %dma_start3A_397 = tpu.memref_squeeze %dma_start3A_396 : memref<128x1x64xf32, #tpu.memory_space<hbm>> -> memref<128x64xf32, #tpu.memory_space<hbm>>
    %dma_start3A_398 = arith.constant 0 : i32
    %dma_start3A_399 = tpu.memref_slice %arg4[%mul3A_2, %dma_start3A_390, %dma_start3A_398] : memref<4096x50x64xf32, #tpu.memory_space<hbm>> -> memref<128x1x64xf32, #tpu.memory_space<hbm>>
    %dma_start3A_400 = tpu.memref_squeeze %dma_start3A_399 : memref<128x1x64xf32, #tpu.memory_space<hbm>> -> memref<128x64xf32, #tpu.memory_space<hbm>>
    %dma_start3A_401 = arith.constant 0 : i32
    %dma_start3A_402 = arith.constant 0 : i32
    %dma_start3A_403 = tpu.memref_slice %arg6[%dma_start3A_389, %dma_start3A_401, %dma_start3A_402] : memref<8x128x64xf32, #tpu.memory_space<vmem>> -> memref<1x128x64xf32, #tpu.memory_space<vmem>>
    %dma_start3A_404 = tpu.memref_squeeze %dma_start3A_403 : memref<1x128x64xf32, #tpu.memory_space<vmem>> -> memref<128x64xf32, #tpu.memory_space<vmem>>
    tpu.enqueue_dma source(%dma_start3A_404 : memref<128x64xf32, #tpu.memory_space<vmem>>) target(%dma_start3A_400 : memref<128x64xf32, #tpu.memory_space<hbm>>) target_semaphore(%arg22 : memref<!tpu.dma_semaphore, #tpu.memory_space<semaphore_mem>>)
    %dma_wait3A_405 = arith.constant 3 : i32
    %dma_wait3A_406 = arith.constant 0 : i32
    %dma_wait3A_407 = arith.constant 0 : i32
    %dma_wait3A_408 = arith.constant 0 : i32
    %dma_wait3A_409 = tpu.memref_slice %arg6[%dma_wait3A_405, %dma_wait3A_407, %dma_wait3A_408] : memref<8x128x64xf32, #tpu.memory_space<vmem>> -> memref<1x128x64xf32, #tpu.memory_space<vmem>>
    %dma_wait3A_410 = tpu.memref_squeeze %dma_wait3A_409 : memref<1x128x64xf32, #tpu.memory_space<vmem>> -> memref<128x64xf32, #tpu.memory_space<vmem>>
    %dma_wait3A_411 = arith.constant 0 : i32
    %dma_wait3A_412 = tpu.memref_slice %arg4[%mul3A_2, %dma_wait3A_406, %dma_wait3A_411] : memref<4096x50x64xf32, #tpu.memory_space<hbm>> -> memref<128x1x64xf32, #tpu.memory_space<hbm>>
    %dma_wait3A_413 = tpu.memref_squeeze %dma_wait3A_412 : memref<128x1x64xf32, #tpu.memory_space<hbm>> -> memref<128x64xf32, #tpu.memory_space<hbm>>
    %dma_wait3A_414 = arith.constant 0 : i32
    %dma_wait3A_415 = tpu.memref_slice %arg4[%mul3A_2, %dma_wait3A_406, %dma_wait3A_414] : memref<4096x50x64xf32, #tpu.memory_space<hbm>> -> memref<128x1x64xf32, #tpu.memory_space<hbm>>
    %dma_wait3A_416 = tpu.memref_squeeze %dma_wait3A_415 : memref<128x1x64xf32, #tpu.memory_space<hbm>> -> memref<128x64xf32, #tpu.memory_space<hbm>>
    %dma_wait3A_417 = arith.constant 0 : i32
    %dma_wait3A_418 = arith.constant 0 : i32
    %dma_wait3A_419 = tpu.memref_slice %arg6[%dma_wait3A_405, %dma_wait3A_417, %dma_wait3A_418] : memref<8x128x64xf32, #tpu.memory_space<vmem>> -> memref<1x128x64xf32, #tpu.memory_space<vmem>>
    %dma_wait3A_420 = tpu.memref_squeeze %dma_wait3A_419 : memref<1x128x64xf32, #tpu.memory_space<vmem>> -> memref<128x64xf32, #tpu.memory_space<vmem>>
    tpu.wait_dma2 semaphore(%arg18 : memref<!tpu.dma_semaphore, #tpu.memory_space<semaphore_mem>>) src(%dma_wait3A_420 : memref<128x64xf32, #tpu.memory_space<vmem>>) dst(%dma_wait3A_416 : memref<128x64xf32, #tpu.memory_space<hbm>>)
    %dma_start3A_421 = arith.constant 11 : i32
    %dma_start3A_422 = arith.constant 3 : i32
    %dma_start3A_423 = arith.constant 0 : i32
    %dma_start3A_424 = arith.constant 0 : i32
    %dma_start3A_425 = tpu.memref_slice %arg6[%dma_start3A_422, %dma_start3A_423, %dma_start3A_424] : memref<8x128x64xf32, #tpu.memory_space<vmem>> -> memref<1x128x64xf32, #tpu.memory_space<vmem>>
    %dma_start3A_426 = tpu.memref_squeeze %dma_start3A_425 : memref<1x128x64xf32, #tpu.memory_space<vmem>> -> memref<128x64xf32, #tpu.memory_space<vmem>>
    %dma_start3A_427 = arith.constant 0 : i32
    %dma_start3A_428 = tpu.memref_slice %arg5[%dma_start3A_421, %dma_start3A_427] : memref<50x128xi32, #tpu.memory_space<vmem>> -> memref<1x128xi32, #tpu.memory_space<vmem>>
    %dma_start3A_429 = tpu.memref_squeeze %dma_start3A_428 : memref<1x128xi32, #tpu.memory_space<vmem>> -> memref<128xi32, #tpu.memory_space<vmem>>
    %dma_start3A_430 = arith.constant 0 : i32
    %dma_start3A_431 = arith.constant 0 : i32
    %dma_start3A_432 = tpu.memref_slice %arg3[%dma_start3A_430, %dma_start3A_431] : memref<1000000x64xf32, #tpu.memory_space<hbm>> -> memref<1000000x64xf32, #tpu.memory_space<hbm>>
    tpu.enqueue_indirect_dma source(%dma_start3A_432 : memref<1000000x64xf32, #tpu.memory_space<hbm>>) target(%dma_start3A_426 : memref<128x64xf32, #tpu.memory_space<vmem>>) offsets(%dma_start3A_429 : memref<128xi32, #tpu.memory_space<vmem>>) semaphore(%arg10 : memref<!tpu.dma_semaphore, #tpu.memory_space<semaphore_mem>>)
    %dma_wait3A_433 = arith.constant 8 : i32
    %dma_wait3A_434 = arith.constant 0 : i32
    %dma_wait3A_435 = arith.constant 0 : i32
    %dma_wait3A_436 = arith.constant 0 : i32
    %dma_wait3A_437 = tpu.memref_slice %arg6[%dma_wait3A_434, %dma_wait3A_435, %dma_wait3A_436] : memref<8x128x64xf32, #tpu.memory_space<vmem>> -> memref<1x128x64xf32, #tpu.memory_space<vmem>>
    %dma_wait3A_438 = tpu.memref_squeeze %dma_wait3A_437 : memref<1x128x64xf32, #tpu.memory_space<vmem>> -> memref<128x64xf32, #tpu.memory_space<vmem>>
    %dma_wait3A_439 = arith.constant 0 : i32
    %dma_wait3A_440 = tpu.memref_slice %arg5[%dma_wait3A_433, %dma_wait3A_439] : memref<50x128xi32, #tpu.memory_space<vmem>> -> memref<1x128xi32, #tpu.memory_space<vmem>>
    %dma_wait3A_441 = tpu.memref_squeeze %dma_wait3A_440 : memref<1x128xi32, #tpu.memory_space<vmem>> -> memref<128xi32, #tpu.memory_space<vmem>>
    %dma_wait3A_442 = arith.constant 0 : i32
    %dma_wait3A_443 = arith.constant 0 : i32
    %dma_wait3A_444 = tpu.memref_slice %arg3[%dma_wait3A_442, %dma_wait3A_443] : memref<1000000x64xf32, #tpu.memory_space<hbm>> -> memref<1000000x64xf32, #tpu.memory_space<hbm>>
    tpu.wait_indirect_dma semaphore(%arg7 : memref<!tpu.dma_semaphore, #tpu.memory_space<semaphore_mem>>) src(%dma_wait3A_444 : memref<1000000x64xf32, #tpu.memory_space<hbm>>) dst(%dma_wait3A_438 : memref<128x64xf32, #tpu.memory_space<vmem>>)
    %dma_start3A_445 = arith.constant 0 : i32
    %dma_start3A_446 = arith.constant 8 : i32
    %dma_start3A_447 = arith.constant 0 : i32
    %dma_start3A_448 = arith.constant 0 : i32
    %dma_start3A_449 = tpu.memref_slice %arg6[%dma_start3A_445, %dma_start3A_447, %dma_start3A_448] : memref<8x128x64xf32, #tpu.memory_space<vmem>> -> memref<1x128x64xf32, #tpu.memory_space<vmem>>
    %dma_start3A_450 = tpu.memref_squeeze %dma_start3A_449 : memref<1x128x64xf32, #tpu.memory_space<vmem>> -> memref<128x64xf32, #tpu.memory_space<vmem>>
    %dma_start3A_451 = arith.constant 0 : i32
    %dma_start3A_452 = tpu.memref_slice %arg4[%mul3A_2, %dma_start3A_446, %dma_start3A_451] : memref<4096x50x64xf32, #tpu.memory_space<hbm>> -> memref<128x1x64xf32, #tpu.memory_space<hbm>>
    %dma_start3A_453 = tpu.memref_squeeze %dma_start3A_452 : memref<128x1x64xf32, #tpu.memory_space<hbm>> -> memref<128x64xf32, #tpu.memory_space<hbm>>
    %dma_start3A_454 = arith.constant 0 : i32
    %dma_start3A_455 = tpu.memref_slice %arg4[%mul3A_2, %dma_start3A_446, %dma_start3A_454] : memref<4096x50x64xf32, #tpu.memory_space<hbm>> -> memref<128x1x64xf32, #tpu.memory_space<hbm>>
    %dma_start3A_456 = tpu.memref_squeeze %dma_start3A_455 : memref<128x1x64xf32, #tpu.memory_space<hbm>> -> memref<128x64xf32, #tpu.memory_space<hbm>>
    %dma_start3A_457 = arith.constant 0 : i32
    %dma_start3A_458 = arith.constant 0 : i32
    %dma_start3A_459 = tpu.memref_slice %arg6[%dma_start3A_445, %dma_start3A_457, %dma_start3A_458] : memref<8x128x64xf32, #tpu.memory_space<vmem>> -> memref<1x128x64xf32, #tpu.memory_space<vmem>>
    %dma_start3A_460 = tpu.memref_squeeze %dma_start3A_459 : memref<1x128x64xf32, #tpu.memory_space<vmem>> -> memref<128x64xf32, #tpu.memory_space<vmem>>
    tpu.enqueue_dma source(%dma_start3A_460 : memref<128x64xf32, #tpu.memory_space<vmem>>) target(%dma_start3A_456 : memref<128x64xf32, #tpu.memory_space<hbm>>) target_semaphore(%arg15 : memref<!tpu.dma_semaphore, #tpu.memory_space<semaphore_mem>>)
    %dma_wait3A_461 = arith.constant 4 : i32
    %dma_wait3A_462 = arith.constant 0 : i32
    %dma_wait3A_463 = arith.constant 0 : i32
    %dma_wait3A_464 = arith.constant 0 : i32
    %dma_wait3A_465 = tpu.memref_slice %arg6[%dma_wait3A_461, %dma_wait3A_463, %dma_wait3A_464] : memref<8x128x64xf32, #tpu.memory_space<vmem>> -> memref<1x128x64xf32, #tpu.memory_space<vmem>>
    %dma_wait3A_466 = tpu.memref_squeeze %dma_wait3A_465 : memref<1x128x64xf32, #tpu.memory_space<vmem>> -> memref<128x64xf32, #tpu.memory_space<vmem>>
    %dma_wait3A_467 = arith.constant 0 : i32
    %dma_wait3A_468 = tpu.memref_slice %arg4[%mul3A_2, %dma_wait3A_462, %dma_wait3A_467] : memref<4096x50x64xf32, #tpu.memory_space<hbm>> -> memref<128x1x64xf32, #tpu.memory_space<hbm>>
    %dma_wait3A_469 = tpu.memref_squeeze %dma_wait3A_468 : memref<128x1x64xf32, #tpu.memory_space<hbm>> -> memref<128x64xf32, #tpu.memory_space<hbm>>
    %dma_wait3A_470 = arith.constant 0 : i32
    %dma_wait3A_471 = tpu.memref_slice %arg4[%mul3A_2, %dma_wait3A_462, %dma_wait3A_470] : memref<4096x50x64xf32, #tpu.memory_space<hbm>> -> memref<128x1x64xf32, #tpu.memory_space<hbm>>
    %dma_wait3A_472 = tpu.memref_squeeze %dma_wait3A_471 : memref<128x1x64xf32, #tpu.memory_space<hbm>> -> memref<128x64xf32, #tpu.memory_space<hbm>>
    %dma_wait3A_473 = arith.constant 0 : i32
    %dma_wait3A_474 = arith.constant 0 : i32
    %dma_wait3A_475 = tpu.memref_slice %arg6[%dma_wait3A_461, %dma_wait3A_473, %dma_wait3A_474] : memref<8x128x64xf32, #tpu.memory_space<vmem>> -> memref<1x128x64xf32, #tpu.memory_space<vmem>>
    %dma_wait3A_476 = tpu.memref_squeeze %dma_wait3A_475 : memref<1x128x64xf32, #tpu.memory_space<vmem>> -> memref<128x64xf32, #tpu.memory_space<vmem>>
    tpu.wait_dma2 semaphore(%arg19 : memref<!tpu.dma_semaphore, #tpu.memory_space<semaphore_mem>>) src(%dma_wait3A_476 : memref<128x64xf32, #tpu.memory_space<vmem>>) dst(%dma_wait3A_472 : memref<128x64xf32, #tpu.memory_space<hbm>>)
    %dma_start3A_477 = arith.constant 12 : i32
    %dma_start3A_478 = arith.constant 4 : i32
    %dma_start3A_479 = arith.constant 0 : i32
    %dma_start3A_480 = arith.constant 0 : i32
    %dma_start3A_481 = tpu.memref_slice %arg6[%dma_start3A_478, %dma_start3A_479, %dma_start3A_480] : memref<8x128x64xf32, #tpu.memory_space<vmem>> -> memref<1x128x64xf32, #tpu.memory_space<vmem>>
    %dma_start3A_482 = tpu.memref_squeeze %dma_start3A_481 : memref<1x128x64xf32, #tpu.memory_space<vmem>> -> memref<128x64xf32, #tpu.memory_space<vmem>>
    %dma_start3A_483 = arith.constant 0 : i32
    %dma_start3A_484 = tpu.memref_slice %arg5[%dma_start3A_477, %dma_start3A_483] : memref<50x128xi32, #tpu.memory_space<vmem>> -> memref<1x128xi32, #tpu.memory_space<vmem>>
    %dma_start3A_485 = tpu.memref_squeeze %dma_start3A_484 : memref<1x128xi32, #tpu.memory_space<vmem>> -> memref<128xi32, #tpu.memory_space<vmem>>
    %dma_start3A_486 = arith.constant 0 : i32
    %dma_start3A_487 = arith.constant 0 : i32
    %dma_start3A_488 = tpu.memref_slice %arg3[%dma_start3A_486, %dma_start3A_487] : memref<1000000x64xf32, #tpu.memory_space<hbm>> -> memref<1000000x64xf32, #tpu.memory_space<hbm>>
    tpu.enqueue_indirect_dma source(%dma_start3A_488 : memref<1000000x64xf32, #tpu.memory_space<hbm>>) target(%dma_start3A_482 : memref<128x64xf32, #tpu.memory_space<vmem>>) offsets(%dma_start3A_485 : memref<128xi32, #tpu.memory_space<vmem>>) semaphore(%arg11 : memref<!tpu.dma_semaphore, #tpu.memory_space<semaphore_mem>>)
    %dma_wait3A_489 = arith.constant 9 : i32
    %dma_wait3A_490 = arith.constant 1 : i32
    %dma_wait3A_491 = arith.constant 0 : i32
    %dma_wait3A_492 = arith.constant 0 : i32
    %dma_wait3A_493 = tpu.memref_slice %arg6[%dma_wait3A_490, %dma_wait3A_491, %dma_wait3A_492] : memref<8x128x64xf32, #tpu.memory_space<vmem>> -> memref<1x128x64xf32, #tpu.memory_space<vmem>>
    %dma_wait3A_494 = tpu.memref_squeeze %dma_wait3A_493 : memref<1x128x64xf32, #tpu.memory_space<vmem>> -> memref<128x64xf32, #tpu.memory_space<vmem>>
    %dma_wait3A_495 = arith.constant 0 : i32
    %dma_wait3A_496 = tpu.memref_slice %arg5[%dma_wait3A_489, %dma_wait3A_495] : memref<50x128xi32, #tpu.memory_space<vmem>> -> memref<1x128xi32, #tpu.memory_space<vmem>>
    %dma_wait3A_497 = tpu.memref_squeeze %dma_wait3A_496 : memref<1x128xi32, #tpu.memory_space<vmem>> -> memref<128xi32, #tpu.memory_space<vmem>>
    %dma_wait3A_498 = arith.constant 0 : i32
    %dma_wait3A_499 = arith.constant 0 : i32
    %dma_wait3A_500 = tpu.memref_slice %arg3[%dma_wait3A_498, %dma_wait3A_499] : memref<1000000x64xf32, #tpu.memory_space<hbm>> -> memref<1000000x64xf32, #tpu.memory_space<hbm>>
    tpu.wait_indirect_dma semaphore(%arg8 : memref<!tpu.dma_semaphore, #tpu.memory_space<semaphore_mem>>) src(%dma_wait3A_500 : memref<1000000x64xf32, #tpu.memory_space<hbm>>) dst(%dma_wait3A_494 : memref<128x64xf32, #tpu.memory_space<vmem>>)
    %dma_start3A_501 = arith.constant 1 : i32
    %dma_start3A_502 = arith.constant 9 : i32
    %dma_start3A_503 = arith.constant 0 : i32
    %dma_start3A_504 = arith.constant 0 : i32
    %dma_start3A_505 = tpu.memref_slice %arg6[%dma_start3A_501, %dma_start3A_503, %dma_start3A_504] : memref<8x128x64xf32, #tpu.memory_space<vmem>> -> memref<1x128x64xf32, #tpu.memory_space<vmem>>
    %dma_start3A_506 = tpu.memref_squeeze %dma_start3A_505 : memref<1x128x64xf32, #tpu.memory_space<vmem>> -> memref<128x64xf32, #tpu.memory_space<vmem>>
    %dma_start3A_507 = arith.constant 0 : i32
    %dma_start3A_508 = tpu.memref_slice %arg4[%mul3A_2, %dma_start3A_502, %dma_start3A_507] : memref<4096x50x64xf32, #tpu.memory_space<hbm>> -> memref<128x1x64xf32, #tpu.memory_space<hbm>>
    %dma_start3A_509 = tpu.memref_squeeze %dma_start3A_508 : memref<128x1x64xf32, #tpu.memory_space<hbm>> -> memref<128x64xf32, #tpu.memory_space<hbm>>
    %dma_start3A_510 = arith.constant 0 : i32
    %dma_start3A_511 = tpu.memref_slice %arg4[%mul3A_2, %dma_start3A_502, %dma_start3A_510] : memref<4096x50x64xf32, #tpu.memory_space<hbm>> -> memref<128x1x64xf32, #tpu.memory_space<hbm>>
    %dma_start3A_512 = tpu.memref_squeeze %dma_start3A_511 : memref<128x1x64xf32, #tpu.memory_space<hbm>> -> memref<128x64xf32, #tpu.memory_space<hbm>>
    %dma_start3A_513 = arith.constant 0 : i32
    %dma_start3A_514 = arith.constant 0 : i32
    %dma_start3A_515 = tpu.memref_slice %arg6[%dma_start3A_501, %dma_start3A_513, %dma_start3A_514] : memref<8x128x64xf32, #tpu.memory_space<vmem>> -> memref<1x128x64xf32, #tpu.memory_space<vmem>>
    %dma_start3A_516 = tpu.memref_squeeze %dma_start3A_515 : memref<1x128x64xf32, #tpu.memory_space<vmem>> -> memref<128x64xf32, #tpu.memory_space<vmem>>
    tpu.enqueue_dma source(%dma_start3A_516 : memref<128x64xf32, #tpu.memory_space<vmem>>) target(%dma_start3A_512 : memref<128x64xf32, #tpu.memory_space<hbm>>) target_semaphore(%arg16 : memref<!tpu.dma_semaphore, #tpu.memory_space<semaphore_mem>>)
    %dma_wait3A_517 = arith.constant 5 : i32
    %dma_wait3A_518 = arith.constant 0 : i32
    %dma_wait3A_519 = arith.constant 0 : i32
    %dma_wait3A_520 = arith.constant 0 : i32
    %dma_wait3A_521 = tpu.memref_slice %arg6[%dma_wait3A_517, %dma_wait3A_519, %dma_wait3A_520] : memref<8x128x64xf32, #tpu.memory_space<vmem>> -> memref<1x128x64xf32, #tpu.memory_space<vmem>>
    %dma_wait3A_522 = tpu.memref_squeeze %dma_wait3A_521 : memref<1x128x64xf32, #tpu.memory_space<vmem>> -> memref<128x64xf32, #tpu.memory_space<vmem>>
    %dma_wait3A_523 = arith.constant 0 : i32
    %dma_wait3A_524 = tpu.memref_slice %arg4[%mul3A_2, %dma_wait3A_518, %dma_wait3A_523] : memref<4096x50x64xf32, #tpu.memory_space<hbm>> -> memref<128x1x64xf32, #tpu.memory_space<hbm>>
    %dma_wait3A_525 = tpu.memref_squeeze %dma_wait3A_524 : memref<128x1x64xf32, #tpu.memory_space<hbm>> -> memref<128x64xf32, #tpu.memory_space<hbm>>
    %dma_wait3A_526 = arith.constant 0 : i32
    %dma_wait3A_527 = tpu.memref_slice %arg4[%mul3A_2, %dma_wait3A_518, %dma_wait3A_526] : memref<4096x50x64xf32, #tpu.memory_space<hbm>> -> memref<128x1x64xf32, #tpu.memory_space<hbm>>
    %dma_wait3A_528 = tpu.memref_squeeze %dma_wait3A_527 : memref<128x1x64xf32, #tpu.memory_space<hbm>> -> memref<128x64xf32, #tpu.memory_space<hbm>>
    %dma_wait3A_529 = arith.constant 0 : i32
    %dma_wait3A_530 = arith.constant 0 : i32
    %dma_wait3A_531 = tpu.memref_slice %arg6[%dma_wait3A_517, %dma_wait3A_529, %dma_wait3A_530] : memref<8x128x64xf32, #tpu.memory_space<vmem>> -> memref<1x128x64xf32, #tpu.memory_space<vmem>>
    %dma_wait3A_532 = tpu.memref_squeeze %dma_wait3A_531 : memref<1x128x64xf32, #tpu.memory_space<vmem>> -> memref<128x64xf32, #tpu.memory_space<vmem>>
    tpu.wait_dma2 semaphore(%arg20 : memref<!tpu.dma_semaphore, #tpu.memory_space<semaphore_mem>>) src(%dma_wait3A_532 : memref<128x64xf32, #tpu.memory_space<vmem>>) dst(%dma_wait3A_528 : memref<128x64xf32, #tpu.memory_space<hbm>>)
    %dma_start3A_533 = arith.constant 13 : i32
    %dma_start3A_534 = arith.constant 5 : i32
    %dma_start3A_535 = arith.constant 0 : i32
    %dma_start3A_536 = arith.constant 0 : i32
    %dma_start3A_537 = tpu.memref_slice %arg6[%dma_start3A_534, %dma_start3A_535, %dma_start3A_536] : memref<8x128x64xf32, #tpu.memory_space<vmem>> -> memref<1x128x64xf32, #tpu.memory_space<vmem>>
    %dma_start3A_538 = tpu.memref_squeeze %dma_start3A_537 : memref<1x128x64xf32, #tpu.memory_space<vmem>> -> memref<128x64xf32, #tpu.memory_space<vmem>>
    %dma_start3A_539 = arith.constant 0 : i32
    %dma_start3A_540 = tpu.memref_slice %arg5[%dma_start3A_533, %dma_start3A_539] : memref<50x128xi32, #tpu.memory_space<vmem>> -> memref<1x128xi32, #tpu.memory_space<vmem>>
    %dma_start3A_541 = tpu.memref_squeeze %dma_start3A_540 : memref<1x128xi32, #tpu.memory_space<vmem>> -> memref<128xi32, #tpu.memory_space<vmem>>
    %dma_start3A_542 = arith.constant 0 : i32
    %dma_start3A_543 = arith.constant 0 : i32
    %dma_start3A_544 = tpu.memref_slice %arg3[%dma_start3A_542, %dma_start3A_543] : memref<1000000x64xf32, #tpu.memory_space<hbm>> -> memref<1000000x64xf32, #tpu.memory_space<hbm>>
    tpu.enqueue_indirect_dma source(%dma_start3A_544 : memref<1000000x64xf32, #tpu.memory_space<hbm>>) target(%dma_start3A_538 : memref<128x64xf32, #tpu.memory_space<vmem>>) offsets(%dma_start3A_541 : memref<128xi32, #tpu.memory_space<vmem>>) semaphore(%arg12 : memref<!tpu.dma_semaphore, #tpu.memory_space<semaphore_mem>>)
    %dma_wait3A_545 = arith.constant 10 : i32
    %dma_wait3A_546 = arith.constant 2 : i32
    %dma_wait3A_547 = arith.constant 0 : i32
    %dma_wait3A_548 = arith.constant 0 : i32
    %dma_wait3A_549 = tpu.memref_slice %arg6[%dma_wait3A_546, %dma_wait3A_547, %dma_wait3A_548] : memref<8x128x64xf32, #tpu.memory_space<vmem>> -> memref<1x128x64xf32, #tpu.memory_space<vmem>>
    %dma_wait3A_550 = tpu.memref_squeeze %dma_wait3A_549 : memref<1x128x64xf32, #tpu.memory_space<vmem>> -> memref<128x64xf32, #tpu.memory_space<vmem>>
    %dma_wait3A_551 = arith.constant 0 : i32
    %dma_wait3A_552 = tpu.memref_slice %arg5[%dma_wait3A_545, %dma_wait3A_551] : memref<50x128xi32, #tpu.memory_space<vmem>> -> memref<1x128xi32, #tpu.memory_space<vmem>>
    %dma_wait3A_553 = tpu.memref_squeeze %dma_wait3A_552 : memref<1x128xi32, #tpu.memory_space<vmem>> -> memref<128xi32, #tpu.memory_space<vmem>>
    %dma_wait3A_554 = arith.constant 0 : i32
    %dma_wait3A_555 = arith.constant 0 : i32
    %dma_wait3A_556 = tpu.memref_slice %arg3[%dma_wait3A_554, %dma_wait3A_555] : memref<1000000x64xf32, #tpu.memory_space<hbm>> -> memref<1000000x64xf32, #tpu.memory_space<hbm>>
    tpu.wait_indirect_dma semaphore(%arg9 : memref<!tpu.dma_semaphore, #tpu.memory_space<semaphore_mem>>) src(%dma_wait3A_556 : memref<1000000x64xf32, #tpu.memory_space<hbm>>) dst(%dma_wait3A_550 : memref<128x64xf32, #tpu.memory_space<vmem>>)
    %dma_start3A_557 = arith.constant 2 : i32
    %dma_start3A_558 = arith.constant 10 : i32
    %dma_start3A_559 = arith.constant 0 : i32
    %dma_start3A_560 = arith.constant 0 : i32
    %dma_start3A_561 = tpu.memref_slice %arg6[%dma_start3A_557, %dma_start3A_559, %dma_start3A_560] : memref<8x128x64xf32, #tpu.memory_space<vmem>> -> memref<1x128x64xf32, #tpu.memory_space<vmem>>
    %dma_start3A_562 = tpu.memref_squeeze %dma_start3A_561 : memref<1x128x64xf32, #tpu.memory_space<vmem>> -> memref<128x64xf32, #tpu.memory_space<vmem>>
    %dma_start3A_563 = arith.constant 0 : i32
    %dma_start3A_564 = tpu.memref_slice %arg4[%mul3A_2, %dma_start3A_558, %dma_start3A_563] : memref<4096x50x64xf32, #tpu.memory_space<hbm>> -> memref<128x1x64xf32, #tpu.memory_space<hbm>>
    %dma_start3A_565 = tpu.memref_squeeze %dma_start3A_564 : memref<128x1x64xf32, #tpu.memory_space<hbm>> -> memref<128x64xf32, #tpu.memory_space<hbm>>
    %dma_start3A_566 = arith.constant 0 : i32
    %dma_start3A_567 = tpu.memref_slice %arg4[%mul3A_2, %dma_start3A_558, %dma_start3A_566] : memref<4096x50x64xf32, #tpu.memory_space<hbm>> -> memref<128x1x64xf32, #tpu.memory_space<hbm>>
    %dma_start3A_568 = tpu.memref_squeeze %dma_start3A_567 : memref<128x1x64xf32, #tpu.memory_space<hbm>> -> memref<128x64xf32, #tpu.memory_space<hbm>>
    %dma_start3A_569 = arith.constant 0 : i32
    %dma_start3A_570 = arith.constant 0 : i32
    %dma_start3A_571 = tpu.memref_slice %arg6[%dma_start3A_557, %dma_start3A_569, %dma_start3A_570] : memref<8x128x64xf32, #tpu.memory_space<vmem>> -> memref<1x128x64xf32, #tpu.memory_space<vmem>>
    %dma_start3A_572 = tpu.memref_squeeze %dma_start3A_571 : memref<1x128x64xf32, #tpu.memory_space<vmem>> -> memref<128x64xf32, #tpu.memory_space<vmem>>
    tpu.enqueue_dma source(%dma_start3A_572 : memref<128x64xf32, #tpu.memory_space<vmem>>) target(%dma_start3A_568 : memref<128x64xf32, #tpu.memory_space<hbm>>) target_semaphore(%arg17 : memref<!tpu.dma_semaphore, #tpu.memory_space<semaphore_mem>>)
    %dma_wait3A_573 = arith.constant 6 : i32
    %dma_wait3A_574 = arith.constant 0 : i32
    %dma_wait3A_575 = arith.constant 0 : i32
    %dma_wait3A_576 = arith.constant 0 : i32
    %dma_wait3A_577 = tpu.memref_slice %arg6[%dma_wait3A_573, %dma_wait3A_575, %dma_wait3A_576] : memref<8x128x64xf32, #tpu.memory_space<vmem>> -> memref<1x128x64xf32, #tpu.memory_space<vmem>>
    %dma_wait3A_578 = tpu.memref_squeeze %dma_wait3A_577 : memref<1x128x64xf32, #tpu.memory_space<vmem>> -> memref<128x64xf32, #tpu.memory_space<vmem>>
    %dma_wait3A_579 = arith.constant 0 : i32
    %dma_wait3A_580 = tpu.memref_slice %arg4[%mul3A_2, %dma_wait3A_574, %dma_wait3A_579] : memref<4096x50x64xf32, #tpu.memory_space<hbm>> -> memref<128x1x64xf32, #tpu.memory_space<hbm>>
    %dma_wait3A_581 = tpu.memref_squeeze %dma_wait3A_580 : memref<128x1x64xf32, #tpu.memory_space<hbm>> -> memref<128x64xf32, #tpu.memory_space<hbm>>
    %dma_wait3A_582 = arith.constant 0 : i32
    %dma_wait3A_583 = tpu.memref_slice %arg4[%mul3A_2, %dma_wait3A_574, %dma_wait3A_582] : memref<4096x50x64xf32, #tpu.memory_space<hbm>> -> memref<128x1x64xf32, #tpu.memory_space<hbm>>
    %dma_wait3A_584 = tpu.memref_squeeze %dma_wait3A_583 : memref<128x1x64xf32, #tpu.memory_space<hbm>> -> memref<128x64xf32, #tpu.memory_space<hbm>>
    %dma_wait3A_585 = arith.constant 0 : i32
    %dma_wait3A_586 = arith.constant 0 : i32
    %dma_wait3A_587 = tpu.memref_slice %arg6[%dma_wait3A_573, %dma_wait3A_585, %dma_wait3A_586] : memref<8x128x64xf32, #tpu.memory_space<vmem>> -> memref<1x128x64xf32, #tpu.memory_space<vmem>>
    %dma_wait3A_588 = tpu.memref_squeeze %dma_wait3A_587 : memref<1x128x64xf32, #tpu.memory_space<vmem>> -> memref<128x64xf32, #tpu.memory_space<vmem>>
    tpu.wait_dma2 semaphore(%arg21 : memref<!tpu.dma_semaphore, #tpu.memory_space<semaphore_mem>>) src(%dma_wait3A_588 : memref<128x64xf32, #tpu.memory_space<vmem>>) dst(%dma_wait3A_584 : memref<128x64xf32, #tpu.memory_space<hbm>>)
    %dma_start3A_589 = arith.constant 14 : i32
    %dma_start3A_590 = arith.constant 6 : i32
    %dma_start3A_591 = arith.constant 0 : i32
    %dma_start3A_592 = arith.constant 0 : i32
    %dma_start3A_593 = tpu.memref_slice %arg6[%dma_start3A_590, %dma_start3A_591, %dma_start3A_592] : memref<8x128x64xf32, #tpu.memory_space<vmem>> -> memref<1x128x64xf32, #tpu.memory_space<vmem>>
    %dma_start3A_594 = tpu.memref_squeeze %dma_start3A_593 : memref<1x128x64xf32, #tpu.memory_space<vmem>> -> memref<128x64xf32, #tpu.memory_space<vmem>>
    %dma_start3A_595 = arith.constant 0 : i32
    %dma_start3A_596 = tpu.memref_slice %arg5[%dma_start3A_589, %dma_start3A_595] : memref<50x128xi32, #tpu.memory_space<vmem>> -> memref<1x128xi32, #tpu.memory_space<vmem>>
    %dma_start3A_597 = tpu.memref_squeeze %dma_start3A_596 : memref<1x128xi32, #tpu.memory_space<vmem>> -> memref<128xi32, #tpu.memory_space<vmem>>
    %dma_start3A_598 = arith.constant 0 : i32
    %dma_start3A_599 = arith.constant 0 : i32
    %dma_start3A_600 = tpu.memref_slice %arg3[%dma_start3A_598, %dma_start3A_599] : memref<1000000x64xf32, #tpu.memory_space<hbm>> -> memref<1000000x64xf32, #tpu.memory_space<hbm>>
    tpu.enqueue_indirect_dma source(%dma_start3A_600 : memref<1000000x64xf32, #tpu.memory_space<hbm>>) target(%dma_start3A_594 : memref<128x64xf32, #tpu.memory_space<vmem>>) offsets(%dma_start3A_597 : memref<128xi32, #tpu.memory_space<vmem>>) semaphore(%arg13 : memref<!tpu.dma_semaphore, #tpu.memory_space<semaphore_mem>>)
    %dma_wait3A_601 = arith.constant 11 : i32
    %dma_wait3A_602 = arith.constant 3 : i32
    %dma_wait3A_603 = arith.constant 0 : i32
    %dma_wait3A_604 = arith.constant 0 : i32
    %dma_wait3A_605 = tpu.memref_slice %arg6[%dma_wait3A_602, %dma_wait3A_603, %dma_wait3A_604] : memref<8x128x64xf32, #tpu.memory_space<vmem>> -> memref<1x128x64xf32, #tpu.memory_space<vmem>>
    %dma_wait3A_606 = tpu.memref_squeeze %dma_wait3A_605 : memref<1x128x64xf32, #tpu.memory_space<vmem>> -> memref<128x64xf32, #tpu.memory_space<vmem>>
    %dma_wait3A_607 = arith.constant 0 : i32
    %dma_wait3A_608 = tpu.memref_slice %arg5[%dma_wait3A_601, %dma_wait3A_607] : memref<50x128xi32, #tpu.memory_space<vmem>> -> memref<1x128xi32, #tpu.memory_space<vmem>>
    %dma_wait3A_609 = tpu.memref_squeeze %dma_wait3A_608 : memref<1x128xi32, #tpu.memory_space<vmem>> -> memref<128xi32, #tpu.memory_space<vmem>>
    %dma_wait3A_610 = arith.constant 0 : i32
    %dma_wait3A_611 = arith.constant 0 : i32
    %dma_wait3A_612 = tpu.memref_slice %arg3[%dma_wait3A_610, %dma_wait3A_611] : memref<1000000x64xf32, #tpu.memory_space<hbm>> -> memref<1000000x64xf32, #tpu.memory_space<hbm>>
    tpu.wait_indirect_dma semaphore(%arg10 : memref<!tpu.dma_semaphore, #tpu.memory_space<semaphore_mem>>) src(%dma_wait3A_612 : memref<1000000x64xf32, #tpu.memory_space<hbm>>) dst(%dma_wait3A_606 : memref<128x64xf32, #tpu.memory_space<vmem>>)
    %dma_start3A_613 = arith.constant 3 : i32
    %dma_start3A_614 = arith.constant 11 : i32
    %dma_start3A_615 = arith.constant 0 : i32
    %dma_start3A_616 = arith.constant 0 : i32
    %dma_start3A_617 = tpu.memref_slice %arg6[%dma_start3A_613, %dma_start3A_615, %dma_start3A_616] : memref<8x128x64xf32, #tpu.memory_space<vmem>> -> memref<1x128x64xf32, #tpu.memory_space<vmem>>
    %dma_start3A_618 = tpu.memref_squeeze %dma_start3A_617 : memref<1x128x64xf32, #tpu.memory_space<vmem>> -> memref<128x64xf32, #tpu.memory_space<vmem>>
    %dma_start3A_619 = arith.constant 0 : i32
    %dma_start3A_620 = tpu.memref_slice %arg4[%mul3A_2, %dma_start3A_614, %dma_start3A_619] : memref<4096x50x64xf32, #tpu.memory_space<hbm>> -> memref<128x1x64xf32, #tpu.memory_space<hbm>>
    %dma_start3A_621 = tpu.memref_squeeze %dma_start3A_620 : memref<128x1x64xf32, #tpu.memory_space<hbm>> -> memref<128x64xf32, #tpu.memory_space<hbm>>
    %dma_start3A_622 = arith.constant 0 : i32
    %dma_start3A_623 = tpu.memref_slice %arg4[%mul3A_2, %dma_start3A_614, %dma_start3A_622] : memref<4096x50x64xf32, #tpu.memory_space<hbm>> -> memref<128x1x64xf32, #tpu.memory_space<hbm>>
    %dma_start3A_624 = tpu.memref_squeeze %dma_start3A_623 : memref<128x1x64xf32, #tpu.memory_space<hbm>> -> memref<128x64xf32, #tpu.memory_space<hbm>>
    %dma_start3A_625 = arith.constant 0 : i32
    %dma_start3A_626 = arith.constant 0 : i32
    %dma_start3A_627 = tpu.memref_slice %arg6[%dma_start3A_613, %dma_start3A_625, %dma_start3A_626] : memref<8x128x64xf32, #tpu.memory_space<vmem>> -> memref<1x128x64xf32, #tpu.memory_space<vmem>>
    %dma_start3A_628 = tpu.memref_squeeze %dma_start3A_627 : memref<1x128x64xf32, #tpu.memory_space<vmem>> -> memref<128x64xf32, #tpu.memory_space<vmem>>
    tpu.enqueue_dma source(%dma_start3A_628 : memref<128x64xf32, #tpu.memory_space<vmem>>) target(%dma_start3A_624 : memref<128x64xf32, #tpu.memory_space<hbm>>) target_semaphore(%arg18 : memref<!tpu.dma_semaphore, #tpu.memory_space<semaphore_mem>>)
    %dma_wait3A_629 = arith.constant 7 : i32
    %dma_wait3A_630 = arith.constant 0 : i32
    %dma_wait3A_631 = arith.constant 0 : i32
    %dma_wait3A_632 = arith.constant 0 : i32
    %dma_wait3A_633 = tpu.memref_slice %arg6[%dma_wait3A_629, %dma_wait3A_631, %dma_wait3A_632] : memref<8x128x64xf32, #tpu.memory_space<vmem>> -> memref<1x128x64xf32, #tpu.memory_space<vmem>>
    %dma_wait3A_634 = tpu.memref_squeeze %dma_wait3A_633 : memref<1x128x64xf32, #tpu.memory_space<vmem>> -> memref<128x64xf32, #tpu.memory_space<vmem>>
    %dma_wait3A_635 = arith.constant 0 : i32
    %dma_wait3A_636 = tpu.memref_slice %arg4[%mul3A_2, %dma_wait3A_630, %dma_wait3A_635] : memref<4096x50x64xf32, #tpu.memory_space<hbm>> -> memref<128x1x64xf32, #tpu.memory_space<hbm>>
    %dma_wait3A_637 = tpu.memref_squeeze %dma_wait3A_636 : memref<128x1x64xf32, #tpu.memory_space<hbm>> -> memref<128x64xf32, #tpu.memory_space<hbm>>
    %dma_wait3A_638 = arith.constant 0 : i32
    %dma_wait3A_639 = tpu.memref_slice %arg4[%mul3A_2, %dma_wait3A_630, %dma_wait3A_638] : memref<4096x50x64xf32, #tpu.memory_space<hbm>> -> memref<128x1x64xf32, #tpu.memory_space<hbm>>
    %dma_wait3A_640 = tpu.memref_squeeze %dma_wait3A_639 : memref<128x1x64xf32, #tpu.memory_space<hbm>> -> memref<128x64xf32, #tpu.memory_space<hbm>>
    %dma_wait3A_641 = arith.constant 0 : i32
    %dma_wait3A_642 = arith.constant 0 : i32
    %dma_wait3A_643 = tpu.memref_slice %arg6[%dma_wait3A_629, %dma_wait3A_641, %dma_wait3A_642] : memref<8x128x64xf32, #tpu.memory_space<vmem>> -> memref<1x128x64xf32, #tpu.memory_space<vmem>>
    %dma_wait3A_644 = tpu.memref_squeeze %dma_wait3A_643 : memref<1x128x64xf32, #tpu.memory_space<vmem>> -> memref<128x64xf32, #tpu.memory_space<vmem>>
    tpu.wait_dma2 semaphore(%arg22 : memref<!tpu.dma_semaphore, #tpu.memory_space<semaphore_mem>>) src(%dma_wait3A_644 : memref<128x64xf32, #tpu.memory_space<vmem>>) dst(%dma_wait3A_640 : memref<128x64xf32, #tpu.memory_space<hbm>>)
    %dma_start3A_645 = arith.constant 15 : i32
    %dma_start3A_646 = arith.constant 7 : i32
    %dma_start3A_647 = arith.constant 0 : i32
    %dma_start3A_648 = arith.constant 0 : i32
    %dma_start3A_649 = tpu.memref_slice %arg6[%dma_start3A_646, %dma_start3A_647, %dma_start3A_648] : memref<8x128x64xf32, #tpu.memory_space<vmem>> -> memref<1x128x64xf32, #tpu.memory_space<vmem>>
    %dma_start3A_650 = tpu.memref_squeeze %dma_start3A_649 : memref<1x128x64xf32, #tpu.memory_space<vmem>> -> memref<128x64xf32, #tpu.memory_space<vmem>>
    %dma_start3A_651 = arith.constant 0 : i32
    %dma_start3A_652 = tpu.memref_slice %arg5[%dma_start3A_645, %dma_start3A_651] : memref<50x128xi32, #tpu.memory_space<vmem>> -> memref<1x128xi32, #tpu.memory_space<vmem>>
    %dma_start3A_653 = tpu.memref_squeeze %dma_start3A_652 : memref<1x128xi32, #tpu.memory_space<vmem>> -> memref<128xi32, #tpu.memory_space<vmem>>
    %dma_start3A_654 = arith.constant 0 : i32
    %dma_start3A_655 = arith.constant 0 : i32
    %dma_start3A_656 = tpu.memref_slice %arg3[%dma_start3A_654, %dma_start3A_655] : memref<1000000x64xf32, #tpu.memory_space<hbm>> -> memref<1000000x64xf32, #tpu.memory_space<hbm>>
    tpu.enqueue_indirect_dma source(%dma_start3A_656 : memref<1000000x64xf32, #tpu.memory_space<hbm>>) target(%dma_start3A_650 : memref<128x64xf32, #tpu.memory_space<vmem>>) offsets(%dma_start3A_653 : memref<128xi32, #tpu.memory_space<vmem>>) semaphore(%arg14 : memref<!tpu.dma_semaphore, #tpu.memory_space<semaphore_mem>>)
    %dma_wait3A_657 = arith.constant 12 : i32
    %dma_wait3A_658 = arith.constant 4 : i32
    %dma_wait3A_659 = arith.constant 0 : i32
    %dma_wait3A_660 = arith.constant 0 : i32
    %dma_wait3A_661 = tpu.memref_slice %arg6[%dma_wait3A_658, %dma_wait3A_659, %dma_wait3A_660] : memref<8x128x64xf32, #tpu.memory_space<vmem>> -> memref<1x128x64xf32, #tpu.memory_space<vmem>>
    %dma_wait3A_662 = tpu.memref_squeeze %dma_wait3A_661 : memref<1x128x64xf32, #tpu.memory_space<vmem>> -> memref<128x64xf32, #tpu.memory_space<vmem>>
    %dma_wait3A_663 = arith.constant 0 : i32
    %dma_wait3A_664 = tpu.memref_slice %arg5[%dma_wait3A_657, %dma_wait3A_663] : memref<50x128xi32, #tpu.memory_space<vmem>> -> memref<1x128xi32, #tpu.memory_space<vmem>>
    %dma_wait3A_665 = tpu.memref_squeeze %dma_wait3A_664 : memref<1x128xi32, #tpu.memory_space<vmem>> -> memref<128xi32, #tpu.memory_space<vmem>>
    %dma_wait3A_666 = arith.constant 0 : i32
    %dma_wait3A_667 = arith.constant 0 : i32
    %dma_wait3A_668 = tpu.memref_slice %arg3[%dma_wait3A_666, %dma_wait3A_667] : memref<1000000x64xf32, #tpu.memory_space<hbm>> -> memref<1000000x64xf32, #tpu.memory_space<hbm>>
    tpu.wait_indirect_dma semaphore(%arg11 : memref<!tpu.dma_semaphore, #tpu.memory_space<semaphore_mem>>) src(%dma_wait3A_668 : memref<1000000x64xf32, #tpu.memory_space<hbm>>) dst(%dma_wait3A_662 : memref<128x64xf32, #tpu.memory_space<vmem>>)
    %dma_start3A_669 = arith.constant 4 : i32
    %dma_start3A_670 = arith.constant 12 : i32
    %dma_start3A_671 = arith.constant 0 : i32
    %dma_start3A_672 = arith.constant 0 : i32
    %dma_start3A_673 = tpu.memref_slice %arg6[%dma_start3A_669, %dma_start3A_671, %dma_start3A_672] : memref<8x128x64xf32, #tpu.memory_space<vmem>> -> memref<1x128x64xf32, #tpu.memory_space<vmem>>
    %dma_start3A_674 = tpu.memref_squeeze %dma_start3A_673 : memref<1x128x64xf32, #tpu.memory_space<vmem>> -> memref<128x64xf32, #tpu.memory_space<vmem>>
    %dma_start3A_675 = arith.constant 0 : i32
    %dma_start3A_676 = tpu.memref_slice %arg4[%mul3A_2, %dma_start3A_670, %dma_start3A_675] : memref<4096x50x64xf32, #tpu.memory_space<hbm>> -> memref<128x1x64xf32, #tpu.memory_space<hbm>>
    %dma_start3A_677 = tpu.memref_squeeze %dma_start3A_676 : memref<128x1x64xf32, #tpu.memory_space<hbm>> -> memref<128x64xf32, #tpu.memory_space<hbm>>
    %dma_start3A_678 = arith.constant 0 : i32
    %dma_start3A_679 = tpu.memref_slice %arg4[%mul3A_2, %dma_start3A_670, %dma_start3A_678] : memref<4096x50x64xf32, #tpu.memory_space<hbm>> -> memref<128x1x64xf32, #tpu.memory_space<hbm>>
    %dma_start3A_680 = tpu.memref_squeeze %dma_start3A_679 : memref<128x1x64xf32, #tpu.memory_space<hbm>> -> memref<128x64xf32, #tpu.memory_space<hbm>>
    %dma_start3A_681 = arith.constant 0 : i32
    %dma_start3A_682 = arith.constant 0 : i32
    %dma_start3A_683 = tpu.memref_slice %arg6[%dma_start3A_669, %dma_start3A_681, %dma_start3A_682] : memref<8x128x64xf32, #tpu.memory_space<vmem>> -> memref<1x128x64xf32, #tpu.memory_space<vmem>>
    %dma_start3A_684 = tpu.memref_squeeze %dma_start3A_683 : memref<1x128x64xf32, #tpu.memory_space<vmem>> -> memref<128x64xf32, #tpu.memory_space<vmem>>
    tpu.enqueue_dma source(%dma_start3A_684 : memref<128x64xf32, #tpu.memory_space<vmem>>) target(%dma_start3A_680 : memref<128x64xf32, #tpu.memory_space<hbm>>) target_semaphore(%arg19 : memref<!tpu.dma_semaphore, #tpu.memory_space<semaphore_mem>>)
    %dma_wait3A_685 = arith.constant 0 : i32
    %dma_wait3A_686 = arith.constant 0 : i32
    %dma_wait3A_687 = arith.constant 0 : i32
    %dma_wait3A_688 = arith.constant 0 : i32
    %dma_wait3A_689 = tpu.memref_slice %arg6[%dma_wait3A_685, %dma_wait3A_687, %dma_wait3A_688] : memref<8x128x64xf32, #tpu.memory_space<vmem>> -> memref<1x128x64xf32, #tpu.memory_space<vmem>>
    %dma_wait3A_690 = tpu.memref_squeeze %dma_wait3A_689 : memref<1x128x64xf32, #tpu.memory_space<vmem>> -> memref<128x64xf32, #tpu.memory_space<vmem>>
    %dma_wait3A_691 = arith.constant 0 : i32
    %dma_wait3A_692 = tpu.memref_slice %arg4[%mul3A_2, %dma_wait3A_686, %dma_wait3A_691] : memref<4096x50x64xf32, #tpu.memory_space<hbm>> -> memref<128x1x64xf32, #tpu.memory_space<hbm>>
    %dma_wait3A_693 = tpu.memref_squeeze %dma_wait3A_692 : memref<128x1x64xf32, #tpu.memory_space<hbm>> -> memref<128x64xf32, #tpu.memory_space<hbm>>
    %dma_wait3A_694 = arith.constant 0 : i32
    %dma_wait3A_695 = tpu.memref_slice %arg4[%mul3A_2, %dma_wait3A_686, %dma_wait3A_694] : memref<4096x50x64xf32, #tpu.memory_space<hbm>> -> memref<128x1x64xf32, #tpu.memory_space<hbm>>
    %dma_wait3A_696 = tpu.memref_squeeze %dma_wait3A_695 : memref<128x1x64xf32, #tpu.memory_space<hbm>> -> memref<128x64xf32, #tpu.memory_space<hbm>>
    %dma_wait3A_697 = arith.constant 0 : i32
    %dma_wait3A_698 = arith.constant 0 : i32
    %dma_wait3A_699 = tpu.memref_slice %arg6[%dma_wait3A_685, %dma_wait3A_697, %dma_wait3A_698] : memref<8x128x64xf32, #tpu.memory_space<vmem>> -> memref<1x128x64xf32, #tpu.memory_space<vmem>>
    %dma_wait3A_700 = tpu.memref_squeeze %dma_wait3A_699 : memref<1x128x64xf32, #tpu.memory_space<vmem>> -> memref<128x64xf32, #tpu.memory_space<vmem>>
    tpu.wait_dma2 semaphore(%arg15 : memref<!tpu.dma_semaphore, #tpu.memory_space<semaphore_mem>>) src(%dma_wait3A_700 : memref<128x64xf32, #tpu.memory_space<vmem>>) dst(%dma_wait3A_696 : memref<128x64xf32, #tpu.memory_space<hbm>>)
    %dma_start3A_701 = arith.constant 16 : i32
    %dma_start3A_702 = arith.constant 0 : i32
    %dma_start3A_703 = arith.constant 0 : i32
    %dma_start3A_704 = arith.constant 0 : i32
    %dma_start3A_705 = tpu.memref_slice %arg6[%dma_start3A_702, %dma_start3A_703, %dma_start3A_704] : memref<8x128x64xf32, #tpu.memory_space<vmem>> -> memref<1x128x64xf32, #tpu.memory_space<vmem>>
    %dma_start3A_706 = tpu.memref_squeeze %dma_start3A_705 : memref<1x128x64xf32, #tpu.memory_space<vmem>> -> memref<128x64xf32, #tpu.memory_space<vmem>>
    %dma_start3A_707 = arith.constant 0 : i32
    %dma_start3A_708 = tpu.memref_slice %arg5[%dma_start3A_701, %dma_start3A_707] : memref<50x128xi32, #tpu.memory_space<vmem>> -> memref<1x128xi32, #tpu.memory_space<vmem>>
    %dma_start3A_709 = tpu.memref_squeeze %dma_start3A_708 : memref<1x128xi32, #tpu.memory_space<vmem>> -> memref<128xi32, #tpu.memory_space<vmem>>
    %dma_start3A_710 = arith.constant 0 : i32
    %dma_start3A_711 = arith.constant 0 : i32
    %dma_start3A_712 = tpu.memref_slice %arg3[%dma_start3A_710, %dma_start3A_711] : memref<1000000x64xf32, #tpu.memory_space<hbm>> -> memref<1000000x64xf32, #tpu.memory_space<hbm>>
    tpu.enqueue_indirect_dma source(%dma_start3A_712 : memref<1000000x64xf32, #tpu.memory_space<hbm>>) target(%dma_start3A_706 : memref<128x64xf32, #tpu.memory_space<vmem>>) offsets(%dma_start3A_709 : memref<128xi32, #tpu.memory_space<vmem>>) semaphore(%arg7 : memref<!tpu.dma_semaphore, #tpu.memory_space<semaphore_mem>>)
    %dma_wait3A_713 = arith.constant 13 : i32
    %dma_wait3A_714 = arith.constant 5 : i32
    %dma_wait3A_715 = arith.constant 0 : i32
    %dma_wait3A_716 = arith.constant 0 : i32
    %dma_wait3A_717 = tpu.memref_slice %arg6[%dma_wait3A_714, %dma_wait3A_715, %dma_wait3A_716] : memref<8x128x64xf32, #tpu.memory_space<vmem>> -> memref<1x128x64xf32, #tpu.memory_space<vmem>>
    %dma_wait3A_718 = tpu.memref_squeeze %dma_wait3A_717 : memref<1x128x64xf32, #tpu.memory_space<vmem>> -> memref<128x64xf32, #tpu.memory_space<vmem>>
    %dma_wait3A_719 = arith.constant 0 : i32
    %dma_wait3A_720 = tpu.memref_slice %arg5[%dma_wait3A_713, %dma_wait3A_719] : memref<50x128xi32, #tpu.memory_space<vmem>> -> memref<1x128xi32, #tpu.memory_space<vmem>>
    %dma_wait3A_721 = tpu.memref_squeeze %dma_wait3A_720 : memref<1x128xi32, #tpu.memory_space<vmem>> -> memref<128xi32, #tpu.memory_space<vmem>>
    %dma_wait3A_722 = arith.constant 0 : i32
    %dma_wait3A_723 = arith.constant 0 : i32
    %dma_wait3A_724 = tpu.memref_slice %arg3[%dma_wait3A_722, %dma_wait3A_723] : memref<1000000x64xf32, #tpu.memory_space<hbm>> -> memref<1000000x64xf32, #tpu.memory_space<hbm>>
    tpu.wait_indirect_dma semaphore(%arg12 : memref<!tpu.dma_semaphore, #tpu.memory_space<semaphore_mem>>) src(%dma_wait3A_724 : memref<1000000x64xf32, #tpu.memory_space<hbm>>) dst(%dma_wait3A_718 : memref<128x64xf32, #tpu.memory_space<vmem>>)
    %dma_start3A_725 = arith.constant 5 : i32
    %dma_start3A_726 = arith.constant 13 : i32
    %dma_start3A_727 = arith.constant 0 : i32
    %dma_start3A_728 = arith.constant 0 : i32
    %dma_start3A_729 = tpu.memref_slice %arg6[%dma_start3A_725, %dma_start3A_727, %dma_start3A_728] : memref<8x128x64xf32, #tpu.memory_space<vmem>> -> memref<1x128x64xf32, #tpu.memory_space<vmem>>
    %dma_start3A_730 = tpu.memref_squeeze %dma_start3A_729 : memref<1x128x64xf32, #tpu.memory_space<vmem>> -> memref<128x64xf32, #tpu.memory_space<vmem>>
    %dma_start3A_731 = arith.constant 0 : i32
    %dma_start3A_732 = tpu.memref_slice %arg4[%mul3A_2, %dma_start3A_726, %dma_start3A_731] : memref<4096x50x64xf32, #tpu.memory_space<hbm>> -> memref<128x1x64xf32, #tpu.memory_space<hbm>>
    %dma_start3A_733 = tpu.memref_squeeze %dma_start3A_732 : memref<128x1x64xf32, #tpu.memory_space<hbm>> -> memref<128x64xf32, #tpu.memory_space<hbm>>
    %dma_start3A_734 = arith.constant 0 : i32
    %dma_start3A_735 = tpu.memref_slice %arg4[%mul3A_2, %dma_start3A_726, %dma_start3A_734] : memref<4096x50x64xf32, #tpu.memory_space<hbm>> -> memref<128x1x64xf32, #tpu.memory_space<hbm>>
    %dma_start3A_736 = tpu.memref_squeeze %dma_start3A_735 : memref<128x1x64xf32, #tpu.memory_space<hbm>> -> memref<128x64xf32, #tpu.memory_space<hbm>>
    %dma_start3A_737 = arith.constant 0 : i32
    %dma_start3A_738 = arith.constant 0 : i32
    %dma_start3A_739 = tpu.memref_slice %arg6[%dma_start3A_725, %dma_start3A_737, %dma_start3A_738] : memref<8x128x64xf32, #tpu.memory_space<vmem>> -> memref<1x128x64xf32, #tpu.memory_space<vmem>>
    %dma_start3A_740 = tpu.memref_squeeze %dma_start3A_739 : memref<1x128x64xf32, #tpu.memory_space<vmem>> -> memref<128x64xf32, #tpu.memory_space<vmem>>
    tpu.enqueue_dma source(%dma_start3A_740 : memref<128x64xf32, #tpu.memory_space<vmem>>) target(%dma_start3A_736 : memref<128x64xf32, #tpu.memory_space<hbm>>) target_semaphore(%arg20 : memref<!tpu.dma_semaphore, #tpu.memory_space<semaphore_mem>>)
    %dma_wait3A_741 = arith.constant 1 : i32
    %dma_wait3A_742 = arith.constant 0 : i32
    %dma_wait3A_743 = arith.constant 0 : i32
    %dma_wait3A_744 = arith.constant 0 : i32
    %dma_wait3A_745 = tpu.memref_slice %arg6[%dma_wait3A_741, %dma_wait3A_743, %dma_wait3A_744] : memref<8x128x64xf32, #tpu.memory_space<vmem>> -> memref<1x128x64xf32, #tpu.memory_space<vmem>>
    %dma_wait3A_746 = tpu.memref_squeeze %dma_wait3A_745 : memref<1x128x64xf32, #tpu.memory_space<vmem>> -> memref<128x64xf32, #tpu.memory_space<vmem>>
    %dma_wait3A_747 = arith.constant 0 : i32
    %dma_wait3A_748 = tpu.memref_slice %arg4[%mul3A_2, %dma_wait3A_742, %dma_wait3A_747] : memref<4096x50x64xf32, #tpu.memory_space<hbm>> -> memref<128x1x64xf32, #tpu.memory_space<hbm>>
    %dma_wait3A_749 = tpu.memref_squeeze %dma_wait3A_748 : memref<128x1x64xf32, #tpu.memory_space<hbm>> -> memref<128x64xf32, #tpu.memory_space<hbm>>
    %dma_wait3A_750 = arith.constant 0 : i32
    %dma_wait3A_751 = tpu.memref_slice %arg4[%mul3A_2, %dma_wait3A_742, %dma_wait3A_750] : memref<4096x50x64xf32, #tpu.memory_space<hbm>> -> memref<128x1x64xf32, #tpu.memory_space<hbm>>
    %dma_wait3A_752 = tpu.memref_squeeze %dma_wait3A_751 : memref<128x1x64xf32, #tpu.memory_space<hbm>> -> memref<128x64xf32, #tpu.memory_space<hbm>>
    %dma_wait3A_753 = arith.constant 0 : i32
    %dma_wait3A_754 = arith.constant 0 : i32
    %dma_wait3A_755 = tpu.memref_slice %arg6[%dma_wait3A_741, %dma_wait3A_753, %dma_wait3A_754] : memref<8x128x64xf32, #tpu.memory_space<vmem>> -> memref<1x128x64xf32, #tpu.memory_space<vmem>>
    %dma_wait3A_756 = tpu.memref_squeeze %dma_wait3A_755 : memref<1x128x64xf32, #tpu.memory_space<vmem>> -> memref<128x64xf32, #tpu.memory_space<vmem>>
    tpu.wait_dma2 semaphore(%arg16 : memref<!tpu.dma_semaphore, #tpu.memory_space<semaphore_mem>>) src(%dma_wait3A_756 : memref<128x64xf32, #tpu.memory_space<vmem>>) dst(%dma_wait3A_752 : memref<128x64xf32, #tpu.memory_space<hbm>>)
    %dma_start3A_757 = arith.constant 17 : i32
    %dma_start3A_758 = arith.constant 1 : i32
    %dma_start3A_759 = arith.constant 0 : i32
    %dma_start3A_760 = arith.constant 0 : i32
    %dma_start3A_761 = tpu.memref_slice %arg6[%dma_start3A_758, %dma_start3A_759, %dma_start3A_760] : memref<8x128x64xf32, #tpu.memory_space<vmem>> -> memref<1x128x64xf32, #tpu.memory_space<vmem>>
    %dma_start3A_762 = tpu.memref_squeeze %dma_start3A_761 : memref<1x128x64xf32, #tpu.memory_space<vmem>> -> memref<128x64xf32, #tpu.memory_space<vmem>>
    %dma_start3A_763 = arith.constant 0 : i32
    %dma_start3A_764 = tpu.memref_slice %arg5[%dma_start3A_757, %dma_start3A_763] : memref<50x128xi32, #tpu.memory_space<vmem>> -> memref<1x128xi32, #tpu.memory_space<vmem>>
    %dma_start3A_765 = tpu.memref_squeeze %dma_start3A_764 : memref<1x128xi32, #tpu.memory_space<vmem>> -> memref<128xi32, #tpu.memory_space<vmem>>
    %dma_start3A_766 = arith.constant 0 : i32
    %dma_start3A_767 = arith.constant 0 : i32
    %dma_start3A_768 = tpu.memref_slice %arg3[%dma_start3A_766, %dma_start3A_767] : memref<1000000x64xf32, #tpu.memory_space<hbm>> -> memref<1000000x64xf32, #tpu.memory_space<hbm>>
    tpu.enqueue_indirect_dma source(%dma_start3A_768 : memref<1000000x64xf32, #tpu.memory_space<hbm>>) target(%dma_start3A_762 : memref<128x64xf32, #tpu.memory_space<vmem>>) offsets(%dma_start3A_765 : memref<128xi32, #tpu.memory_space<vmem>>) semaphore(%arg8 : memref<!tpu.dma_semaphore, #tpu.memory_space<semaphore_mem>>)
    %dma_wait3A_769 = arith.constant 14 : i32
    %dma_wait3A_770 = arith.constant 6 : i32
    %dma_wait3A_771 = arith.constant 0 : i32
    %dma_wait3A_772 = arith.constant 0 : i32
    %dma_wait3A_773 = tpu.memref_slice %arg6[%dma_wait3A_770, %dma_wait3A_771, %dma_wait3A_772] : memref<8x128x64xf32, #tpu.memory_space<vmem>> -> memref<1x128x64xf32, #tpu.memory_space<vmem>>
    %dma_wait3A_774 = tpu.memref_squeeze %dma_wait3A_773 : memref<1x128x64xf32, #tpu.memory_space<vmem>> -> memref<128x64xf32, #tpu.memory_space<vmem>>
    %dma_wait3A_775 = arith.constant 0 : i32
    %dma_wait3A_776 = tpu.memref_slice %arg5[%dma_wait3A_769, %dma_wait3A_775] : memref<50x128xi32, #tpu.memory_space<vmem>> -> memref<1x128xi32, #tpu.memory_space<vmem>>
    %dma_wait3A_777 = tpu.memref_squeeze %dma_wait3A_776 : memref<1x128xi32, #tpu.memory_space<vmem>> -> memref<128xi32, #tpu.memory_space<vmem>>
    %dma_wait3A_778 = arith.constant 0 : i32
    %dma_wait3A_779 = arith.constant 0 : i32
    %dma_wait3A_780 = tpu.memref_slice %arg3[%dma_wait3A_778, %dma_wait3A_779] : memref<1000000x64xf32, #tpu.memory_space<hbm>> -> memref<1000000x64xf32, #tpu.memory_space<hbm>>
    tpu.wait_indirect_dma semaphore(%arg13 : memref<!tpu.dma_semaphore, #tpu.memory_space<semaphore_mem>>) src(%dma_wait3A_780 : memref<1000000x64xf32, #tpu.memory_space<hbm>>) dst(%dma_wait3A_774 : memref<128x64xf32, #tpu.memory_space<vmem>>)
    %dma_start3A_781 = arith.constant 6 : i32
    %dma_start3A_782 = arith.constant 14 : i32
    %dma_start3A_783 = arith.constant 0 : i32
    %dma_start3A_784 = arith.constant 0 : i32
    %dma_start3A_785 = tpu.memref_slice %arg6[%dma_start3A_781, %dma_start3A_783, %dma_start3A_784] : memref<8x128x64xf32, #tpu.memory_space<vmem>> -> memref<1x128x64xf32, #tpu.memory_space<vmem>>
    %dma_start3A_786 = tpu.memref_squeeze %dma_start3A_785 : memref<1x128x64xf32, #tpu.memory_space<vmem>> -> memref<128x64xf32, #tpu.memory_space<vmem>>
    %dma_start3A_787 = arith.constant 0 : i32
    %dma_start3A_788 = tpu.memref_slice %arg4[%mul3A_2, %dma_start3A_782, %dma_start3A_787] : memref<4096x50x64xf32, #tpu.memory_space<hbm>> -> memref<128x1x64xf32, #tpu.memory_space<hbm>>
    %dma_start3A_789 = tpu.memref_squeeze %dma_start3A_788 : memref<128x1x64xf32, #tpu.memory_space<hbm>> -> memref<128x64xf32, #tpu.memory_space<hbm>>
    %dma_start3A_790 = arith.constant 0 : i32
    %dma_start3A_791 = tpu.memref_slice %arg4[%mul3A_2, %dma_start3A_782, %dma_start3A_790] : memref<4096x50x64xf32, #tpu.memory_space<hbm>> -> memref<128x1x64xf32, #tpu.memory_space<hbm>>
    %dma_start3A_792 = tpu.memref_squeeze %dma_start3A_791 : memref<128x1x64xf32, #tpu.memory_space<hbm>> -> memref<128x64xf32, #tpu.memory_space<hbm>>
    %dma_start3A_793 = arith.constant 0 : i32
    %dma_start3A_794 = arith.constant 0 : i32
    %dma_start3A_795 = tpu.memref_slice %arg6[%dma_start3A_781, %dma_start3A_793, %dma_start3A_794] : memref<8x128x64xf32, #tpu.memory_space<vmem>> -> memref<1x128x64xf32, #tpu.memory_space<vmem>>
    %dma_start3A_796 = tpu.memref_squeeze %dma_start3A_795 : memref<1x128x64xf32, #tpu.memory_space<vmem>> -> memref<128x64xf32, #tpu.memory_space<vmem>>
    tpu.enqueue_dma source(%dma_start3A_796 : memref<128x64xf32, #tpu.memory_space<vmem>>) target(%dma_start3A_792 : memref<128x64xf32, #tpu.memory_space<hbm>>) target_semaphore(%arg21 : memref<!tpu.dma_semaphore, #tpu.memory_space<semaphore_mem>>)
    %dma_wait3A_797 = arith.constant 2 : i32
    %dma_wait3A_798 = arith.constant 0 : i32
    %dma_wait3A_799 = arith.constant 0 : i32
    %dma_wait3A_800 = arith.constant 0 : i32
    %dma_wait3A_801 = tpu.memref_slice %arg6[%dma_wait3A_797, %dma_wait3A_799, %dma_wait3A_800] : memref<8x128x64xf32, #tpu.memory_space<vmem>> -> memref<1x128x64xf32, #tpu.memory_space<vmem>>
    %dma_wait3A_802 = tpu.memref_squeeze %dma_wait3A_801 : memref<1x128x64xf32, #tpu.memory_space<vmem>> -> memref<128x64xf32, #tpu.memory_space<vmem>>
    %dma_wait3A_803 = arith.constant 0 : i32
    %dma_wait3A_804 = tpu.memref_slice %arg4[%mul3A_2, %dma_wait3A_798, %dma_wait3A_803] : memref<4096x50x64xf32, #tpu.memory_space<hbm>> -> memref<128x1x64xf32, #tpu.memory_space<hbm>>
    %dma_wait3A_805 = tpu.memref_squeeze %dma_wait3A_804 : memref<128x1x64xf32, #tpu.memory_space<hbm>> -> memref<128x64xf32, #tpu.memory_space<hbm>>
    %dma_wait3A_806 = arith.constant 0 : i32
    %dma_wait3A_807 = tpu.memref_slice %arg4[%mul3A_2, %dma_wait3A_798, %dma_wait3A_806] : memref<4096x50x64xf32, #tpu.memory_space<hbm>> -> memref<128x1x64xf32, #tpu.memory_space<hbm>>
    %dma_wait3A_808 = tpu.memref_squeeze %dma_wait3A_807 : memref<128x1x64xf32, #tpu.memory_space<hbm>> -> memref<128x64xf32, #tpu.memory_space<hbm>>
    %dma_wait3A_809 = arith.constant 0 : i32
    %dma_wait3A_810 = arith.constant 0 : i32
    %dma_wait3A_811 = tpu.memref_slice %arg6[%dma_wait3A_797, %dma_wait3A_809, %dma_wait3A_810] : memref<8x128x64xf32, #tpu.memory_space<vmem>> -> memref<1x128x64xf32, #tpu.memory_space<vmem>>
    %dma_wait3A_812 = tpu.memref_squeeze %dma_wait3A_811 : memref<1x128x64xf32, #tpu.memory_space<vmem>> -> memref<128x64xf32, #tpu.memory_space<vmem>>
    tpu.wait_dma2 semaphore(%arg17 : memref<!tpu.dma_semaphore, #tpu.memory_space<semaphore_mem>>) src(%dma_wait3A_812 : memref<128x64xf32, #tpu.memory_space<vmem>>) dst(%dma_wait3A_808 : memref<128x64xf32, #tpu.memory_space<hbm>>)
    %dma_start3A_813 = arith.constant 18 : i32
    %dma_start3A_814 = arith.constant 2 : i32
    %dma_start3A_815 = arith.constant 0 : i32
    %dma_start3A_816 = arith.constant 0 : i32
    %dma_start3A_817 = tpu.memref_slice %arg6[%dma_start3A_814, %dma_start3A_815, %dma_start3A_816] : memref<8x128x64xf32, #tpu.memory_space<vmem>> -> memref<1x128x64xf32, #tpu.memory_space<vmem>>
    %dma_start3A_818 = tpu.memref_squeeze %dma_start3A_817 : memref<1x128x64xf32, #tpu.memory_space<vmem>> -> memref<128x64xf32, #tpu.memory_space<vmem>>
    %dma_start3A_819 = arith.constant 0 : i32
    %dma_start3A_820 = tpu.memref_slice %arg5[%dma_start3A_813, %dma_start3A_819] : memref<50x128xi32, #tpu.memory_space<vmem>> -> memref<1x128xi32, #tpu.memory_space<vmem>>
    %dma_start3A_821 = tpu.memref_squeeze %dma_start3A_820 : memref<1x128xi32, #tpu.memory_space<vmem>> -> memref<128xi32, #tpu.memory_space<vmem>>
    %dma_start3A_822 = arith.constant 0 : i32
    %dma_start3A_823 = arith.constant 0 : i32
    %dma_start3A_824 = tpu.memref_slice %arg3[%dma_start3A_822, %dma_start3A_823] : memref<1000000x64xf32, #tpu.memory_space<hbm>> -> memref<1000000x64xf32, #tpu.memory_space<hbm>>
    tpu.enqueue_indirect_dma source(%dma_start3A_824 : memref<1000000x64xf32, #tpu.memory_space<hbm>>) target(%dma_start3A_818 : memref<128x64xf32, #tpu.memory_space<vmem>>) offsets(%dma_start3A_821 : memref<128xi32, #tpu.memory_space<vmem>>) semaphore(%arg9 : memref<!tpu.dma_semaphore, #tpu.memory_space<semaphore_mem>>)
    %dma_wait3A_825 = arith.constant 15 : i32
    %dma_wait3A_826 = arith.constant 7 : i32
    %dma_wait3A_827 = arith.constant 0 : i32
    %dma_wait3A_828 = arith.constant 0 : i32
    %dma_wait3A_829 = tpu.memref_slice %arg6[%dma_wait3A_826, %dma_wait3A_827, %dma_wait3A_828] : memref<8x128x64xf32, #tpu.memory_space<vmem>> -> memref<1x128x64xf32, #tpu.memory_space<vmem>>
    %dma_wait3A_830 = tpu.memref_squeeze %dma_wait3A_829 : memref<1x128x64xf32, #tpu.memory_space<vmem>> -> memref<128x64xf32, #tpu.memory_space<vmem>>
    %dma_wait3A_831 = arith.constant 0 : i32
    %dma_wait3A_832 = tpu.memref_slice %arg5[%dma_wait3A_825, %dma_wait3A_831] : memref<50x128xi32, #tpu.memory_space<vmem>> -> memref<1x128xi32, #tpu.memory_space<vmem>>
    %dma_wait3A_833 = tpu.memref_squeeze %dma_wait3A_832 : memref<1x128xi32, #tpu.memory_space<vmem>> -> memref<128xi32, #tpu.memory_space<vmem>>
    %dma_wait3A_834 = arith.constant 0 : i32
    %dma_wait3A_835 = arith.constant 0 : i32
    %dma_wait3A_836 = tpu.memref_slice %arg3[%dma_wait3A_834, %dma_wait3A_835] : memref<1000000x64xf32, #tpu.memory_space<hbm>> -> memref<1000000x64xf32, #tpu.memory_space<hbm>>
    tpu.wait_indirect_dma semaphore(%arg14 : memref<!tpu.dma_semaphore, #tpu.memory_space<semaphore_mem>>) src(%dma_wait3A_836 : memref<1000000x64xf32, #tpu.memory_space<hbm>>) dst(%dma_wait3A_830 : memref<128x64xf32, #tpu.memory_space<vmem>>)
    %dma_start3A_837 = arith.constant 7 : i32
    %dma_start3A_838 = arith.constant 15 : i32
    %dma_start3A_839 = arith.constant 0 : i32
    %dma_start3A_840 = arith.constant 0 : i32
    %dma_start3A_841 = tpu.memref_slice %arg6[%dma_start3A_837, %dma_start3A_839, %dma_start3A_840] : memref<8x128x64xf32, #tpu.memory_space<vmem>> -> memref<1x128x64xf32, #tpu.memory_space<vmem>>
    %dma_start3A_842 = tpu.memref_squeeze %dma_start3A_841 : memref<1x128x64xf32, #tpu.memory_space<vmem>> -> memref<128x64xf32, #tpu.memory_space<vmem>>
    %dma_start3A_843 = arith.constant 0 : i32
    %dma_start3A_844 = tpu.memref_slice %arg4[%mul3A_2, %dma_start3A_838, %dma_start3A_843] : memref<4096x50x64xf32, #tpu.memory_space<hbm>> -> memref<128x1x64xf32, #tpu.memory_space<hbm>>
    %dma_start3A_845 = tpu.memref_squeeze %dma_start3A_844 : memref<128x1x64xf32, #tpu.memory_space<hbm>> -> memref<128x64xf32, #tpu.memory_space<hbm>>
    %dma_start3A_846 = arith.constant 0 : i32
    %dma_start3A_847 = tpu.memref_slice %arg4[%mul3A_2, %dma_start3A_838, %dma_start3A_846] : memref<4096x50x64xf32, #tpu.memory_space<hbm>> -> memref<128x1x64xf32, #tpu.memory_space<hbm>>
    %dma_start3A_848 = tpu.memref_squeeze %dma_start3A_847 : memref<128x1x64xf32, #tpu.memory_space<hbm>> -> memref<128x64xf32, #tpu.memory_space<hbm>>
    %dma_start3A_849 = arith.constant 0 : i32
    %dma_start3A_850 = arith.constant 0 : i32
    %dma_start3A_851 = tpu.memref_slice %arg6[%dma_start3A_837, %dma_start3A_849, %dma_start3A_850] : memref<8x128x64xf32, #tpu.memory_space<vmem>> -> memref<1x128x64xf32, #tpu.memory_space<vmem>>
    %dma_start3A_852 = tpu.memref_squeeze %dma_start3A_851 : memref<1x128x64xf32, #tpu.memory_space<vmem>> -> memref<128x64xf32, #tpu.memory_space<vmem>>
    tpu.enqueue_dma source(%dma_start3A_852 : memref<128x64xf32, #tpu.memory_space<vmem>>) target(%dma_start3A_848 : memref<128x64xf32, #tpu.memory_space<hbm>>) target_semaphore(%arg22 : memref<!tpu.dma_semaphore, #tpu.memory_space<semaphore_mem>>)
    %dma_wait3A_853 = arith.constant 3 : i32
    %dma_wait3A_854 = arith.constant 0 : i32
    %dma_wait3A_855 = arith.constant 0 : i32
    %dma_wait3A_856 = arith.constant 0 : i32
    %dma_wait3A_857 = tpu.memref_slice %arg6[%dma_wait3A_853, %dma_wait3A_855, %dma_wait3A_856] : memref<8x128x64xf32, #tpu.memory_space<vmem>> -> memref<1x128x64xf32, #tpu.memory_space<vmem>>
    %dma_wait3A_858 = tpu.memref_squeeze %dma_wait3A_857 : memref<1x128x64xf32, #tpu.memory_space<vmem>> -> memref<128x64xf32, #tpu.memory_space<vmem>>
    %dma_wait3A_859 = arith.constant 0 : i32
    %dma_wait3A_860 = tpu.memref_slice %arg4[%mul3A_2, %dma_wait3A_854, %dma_wait3A_859] : memref<4096x50x64xf32, #tpu.memory_space<hbm>> -> memref<128x1x64xf32, #tpu.memory_space<hbm>>
    %dma_wait3A_861 = tpu.memref_squeeze %dma_wait3A_860 : memref<128x1x64xf32, #tpu.memory_space<hbm>> -> memref<128x64xf32, #tpu.memory_space<hbm>>
    %dma_wait3A_862 = arith.constant 0 : i32
    %dma_wait3A_863 = tpu.memref_slice %arg4[%mul3A_2, %dma_wait3A_854, %dma_wait3A_862] : memref<4096x50x64xf32, #tpu.memory_space<hbm>> -> memref<128x1x64xf32, #tpu.memory_space<hbm>>
    %dma_wait3A_864 = tpu.memref_squeeze %dma_wait3A_863 : memref<128x1x64xf32, #tpu.memory_space<hbm>> -> memref<128x64xf32, #tpu.memory_space<hbm>>
    %dma_wait3A_865 = arith.constant 0 : i32
    %dma_wait3A_866 = arith.constant 0 : i32
    %dma_wait3A_867 = tpu.memref_slice %arg6[%dma_wait3A_853, %dma_wait3A_865, %dma_wait3A_866] : memref<8x128x64xf32, #tpu.memory_space<vmem>> -> memref<1x128x64xf32, #tpu.memory_space<vmem>>
    %dma_wait3A_868 = tpu.memref_squeeze %dma_wait3A_867 : memref<1x128x64xf32, #tpu.memory_space<vmem>> -> memref<128x64xf32, #tpu.memory_space<vmem>>
    tpu.wait_dma2 semaphore(%arg18 : memref<!tpu.dma_semaphore, #tpu.memory_space<semaphore_mem>>) src(%dma_wait3A_868 : memref<128x64xf32, #tpu.memory_space<vmem>>) dst(%dma_wait3A_864 : memref<128x64xf32, #tpu.memory_space<hbm>>)
    %dma_start3A_869 = arith.constant 19 : i32
    %dma_start3A_870 = arith.constant 3 : i32
    %dma_start3A_871 = arith.constant 0 : i32
    %dma_start3A_872 = arith.constant 0 : i32
    %dma_start3A_873 = tpu.memref_slice %arg6[%dma_start3A_870, %dma_start3A_871, %dma_start3A_872] : memref<8x128x64xf32, #tpu.memory_space<vmem>> -> memref<1x128x64xf32, #tpu.memory_space<vmem>>
    %dma_start3A_874 = tpu.memref_squeeze %dma_start3A_873 : memref<1x128x64xf32, #tpu.memory_space<vmem>> -> memref<128x64xf32, #tpu.memory_space<vmem>>
    %dma_start3A_875 = arith.constant 0 : i32
    %dma_start3A_876 = tpu.memref_slice %arg5[%dma_start3A_869, %dma_start3A_875] : memref<50x128xi32, #tpu.memory_space<vmem>> -> memref<1x128xi32, #tpu.memory_space<vmem>>
    %dma_start3A_877 = tpu.memref_squeeze %dma_start3A_876 : memref<1x128xi32, #tpu.memory_space<vmem>> -> memref<128xi32, #tpu.memory_space<vmem>>
    %dma_start3A_878 = arith.constant 0 : i32
    %dma_start3A_879 = arith.constant 0 : i32
    %dma_start3A_880 = tpu.memref_slice %arg3[%dma_start3A_878, %dma_start3A_879] : memref<1000000x64xf32, #tpu.memory_space<hbm>> -> memref<1000000x64xf32, #tpu.memory_space<hbm>>
    tpu.enqueue_indirect_dma source(%dma_start3A_880 : memref<1000000x64xf32, #tpu.memory_space<hbm>>) target(%dma_start3A_874 : memref<128x64xf32, #tpu.memory_space<vmem>>) offsets(%dma_start3A_877 : memref<128xi32, #tpu.memory_space<vmem>>) semaphore(%arg10 : memref<!tpu.dma_semaphore, #tpu.memory_space<semaphore_mem>>)
    %dma_wait3A_881 = arith.constant 16 : i32
    %dma_wait3A_882 = arith.constant 0 : i32
    %dma_wait3A_883 = arith.constant 0 : i32
    %dma_wait3A_884 = arith.constant 0 : i32
    %dma_wait3A_885 = tpu.memref_slice %arg6[%dma_wait3A_882, %dma_wait3A_883, %dma_wait3A_884] : memref<8x128x64xf32, #tpu.memory_space<vmem>> -> memref<1x128x64xf32, #tpu.memory_space<vmem>>
    %dma_wait3A_886 = tpu.memref_squeeze %dma_wait3A_885 : memref<1x128x64xf32, #tpu.memory_space<vmem>> -> memref<128x64xf32, #tpu.memory_space<vmem>>
    %dma_wait3A_887 = arith.constant 0 : i32
    %dma_wait3A_888 = tpu.memref_slice %arg5[%dma_wait3A_881, %dma_wait3A_887] : memref<50x128xi32, #tpu.memory_space<vmem>> -> memref<1x128xi32, #tpu.memory_space<vmem>>
    %dma_wait3A_889 = tpu.memref_squeeze %dma_wait3A_888 : memref<1x128xi32, #tpu.memory_space<vmem>> -> memref<128xi32, #tpu.memory_space<vmem>>
    %dma_wait3A_890 = arith.constant 0 : i32
    %dma_wait3A_891 = arith.constant 0 : i32
    %dma_wait3A_892 = tpu.memref_slice %arg3[%dma_wait3A_890, %dma_wait3A_891] : memref<1000000x64xf32, #tpu.memory_space<hbm>> -> memref<1000000x64xf32, #tpu.memory_space<hbm>>
    tpu.wait_indirect_dma semaphore(%arg7 : memref<!tpu.dma_semaphore, #tpu.memory_space<semaphore_mem>>) src(%dma_wait3A_892 : memref<1000000x64xf32, #tpu.memory_space<hbm>>) dst(%dma_wait3A_886 : memref<128x64xf32, #tpu.memory_space<vmem>>)
    %dma_start3A_893 = arith.constant 0 : i32
    %dma_start3A_894 = arith.constant 16 : i32
    %dma_start3A_895 = arith.constant 0 : i32
    %dma_start3A_896 = arith.constant 0 : i32
    %dma_start3A_897 = tpu.memref_slice %arg6[%dma_start3A_893, %dma_start3A_895, %dma_start3A_896] : memref<8x128x64xf32, #tpu.memory_space<vmem>> -> memref<1x128x64xf32, #tpu.memory_space<vmem>>
    %dma_start3A_898 = tpu.memref_squeeze %dma_start3A_897 : memref<1x128x64xf32, #tpu.memory_space<vmem>> -> memref<128x64xf32, #tpu.memory_space<vmem>>
    %dma_start3A_899 = arith.constant 0 : i32
    %dma_start3A_900 = tpu.memref_slice %arg4[%mul3A_2, %dma_start3A_894, %dma_start3A_899] : memref<4096x50x64xf32, #tpu.memory_space<hbm>> -> memref<128x1x64xf32, #tpu.memory_space<hbm>>
    %dma_start3A_901 = tpu.memref_squeeze %dma_start3A_900 : memref<128x1x64xf32, #tpu.memory_space<hbm>> -> memref<128x64xf32, #tpu.memory_space<hbm>>
    %dma_start3A_902 = arith.constant 0 : i32
    %dma_start3A_903 = tpu.memref_slice %arg4[%mul3A_2, %dma_start3A_894, %dma_start3A_902] : memref<4096x50x64xf32, #tpu.memory_space<hbm>> -> memref<128x1x64xf32, #tpu.memory_space<hbm>>
    %dma_start3A_904 = tpu.memref_squeeze %dma_start3A_903 : memref<128x1x64xf32, #tpu.memory_space<hbm>> -> memref<128x64xf32, #tpu.memory_space<hbm>>
    %dma_start3A_905 = arith.constant 0 : i32
    %dma_start3A_906 = arith.constant 0 : i32
    %dma_start3A_907 = tpu.memref_slice %arg6[%dma_start3A_893, %dma_start3A_905, %dma_start3A_906] : memref<8x128x64xf32, #tpu.memory_space<vmem>> -> memref<1x128x64xf32, #tpu.memory_space<vmem>>
    %dma_start3A_908 = tpu.memref_squeeze %dma_start3A_907 : memref<1x128x64xf32, #tpu.memory_space<vmem>> -> memref<128x64xf32, #tpu.memory_space<vmem>>
    tpu.enqueue_dma source(%dma_start3A_908 : memref<128x64xf32, #tpu.memory_space<vmem>>) target(%dma_start3A_904 : memref<128x64xf32, #tpu.memory_space<hbm>>) target_semaphore(%arg15 : memref<!tpu.dma_semaphore, #tpu.memory_space<semaphore_mem>>)
    %dma_wait3A_909 = arith.constant 4 : i32
    %dma_wait3A_910 = arith.constant 0 : i32
    %dma_wait3A_911 = arith.constant 0 : i32
    %dma_wait3A_912 = arith.constant 0 : i32
    %dma_wait3A_913 = tpu.memref_slice %arg6[%dma_wait3A_909, %dma_wait3A_911, %dma_wait3A_912] : memref<8x128x64xf32, #tpu.memory_space<vmem>> -> memref<1x128x64xf32, #tpu.memory_space<vmem>>
    %dma_wait3A_914 = tpu.memref_squeeze %dma_wait3A_913 : memref<1x128x64xf32, #tpu.memory_space<vmem>> -> memref<128x64xf32, #tpu.memory_space<vmem>>
    %dma_wait3A_915 = arith.constant 0 : i32
    %dma_wait3A_916 = tpu.memref_slice %arg4[%mul3A_2, %dma_wait3A_910, %dma_wait3A_915] : memref<4096x50x64xf32, #tpu.memory_space<hbm>> -> memref<128x1x64xf32, #tpu.memory_space<hbm>>
    %dma_wait3A_917 = tpu.memref_squeeze %dma_wait3A_916 : memref<128x1x64xf32, #tpu.memory_space<hbm>> -> memref<128x64xf32, #tpu.memory_space<hbm>>
    %dma_wait3A_918 = arith.constant 0 : i32
    %dma_wait3A_919 = tpu.memref_slice %arg4[%mul3A_2, %dma_wait3A_910, %dma_wait3A_918] : memref<4096x50x64xf32, #tpu.memory_space<hbm>> -> memref<128x1x64xf32, #tpu.memory_space<hbm>>
    %dma_wait3A_920 = tpu.memref_squeeze %dma_wait3A_919 : memref<128x1x64xf32, #tpu.memory_space<hbm>> -> memref<128x64xf32, #tpu.memory_space<hbm>>
    %dma_wait3A_921 = arith.constant 0 : i32
    %dma_wait3A_922 = arith.constant 0 : i32
    %dma_wait3A_923 = tpu.memref_slice %arg6[%dma_wait3A_909, %dma_wait3A_921, %dma_wait3A_922] : memref<8x128x64xf32, #tpu.memory_space<vmem>> -> memref<1x128x64xf32, #tpu.memory_space<vmem>>
    %dma_wait3A_924 = tpu.memref_squeeze %dma_wait3A_923 : memref<1x128x64xf32, #tpu.memory_space<vmem>> -> memref<128x64xf32, #tpu.memory_space<vmem>>
    tpu.wait_dma2 semaphore(%arg19 : memref<!tpu.dma_semaphore, #tpu.memory_space<semaphore_mem>>) src(%dma_wait3A_924 : memref<128x64xf32, #tpu.memory_space<vmem>>) dst(%dma_wait3A_920 : memref<128x64xf32, #tpu.memory_space<hbm>>)
    %dma_start3A_925 = arith.constant 20 : i32
    %dma_start3A_926 = arith.constant 4 : i32
    %dma_start3A_927 = arith.constant 0 : i32
    %dma_start3A_928 = arith.constant 0 : i32
    %dma_start3A_929 = tpu.memref_slice %arg6[%dma_start3A_926, %dma_start3A_927, %dma_start3A_928] : memref<8x128x64xf32, #tpu.memory_space<vmem>> -> memref<1x128x64xf32, #tpu.memory_space<vmem>>
    %dma_start3A_930 = tpu.memref_squeeze %dma_start3A_929 : memref<1x128x64xf32, #tpu.memory_space<vmem>> -> memref<128x64xf32, #tpu.memory_space<vmem>>
    %dma_start3A_931 = arith.constant 0 : i32
    %dma_start3A_932 = tpu.memref_slice %arg5[%dma_start3A_925, %dma_start3A_931] : memref<50x128xi32, #tpu.memory_space<vmem>> -> memref<1x128xi32, #tpu.memory_space<vmem>>
    %dma_start3A_933 = tpu.memref_squeeze %dma_start3A_932 : memref<1x128xi32, #tpu.memory_space<vmem>> -> memref<128xi32, #tpu.memory_space<vmem>>
    %dma_start3A_934 = arith.constant 0 : i32
    %dma_start3A_935 = arith.constant 0 : i32
    %dma_start3A_936 = tpu.memref_slice %arg3[%dma_start3A_934, %dma_start3A_935] : memref<1000000x64xf32, #tpu.memory_space<hbm>> -> memref<1000000x64xf32, #tpu.memory_space<hbm>>
    tpu.enqueue_indirect_dma source(%dma_start3A_936 : memref<1000000x64xf32, #tpu.memory_space<hbm>>) target(%dma_start3A_930 : memref<128x64xf32, #tpu.memory_space<vmem>>) offsets(%dma_start3A_933 : memref<128xi32, #tpu.memory_space<vmem>>) semaphore(%arg11 : memref<!tpu.dma_semaphore, #tpu.memory_space<semaphore_mem>>)
    %dma_wait3A_937 = arith.constant 17 : i32
    %dma_wait3A_938 = arith.constant 1 : i32
    %dma_wait3A_939 = arith.constant 0 : i32
    %dma_wait3A_940 = arith.constant 0 : i32
    %dma_wait3A_941 = tpu.memref_slice %arg6[%dma_wait3A_938, %dma_wait3A_939, %dma_wait3A_940] : memref<8x128x64xf32, #tpu.memory_space<vmem>> -> memref<1x128x64xf32, #tpu.memory_space<vmem>>
    %dma_wait3A_942 = tpu.memref_squeeze %dma_wait3A_941 : memref<1x128x64xf32, #tpu.memory_space<vmem>> -> memref<128x64xf32, #tpu.memory_space<vmem>>
    %dma_wait3A_943 = arith.constant 0 : i32
    %dma_wait3A_944 = tpu.memref_slice %arg5[%dma_wait3A_937, %dma_wait3A_943] : memref<50x128xi32, #tpu.memory_space<vmem>> -> memref<1x128xi32, #tpu.memory_space<vmem>>
    %dma_wait3A_945 = tpu.memref_squeeze %dma_wait3A_944 : memref<1x128xi32, #tpu.memory_space<vmem>> -> memref<128xi32, #tpu.memory_space<vmem>>
    %dma_wait3A_946 = arith.constant 0 : i32
    %dma_wait3A_947 = arith.constant 0 : i32
    %dma_wait3A_948 = tpu.memref_slice %arg3[%dma_wait3A_946, %dma_wait3A_947] : memref<1000000x64xf32, #tpu.memory_space<hbm>> -> memref<1000000x64xf32, #tpu.memory_space<hbm>>
    tpu.wait_indirect_dma semaphore(%arg8 : memref<!tpu.dma_semaphore, #tpu.memory_space<semaphore_mem>>) src(%dma_wait3A_948 : memref<1000000x64xf32, #tpu.memory_space<hbm>>) dst(%dma_wait3A_942 : memref<128x64xf32, #tpu.memory_space<vmem>>)
    %dma_start3A_949 = arith.constant 1 : i32
    %dma_start3A_950 = arith.constant 17 : i32
    %dma_start3A_951 = arith.constant 0 : i32
    %dma_start3A_952 = arith.constant 0 : i32
    %dma_start3A_953 = tpu.memref_slice %arg6[%dma_start3A_949, %dma_start3A_951, %dma_start3A_952] : memref<8x128x64xf32, #tpu.memory_space<vmem>> -> memref<1x128x64xf32, #tpu.memory_space<vmem>>
    %dma_start3A_954 = tpu.memref_squeeze %dma_start3A_953 : memref<1x128x64xf32, #tpu.memory_space<vmem>> -> memref<128x64xf32, #tpu.memory_space<vmem>>
    %dma_start3A_955 = arith.constant 0 : i32
    %dma_start3A_956 = tpu.memref_slice %arg4[%mul3A_2, %dma_start3A_950, %dma_start3A_955] : memref<4096x50x64xf32, #tpu.memory_space<hbm>> -> memref<128x1x64xf32, #tpu.memory_space<hbm>>
    %dma_start3A_957 = tpu.memref_squeeze %dma_start3A_956 : memref<128x1x64xf32, #tpu.memory_space<hbm>> -> memref<128x64xf32, #tpu.memory_space<hbm>>
    %dma_start3A_958 = arith.constant 0 : i32
    %dma_start3A_959 = tpu.memref_slice %arg4[%mul3A_2, %dma_start3A_950, %dma_start3A_958] : memref<4096x50x64xf32, #tpu.memory_space<hbm>> -> memref<128x1x64xf32, #tpu.memory_space<hbm>>
    %dma_start3A_960 = tpu.memref_squeeze %dma_start3A_959 : memref<128x1x64xf32, #tpu.memory_space<hbm>> -> memref<128x64xf32, #tpu.memory_space<hbm>>
    %dma_start3A_961 = arith.constant 0 : i32
    %dma_start3A_962 = arith.constant 0 : i32
    %dma_start3A_963 = tpu.memref_slice %arg6[%dma_start3A_949, %dma_start3A_961, %dma_start3A_962] : memref<8x128x64xf32, #tpu.memory_space<vmem>> -> memref<1x128x64xf32, #tpu.memory_space<vmem>>
    %dma_start3A_964 = tpu.memref_squeeze %dma_start3A_963 : memref<1x128x64xf32, #tpu.memory_space<vmem>> -> memref<128x64xf32, #tpu.memory_space<vmem>>
    tpu.enqueue_dma source(%dma_start3A_964 : memref<128x64xf32, #tpu.memory_space<vmem>>) target(%dma_start3A_960 : memref<128x64xf32, #tpu.memory_space<hbm>>) target_semaphore(%arg16 : memref<!tpu.dma_semaphore, #tpu.memory_space<semaphore_mem>>)
    %dma_wait3A_965 = arith.constant 5 : i32
    %dma_wait3A_966 = arith.constant 0 : i32
    %dma_wait3A_967 = arith.constant 0 : i32
    %dma_wait3A_968 = arith.constant 0 : i32
    %dma_wait3A_969 = tpu.memref_slice %arg6[%dma_wait3A_965, %dma_wait3A_967, %dma_wait3A_968] : memref<8x128x64xf32, #tpu.memory_space<vmem>> -> memref<1x128x64xf32, #tpu.memory_space<vmem>>
    %dma_wait3A_970 = tpu.memref_squeeze %dma_wait3A_969 : memref<1x128x64xf32, #tpu.memory_space<vmem>> -> memref<128x64xf32, #tpu.memory_space<vmem>>
    %dma_wait3A_971 = arith.constant 0 : i32
    %dma_wait3A_972 = tpu.memref_slice %arg4[%mul3A_2, %dma_wait3A_966, %dma_wait3A_971] : memref<4096x50x64xf32, #tpu.memory_space<hbm>> -> memref<128x1x64xf32, #tpu.memory_space<hbm>>
    %dma_wait3A_973 = tpu.memref_squeeze %dma_wait3A_972 : memref<128x1x64xf32, #tpu.memory_space<hbm>> -> memref<128x64xf32, #tpu.memory_space<hbm>>
    %dma_wait3A_974 = arith.constant 0 : i32
    %dma_wait3A_975 = tpu.memref_slice %arg4[%mul3A_2, %dma_wait3A_966, %dma_wait3A_974] : memref<4096x50x64xf32, #tpu.memory_space<hbm>> -> memref<128x1x64xf32, #tpu.memory_space<hbm>>
    %dma_wait3A_976 = tpu.memref_squeeze %dma_wait3A_975 : memref<128x1x64xf32, #tpu.memory_space<hbm>> -> memref<128x64xf32, #tpu.memory_space<hbm>>
    %dma_wait3A_977 = arith.constant 0 : i32
    %dma_wait3A_978 = arith.constant 0 : i32
    %dma_wait3A_979 = tpu.memref_slice %arg6[%dma_wait3A_965, %dma_wait3A_977, %dma_wait3A_978] : memref<8x128x64xf32, #tpu.memory_space<vmem>> -> memref<1x128x64xf32, #tpu.memory_space<vmem>>
    %dma_wait3A_980 = tpu.memref_squeeze %dma_wait3A_979 : memref<1x128x64xf32, #tpu.memory_space<vmem>> -> memref<128x64xf32, #tpu.memory_space<vmem>>
    tpu.wait_dma2 semaphore(%arg20 : memref<!tpu.dma_semaphore, #tpu.memory_space<semaphore_mem>>) src(%dma_wait3A_980 : memref<128x64xf32, #tpu.memory_space<vmem>>) dst(%dma_wait3A_976 : memref<128x64xf32, #tpu.memory_space<hbm>>)
    %dma_start3A_981 = arith.constant 21 : i32
    %dma_start3A_982 = arith.constant 5 : i32
    %dma_start3A_983 = arith.constant 0 : i32
    %dma_start3A_984 = arith.constant 0 : i32
    %dma_start3A_985 = tpu.memref_slice %arg6[%dma_start3A_982, %dma_start3A_983, %dma_start3A_984] : memref<8x128x64xf32, #tpu.memory_space<vmem>> -> memref<1x128x64xf32, #tpu.memory_space<vmem>>
    %dma_start3A_986 = tpu.memref_squeeze %dma_start3A_985 : memref<1x128x64xf32, #tpu.memory_space<vmem>> -> memref<128x64xf32, #tpu.memory_space<vmem>>
    %dma_start3A_987 = arith.constant 0 : i32
    %dma_start3A_988 = tpu.memref_slice %arg5[%dma_start3A_981, %dma_start3A_987] : memref<50x128xi32, #tpu.memory_space<vmem>> -> memref<1x128xi32, #tpu.memory_space<vmem>>
    %dma_start3A_989 = tpu.memref_squeeze %dma_start3A_988 : memref<1x128xi32, #tpu.memory_space<vmem>> -> memref<128xi32, #tpu.memory_space<vmem>>
    %dma_start3A_990 = arith.constant 0 : i32
    %dma_start3A_991 = arith.constant 0 : i32
    %dma_start3A_992 = tpu.memref_slice %arg3[%dma_start3A_990, %dma_start3A_991] : memref<1000000x64xf32, #tpu.memory_space<hbm>> -> memref<1000000x64xf32, #tpu.memory_space<hbm>>
    tpu.enqueue_indirect_dma source(%dma_start3A_992 : memref<1000000x64xf32, #tpu.memory_space<hbm>>) target(%dma_start3A_986 : memref<128x64xf32, #tpu.memory_space<vmem>>) offsets(%dma_start3A_989 : memref<128xi32, #tpu.memory_space<vmem>>) semaphore(%arg12 : memref<!tpu.dma_semaphore, #tpu.memory_space<semaphore_mem>>)
    %dma_wait3A_993 = arith.constant 18 : i32
    %dma_wait3A_994 = arith.constant 2 : i32
    %dma_wait3A_995 = arith.constant 0 : i32
    %dma_wait3A_996 = arith.constant 0 : i32
    %dma_wait3A_997 = tpu.memref_slice %arg6[%dma_wait3A_994, %dma_wait3A_995, %dma_wait3A_996] : memref<8x128x64xf32, #tpu.memory_space<vmem>> -> memref<1x128x64xf32, #tpu.memory_space<vmem>>
    %dma_wait3A_998 = tpu.memref_squeeze %dma_wait3A_997 : memref<1x128x64xf32, #tpu.memory_space<vmem>> -> memref<128x64xf32, #tpu.memory_space<vmem>>
    %dma_wait3A_999 = arith.constant 0 : i32
    %dma_wait3A_1000 = tpu.memref_slice %arg5[%dma_wait3A_993, %dma_wait3A_999] : memref<50x128xi32, #tpu.memory_space<vmem>> -> memref<1x128xi32, #tpu.memory_space<vmem>>
    %dma_wait3A_1001 = tpu.memref_squeeze %dma_wait3A_1000 : memref<1x128xi32, #tpu.memory_space<vmem>> -> memref<128xi32, #tpu.memory_space<vmem>>
    %dma_wait3A_1002 = arith.constant 0 : i32
    %dma_wait3A_1003 = arith.constant 0 : i32
    %dma_wait3A_1004 = tpu.memref_slice %arg3[%dma_wait3A_1002, %dma_wait3A_1003] : memref<1000000x64xf32, #tpu.memory_space<hbm>> -> memref<1000000x64xf32, #tpu.memory_space<hbm>>
    tpu.wait_indirect_dma semaphore(%arg9 : memref<!tpu.dma_semaphore, #tpu.memory_space<semaphore_mem>>) src(%dma_wait3A_1004 : memref<1000000x64xf32, #tpu.memory_space<hbm>>) dst(%dma_wait3A_998 : memref<128x64xf32, #tpu.memory_space<vmem>>)
    %dma_start3A_1005 = arith.constant 2 : i32
    %dma_start3A_1006 = arith.constant 18 : i32
    %dma_start3A_1007 = arith.constant 0 : i32
    %dma_start3A_1008 = arith.constant 0 : i32
    %dma_start3A_1009 = tpu.memref_slice %arg6[%dma_start3A_1005, %dma_start3A_1007, %dma_start3A_1008] : memref<8x128x64xf32, #tpu.memory_space<vmem>> -> memref<1x128x64xf32, #tpu.memory_space<vmem>>
    %dma_start3A_1010 = tpu.memref_squeeze %dma_start3A_1009 : memref<1x128x64xf32, #tpu.memory_space<vmem>> -> memref<128x64xf32, #tpu.memory_space<vmem>>
    %dma_start3A_1011 = arith.constant 0 : i32
    %dma_start3A_1012 = tpu.memref_slice %arg4[%mul3A_2, %dma_start3A_1006, %dma_start3A_1011] : memref<4096x50x64xf32, #tpu.memory_space<hbm>> -> memref<128x1x64xf32, #tpu.memory_space<hbm>>
    %dma_start3A_1013 = tpu.memref_squeeze %dma_start3A_1012 : memref<128x1x64xf32, #tpu.memory_space<hbm>> -> memref<128x64xf32, #tpu.memory_space<hbm>>
    %dma_start3A_1014 = arith.constant 0 : i32
    %dma_start3A_1015 = tpu.memref_slice %arg4[%mul3A_2, %dma_start3A_1006, %dma_start3A_1014] : memref<4096x50x64xf32, #tpu.memory_space<hbm>> -> memref<128x1x64xf32, #tpu.memory_space<hbm>>
    %dma_start3A_1016 = tpu.memref_squeeze %dma_start3A_1015 : memref<128x1x64xf32, #tpu.memory_space<hbm>> -> memref<128x64xf32, #tpu.memory_space<hbm>>
    %dma_start3A_1017 = arith.constant 0 : i32
    %dma_start3A_1018 = arith.constant 0 : i32
    %dma_start3A_1019 = tpu.memref_slice %arg6[%dma_start3A_1005, %dma_start3A_1017, %dma_start3A_1018] : memref<8x128x64xf32, #tpu.memory_space<vmem>> -> memref<1x128x64xf32, #tpu.memory_space<vmem>>
    %dma_start3A_1020 = tpu.memref_squeeze %dma_start3A_1019 : memref<1x128x64xf32, #tpu.memory_space<vmem>> -> memref<128x64xf32, #tpu.memory_space<vmem>>
    tpu.enqueue_dma source(%dma_start3A_1020 : memref<128x64xf32, #tpu.memory_space<vmem>>) target(%dma_start3A_1016 : memref<128x64xf32, #tpu.memory_space<hbm>>) target_semaphore(%arg17 : memref<!tpu.dma_semaphore, #tpu.memory_space<semaphore_mem>>)
    %dma_wait3A_1021 = arith.constant 6 : i32
    %dma_wait3A_1022 = arith.constant 0 : i32
    %dma_wait3A_1023 = arith.constant 0 : i32
    %dma_wait3A_1024 = arith.constant 0 : i32
    %dma_wait3A_1025 = tpu.memref_slice %arg6[%dma_wait3A_1021, %dma_wait3A_1023, %dma_wait3A_1024] : memref<8x128x64xf32, #tpu.memory_space<vmem>> -> memref<1x128x64xf32, #tpu.memory_space<vmem>>
    %dma_wait3A_1026 = tpu.memref_squeeze %dma_wait3A_1025 : memref<1x128x64xf32, #tpu.memory_space<vmem>> -> memref<128x64xf32, #tpu.memory_space<vmem>>
    %dma_wait3A_1027 = arith.constant 0 : i32
    %dma_wait3A_1028 = tpu.memref_slice %arg4[%mul3A_2, %dma_wait3A_1022, %dma_wait3A_1027] : memref<4096x50x64xf32, #tpu.memory_space<hbm>> -> memref<128x1x64xf32, #tpu.memory_space<hbm>>
    %dma_wait3A_1029 = tpu.memref_squeeze %dma_wait3A_1028 : memref<128x1x64xf32, #tpu.memory_space<hbm>> -> memref<128x64xf32, #tpu.memory_space<hbm>>
    %dma_wait3A_1030 = arith.constant 0 : i32
    %dma_wait3A_1031 = tpu.memref_slice %arg4[%mul3A_2, %dma_wait3A_1022, %dma_wait3A_1030] : memref<4096x50x64xf32, #tpu.memory_space<hbm>> -> memref<128x1x64xf32, #tpu.memory_space<hbm>>
    %dma_wait3A_1032 = tpu.memref_squeeze %dma_wait3A_1031 : memref<128x1x64xf32, #tpu.memory_space<hbm>> -> memref<128x64xf32, #tpu.memory_space<hbm>>
    %dma_wait3A_1033 = arith.constant 0 : i32
    %dma_wait3A_1034 = arith.constant 0 : i32
    %dma_wait3A_1035 = tpu.memref_slice %arg6[%dma_wait3A_1021, %dma_wait3A_1033, %dma_wait3A_1034] : memref<8x128x64xf32, #tpu.memory_space<vmem>> -> memref<1x128x64xf32, #tpu.memory_space<vmem>>
    %dma_wait3A_1036 = tpu.memref_squeeze %dma_wait3A_1035 : memref<1x128x64xf32, #tpu.memory_space<vmem>> -> memref<128x64xf32, #tpu.memory_space<vmem>>
    tpu.wait_dma2 semaphore(%arg21 : memref<!tpu.dma_semaphore, #tpu.memory_space<semaphore_mem>>) src(%dma_wait3A_1036 : memref<128x64xf32, #tpu.memory_space<vmem>>) dst(%dma_wait3A_1032 : memref<128x64xf32, #tpu.memory_space<hbm>>)
    %dma_start3A_1037 = arith.constant 22 : i32
    %dma_start3A_1038 = arith.constant 6 : i32
    %dma_start3A_1039 = arith.constant 0 : i32
    %dma_start3A_1040 = arith.constant 0 : i32
    %dma_start3A_1041 = tpu.memref_slice %arg6[%dma_start3A_1038, %dma_start3A_1039, %dma_start3A_1040] : memref<8x128x64xf32, #tpu.memory_space<vmem>> -> memref<1x128x64xf32, #tpu.memory_space<vmem>>
    %dma_start3A_1042 = tpu.memref_squeeze %dma_start3A_1041 : memref<1x128x64xf32, #tpu.memory_space<vmem>> -> memref<128x64xf32, #tpu.memory_space<vmem>>
    %dma_start3A_1043 = arith.constant 0 : i32
    %dma_start3A_1044 = tpu.memref_slice %arg5[%dma_start3A_1037, %dma_start3A_1043] : memref<50x128xi32, #tpu.memory_space<vmem>> -> memref<1x128xi32, #tpu.memory_space<vmem>>
    %dma_start3A_1045 = tpu.memref_squeeze %dma_start3A_1044 : memref<1x128xi32, #tpu.memory_space<vmem>> -> memref<128xi32, #tpu.memory_space<vmem>>
    %dma_start3A_1046 = arith.constant 0 : i32
    %dma_start3A_1047 = arith.constant 0 : i32
    %dma_start3A_1048 = tpu.memref_slice %arg3[%dma_start3A_1046, %dma_start3A_1047] : memref<1000000x64xf32, #tpu.memory_space<hbm>> -> memref<1000000x64xf32, #tpu.memory_space<hbm>>
    tpu.enqueue_indirect_dma source(%dma_start3A_1048 : memref<1000000x64xf32, #tpu.memory_space<hbm>>) target(%dma_start3A_1042 : memref<128x64xf32, #tpu.memory_space<vmem>>) offsets(%dma_start3A_1045 : memref<128xi32, #tpu.memory_space<vmem>>) semaphore(%arg13 : memref<!tpu.dma_semaphore, #tpu.memory_space<semaphore_mem>>)
    %dma_wait3A_1049 = arith.constant 19 : i32
    %dma_wait3A_1050 = arith.constant 3 : i32
    %dma_wait3A_1051 = arith.constant 0 : i32
    %dma_wait3A_1052 = arith.constant 0 : i32
    %dma_wait3A_1053 = tpu.memref_slice %arg6[%dma_wait3A_1050, %dma_wait3A_1051, %dma_wait3A_1052] : memref<8x128x64xf32, #tpu.memory_space<vmem>> -> memref<1x128x64xf32, #tpu.memory_space<vmem>>
    %dma_wait3A_1054 = tpu.memref_squeeze %dma_wait3A_1053 : memref<1x128x64xf32, #tpu.memory_space<vmem>> -> memref<128x64xf32, #tpu.memory_space<vmem>>
    %dma_wait3A_1055 = arith.constant 0 : i32
    %dma_wait3A_1056 = tpu.memref_slice %arg5[%dma_wait3A_1049, %dma_wait3A_1055] : memref<50x128xi32, #tpu.memory_space<vmem>> -> memref<1x128xi32, #tpu.memory_space<vmem>>
    %dma_wait3A_1057 = tpu.memref_squeeze %dma_wait3A_1056 : memref<1x128xi32, #tpu.memory_space<vmem>> -> memref<128xi32, #tpu.memory_space<vmem>>
    %dma_wait3A_1058 = arith.constant 0 : i32
    %dma_wait3A_1059 = arith.constant 0 : i32
    %dma_wait3A_1060 = tpu.memref_slice %arg3[%dma_wait3A_1058, %dma_wait3A_1059] : memref<1000000x64xf32, #tpu.memory_space<hbm>> -> memref<1000000x64xf32, #tpu.memory_space<hbm>>
    tpu.wait_indirect_dma semaphore(%arg10 : memref<!tpu.dma_semaphore, #tpu.memory_space<semaphore_mem>>) src(%dma_wait3A_1060 : memref<1000000x64xf32, #tpu.memory_space<hbm>>) dst(%dma_wait3A_1054 : memref<128x64xf32, #tpu.memory_space<vmem>>)
    %dma_start3A_1061 = arith.constant 3 : i32
    %dma_start3A_1062 = arith.constant 19 : i32
    %dma_start3A_1063 = arith.constant 0 : i32
    %dma_start3A_1064 = arith.constant 0 : i32
    %dma_start3A_1065 = tpu.memref_slice %arg6[%dma_start3A_1061, %dma_start3A_1063, %dma_start3A_1064] : memref<8x128x64xf32, #tpu.memory_space<vmem>> -> memref<1x128x64xf32, #tpu.memory_space<vmem>>
    %dma_start3A_1066 = tpu.memref_squeeze %dma_start3A_1065 : memref<1x128x64xf32, #tpu.memory_space<vmem>> -> memref<128x64xf32, #tpu.memory_space<vmem>>
    %dma_start3A_1067 = arith.constant 0 : i32
    %dma_start3A_1068 = tpu.memref_slice %arg4[%mul3A_2, %dma_start3A_1062, %dma_start3A_1067] : memref<4096x50x64xf32, #tpu.memory_space<hbm>> -> memref<128x1x64xf32, #tpu.memory_space<hbm>>
    %dma_start3A_1069 = tpu.memref_squeeze %dma_start3A_1068 : memref<128x1x64xf32, #tpu.memory_space<hbm>> -> memref<128x64xf32, #tpu.memory_space<hbm>>
    %dma_start3A_1070 = arith.constant 0 : i32
    %dma_start3A_1071 = tpu.memref_slice %arg4[%mul3A_2, %dma_start3A_1062, %dma_start3A_1070] : memref<4096x50x64xf32, #tpu.memory_space<hbm>> -> memref<128x1x64xf32, #tpu.memory_space<hbm>>
    %dma_start3A_1072 = tpu.memref_squeeze %dma_start3A_1071 : memref<128x1x64xf32, #tpu.memory_space<hbm>> -> memref<128x64xf32, #tpu.memory_space<hbm>>
    %dma_start3A_1073 = arith.constant 0 : i32
    %dma_start3A_1074 = arith.constant 0 : i32
    %dma_start3A_1075 = tpu.memref_slice %arg6[%dma_start3A_1061, %dma_start3A_1073, %dma_start3A_1074] : memref<8x128x64xf32, #tpu.memory_space<vmem>> -> memref<1x128x64xf32, #tpu.memory_space<vmem>>
    %dma_start3A_1076 = tpu.memref_squeeze %dma_start3A_1075 : memref<1x128x64xf32, #tpu.memory_space<vmem>> -> memref<128x64xf32, #tpu.memory_space<vmem>>
    tpu.enqueue_dma source(%dma_start3A_1076 : memref<128x64xf32, #tpu.memory_space<vmem>>) target(%dma_start3A_1072 : memref<128x64xf32, #tpu.memory_space<hbm>>) target_semaphore(%arg18 : memref<!tpu.dma_semaphore, #tpu.memory_space<semaphore_mem>>)
    %dma_wait3A_1077 = arith.constant 7 : i32
    %dma_wait3A_1078 = arith.constant 0 : i32
    %dma_wait3A_1079 = arith.constant 0 : i32
    %dma_wait3A_1080 = arith.constant 0 : i32
    %dma_wait3A_1081 = tpu.memref_slice %arg6[%dma_wait3A_1077, %dma_wait3A_1079, %dma_wait3A_1080] : memref<8x128x64xf32, #tpu.memory_space<vmem>> -> memref<1x128x64xf32, #tpu.memory_space<vmem>>
    %dma_wait3A_1082 = tpu.memref_squeeze %dma_wait3A_1081 : memref<1x128x64xf32, #tpu.memory_space<vmem>> -> memref<128x64xf32, #tpu.memory_space<vmem>>
    %dma_wait3A_1083 = arith.constant 0 : i32
    %dma_wait3A_1084 = tpu.memref_slice %arg4[%mul3A_2, %dma_wait3A_1078, %dma_wait3A_1083] : memref<4096x50x64xf32, #tpu.memory_space<hbm>> -> memref<128x1x64xf32, #tpu.memory_space<hbm>>
    %dma_wait3A_1085 = tpu.memref_squeeze %dma_wait3A_1084 : memref<128x1x64xf32, #tpu.memory_space<hbm>> -> memref<128x64xf32, #tpu.memory_space<hbm>>
    %dma_wait3A_1086 = arith.constant 0 : i32
    %dma_wait3A_1087 = tpu.memref_slice %arg4[%mul3A_2, %dma_wait3A_1078, %dma_wait3A_1086] : memref<4096x50x64xf32, #tpu.memory_space<hbm>> -> memref<128x1x64xf32, #tpu.memory_space<hbm>>
    %dma_wait3A_1088 = tpu.memref_squeeze %dma_wait3A_1087 : memref<128x1x64xf32, #tpu.memory_space<hbm>> -> memref<128x64xf32, #tpu.memory_space<hbm>>
    %dma_wait3A_1089 = arith.constant 0 : i32
    %dma_wait3A_1090 = arith.constant 0 : i32
    %dma_wait3A_1091 = tpu.memref_slice %arg6[%dma_wait3A_1077, %dma_wait3A_1089, %dma_wait3A_1090] : memref<8x128x64xf32, #tpu.memory_space<vmem>> -> memref<1x128x64xf32, #tpu.memory_space<vmem>>
    %dma_wait3A_1092 = tpu.memref_squeeze %dma_wait3A_1091 : memref<1x128x64xf32, #tpu.memory_space<vmem>> -> memref<128x64xf32, #tpu.memory_space<vmem>>
    tpu.wait_dma2 semaphore(%arg22 : memref<!tpu.dma_semaphore, #tpu.memory_space<semaphore_mem>>) src(%dma_wait3A_1092 : memref<128x64xf32, #tpu.memory_space<vmem>>) dst(%dma_wait3A_1088 : memref<128x64xf32, #tpu.memory_space<hbm>>)
    %dma_start3A_1093 = arith.constant 23 : i32
    %dma_start3A_1094 = arith.constant 7 : i32
    %dma_start3A_1095 = arith.constant 0 : i32
    %dma_start3A_1096 = arith.constant 0 : i32
    %dma_start3A_1097 = tpu.memref_slice %arg6[%dma_start3A_1094, %dma_start3A_1095, %dma_start3A_1096] : memref<8x128x64xf32, #tpu.memory_space<vmem>> -> memref<1x128x64xf32, #tpu.memory_space<vmem>>
    %dma_start3A_1098 = tpu.memref_squeeze %dma_start3A_1097 : memref<1x128x64xf32, #tpu.memory_space<vmem>> -> memref<128x64xf32, #tpu.memory_space<vmem>>
    %dma_start3A_1099 = arith.constant 0 : i32
    %dma_start3A_1100 = tpu.memref_slice %arg5[%dma_start3A_1093, %dma_start3A_1099] : memref<50x128xi32, #tpu.memory_space<vmem>> -> memref<1x128xi32, #tpu.memory_space<vmem>>
    %dma_start3A_1101 = tpu.memref_squeeze %dma_start3A_1100 : memref<1x128xi32, #tpu.memory_space<vmem>> -> memref<128xi32, #tpu.memory_space<vmem>>
    %dma_start3A_1102 = arith.constant 0 : i32
    %dma_start3A_1103 = arith.constant 0 : i32
    %dma_start3A_1104 = tpu.memref_slice %arg3[%dma_start3A_1102, %dma_start3A_1103] : memref<1000000x64xf32, #tpu.memory_space<hbm>> -> memref<1000000x64xf32, #tpu.memory_space<hbm>>
    tpu.enqueue_indirect_dma source(%dma_start3A_1104 : memref<1000000x64xf32, #tpu.memory_space<hbm>>) target(%dma_start3A_1098 : memref<128x64xf32, #tpu.memory_space<vmem>>) offsets(%dma_start3A_1101 : memref<128xi32, #tpu.memory_space<vmem>>) semaphore(%arg14 : memref<!tpu.dma_semaphore, #tpu.memory_space<semaphore_mem>>)
    %dma_wait3A_1105 = arith.constant 20 : i32
    %dma_wait3A_1106 = arith.constant 4 : i32
    %dma_wait3A_1107 = arith.constant 0 : i32
    %dma_wait3A_1108 = arith.constant 0 : i32
    %dma_wait3A_1109 = tpu.memref_slice %arg6[%dma_wait3A_1106, %dma_wait3A_1107, %dma_wait3A_1108] : memref<8x128x64xf32, #tpu.memory_space<vmem>> -> memref<1x128x64xf32, #tpu.memory_space<vmem>>
    %dma_wait3A_1110 = tpu.memref_squeeze %dma_wait3A_1109 : memref<1x128x64xf32, #tpu.memory_space<vmem>> -> memref<128x64xf32, #tpu.memory_space<vmem>>
    %dma_wait3A_1111 = arith.constant 0 : i32
    %dma_wait3A_1112 = tpu.memref_slice %arg5[%dma_wait3A_1105, %dma_wait3A_1111] : memref<50x128xi32, #tpu.memory_space<vmem>> -> memref<1x128xi32, #tpu.memory_space<vmem>>
    %dma_wait3A_1113 = tpu.memref_squeeze %dma_wait3A_1112 : memref<1x128xi32, #tpu.memory_space<vmem>> -> memref<128xi32, #tpu.memory_space<vmem>>
    %dma_wait3A_1114 = arith.constant 0 : i32
    %dma_wait3A_1115 = arith.constant 0 : i32
    %dma_wait3A_1116 = tpu.memref_slice %arg3[%dma_wait3A_1114, %dma_wait3A_1115] : memref<1000000x64xf32, #tpu.memory_space<hbm>> -> memref<1000000x64xf32, #tpu.memory_space<hbm>>
    tpu.wait_indirect_dma semaphore(%arg11 : memref<!tpu.dma_semaphore, #tpu.memory_space<semaphore_mem>>) src(%dma_wait3A_1116 : memref<1000000x64xf32, #tpu.memory_space<hbm>>) dst(%dma_wait3A_1110 : memref<128x64xf32, #tpu.memory_space<vmem>>)
    %dma_start3A_1117 = arith.constant 4 : i32
    %dma_start3A_1118 = arith.constant 20 : i32
    %dma_start3A_1119 = arith.constant 0 : i32
    %dma_start3A_1120 = arith.constant 0 : i32
    %dma_start3A_1121 = tpu.memref_slice %arg6[%dma_start3A_1117, %dma_start3A_1119, %dma_start3A_1120] : memref<8x128x64xf32, #tpu.memory_space<vmem>> -> memref<1x128x64xf32, #tpu.memory_space<vmem>>
    %dma_start3A_1122 = tpu.memref_squeeze %dma_start3A_1121 : memref<1x128x64xf32, #tpu.memory_space<vmem>> -> memref<128x64xf32, #tpu.memory_space<vmem>>
    %dma_start3A_1123 = arith.constant 0 : i32
    %dma_start3A_1124 = tpu.memref_slice %arg4[%mul3A_2, %dma_start3A_1118, %dma_start3A_1123] : memref<4096x50x64xf32, #tpu.memory_space<hbm>> -> memref<128x1x64xf32, #tpu.memory_space<hbm>>
    %dma_start3A_1125 = tpu.memref_squeeze %dma_start3A_1124 : memref<128x1x64xf32, #tpu.memory_space<hbm>> -> memref<128x64xf32, #tpu.memory_space<hbm>>
    %dma_start3A_1126 = arith.constant 0 : i32
    %dma_start3A_1127 = tpu.memref_slice %arg4[%mul3A_2, %dma_start3A_1118, %dma_start3A_1126] : memref<4096x50x64xf32, #tpu.memory_space<hbm>> -> memref<128x1x64xf32, #tpu.memory_space<hbm>>
    %dma_start3A_1128 = tpu.memref_squeeze %dma_start3A_1127 : memref<128x1x64xf32, #tpu.memory_space<hbm>> -> memref<128x64xf32, #tpu.memory_space<hbm>>
    %dma_start3A_1129 = arith.constant 0 : i32
    %dma_start3A_1130 = arith.constant 0 : i32
    %dma_start3A_1131 = tpu.memref_slice %arg6[%dma_start3A_1117, %dma_start3A_1129, %dma_start3A_1130] : memref<8x128x64xf32, #tpu.memory_space<vmem>> -> memref<1x128x64xf32, #tpu.memory_space<vmem>>
    %dma_start3A_1132 = tpu.memref_squeeze %dma_start3A_1131 : memref<1x128x64xf32, #tpu.memory_space<vmem>> -> memref<128x64xf32, #tpu.memory_space<vmem>>
    tpu.enqueue_dma source(%dma_start3A_1132 : memref<128x64xf32, #tpu.memory_space<vmem>>) target(%dma_start3A_1128 : memref<128x64xf32, #tpu.memory_space<hbm>>) target_semaphore(%arg19 : memref<!tpu.dma_semaphore, #tpu.memory_space<semaphore_mem>>)
    %dma_wait3A_1133 = arith.constant 0 : i32
    %dma_wait3A_1134 = arith.constant 0 : i32
    %dma_wait3A_1135 = arith.constant 0 : i32
    %dma_wait3A_1136 = arith.constant 0 : i32
    %dma_wait3A_1137 = tpu.memref_slice %arg6[%dma_wait3A_1133, %dma_wait3A_1135, %dma_wait3A_1136] : memref<8x128x64xf32, #tpu.memory_space<vmem>> -> memref<1x128x64xf32, #tpu.memory_space<vmem>>
    %dma_wait3A_1138 = tpu.memref_squeeze %dma_wait3A_1137 : memref<1x128x64xf32, #tpu.memory_space<vmem>> -> memref<128x64xf32, #tpu.memory_space<vmem>>
    %dma_wait3A_1139 = arith.constant 0 : i32
    %dma_wait3A_1140 = tpu.memref_slice %arg4[%mul3A_2, %dma_wait3A_1134, %dma_wait3A_1139] : memref<4096x50x64xf32, #tpu.memory_space<hbm>> -> memref<128x1x64xf32, #tpu.memory_space<hbm>>
    %dma_wait3A_1141 = tpu.memref_squeeze %dma_wait3A_1140 : memref<128x1x64xf32, #tpu.memory_space<hbm>> -> memref<128x64xf32, #tpu.memory_space<hbm>>
    %dma_wait3A_1142 = arith.constant 0 : i32
    %dma_wait3A_1143 = tpu.memref_slice %arg4[%mul3A_2, %dma_wait3A_1134, %dma_wait3A_1142] : memref<4096x50x64xf32, #tpu.memory_space<hbm>> -> memref<128x1x64xf32, #tpu.memory_space<hbm>>
    %dma_wait3A_1144 = tpu.memref_squeeze %dma_wait3A_1143 : memref<128x1x64xf32, #tpu.memory_space<hbm>> -> memref<128x64xf32, #tpu.memory_space<hbm>>
    %dma_wait3A_1145 = arith.constant 0 : i32
    %dma_wait3A_1146 = arith.constant 0 : i32
    %dma_wait3A_1147 = tpu.memref_slice %arg6[%dma_wait3A_1133, %dma_wait3A_1145, %dma_wait3A_1146] : memref<8x128x64xf32, #tpu.memory_space<vmem>> -> memref<1x128x64xf32, #tpu.memory_space<vmem>>
    %dma_wait3A_1148 = tpu.memref_squeeze %dma_wait3A_1147 : memref<1x128x64xf32, #tpu.memory_space<vmem>> -> memref<128x64xf32, #tpu.memory_space<vmem>>
    tpu.wait_dma2 semaphore(%arg15 : memref<!tpu.dma_semaphore, #tpu.memory_space<semaphore_mem>>) src(%dma_wait3A_1148 : memref<128x64xf32, #tpu.memory_space<vmem>>) dst(%dma_wait3A_1144 : memref<128x64xf32, #tpu.memory_space<hbm>>)
    %dma_start3A_1149 = arith.constant 24 : i32
    %dma_start3A_1150 = arith.constant 0 : i32
    %dma_start3A_1151 = arith.constant 0 : i32
    %dma_start3A_1152 = arith.constant 0 : i32
    %dma_start3A_1153 = tpu.memref_slice %arg6[%dma_start3A_1150, %dma_start3A_1151, %dma_start3A_1152] : memref<8x128x64xf32, #tpu.memory_space<vmem>> -> memref<1x128x64xf32, #tpu.memory_space<vmem>>
    %dma_start3A_1154 = tpu.memref_squeeze %dma_start3A_1153 : memref<1x128x64xf32, #tpu.memory_space<vmem>> -> memref<128x64xf32, #tpu.memory_space<vmem>>
    %dma_start3A_1155 = arith.constant 0 : i32
    %dma_start3A_1156 = tpu.memref_slice %arg5[%dma_start3A_1149, %dma_start3A_1155] : memref<50x128xi32, #tpu.memory_space<vmem>> -> memref<1x128xi32, #tpu.memory_space<vmem>>
    %dma_start3A_1157 = tpu.memref_squeeze %dma_start3A_1156 : memref<1x128xi32, #tpu.memory_space<vmem>> -> memref<128xi32, #tpu.memory_space<vmem>>
    %dma_start3A_1158 = arith.constant 0 : i32
    %dma_start3A_1159 = arith.constant 0 : i32
    %dma_start3A_1160 = tpu.memref_slice %arg3[%dma_start3A_1158, %dma_start3A_1159] : memref<1000000x64xf32, #tpu.memory_space<hbm>> -> memref<1000000x64xf32, #tpu.memory_space<hbm>>
    tpu.enqueue_indirect_dma source(%dma_start3A_1160 : memref<1000000x64xf32, #tpu.memory_space<hbm>>) target(%dma_start3A_1154 : memref<128x64xf32, #tpu.memory_space<vmem>>) offsets(%dma_start3A_1157 : memref<128xi32, #tpu.memory_space<vmem>>) semaphore(%arg7 : memref<!tpu.dma_semaphore, #tpu.memory_space<semaphore_mem>>)
    %dma_wait3A_1161 = arith.constant 21 : i32
    %dma_wait3A_1162 = arith.constant 5 : i32
    %dma_wait3A_1163 = arith.constant 0 : i32
    %dma_wait3A_1164 = arith.constant 0 : i32
    %dma_wait3A_1165 = tpu.memref_slice %arg6[%dma_wait3A_1162, %dma_wait3A_1163, %dma_wait3A_1164] : memref<8x128x64xf32, #tpu.memory_space<vmem>> -> memref<1x128x64xf32, #tpu.memory_space<vmem>>
    %dma_wait3A_1166 = tpu.memref_squeeze %dma_wait3A_1165 : memref<1x128x64xf32, #tpu.memory_space<vmem>> -> memref<128x64xf32, #tpu.memory_space<vmem>>
    %dma_wait3A_1167 = arith.constant 0 : i32
    %dma_wait3A_1168 = tpu.memref_slice %arg5[%dma_wait3A_1161, %dma_wait3A_1167] : memref<50x128xi32, #tpu.memory_space<vmem>> -> memref<1x128xi32, #tpu.memory_space<vmem>>
    %dma_wait3A_1169 = tpu.memref_squeeze %dma_wait3A_1168 : memref<1x128xi32, #tpu.memory_space<vmem>> -> memref<128xi32, #tpu.memory_space<vmem>>
    %dma_wait3A_1170 = arith.constant 0 : i32
    %dma_wait3A_1171 = arith.constant 0 : i32
    %dma_wait3A_1172 = tpu.memref_slice %arg3[%dma_wait3A_1170, %dma_wait3A_1171] : memref<1000000x64xf32, #tpu.memory_space<hbm>> -> memref<1000000x64xf32, #tpu.memory_space<hbm>>
    tpu.wait_indirect_dma semaphore(%arg12 : memref<!tpu.dma_semaphore, #tpu.memory_space<semaphore_mem>>) src(%dma_wait3A_1172 : memref<1000000x64xf32, #tpu.memory_space<hbm>>) dst(%dma_wait3A_1166 : memref<128x64xf32, #tpu.memory_space<vmem>>)
    %dma_start3A_1173 = arith.constant 5 : i32
    %dma_start3A_1174 = arith.constant 21 : i32
    %dma_start3A_1175 = arith.constant 0 : i32
    %dma_start3A_1176 = arith.constant 0 : i32
    %dma_start3A_1177 = tpu.memref_slice %arg6[%dma_start3A_1173, %dma_start3A_1175, %dma_start3A_1176] : memref<8x128x64xf32, #tpu.memory_space<vmem>> -> memref<1x128x64xf32, #tpu.memory_space<vmem>>
    %dma_start3A_1178 = tpu.memref_squeeze %dma_start3A_1177 : memref<1x128x64xf32, #tpu.memory_space<vmem>> -> memref<128x64xf32, #tpu.memory_space<vmem>>
    %dma_start3A_1179 = arith.constant 0 : i32
    %dma_start3A_1180 = tpu.memref_slice %arg4[%mul3A_2, %dma_start3A_1174, %dma_start3A_1179] : memref<4096x50x64xf32, #tpu.memory_space<hbm>> -> memref<128x1x64xf32, #tpu.memory_space<hbm>>
    %dma_start3A_1181 = tpu.memref_squeeze %dma_start3A_1180 : memref<128x1x64xf32, #tpu.memory_space<hbm>> -> memref<128x64xf32, #tpu.memory_space<hbm>>
    %dma_start3A_1182 = arith.constant 0 : i32
    %dma_start3A_1183 = tpu.memref_slice %arg4[%mul3A_2, %dma_start3A_1174, %dma_start3A_1182] : memref<4096x50x64xf32, #tpu.memory_space<hbm>> -> memref<128x1x64xf32, #tpu.memory_space<hbm>>
    %dma_start3A_1184 = tpu.memref_squeeze %dma_start3A_1183 : memref<128x1x64xf32, #tpu.memory_space<hbm>> -> memref<128x64xf32, #tpu.memory_space<hbm>>
    %dma_start3A_1185 = arith.constant 0 : i32
    %dma_start3A_1186 = arith.constant 0 : i32
    %dma_start3A_1187 = tpu.memref_slice %arg6[%dma_start3A_1173, %dma_start3A_1185, %dma_start3A_1186] : memref<8x128x64xf32, #tpu.memory_space<vmem>> -> memref<1x128x64xf32, #tpu.memory_space<vmem>>
    %dma_start3A_1188 = tpu.memref_squeeze %dma_start3A_1187 : memref<1x128x64xf32, #tpu.memory_space<vmem>> -> memref<128x64xf32, #tpu.memory_space<vmem>>
    tpu.enqueue_dma source(%dma_start3A_1188 : memref<128x64xf32, #tpu.memory_space<vmem>>) target(%dma_start3A_1184 : memref<128x64xf32, #tpu.memory_space<hbm>>) target_semaphore(%arg20 : memref<!tpu.dma_semaphore, #tpu.memory_space<semaphore_mem>>)
    %dma_wait3A_1189 = arith.constant 1 : i32
    %dma_wait3A_1190 = arith.constant 0 : i32
    %dma_wait3A_1191 = arith.constant 0 : i32
    %dma_wait3A_1192 = arith.constant 0 : i32
    %dma_wait3A_1193 = tpu.memref_slice %arg6[%dma_wait3A_1189, %dma_wait3A_1191, %dma_wait3A_1192] : memref<8x128x64xf32, #tpu.memory_space<vmem>> -> memref<1x128x64xf32, #tpu.memory_space<vmem>>
    %dma_wait3A_1194 = tpu.memref_squeeze %dma_wait3A_1193 : memref<1x128x64xf32, #tpu.memory_space<vmem>> -> memref<128x64xf32, #tpu.memory_space<vmem>>
    %dma_wait3A_1195 = arith.constant 0 : i32
    %dma_wait3A_1196 = tpu.memref_slice %arg4[%mul3A_2, %dma_wait3A_1190, %dma_wait3A_1195] : memref<4096x50x64xf32, #tpu.memory_space<hbm>> -> memref<128x1x64xf32, #tpu.memory_space<hbm>>
    %dma_wait3A_1197 = tpu.memref_squeeze %dma_wait3A_1196 : memref<128x1x64xf32, #tpu.memory_space<hbm>> -> memref<128x64xf32, #tpu.memory_space<hbm>>
    %dma_wait3A_1198 = arith.constant 0 : i32
    %dma_wait3A_1199 = tpu.memref_slice %arg4[%mul3A_2, %dma_wait3A_1190, %dma_wait3A_1198] : memref<4096x50x64xf32, #tpu.memory_space<hbm>> -> memref<128x1x64xf32, #tpu.memory_space<hbm>>
    %dma_wait3A_1200 = tpu.memref_squeeze %dma_wait3A_1199 : memref<128x1x64xf32, #tpu.memory_space<hbm>> -> memref<128x64xf32, #tpu.memory_space<hbm>>
    %dma_wait3A_1201 = arith.constant 0 : i32
    %dma_wait3A_1202 = arith.constant 0 : i32
    %dma_wait3A_1203 = tpu.memref_slice %arg6[%dma_wait3A_1189, %dma_wait3A_1201, %dma_wait3A_1202] : memref<8x128x64xf32, #tpu.memory_space<vmem>> -> memref<1x128x64xf32, #tpu.memory_space<vmem>>
    %dma_wait3A_1204 = tpu.memref_squeeze %dma_wait3A_1203 : memref<1x128x64xf32, #tpu.memory_space<vmem>> -> memref<128x64xf32, #tpu.memory_space<vmem>>
    tpu.wait_dma2 semaphore(%arg16 : memref<!tpu.dma_semaphore, #tpu.memory_space<semaphore_mem>>) src(%dma_wait3A_1204 : memref<128x64xf32, #tpu.memory_space<vmem>>) dst(%dma_wait3A_1200 : memref<128x64xf32, #tpu.memory_space<hbm>>)
    %dma_start3A_1205 = arith.constant 25 : i32
    %dma_start3A_1206 = arith.constant 1 : i32
    %dma_start3A_1207 = arith.constant 0 : i32
    %dma_start3A_1208 = arith.constant 0 : i32
    %dma_start3A_1209 = tpu.memref_slice %arg6[%dma_start3A_1206, %dma_start3A_1207, %dma_start3A_1208] : memref<8x128x64xf32, #tpu.memory_space<vmem>> -> memref<1x128x64xf32, #tpu.memory_space<vmem>>
    %dma_start3A_1210 = tpu.memref_squeeze %dma_start3A_1209 : memref<1x128x64xf32, #tpu.memory_space<vmem>> -> memref<128x64xf32, #tpu.memory_space<vmem>>
    %dma_start3A_1211 = arith.constant 0 : i32
    %dma_start3A_1212 = tpu.memref_slice %arg5[%dma_start3A_1205, %dma_start3A_1211] : memref<50x128xi32, #tpu.memory_space<vmem>> -> memref<1x128xi32, #tpu.memory_space<vmem>>
    %dma_start3A_1213 = tpu.memref_squeeze %dma_start3A_1212 : memref<1x128xi32, #tpu.memory_space<vmem>> -> memref<128xi32, #tpu.memory_space<vmem>>
    %dma_start3A_1214 = arith.constant 0 : i32
    %dma_start3A_1215 = arith.constant 0 : i32
    %dma_start3A_1216 = tpu.memref_slice %arg3[%dma_start3A_1214, %dma_start3A_1215] : memref<1000000x64xf32, #tpu.memory_space<hbm>> -> memref<1000000x64xf32, #tpu.memory_space<hbm>>
    tpu.enqueue_indirect_dma source(%dma_start3A_1216 : memref<1000000x64xf32, #tpu.memory_space<hbm>>) target(%dma_start3A_1210 : memref<128x64xf32, #tpu.memory_space<vmem>>) offsets(%dma_start3A_1213 : memref<128xi32, #tpu.memory_space<vmem>>) semaphore(%arg8 : memref<!tpu.dma_semaphore, #tpu.memory_space<semaphore_mem>>)
    %dma_wait3A_1217 = arith.constant 22 : i32
    %dma_wait3A_1218 = arith.constant 6 : i32
    %dma_wait3A_1219 = arith.constant 0 : i32
    %dma_wait3A_1220 = arith.constant 0 : i32
    %dma_wait3A_1221 = tpu.memref_slice %arg6[%dma_wait3A_1218, %dma_wait3A_1219, %dma_wait3A_1220] : memref<8x128x64xf32, #tpu.memory_space<vmem>> -> memref<1x128x64xf32, #tpu.memory_space<vmem>>
    %dma_wait3A_1222 = tpu.memref_squeeze %dma_wait3A_1221 : memref<1x128x64xf32, #tpu.memory_space<vmem>> -> memref<128x64xf32, #tpu.memory_space<vmem>>
    %dma_wait3A_1223 = arith.constant 0 : i32
    %dma_wait3A_1224 = tpu.memref_slice %arg5[%dma_wait3A_1217, %dma_wait3A_1223] : memref<50x128xi32, #tpu.memory_space<vmem>> -> memref<1x128xi32, #tpu.memory_space<vmem>>
    %dma_wait3A_1225 = tpu.memref_squeeze %dma_wait3A_1224 : memref<1x128xi32, #tpu.memory_space<vmem>> -> memref<128xi32, #tpu.memory_space<vmem>>
    %dma_wait3A_1226 = arith.constant 0 : i32
    %dma_wait3A_1227 = arith.constant 0 : i32
    %dma_wait3A_1228 = tpu.memref_slice %arg3[%dma_wait3A_1226, %dma_wait3A_1227] : memref<1000000x64xf32, #tpu.memory_space<hbm>> -> memref<1000000x64xf32, #tpu.memory_space<hbm>>
    tpu.wait_indirect_dma semaphore(%arg13 : memref<!tpu.dma_semaphore, #tpu.memory_space<semaphore_mem>>) src(%dma_wait3A_1228 : memref<1000000x64xf32, #tpu.memory_space<hbm>>) dst(%dma_wait3A_1222 : memref<128x64xf32, #tpu.memory_space<vmem>>)
    %dma_start3A_1229 = arith.constant 6 : i32
    %dma_start3A_1230 = arith.constant 22 : i32
    %dma_start3A_1231 = arith.constant 0 : i32
    %dma_start3A_1232 = arith.constant 0 : i32
    %dma_start3A_1233 = tpu.memref_slice %arg6[%dma_start3A_1229, %dma_start3A_1231, %dma_start3A_1232] : memref<8x128x64xf32, #tpu.memory_space<vmem>> -> memref<1x128x64xf32, #tpu.memory_space<vmem>>
    %dma_start3A_1234 = tpu.memref_squeeze %dma_start3A_1233 : memref<1x128x64xf32, #tpu.memory_space<vmem>> -> memref<128x64xf32, #tpu.memory_space<vmem>>
    %dma_start3A_1235 = arith.constant 0 : i32
    %dma_start3A_1236 = tpu.memref_slice %arg4[%mul3A_2, %dma_start3A_1230, %dma_start3A_1235] : memref<4096x50x64xf32, #tpu.memory_space<hbm>> -> memref<128x1x64xf32, #tpu.memory_space<hbm>>
    %dma_start3A_1237 = tpu.memref_squeeze %dma_start3A_1236 : memref<128x1x64xf32, #tpu.memory_space<hbm>> -> memref<128x64xf32, #tpu.memory_space<hbm>>
    %dma_start3A_1238 = arith.constant 0 : i32
    %dma_start3A_1239 = tpu.memref_slice %arg4[%mul3A_2, %dma_start3A_1230, %dma_start3A_1238] : memref<4096x50x64xf32, #tpu.memory_space<hbm>> -> memref<128x1x64xf32, #tpu.memory_space<hbm>>
    %dma_start3A_1240 = tpu.memref_squeeze %dma_start3A_1239 : memref<128x1x64xf32, #tpu.memory_space<hbm>> -> memref<128x64xf32, #tpu.memory_space<hbm>>
    %dma_start3A_1241 = arith.constant 0 : i32
    %dma_start3A_1242 = arith.constant 0 : i32
    %dma_start3A_1243 = tpu.memref_slice %arg6[%dma_start3A_1229, %dma_start3A_1241, %dma_start3A_1242] : memref<8x128x64xf32, #tpu.memory_space<vmem>> -> memref<1x128x64xf32, #tpu.memory_space<vmem>>
    %dma_start3A_1244 = tpu.memref_squeeze %dma_start3A_1243 : memref<1x128x64xf32, #tpu.memory_space<vmem>> -> memref<128x64xf32, #tpu.memory_space<vmem>>
    tpu.enqueue_dma source(%dma_start3A_1244 : memref<128x64xf32, #tpu.memory_space<vmem>>) target(%dma_start3A_1240 : memref<128x64xf32, #tpu.memory_space<hbm>>) target_semaphore(%arg21 : memref<!tpu.dma_semaphore, #tpu.memory_space<semaphore_mem>>)
    %dma_wait3A_1245 = arith.constant 2 : i32
    %dma_wait3A_1246 = arith.constant 0 : i32
    %dma_wait3A_1247 = arith.constant 0 : i32
    %dma_wait3A_1248 = arith.constant 0 : i32
    %dma_wait3A_1249 = tpu.memref_slice %arg6[%dma_wait3A_1245, %dma_wait3A_1247, %dma_wait3A_1248] : memref<8x128x64xf32, #tpu.memory_space<vmem>> -> memref<1x128x64xf32, #tpu.memory_space<vmem>>
    %dma_wait3A_1250 = tpu.memref_squeeze %dma_wait3A_1249 : memref<1x128x64xf32, #tpu.memory_space<vmem>> -> memref<128x64xf32, #tpu.memory_space<vmem>>
    %dma_wait3A_1251 = arith.constant 0 : i32
    %dma_wait3A_1252 = tpu.memref_slice %arg4[%mul3A_2, %dma_wait3A_1246, %dma_wait3A_1251] : memref<4096x50x64xf32, #tpu.memory_space<hbm>> -> memref<128x1x64xf32, #tpu.memory_space<hbm>>
    %dma_wait3A_1253 = tpu.memref_squeeze %dma_wait3A_1252 : memref<128x1x64xf32, #tpu.memory_space<hbm>> -> memref<128x64xf32, #tpu.memory_space<hbm>>
    %dma_wait3A_1254 = arith.constant 0 : i32
    %dma_wait3A_1255 = tpu.memref_slice %arg4[%mul3A_2, %dma_wait3A_1246, %dma_wait3A_1254] : memref<4096x50x64xf32, #tpu.memory_space<hbm>> -> memref<128x1x64xf32, #tpu.memory_space<hbm>>
    %dma_wait3A_1256 = tpu.memref_squeeze %dma_wait3A_1255 : memref<128x1x64xf32, #tpu.memory_space<hbm>> -> memref<128x64xf32, #tpu.memory_space<hbm>>
    %dma_wait3A_1257 = arith.constant 0 : i32
    %dma_wait3A_1258 = arith.constant 0 : i32
    %dma_wait3A_1259 = tpu.memref_slice %arg6[%dma_wait3A_1245, %dma_wait3A_1257, %dma_wait3A_1258] : memref<8x128x64xf32, #tpu.memory_space<vmem>> -> memref<1x128x64xf32, #tpu.memory_space<vmem>>
    %dma_wait3A_1260 = tpu.memref_squeeze %dma_wait3A_1259 : memref<1x128x64xf32, #tpu.memory_space<vmem>> -> memref<128x64xf32, #tpu.memory_space<vmem>>
    tpu.wait_dma2 semaphore(%arg17 : memref<!tpu.dma_semaphore, #tpu.memory_space<semaphore_mem>>) src(%dma_wait3A_1260 : memref<128x64xf32, #tpu.memory_space<vmem>>) dst(%dma_wait3A_1256 : memref<128x64xf32, #tpu.memory_space<hbm>>)
    %dma_start3A_1261 = arith.constant 26 : i32
    %dma_start3A_1262 = arith.constant 2 : i32
    %dma_start3A_1263 = arith.constant 0 : i32
    %dma_start3A_1264 = arith.constant 0 : i32
    %dma_start3A_1265 = tpu.memref_slice %arg6[%dma_start3A_1262, %dma_start3A_1263, %dma_start3A_1264] : memref<8x128x64xf32, #tpu.memory_space<vmem>> -> memref<1x128x64xf32, #tpu.memory_space<vmem>>
    %dma_start3A_1266 = tpu.memref_squeeze %dma_start3A_1265 : memref<1x128x64xf32, #tpu.memory_space<vmem>> -> memref<128x64xf32, #tpu.memory_space<vmem>>
    %dma_start3A_1267 = arith.constant 0 : i32
    %dma_start3A_1268 = tpu.memref_slice %arg5[%dma_start3A_1261, %dma_start3A_1267] : memref<50x128xi32, #tpu.memory_space<vmem>> -> memref<1x128xi32, #tpu.memory_space<vmem>>
    %dma_start3A_1269 = tpu.memref_squeeze %dma_start3A_1268 : memref<1x128xi32, #tpu.memory_space<vmem>> -> memref<128xi32, #tpu.memory_space<vmem>>
    %dma_start3A_1270 = arith.constant 0 : i32
    %dma_start3A_1271 = arith.constant 0 : i32
    %dma_start3A_1272 = tpu.memref_slice %arg3[%dma_start3A_1270, %dma_start3A_1271] : memref<1000000x64xf32, #tpu.memory_space<hbm>> -> memref<1000000x64xf32, #tpu.memory_space<hbm>>
    tpu.enqueue_indirect_dma source(%dma_start3A_1272 : memref<1000000x64xf32, #tpu.memory_space<hbm>>) target(%dma_start3A_1266 : memref<128x64xf32, #tpu.memory_space<vmem>>) offsets(%dma_start3A_1269 : memref<128xi32, #tpu.memory_space<vmem>>) semaphore(%arg9 : memref<!tpu.dma_semaphore, #tpu.memory_space<semaphore_mem>>)
    %dma_wait3A_1273 = arith.constant 23 : i32
    %dma_wait3A_1274 = arith.constant 7 : i32
    %dma_wait3A_1275 = arith.constant 0 : i32
    %dma_wait3A_1276 = arith.constant 0 : i32
    %dma_wait3A_1277 = tpu.memref_slice %arg6[%dma_wait3A_1274, %dma_wait3A_1275, %dma_wait3A_1276] : memref<8x128x64xf32, #tpu.memory_space<vmem>> -> memref<1x128x64xf32, #tpu.memory_space<vmem>>
    %dma_wait3A_1278 = tpu.memref_squeeze %dma_wait3A_1277 : memref<1x128x64xf32, #tpu.memory_space<vmem>> -> memref<128x64xf32, #tpu.memory_space<vmem>>
    %dma_wait3A_1279 = arith.constant 0 : i32
    %dma_wait3A_1280 = tpu.memref_slice %arg5[%dma_wait3A_1273, %dma_wait3A_1279] : memref<50x128xi32, #tpu.memory_space<vmem>> -> memref<1x128xi32, #tpu.memory_space<vmem>>
    %dma_wait3A_1281 = tpu.memref_squeeze %dma_wait3A_1280 : memref<1x128xi32, #tpu.memory_space<vmem>> -> memref<128xi32, #tpu.memory_space<vmem>>
    %dma_wait3A_1282 = arith.constant 0 : i32
    %dma_wait3A_1283 = arith.constant 0 : i32
    %dma_wait3A_1284 = tpu.memref_slice %arg3[%dma_wait3A_1282, %dma_wait3A_1283] : memref<1000000x64xf32, #tpu.memory_space<hbm>> -> memref<1000000x64xf32, #tpu.memory_space<hbm>>
    tpu.wait_indirect_dma semaphore(%arg14 : memref<!tpu.dma_semaphore, #tpu.memory_space<semaphore_mem>>) src(%dma_wait3A_1284 : memref<1000000x64xf32, #tpu.memory_space<hbm>>) dst(%dma_wait3A_1278 : memref<128x64xf32, #tpu.memory_space<vmem>>)
    %dma_start3A_1285 = arith.constant 7 : i32
    %dma_start3A_1286 = arith.constant 23 : i32
    %dma_start3A_1287 = arith.constant 0 : i32
    %dma_start3A_1288 = arith.constant 0 : i32
    %dma_start3A_1289 = tpu.memref_slice %arg6[%dma_start3A_1285, %dma_start3A_1287, %dma_start3A_1288] : memref<8x128x64xf32, #tpu.memory_space<vmem>> -> memref<1x128x64xf32, #tpu.memory_space<vmem>>
    %dma_start3A_1290 = tpu.memref_squeeze %dma_start3A_1289 : memref<1x128x64xf32, #tpu.memory_space<vmem>> -> memref<128x64xf32, #tpu.memory_space<vmem>>
    %dma_start3A_1291 = arith.constant 0 : i32
    %dma_start3A_1292 = tpu.memref_slice %arg4[%mul3A_2, %dma_start3A_1286, %dma_start3A_1291] : memref<4096x50x64xf32, #tpu.memory_space<hbm>> -> memref<128x1x64xf32, #tpu.memory_space<hbm>>
    %dma_start3A_1293 = tpu.memref_squeeze %dma_start3A_1292 : memref<128x1x64xf32, #tpu.memory_space<hbm>> -> memref<128x64xf32, #tpu.memory_space<hbm>>
    %dma_start3A_1294 = arith.constant 0 : i32
    %dma_start3A_1295 = tpu.memref_slice %arg4[%mul3A_2, %dma_start3A_1286, %dma_start3A_1294] : memref<4096x50x64xf32, #tpu.memory_space<hbm>> -> memref<128x1x64xf32, #tpu.memory_space<hbm>>
    %dma_start3A_1296 = tpu.memref_squeeze %dma_start3A_1295 : memref<128x1x64xf32, #tpu.memory_space<hbm>> -> memref<128x64xf32, #tpu.memory_space<hbm>>
    %dma_start3A_1297 = arith.constant 0 : i32
    %dma_start3A_1298 = arith.constant 0 : i32
    %dma_start3A_1299 = tpu.memref_slice %arg6[%dma_start3A_1285, %dma_start3A_1297, %dma_start3A_1298] : memref<8x128x64xf32, #tpu.memory_space<vmem>> -> memref<1x128x64xf32, #tpu.memory_space<vmem>>
    %dma_start3A_1300 = tpu.memref_squeeze %dma_start3A_1299 : memref<1x128x64xf32, #tpu.memory_space<vmem>> -> memref<128x64xf32, #tpu.memory_space<vmem>>
    tpu.enqueue_dma source(%dma_start3A_1300 : memref<128x64xf32, #tpu.memory_space<vmem>>) target(%dma_start3A_1296 : memref<128x64xf32, #tpu.memory_space<hbm>>) target_semaphore(%arg22 : memref<!tpu.dma_semaphore, #tpu.memory_space<semaphore_mem>>)
    %dma_wait3A_1301 = arith.constant 3 : i32
    %dma_wait3A_1302 = arith.constant 0 : i32
    %dma_wait3A_1303 = arith.constant 0 : i32
    %dma_wait3A_1304 = arith.constant 0 : i32
    %dma_wait3A_1305 = tpu.memref_slice %arg6[%dma_wait3A_1301, %dma_wait3A_1303, %dma_wait3A_1304] : memref<8x128x64xf32, #tpu.memory_space<vmem>> -> memref<1x128x64xf32, #tpu.memory_space<vmem>>
    %dma_wait3A_1306 = tpu.memref_squeeze %dma_wait3A_1305 : memref<1x128x64xf32, #tpu.memory_space<vmem>> -> memref<128x64xf32, #tpu.memory_space<vmem>>
    %dma_wait3A_1307 = arith.constant 0 : i32
    %dma_wait3A_1308 = tpu.memref_slice %arg4[%mul3A_2, %dma_wait3A_1302, %dma_wait3A_1307] : memref<4096x50x64xf32, #tpu.memory_space<hbm>> -> memref<128x1x64xf32, #tpu.memory_space<hbm>>
    %dma_wait3A_1309 = tpu.memref_squeeze %dma_wait3A_1308 : memref<128x1x64xf32, #tpu.memory_space<hbm>> -> memref<128x64xf32, #tpu.memory_space<hbm>>
    %dma_wait3A_1310 = arith.constant 0 : i32
    %dma_wait3A_1311 = tpu.memref_slice %arg4[%mul3A_2, %dma_wait3A_1302, %dma_wait3A_1310] : memref<4096x50x64xf32, #tpu.memory_space<hbm>> -> memref<128x1x64xf32, #tpu.memory_space<hbm>>
    %dma_wait3A_1312 = tpu.memref_squeeze %dma_wait3A_1311 : memref<128x1x64xf32, #tpu.memory_space<hbm>> -> memref<128x64xf32, #tpu.memory_space<hbm>>
    %dma_wait3A_1313 = arith.constant 0 : i32
    %dma_wait3A_1314 = arith.constant 0 : i32
    %dma_wait3A_1315 = tpu.memref_slice %arg6[%dma_wait3A_1301, %dma_wait3A_1313, %dma_wait3A_1314] : memref<8x128x64xf32, #tpu.memory_space<vmem>> -> memref<1x128x64xf32, #tpu.memory_space<vmem>>
    %dma_wait3A_1316 = tpu.memref_squeeze %dma_wait3A_1315 : memref<1x128x64xf32, #tpu.memory_space<vmem>> -> memref<128x64xf32, #tpu.memory_space<vmem>>
    tpu.wait_dma2 semaphore(%arg18 : memref<!tpu.dma_semaphore, #tpu.memory_space<semaphore_mem>>) src(%dma_wait3A_1316 : memref<128x64xf32, #tpu.memory_space<vmem>>) dst(%dma_wait3A_1312 : memref<128x64xf32, #tpu.memory_space<hbm>>)
    %dma_start3A_1317 = arith.constant 27 : i32
    %dma_start3A_1318 = arith.constant 3 : i32
    %dma_start3A_1319 = arith.constant 0 : i32
    %dma_start3A_1320 = arith.constant 0 : i32
    %dma_start3A_1321 = tpu.memref_slice %arg6[%dma_start3A_1318, %dma_start3A_1319, %dma_start3A_1320] : memref<8x128x64xf32, #tpu.memory_space<vmem>> -> memref<1x128x64xf32, #tpu.memory_space<vmem>>
    %dma_start3A_1322 = tpu.memref_squeeze %dma_start3A_1321 : memref<1x128x64xf32, #tpu.memory_space<vmem>> -> memref<128x64xf32, #tpu.memory_space<vmem>>
    %dma_start3A_1323 = arith.constant 0 : i32
    %dma_start3A_1324 = tpu.memref_slice %arg5[%dma_start3A_1317, %dma_start3A_1323] : memref<50x128xi32, #tpu.memory_space<vmem>> -> memref<1x128xi32, #tpu.memory_space<vmem>>
    %dma_start3A_1325 = tpu.memref_squeeze %dma_start3A_1324 : memref<1x128xi32, #tpu.memory_space<vmem>> -> memref<128xi32, #tpu.memory_space<vmem>>
    %dma_start3A_1326 = arith.constant 0 : i32
    %dma_start3A_1327 = arith.constant 0 : i32
    %dma_start3A_1328 = tpu.memref_slice %arg3[%dma_start3A_1326, %dma_start3A_1327] : memref<1000000x64xf32, #tpu.memory_space<hbm>> -> memref<1000000x64xf32, #tpu.memory_space<hbm>>
    tpu.enqueue_indirect_dma source(%dma_start3A_1328 : memref<1000000x64xf32, #tpu.memory_space<hbm>>) target(%dma_start3A_1322 : memref<128x64xf32, #tpu.memory_space<vmem>>) offsets(%dma_start3A_1325 : memref<128xi32, #tpu.memory_space<vmem>>) semaphore(%arg10 : memref<!tpu.dma_semaphore, #tpu.memory_space<semaphore_mem>>)
    %dma_wait3A_1329 = arith.constant 24 : i32
    %dma_wait3A_1330 = arith.constant 0 : i32
    %dma_wait3A_1331 = arith.constant 0 : i32
    %dma_wait3A_1332 = arith.constant 0 : i32
    %dma_wait3A_1333 = tpu.memref_slice %arg6[%dma_wait3A_1330, %dma_wait3A_1331, %dma_wait3A_1332] : memref<8x128x64xf32, #tpu.memory_space<vmem>> -> memref<1x128x64xf32, #tpu.memory_space<vmem>>
    %dma_wait3A_1334 = tpu.memref_squeeze %dma_wait3A_1333 : memref<1x128x64xf32, #tpu.memory_space<vmem>> -> memref<128x64xf32, #tpu.memory_space<vmem>>
    %dma_wait3A_1335 = arith.constant 0 : i32
    %dma_wait3A_1336 = tpu.memref_slice %arg5[%dma_wait3A_1329, %dma_wait3A_1335] : memref<50x128xi32, #tpu.memory_space<vmem>> -> memref<1x128xi32, #tpu.memory_space<vmem>>
    %dma_wait3A_1337 = tpu.memref_squeeze %dma_wait3A_1336 : memref<1x128xi32, #tpu.memory_space<vmem>> -> memref<128xi32, #tpu.memory_space<vmem>>
    %dma_wait3A_1338 = arith.constant 0 : i32
    %dma_wait3A_1339 = arith.constant 0 : i32
    %dma_wait3A_1340 = tpu.memref_slice %arg3[%dma_wait3A_1338, %dma_wait3A_1339] : memref<1000000x64xf32, #tpu.memory_space<hbm>> -> memref<1000000x64xf32, #tpu.memory_space<hbm>>
    tpu.wait_indirect_dma semaphore(%arg7 : memref<!tpu.dma_semaphore, #tpu.memory_space<semaphore_mem>>) src(%dma_wait3A_1340 : memref<1000000x64xf32, #tpu.memory_space<hbm>>) dst(%dma_wait3A_1334 : memref<128x64xf32, #tpu.memory_space<vmem>>)
    %dma_start3A_1341 = arith.constant 0 : i32
    %dma_start3A_1342 = arith.constant 24 : i32
    %dma_start3A_1343 = arith.constant 0 : i32
    %dma_start3A_1344 = arith.constant 0 : i32
    %dma_start3A_1345 = tpu.memref_slice %arg6[%dma_start3A_1341, %dma_start3A_1343, %dma_start3A_1344] : memref<8x128x64xf32, #tpu.memory_space<vmem>> -> memref<1x128x64xf32, #tpu.memory_space<vmem>>
    %dma_start3A_1346 = tpu.memref_squeeze %dma_start3A_1345 : memref<1x128x64xf32, #tpu.memory_space<vmem>> -> memref<128x64xf32, #tpu.memory_space<vmem>>
    %dma_start3A_1347 = arith.constant 0 : i32
    %dma_start3A_1348 = tpu.memref_slice %arg4[%mul3A_2, %dma_start3A_1342, %dma_start3A_1347] : memref<4096x50x64xf32, #tpu.memory_space<hbm>> -> memref<128x1x64xf32, #tpu.memory_space<hbm>>
    %dma_start3A_1349 = tpu.memref_squeeze %dma_start3A_1348 : memref<128x1x64xf32, #tpu.memory_space<hbm>> -> memref<128x64xf32, #tpu.memory_space<hbm>>
    %dma_start3A_1350 = arith.constant 0 : i32
    %dma_start3A_1351 = tpu.memref_slice %arg4[%mul3A_2, %dma_start3A_1342, %dma_start3A_1350] : memref<4096x50x64xf32, #tpu.memory_space<hbm>> -> memref<128x1x64xf32, #tpu.memory_space<hbm>>
    %dma_start3A_1352 = tpu.memref_squeeze %dma_start3A_1351 : memref<128x1x64xf32, #tpu.memory_space<hbm>> -> memref<128x64xf32, #tpu.memory_space<hbm>>
    %dma_start3A_1353 = arith.constant 0 : i32
    %dma_start3A_1354 = arith.constant 0 : i32
    %dma_start3A_1355 = tpu.memref_slice %arg6[%dma_start3A_1341, %dma_start3A_1353, %dma_start3A_1354] : memref<8x128x64xf32, #tpu.memory_space<vmem>> -> memref<1x128x64xf32, #tpu.memory_space<vmem>>
    %dma_start3A_1356 = tpu.memref_squeeze %dma_start3A_1355 : memref<1x128x64xf32, #tpu.memory_space<vmem>> -> memref<128x64xf32, #tpu.memory_space<vmem>>
    tpu.enqueue_dma source(%dma_start3A_1356 : memref<128x64xf32, #tpu.memory_space<vmem>>) target(%dma_start3A_1352 : memref<128x64xf32, #tpu.memory_space<hbm>>) target_semaphore(%arg15 : memref<!tpu.dma_semaphore, #tpu.memory_space<semaphore_mem>>)
    %dma_wait3A_1357 = arith.constant 4 : i32
    %dma_wait3A_1358 = arith.constant 0 : i32
    %dma_wait3A_1359 = arith.constant 0 : i32
    %dma_wait3A_1360 = arith.constant 0 : i32
    %dma_wait3A_1361 = tpu.memref_slice %arg6[%dma_wait3A_1357, %dma_wait3A_1359, %dma_wait3A_1360] : memref<8x128x64xf32, #tpu.memory_space<vmem>> -> memref<1x128x64xf32, #tpu.memory_space<vmem>>
    %dma_wait3A_1362 = tpu.memref_squeeze %dma_wait3A_1361 : memref<1x128x64xf32, #tpu.memory_space<vmem>> -> memref<128x64xf32, #tpu.memory_space<vmem>>
    %dma_wait3A_1363 = arith.constant 0 : i32
    %dma_wait3A_1364 = tpu.memref_slice %arg4[%mul3A_2, %dma_wait3A_1358, %dma_wait3A_1363] : memref<4096x50x64xf32, #tpu.memory_space<hbm>> -> memref<128x1x64xf32, #tpu.memory_space<hbm>>
    %dma_wait3A_1365 = tpu.memref_squeeze %dma_wait3A_1364 : memref<128x1x64xf32, #tpu.memory_space<hbm>> -> memref<128x64xf32, #tpu.memory_space<hbm>>
    %dma_wait3A_1366 = arith.constant 0 : i32
    %dma_wait3A_1367 = tpu.memref_slice %arg4[%mul3A_2, %dma_wait3A_1358, %dma_wait3A_1366] : memref<4096x50x64xf32, #tpu.memory_space<hbm>> -> memref<128x1x64xf32, #tpu.memory_space<hbm>>
    %dma_wait3A_1368 = tpu.memref_squeeze %dma_wait3A_1367 : memref<128x1x64xf32, #tpu.memory_space<hbm>> -> memref<128x64xf32, #tpu.memory_space<hbm>>
    %dma_wait3A_1369 = arith.constant 0 : i32
    %dma_wait3A_1370 = arith.constant 0 : i32
    %dma_wait3A_1371 = tpu.memref_slice %arg6[%dma_wait3A_1357, %dma_wait3A_1369, %dma_wait3A_1370] : memref<8x128x64xf32, #tpu.memory_space<vmem>> -> memref<1x128x64xf32, #tpu.memory_space<vmem>>
    %dma_wait3A_1372 = tpu.memref_squeeze %dma_wait3A_1371 : memref<1x128x64xf32, #tpu.memory_space<vmem>> -> memref<128x64xf32, #tpu.memory_space<vmem>>
    tpu.wait_dma2 semaphore(%arg19 : memref<!tpu.dma_semaphore, #tpu.memory_space<semaphore_mem>>) src(%dma_wait3A_1372 : memref<128x64xf32, #tpu.memory_space<vmem>>) dst(%dma_wait3A_1368 : memref<128x64xf32, #tpu.memory_space<hbm>>)
    %dma_start3A_1373 = arith.constant 28 : i32
    %dma_start3A_1374 = arith.constant 4 : i32
    %dma_start3A_1375 = arith.constant 0 : i32
    %dma_start3A_1376 = arith.constant 0 : i32
    %dma_start3A_1377 = tpu.memref_slice %arg6[%dma_start3A_1374, %dma_start3A_1375, %dma_start3A_1376] : memref<8x128x64xf32, #tpu.memory_space<vmem>> -> memref<1x128x64xf32, #tpu.memory_space<vmem>>
    %dma_start3A_1378 = tpu.memref_squeeze %dma_start3A_1377 : memref<1x128x64xf32, #tpu.memory_space<vmem>> -> memref<128x64xf32, #tpu.memory_space<vmem>>
    %dma_start3A_1379 = arith.constant 0 : i32
    %dma_start3A_1380 = tpu.memref_slice %arg5[%dma_start3A_1373, %dma_start3A_1379] : memref<50x128xi32, #tpu.memory_space<vmem>> -> memref<1x128xi32, #tpu.memory_space<vmem>>
    %dma_start3A_1381 = tpu.memref_squeeze %dma_start3A_1380 : memref<1x128xi32, #tpu.memory_space<vmem>> -> memref<128xi32, #tpu.memory_space<vmem>>
    %dma_start3A_1382 = arith.constant 0 : i32
    %dma_start3A_1383 = arith.constant 0 : i32
    %dma_start3A_1384 = tpu.memref_slice %arg3[%dma_start3A_1382, %dma_start3A_1383] : memref<1000000x64xf32, #tpu.memory_space<hbm>> -> memref<1000000x64xf32, #tpu.memory_space<hbm>>
    tpu.enqueue_indirect_dma source(%dma_start3A_1384 : memref<1000000x64xf32, #tpu.memory_space<hbm>>) target(%dma_start3A_1378 : memref<128x64xf32, #tpu.memory_space<vmem>>) offsets(%dma_start3A_1381 : memref<128xi32, #tpu.memory_space<vmem>>) semaphore(%arg11 : memref<!tpu.dma_semaphore, #tpu.memory_space<semaphore_mem>>)
    %dma_wait3A_1385 = arith.constant 25 : i32
    %dma_wait3A_1386 = arith.constant 1 : i32
    %dma_wait3A_1387 = arith.constant 0 : i32
    %dma_wait3A_1388 = arith.constant 0 : i32
    %dma_wait3A_1389 = tpu.memref_slice %arg6[%dma_wait3A_1386, %dma_wait3A_1387, %dma_wait3A_1388] : memref<8x128x64xf32, #tpu.memory_space<vmem>> -> memref<1x128x64xf32, #tpu.memory_space<vmem>>
    %dma_wait3A_1390 = tpu.memref_squeeze %dma_wait3A_1389 : memref<1x128x64xf32, #tpu.memory_space<vmem>> -> memref<128x64xf32, #tpu.memory_space<vmem>>
    %dma_wait3A_1391 = arith.constant 0 : i32
    %dma_wait3A_1392 = tpu.memref_slice %arg5[%dma_wait3A_1385, %dma_wait3A_1391] : memref<50x128xi32, #tpu.memory_space<vmem>> -> memref<1x128xi32, #tpu.memory_space<vmem>>
    %dma_wait3A_1393 = tpu.memref_squeeze %dma_wait3A_1392 : memref<1x128xi32, #tpu.memory_space<vmem>> -> memref<128xi32, #tpu.memory_space<vmem>>
    %dma_wait3A_1394 = arith.constant 0 : i32
    %dma_wait3A_1395 = arith.constant 0 : i32
    %dma_wait3A_1396 = tpu.memref_slice %arg3[%dma_wait3A_1394, %dma_wait3A_1395] : memref<1000000x64xf32, #tpu.memory_space<hbm>> -> memref<1000000x64xf32, #tpu.memory_space<hbm>>
    tpu.wait_indirect_dma semaphore(%arg8 : memref<!tpu.dma_semaphore, #tpu.memory_space<semaphore_mem>>) src(%dma_wait3A_1396 : memref<1000000x64xf32, #tpu.memory_space<hbm>>) dst(%dma_wait3A_1390 : memref<128x64xf32, #tpu.memory_space<vmem>>)
    %dma_start3A_1397 = arith.constant 1 : i32
    %dma_start3A_1398 = arith.constant 25 : i32
    %dma_start3A_1399 = arith.constant 0 : i32
    %dma_start3A_1400 = arith.constant 0 : i32
    %dma_start3A_1401 = tpu.memref_slice %arg6[%dma_start3A_1397, %dma_start3A_1399, %dma_start3A_1400] : memref<8x128x64xf32, #tpu.memory_space<vmem>> -> memref<1x128x64xf32, #tpu.memory_space<vmem>>
    %dma_start3A_1402 = tpu.memref_squeeze %dma_start3A_1401 : memref<1x128x64xf32, #tpu.memory_space<vmem>> -> memref<128x64xf32, #tpu.memory_space<vmem>>
    %dma_start3A_1403 = arith.constant 0 : i32
    %dma_start3A_1404 = tpu.memref_slice %arg4[%mul3A_2, %dma_start3A_1398, %dma_start3A_1403] : memref<4096x50x64xf32, #tpu.memory_space<hbm>> -> memref<128x1x64xf32, #tpu.memory_space<hbm>>
    %dma_start3A_1405 = tpu.memref_squeeze %dma_start3A_1404 : memref<128x1x64xf32, #tpu.memory_space<hbm>> -> memref<128x64xf32, #tpu.memory_space<hbm>>
    %dma_start3A_1406 = arith.constant 0 : i32
    %dma_start3A_1407 = tpu.memref_slice %arg4[%mul3A_2, %dma_start3A_1398, %dma_start3A_1406] : memref<4096x50x64xf32, #tpu.memory_space<hbm>> -> memref<128x1x64xf32, #tpu.memory_space<hbm>>
    %dma_start3A_1408 = tpu.memref_squeeze %dma_start3A_1407 : memref<128x1x64xf32, #tpu.memory_space<hbm>> -> memref<128x64xf32, #tpu.memory_space<hbm>>
    %dma_start3A_1409 = arith.constant 0 : i32
    %dma_start3A_1410 = arith.constant 0 : i32
    %dma_start3A_1411 = tpu.memref_slice %arg6[%dma_start3A_1397, %dma_start3A_1409, %dma_start3A_1410] : memref<8x128x64xf32, #tpu.memory_space<vmem>> -> memref<1x128x64xf32, #tpu.memory_space<vmem>>
    %dma_start3A_1412 = tpu.memref_squeeze %dma_start3A_1411 : memref<1x128x64xf32, #tpu.memory_space<vmem>> -> memref<128x64xf32, #tpu.memory_space<vmem>>
    tpu.enqueue_dma source(%dma_start3A_1412 : memref<128x64xf32, #tpu.memory_space<vmem>>) target(%dma_start3A_1408 : memref<128x64xf32, #tpu.memory_space<hbm>>) target_semaphore(%arg16 : memref<!tpu.dma_semaphore, #tpu.memory_space<semaphore_mem>>)
    %dma_wait3A_1413 = arith.constant 5 : i32
    %dma_wait3A_1414 = arith.constant 0 : i32
    %dma_wait3A_1415 = arith.constant 0 : i32
    %dma_wait3A_1416 = arith.constant 0 : i32
    %dma_wait3A_1417 = tpu.memref_slice %arg6[%dma_wait3A_1413, %dma_wait3A_1415, %dma_wait3A_1416] : memref<8x128x64xf32, #tpu.memory_space<vmem>> -> memref<1x128x64xf32, #tpu.memory_space<vmem>>
    %dma_wait3A_1418 = tpu.memref_squeeze %dma_wait3A_1417 : memref<1x128x64xf32, #tpu.memory_space<vmem>> -> memref<128x64xf32, #tpu.memory_space<vmem>>
    %dma_wait3A_1419 = arith.constant 0 : i32
    %dma_wait3A_1420 = tpu.memref_slice %arg4[%mul3A_2, %dma_wait3A_1414, %dma_wait3A_1419] : memref<4096x50x64xf32, #tpu.memory_space<hbm>> -> memref<128x1x64xf32, #tpu.memory_space<hbm>>
    %dma_wait3A_1421 = tpu.memref_squeeze %dma_wait3A_1420 : memref<128x1x64xf32, #tpu.memory_space<hbm>> -> memref<128x64xf32, #tpu.memory_space<hbm>>
    %dma_wait3A_1422 = arith.constant 0 : i32
    %dma_wait3A_1423 = tpu.memref_slice %arg4[%mul3A_2, %dma_wait3A_1414, %dma_wait3A_1422] : memref<4096x50x64xf32, #tpu.memory_space<hbm>> -> memref<128x1x64xf32, #tpu.memory_space<hbm>>
    %dma_wait3A_1424 = tpu.memref_squeeze %dma_wait3A_1423 : memref<128x1x64xf32, #tpu.memory_space<hbm>> -> memref<128x64xf32, #tpu.memory_space<hbm>>
    %dma_wait3A_1425 = arith.constant 0 : i32
    %dma_wait3A_1426 = arith.constant 0 : i32
    %dma_wait3A_1427 = tpu.memref_slice %arg6[%dma_wait3A_1413, %dma_wait3A_1425, %dma_wait3A_1426] : memref<8x128x64xf32, #tpu.memory_space<vmem>> -> memref<1x128x64xf32, #tpu.memory_space<vmem>>
    %dma_wait3A_1428 = tpu.memref_squeeze %dma_wait3A_1427 : memref<1x128x64xf32, #tpu.memory_space<vmem>> -> memref<128x64xf32, #tpu.memory_space<vmem>>
    tpu.wait_dma2 semaphore(%arg20 : memref<!tpu.dma_semaphore, #tpu.memory_space<semaphore_mem>>) src(%dma_wait3A_1428 : memref<128x64xf32, #tpu.memory_space<vmem>>) dst(%dma_wait3A_1424 : memref<128x64xf32, #tpu.memory_space<hbm>>)
    %dma_start3A_1429 = arith.constant 29 : i32
    %dma_start3A_1430 = arith.constant 5 : i32
    %dma_start3A_1431 = arith.constant 0 : i32
    %dma_start3A_1432 = arith.constant 0 : i32
    %dma_start3A_1433 = tpu.memref_slice %arg6[%dma_start3A_1430, %dma_start3A_1431, %dma_start3A_1432] : memref<8x128x64xf32, #tpu.memory_space<vmem>> -> memref<1x128x64xf32, #tpu.memory_space<vmem>>
    %dma_start3A_1434 = tpu.memref_squeeze %dma_start3A_1433 : memref<1x128x64xf32, #tpu.memory_space<vmem>> -> memref<128x64xf32, #tpu.memory_space<vmem>>
    %dma_start3A_1435 = arith.constant 0 : i32
    %dma_start3A_1436 = tpu.memref_slice %arg5[%dma_start3A_1429, %dma_start3A_1435] : memref<50x128xi32, #tpu.memory_space<vmem>> -> memref<1x128xi32, #tpu.memory_space<vmem>>
    %dma_start3A_1437 = tpu.memref_squeeze %dma_start3A_1436 : memref<1x128xi32, #tpu.memory_space<vmem>> -> memref<128xi32, #tpu.memory_space<vmem>>
    %dma_start3A_1438 = arith.constant 0 : i32
    %dma_start3A_1439 = arith.constant 0 : i32
    %dma_start3A_1440 = tpu.memref_slice %arg3[%dma_start3A_1438, %dma_start3A_1439] : memref<1000000x64xf32, #tpu.memory_space<hbm>> -> memref<1000000x64xf32, #tpu.memory_space<hbm>>
    tpu.enqueue_indirect_dma source(%dma_start3A_1440 : memref<1000000x64xf32, #tpu.memory_space<hbm>>) target(%dma_start3A_1434 : memref<128x64xf32, #tpu.memory_space<vmem>>) offsets(%dma_start3A_1437 : memref<128xi32, #tpu.memory_space<vmem>>) semaphore(%arg12 : memref<!tpu.dma_semaphore, #tpu.memory_space<semaphore_mem>>)
    %dma_wait3A_1441 = arith.constant 26 : i32
    %dma_wait3A_1442 = arith.constant 2 : i32
    %dma_wait3A_1443 = arith.constant 0 : i32
    %dma_wait3A_1444 = arith.constant 0 : i32
    %dma_wait3A_1445 = tpu.memref_slice %arg6[%dma_wait3A_1442, %dma_wait3A_1443, %dma_wait3A_1444] : memref<8x128x64xf32, #tpu.memory_space<vmem>> -> memref<1x128x64xf32, #tpu.memory_space<vmem>>
    %dma_wait3A_1446 = tpu.memref_squeeze %dma_wait3A_1445 : memref<1x128x64xf32, #tpu.memory_space<vmem>> -> memref<128x64xf32, #tpu.memory_space<vmem>>
    %dma_wait3A_1447 = arith.constant 0 : i32
    %dma_wait3A_1448 = tpu.memref_slice %arg5[%dma_wait3A_1441, %dma_wait3A_1447] : memref<50x128xi32, #tpu.memory_space<vmem>> -> memref<1x128xi32, #tpu.memory_space<vmem>>
    %dma_wait3A_1449 = tpu.memref_squeeze %dma_wait3A_1448 : memref<1x128xi32, #tpu.memory_space<vmem>> -> memref<128xi32, #tpu.memory_space<vmem>>
    %dma_wait3A_1450 = arith.constant 0 : i32
    %dma_wait3A_1451 = arith.constant 0 : i32
    %dma_wait3A_1452 = tpu.memref_slice %arg3[%dma_wait3A_1450, %dma_wait3A_1451] : memref<1000000x64xf32, #tpu.memory_space<hbm>> -> memref<1000000x64xf32, #tpu.memory_space<hbm>>
    tpu.wait_indirect_dma semaphore(%arg9 : memref<!tpu.dma_semaphore, #tpu.memory_space<semaphore_mem>>) src(%dma_wait3A_1452 : memref<1000000x64xf32, #tpu.memory_space<hbm>>) dst(%dma_wait3A_1446 : memref<128x64xf32, #tpu.memory_space<vmem>>)
    %dma_start3A_1453 = arith.constant 2 : i32
    %dma_start3A_1454 = arith.constant 26 : i32
    %dma_start3A_1455 = arith.constant 0 : i32
    %dma_start3A_1456 = arith.constant 0 : i32
    %dma_start3A_1457 = tpu.memref_slice %arg6[%dma_start3A_1453, %dma_start3A_1455, %dma_start3A_1456] : memref<8x128x64xf32, #tpu.memory_space<vmem>> -> memref<1x128x64xf32, #tpu.memory_space<vmem>>
    %dma_start3A_1458 = tpu.memref_squeeze %dma_start3A_1457 : memref<1x128x64xf32, #tpu.memory_space<vmem>> -> memref<128x64xf32, #tpu.memory_space<vmem>>
    %dma_start3A_1459 = arith.constant 0 : i32
    %dma_start3A_1460 = tpu.memref_slice %arg4[%mul3A_2, %dma_start3A_1454, %dma_start3A_1459] : memref<4096x50x64xf32, #tpu.memory_space<hbm>> -> memref<128x1x64xf32, #tpu.memory_space<hbm>>
    %dma_start3A_1461 = tpu.memref_squeeze %dma_start3A_1460 : memref<128x1x64xf32, #tpu.memory_space<hbm>> -> memref<128x64xf32, #tpu.memory_space<hbm>>
    %dma_start3A_1462 = arith.constant 0 : i32
    %dma_start3A_1463 = tpu.memref_slice %arg4[%mul3A_2, %dma_start3A_1454, %dma_start3A_1462] : memref<4096x50x64xf32, #tpu.memory_space<hbm>> -> memref<128x1x64xf32, #tpu.memory_space<hbm>>
    %dma_start3A_1464 = tpu.memref_squeeze %dma_start3A_1463 : memref<128x1x64xf32, #tpu.memory_space<hbm>> -> memref<128x64xf32, #tpu.memory_space<hbm>>
    %dma_start3A_1465 = arith.constant 0 : i32
    %dma_start3A_1466 = arith.constant 0 : i32
    %dma_start3A_1467 = tpu.memref_slice %arg6[%dma_start3A_1453, %dma_start3A_1465, %dma_start3A_1466] : memref<8x128x64xf32, #tpu.memory_space<vmem>> -> memref<1x128x64xf32, #tpu.memory_space<vmem>>
    %dma_start3A_1468 = tpu.memref_squeeze %dma_start3A_1467 : memref<1x128x64xf32, #tpu.memory_space<vmem>> -> memref<128x64xf32, #tpu.memory_space<vmem>>
    tpu.enqueue_dma source(%dma_start3A_1468 : memref<128x64xf32, #tpu.memory_space<vmem>>) target(%dma_start3A_1464 : memref<128x64xf32, #tpu.memory_space<hbm>>) target_semaphore(%arg17 : memref<!tpu.dma_semaphore, #tpu.memory_space<semaphore_mem>>)
    %dma_wait3A_1469 = arith.constant 6 : i32
    %dma_wait3A_1470 = arith.constant 0 : i32
    %dma_wait3A_1471 = arith.constant 0 : i32
    %dma_wait3A_1472 = arith.constant 0 : i32
    %dma_wait3A_1473 = tpu.memref_slice %arg6[%dma_wait3A_1469, %dma_wait3A_1471, %dma_wait3A_1472] : memref<8x128x64xf32, #tpu.memory_space<vmem>> -> memref<1x128x64xf32, #tpu.memory_space<vmem>>
    %dma_wait3A_1474 = tpu.memref_squeeze %dma_wait3A_1473 : memref<1x128x64xf32, #tpu.memory_space<vmem>> -> memref<128x64xf32, #tpu.memory_space<vmem>>
    %dma_wait3A_1475 = arith.constant 0 : i32
    %dma_wait3A_1476 = tpu.memref_slice %arg4[%mul3A_2, %dma_wait3A_1470, %dma_wait3A_1475] : memref<4096x50x64xf32, #tpu.memory_space<hbm>> -> memref<128x1x64xf32, #tpu.memory_space<hbm>>
    %dma_wait3A_1477 = tpu.memref_squeeze %dma_wait3A_1476 : memref<128x1x64xf32, #tpu.memory_space<hbm>> -> memref<128x64xf32, #tpu.memory_space<hbm>>
    %dma_wait3A_1478 = arith.constant 0 : i32
    %dma_wait3A_1479 = tpu.memref_slice %arg4[%mul3A_2, %dma_wait3A_1470, %dma_wait3A_1478] : memref<4096x50x64xf32, #tpu.memory_space<hbm>> -> memref<128x1x64xf32, #tpu.memory_space<hbm>>
    %dma_wait3A_1480 = tpu.memref_squeeze %dma_wait3A_1479 : memref<128x1x64xf32, #tpu.memory_space<hbm>> -> memref<128x64xf32, #tpu.memory_space<hbm>>
    %dma_wait3A_1481 = arith.constant 0 : i32
    %dma_wait3A_1482 = arith.constant 0 : i32
    %dma_wait3A_1483 = tpu.memref_slice %arg6[%dma_wait3A_1469, %dma_wait3A_1481, %dma_wait3A_1482] : memref<8x128x64xf32, #tpu.memory_space<vmem>> -> memref<1x128x64xf32, #tpu.memory_space<vmem>>
    %dma_wait3A_1484 = tpu.memref_squeeze %dma_wait3A_1483 : memref<1x128x64xf32, #tpu.memory_space<vmem>> -> memref<128x64xf32, #tpu.memory_space<vmem>>
    tpu.wait_dma2 semaphore(%arg21 : memref<!tpu.dma_semaphore, #tpu.memory_space<semaphore_mem>>) src(%dma_wait3A_1484 : memref<128x64xf32, #tpu.memory_space<vmem>>) dst(%dma_wait3A_1480 : memref<128x64xf32, #tpu.memory_space<hbm>>)
    %dma_start3A_1485 = arith.constant 30 : i32
    %dma_start3A_1486 = arith.constant 6 : i32
    %dma_start3A_1487 = arith.constant 0 : i32
    %dma_start3A_1488 = arith.constant 0 : i32
    %dma_start3A_1489 = tpu.memref_slice %arg6[%dma_start3A_1486, %dma_start3A_1487, %dma_start3A_1488] : memref<8x128x64xf32, #tpu.memory_space<vmem>> -> memref<1x128x64xf32, #tpu.memory_space<vmem>>
    %dma_start3A_1490 = tpu.memref_squeeze %dma_start3A_1489 : memref<1x128x64xf32, #tpu.memory_space<vmem>> -> memref<128x64xf32, #tpu.memory_space<vmem>>
    %dma_start3A_1491 = arith.constant 0 : i32
    %dma_start3A_1492 = tpu.memref_slice %arg5[%dma_start3A_1485, %dma_start3A_1491] : memref<50x128xi32, #tpu.memory_space<vmem>> -> memref<1x128xi32, #tpu.memory_space<vmem>>
    %dma_start3A_1493 = tpu.memref_squeeze %dma_start3A_1492 : memref<1x128xi32, #tpu.memory_space<vmem>> -> memref<128xi32, #tpu.memory_space<vmem>>
    %dma_start3A_1494 = arith.constant 0 : i32
    %dma_start3A_1495 = arith.constant 0 : i32
    %dma_start3A_1496 = tpu.memref_slice %arg3[%dma_start3A_1494, %dma_start3A_1495] : memref<1000000x64xf32, #tpu.memory_space<hbm>> -> memref<1000000x64xf32, #tpu.memory_space<hbm>>
    tpu.enqueue_indirect_dma source(%dma_start3A_1496 : memref<1000000x64xf32, #tpu.memory_space<hbm>>) target(%dma_start3A_1490 : memref<128x64xf32, #tpu.memory_space<vmem>>) offsets(%dma_start3A_1493 : memref<128xi32, #tpu.memory_space<vmem>>) semaphore(%arg13 : memref<!tpu.dma_semaphore, #tpu.memory_space<semaphore_mem>>)
    %dma_wait3A_1497 = arith.constant 27 : i32
    %dma_wait3A_1498 = arith.constant 3 : i32
    %dma_wait3A_1499 = arith.constant 0 : i32
    %dma_wait3A_1500 = arith.constant 0 : i32
    %dma_wait3A_1501 = tpu.memref_slice %arg6[%dma_wait3A_1498, %dma_wait3A_1499, %dma_wait3A_1500] : memref<8x128x64xf32, #tpu.memory_space<vmem>> -> memref<1x128x64xf32, #tpu.memory_space<vmem>>
    %dma_wait3A_1502 = tpu.memref_squeeze %dma_wait3A_1501 : memref<1x128x64xf32, #tpu.memory_space<vmem>> -> memref<128x64xf32, #tpu.memory_space<vmem>>
    %dma_wait3A_1503 = arith.constant 0 : i32
    %dma_wait3A_1504 = tpu.memref_slice %arg5[%dma_wait3A_1497, %dma_wait3A_1503] : memref<50x128xi32, #tpu.memory_space<vmem>> -> memref<1x128xi32, #tpu.memory_space<vmem>>
    %dma_wait3A_1505 = tpu.memref_squeeze %dma_wait3A_1504 : memref<1x128xi32, #tpu.memory_space<vmem>> -> memref<128xi32, #tpu.memory_space<vmem>>
    %dma_wait3A_1506 = arith.constant 0 : i32
    %dma_wait3A_1507 = arith.constant 0 : i32
    %dma_wait3A_1508 = tpu.memref_slice %arg3[%dma_wait3A_1506, %dma_wait3A_1507] : memref<1000000x64xf32, #tpu.memory_space<hbm>> -> memref<1000000x64xf32, #tpu.memory_space<hbm>>
    tpu.wait_indirect_dma semaphore(%arg10 : memref<!tpu.dma_semaphore, #tpu.memory_space<semaphore_mem>>) src(%dma_wait3A_1508 : memref<1000000x64xf32, #tpu.memory_space<hbm>>) dst(%dma_wait3A_1502 : memref<128x64xf32, #tpu.memory_space<vmem>>)
    %dma_start3A_1509 = arith.constant 3 : i32
    %dma_start3A_1510 = arith.constant 27 : i32
    %dma_start3A_1511 = arith.constant 0 : i32
    %dma_start3A_1512 = arith.constant 0 : i32
    %dma_start3A_1513 = tpu.memref_slice %arg6[%dma_start3A_1509, %dma_start3A_1511, %dma_start3A_1512] : memref<8x128x64xf32, #tpu.memory_space<vmem>> -> memref<1x128x64xf32, #tpu.memory_space<vmem>>
    %dma_start3A_1514 = tpu.memref_squeeze %dma_start3A_1513 : memref<1x128x64xf32, #tpu.memory_space<vmem>> -> memref<128x64xf32, #tpu.memory_space<vmem>>
    %dma_start3A_1515 = arith.constant 0 : i32
    %dma_start3A_1516 = tpu.memref_slice %arg4[%mul3A_2, %dma_start3A_1510, %dma_start3A_1515] : memref<4096x50x64xf32, #tpu.memory_space<hbm>> -> memref<128x1x64xf32, #tpu.memory_space<hbm>>
    %dma_start3A_1517 = tpu.memref_squeeze %dma_start3A_1516 : memref<128x1x64xf32, #tpu.memory_space<hbm>> -> memref<128x64xf32, #tpu.memory_space<hbm>>
    %dma_start3A_1518 = arith.constant 0 : i32
    %dma_start3A_1519 = tpu.memref_slice %arg4[%mul3A_2, %dma_start3A_1510, %dma_start3A_1518] : memref<4096x50x64xf32, #tpu.memory_space<hbm>> -> memref<128x1x64xf32, #tpu.memory_space<hbm>>
    %dma_start3A_1520 = tpu.memref_squeeze %dma_start3A_1519 : memref<128x1x64xf32, #tpu.memory_space<hbm>> -> memref<128x64xf32, #tpu.memory_space<hbm>>
    %dma_start3A_1521 = arith.constant 0 : i32
    %dma_start3A_1522 = arith.constant 0 : i32
    %dma_start3A_1523 = tpu.memref_slice %arg6[%dma_start3A_1509, %dma_start3A_1521, %dma_start3A_1522] : memref<8x128x64xf32, #tpu.memory_space<vmem>> -> memref<1x128x64xf32, #tpu.memory_space<vmem>>
    %dma_start3A_1524 = tpu.memref_squeeze %dma_start3A_1523 : memref<1x128x64xf32, #tpu.memory_space<vmem>> -> memref<128x64xf32, #tpu.memory_space<vmem>>
    tpu.enqueue_dma source(%dma_start3A_1524 : memref<128x64xf32, #tpu.memory_space<vmem>>) target(%dma_start3A_1520 : memref<128x64xf32, #tpu.memory_space<hbm>>) target_semaphore(%arg18 : memref<!tpu.dma_semaphore, #tpu.memory_space<semaphore_mem>>)
    %dma_wait3A_1525 = arith.constant 7 : i32
    %dma_wait3A_1526 = arith.constant 0 : i32
    %dma_wait3A_1527 = arith.constant 0 : i32
    %dma_wait3A_1528 = arith.constant 0 : i32
    %dma_wait3A_1529 = tpu.memref_slice %arg6[%dma_wait3A_1525, %dma_wait3A_1527, %dma_wait3A_1528] : memref<8x128x64xf32, #tpu.memory_space<vmem>> -> memref<1x128x64xf32, #tpu.memory_space<vmem>>
    %dma_wait3A_1530 = tpu.memref_squeeze %dma_wait3A_1529 : memref<1x128x64xf32, #tpu.memory_space<vmem>> -> memref<128x64xf32, #tpu.memory_space<vmem>>
    %dma_wait3A_1531 = arith.constant 0 : i32
    %dma_wait3A_1532 = tpu.memref_slice %arg4[%mul3A_2, %dma_wait3A_1526, %dma_wait3A_1531] : memref<4096x50x64xf32, #tpu.memory_space<hbm>> -> memref<128x1x64xf32, #tpu.memory_space<hbm>>
    %dma_wait3A_1533 = tpu.memref_squeeze %dma_wait3A_1532 : memref<128x1x64xf32, #tpu.memory_space<hbm>> -> memref<128x64xf32, #tpu.memory_space<hbm>>
    %dma_wait3A_1534 = arith.constant 0 : i32
    %dma_wait3A_1535 = tpu.memref_slice %arg4[%mul3A_2, %dma_wait3A_1526, %dma_wait3A_1534] : memref<4096x50x64xf32, #tpu.memory_space<hbm>> -> memref<128x1x64xf32, #tpu.memory_space<hbm>>
    %dma_wait3A_1536 = tpu.memref_squeeze %dma_wait3A_1535 : memref<128x1x64xf32, #tpu.memory_space<hbm>> -> memref<128x64xf32, #tpu.memory_space<hbm>>
    %dma_wait3A_1537 = arith.constant 0 : i32
    %dma_wait3A_1538 = arith.constant 0 : i32
    %dma_wait3A_1539 = tpu.memref_slice %arg6[%dma_wait3A_1525, %dma_wait3A_1537, %dma_wait3A_1538] : memref<8x128x64xf32, #tpu.memory_space<vmem>> -> memref<1x128x64xf32, #tpu.memory_space<vmem>>
    %dma_wait3A_1540 = tpu.memref_squeeze %dma_wait3A_1539 : memref<1x128x64xf32, #tpu.memory_space<vmem>> -> memref<128x64xf32, #tpu.memory_space<vmem>>
    tpu.wait_dma2 semaphore(%arg22 : memref<!tpu.dma_semaphore, #tpu.memory_space<semaphore_mem>>) src(%dma_wait3A_1540 : memref<128x64xf32, #tpu.memory_space<vmem>>) dst(%dma_wait3A_1536 : memref<128x64xf32, #tpu.memory_space<hbm>>)
    %dma_start3A_1541 = arith.constant 31 : i32
    %dma_start3A_1542 = arith.constant 7 : i32
    %dma_start3A_1543 = arith.constant 0 : i32
    %dma_start3A_1544 = arith.constant 0 : i32
    %dma_start3A_1545 = tpu.memref_slice %arg6[%dma_start3A_1542, %dma_start3A_1543, %dma_start3A_1544] : memref<8x128x64xf32, #tpu.memory_space<vmem>> -> memref<1x128x64xf32, #tpu.memory_space<vmem>>
    %dma_start3A_1546 = tpu.memref_squeeze %dma_start3A_1545 : memref<1x128x64xf32, #tpu.memory_space<vmem>> -> memref<128x64xf32, #tpu.memory_space<vmem>>
    %dma_start3A_1547 = arith.constant 0 : i32
    %dma_start3A_1548 = tpu.memref_slice %arg5[%dma_start3A_1541, %dma_start3A_1547] : memref<50x128xi32, #tpu.memory_space<vmem>> -> memref<1x128xi32, #tpu.memory_space<vmem>>
    %dma_start3A_1549 = tpu.memref_squeeze %dma_start3A_1548 : memref<1x128xi32, #tpu.memory_space<vmem>> -> memref<128xi32, #tpu.memory_space<vmem>>
    %dma_start3A_1550 = arith.constant 0 : i32
    %dma_start3A_1551 = arith.constant 0 : i32
    %dma_start3A_1552 = tpu.memref_slice %arg3[%dma_start3A_1550, %dma_start3A_1551] : memref<1000000x64xf32, #tpu.memory_space<hbm>> -> memref<1000000x64xf32, #tpu.memory_space<hbm>>
    tpu.enqueue_indirect_dma source(%dma_start3A_1552 : memref<1000000x64xf32, #tpu.memory_space<hbm>>) target(%dma_start3A_1546 : memref<128x64xf32, #tpu.memory_space<vmem>>) offsets(%dma_start3A_1549 : memref<128xi32, #tpu.memory_space<vmem>>) semaphore(%arg14 : memref<!tpu.dma_semaphore, #tpu.memory_space<semaphore_mem>>)
    %dma_wait3A_1553 = arith.constant 28 : i32
    %dma_wait3A_1554 = arith.constant 4 : i32
    %dma_wait3A_1555 = arith.constant 0 : i32
    %dma_wait3A_1556 = arith.constant 0 : i32
    %dma_wait3A_1557 = tpu.memref_slice %arg6[%dma_wait3A_1554, %dma_wait3A_1555, %dma_wait3A_1556] : memref<8x128x64xf32, #tpu.memory_space<vmem>> -> memref<1x128x64xf32, #tpu.memory_space<vmem>>
    %dma_wait3A_1558 = tpu.memref_squeeze %dma_wait3A_1557 : memref<1x128x64xf32, #tpu.memory_space<vmem>> -> memref<128x64xf32, #tpu.memory_space<vmem>>
    %dma_wait3A_1559 = arith.constant 0 : i32
    %dma_wait3A_1560 = tpu.memref_slice %arg5[%dma_wait3A_1553, %dma_wait3A_1559] : memref<50x128xi32, #tpu.memory_space<vmem>> -> memref<1x128xi32, #tpu.memory_space<vmem>>
    %dma_wait3A_1561 = tpu.memref_squeeze %dma_wait3A_1560 : memref<1x128xi32, #tpu.memory_space<vmem>> -> memref<128xi32, #tpu.memory_space<vmem>>
    %dma_wait3A_1562 = arith.constant 0 : i32
    %dma_wait3A_1563 = arith.constant 0 : i32
    %dma_wait3A_1564 = tpu.memref_slice %arg3[%dma_wait3A_1562, %dma_wait3A_1563] : memref<1000000x64xf32, #tpu.memory_space<hbm>> -> memref<1000000x64xf32, #tpu.memory_space<hbm>>
    tpu.wait_indirect_dma semaphore(%arg11 : memref<!tpu.dma_semaphore, #tpu.memory_space<semaphore_mem>>) src(%dma_wait3A_1564 : memref<1000000x64xf32, #tpu.memory_space<hbm>>) dst(%dma_wait3A_1558 : memref<128x64xf32, #tpu.memory_space<vmem>>)
    %dma_start3A_1565 = arith.constant 4 : i32
    %dma_start3A_1566 = arith.constant 28 : i32
    %dma_start3A_1567 = arith.constant 0 : i32
    %dma_start3A_1568 = arith.constant 0 : i32
    %dma_start3A_1569 = tpu.memref_slice %arg6[%dma_start3A_1565, %dma_start3A_1567, %dma_start3A_1568] : memref<8x128x64xf32, #tpu.memory_space<vmem>> -> memref<1x128x64xf32, #tpu.memory_space<vmem>>
    %dma_start3A_1570 = tpu.memref_squeeze %dma_start3A_1569 : memref<1x128x64xf32, #tpu.memory_space<vmem>> -> memref<128x64xf32, #tpu.memory_space<vmem>>
    %dma_start3A_1571 = arith.constant 0 : i32
    %dma_start3A_1572 = tpu.memref_slice %arg4[%mul3A_2, %dma_start3A_1566, %dma_start3A_1571] : memref<4096x50x64xf32, #tpu.memory_space<hbm>> -> memref<128x1x64xf32, #tpu.memory_space<hbm>>
    %dma_start3A_1573 = tpu.memref_squeeze %dma_start3A_1572 : memref<128x1x64xf32, #tpu.memory_space<hbm>> -> memref<128x64xf32, #tpu.memory_space<hbm>>
    %dma_start3A_1574 = arith.constant 0 : i32
    %dma_start3A_1575 = tpu.memref_slice %arg4[%mul3A_2, %dma_start3A_1566, %dma_start3A_1574] : memref<4096x50x64xf32, #tpu.memory_space<hbm>> -> memref<128x1x64xf32, #tpu.memory_space<hbm>>
    %dma_start3A_1576 = tpu.memref_squeeze %dma_start3A_1575 : memref<128x1x64xf32, #tpu.memory_space<hbm>> -> memref<128x64xf32, #tpu.memory_space<hbm>>
    %dma_start3A_1577 = arith.constant 0 : i32
    %dma_start3A_1578 = arith.constant 0 : i32
    %dma_start3A_1579 = tpu.memref_slice %arg6[%dma_start3A_1565, %dma_start3A_1577, %dma_start3A_1578] : memref<8x128x64xf32, #tpu.memory_space<vmem>> -> memref<1x128x64xf32, #tpu.memory_space<vmem>>
    %dma_start3A_1580 = tpu.memref_squeeze %dma_start3A_1579 : memref<1x128x64xf32, #tpu.memory_space<vmem>> -> memref<128x64xf32, #tpu.memory_space<vmem>>
    tpu.enqueue_dma source(%dma_start3A_1580 : memref<128x64xf32, #tpu.memory_space<vmem>>) target(%dma_start3A_1576 : memref<128x64xf32, #tpu.memory_space<hbm>>) target_semaphore(%arg19 : memref<!tpu.dma_semaphore, #tpu.memory_space<semaphore_mem>>)
    %dma_wait3A_1581 = arith.constant 0 : i32
    %dma_wait3A_1582 = arith.constant 0 : i32
    %dma_wait3A_1583 = arith.constant 0 : i32
    %dma_wait3A_1584 = arith.constant 0 : i32
    %dma_wait3A_1585 = tpu.memref_slice %arg6[%dma_wait3A_1581, %dma_wait3A_1583, %dma_wait3A_1584] : memref<8x128x64xf32, #tpu.memory_space<vmem>> -> memref<1x128x64xf32, #tpu.memory_space<vmem>>
    %dma_wait3A_1586 = tpu.memref_squeeze %dma_wait3A_1585 : memref<1x128x64xf32, #tpu.memory_space<vmem>> -> memref<128x64xf32, #tpu.memory_space<vmem>>
    %dma_wait3A_1587 = arith.constant 0 : i32
    %dma_wait3A_1588 = tpu.memref_slice %arg4[%mul3A_2, %dma_wait3A_1582, %dma_wait3A_1587] : memref<4096x50x64xf32, #tpu.memory_space<hbm>> -> memref<128x1x64xf32, #tpu.memory_space<hbm>>
    %dma_wait3A_1589 = tpu.memref_squeeze %dma_wait3A_1588 : memref<128x1x64xf32, #tpu.memory_space<hbm>> -> memref<128x64xf32, #tpu.memory_space<hbm>>
    %dma_wait3A_1590 = arith.constant 0 : i32
    %dma_wait3A_1591 = tpu.memref_slice %arg4[%mul3A_2, %dma_wait3A_1582, %dma_wait3A_1590] : memref<4096x50x64xf32, #tpu.memory_space<hbm>> -> memref<128x1x64xf32, #tpu.memory_space<hbm>>
    %dma_wait3A_1592 = tpu.memref_squeeze %dma_wait3A_1591 : memref<128x1x64xf32, #tpu.memory_space<hbm>> -> memref<128x64xf32, #tpu.memory_space<hbm>>
    %dma_wait3A_1593 = arith.constant 0 : i32
    %dma_wait3A_1594 = arith.constant 0 : i32
    %dma_wait3A_1595 = tpu.memref_slice %arg6[%dma_wait3A_1581, %dma_wait3A_1593, %dma_wait3A_1594] : memref<8x128x64xf32, #tpu.memory_space<vmem>> -> memref<1x128x64xf32, #tpu.memory_space<vmem>>
    %dma_wait3A_1596 = tpu.memref_squeeze %dma_wait3A_1595 : memref<1x128x64xf32, #tpu.memory_space<vmem>> -> memref<128x64xf32, #tpu.memory_space<vmem>>
    tpu.wait_dma2 semaphore(%arg15 : memref<!tpu.dma_semaphore, #tpu.memory_space<semaphore_mem>>) src(%dma_wait3A_1596 : memref<128x64xf32, #tpu.memory_space<vmem>>) dst(%dma_wait3A_1592 : memref<128x64xf32, #tpu.memory_space<hbm>>)
    %dma_start3A_1597 = arith.constant 32 : i32
    %dma_start3A_1598 = arith.constant 0 : i32
    %dma_start3A_1599 = arith.constant 0 : i32
    %dma_start3A_1600 = arith.constant 0 : i32
    %dma_start3A_1601 = tpu.memref_slice %arg6[%dma_start3A_1598, %dma_start3A_1599, %dma_start3A_1600] : memref<8x128x64xf32, #tpu.memory_space<vmem>> -> memref<1x128x64xf32, #tpu.memory_space<vmem>>
    %dma_start3A_1602 = tpu.memref_squeeze %dma_start3A_1601 : memref<1x128x64xf32, #tpu.memory_space<vmem>> -> memref<128x64xf32, #tpu.memory_space<vmem>>
    %dma_start3A_1603 = arith.constant 0 : i32
    %dma_start3A_1604 = tpu.memref_slice %arg5[%dma_start3A_1597, %dma_start3A_1603] : memref<50x128xi32, #tpu.memory_space<vmem>> -> memref<1x128xi32, #tpu.memory_space<vmem>>
    %dma_start3A_1605 = tpu.memref_squeeze %dma_start3A_1604 : memref<1x128xi32, #tpu.memory_space<vmem>> -> memref<128xi32, #tpu.memory_space<vmem>>
    %dma_start3A_1606 = arith.constant 0 : i32
    %dma_start3A_1607 = arith.constant 0 : i32
    %dma_start3A_1608 = tpu.memref_slice %arg3[%dma_start3A_1606, %dma_start3A_1607] : memref<1000000x64xf32, #tpu.memory_space<hbm>> -> memref<1000000x64xf32, #tpu.memory_space<hbm>>
    tpu.enqueue_indirect_dma source(%dma_start3A_1608 : memref<1000000x64xf32, #tpu.memory_space<hbm>>) target(%dma_start3A_1602 : memref<128x64xf32, #tpu.memory_space<vmem>>) offsets(%dma_start3A_1605 : memref<128xi32, #tpu.memory_space<vmem>>) semaphore(%arg7 : memref<!tpu.dma_semaphore, #tpu.memory_space<semaphore_mem>>)
    %dma_wait3A_1609 = arith.constant 29 : i32
    %dma_wait3A_1610 = arith.constant 5 : i32
    %dma_wait3A_1611 = arith.constant 0 : i32
    %dma_wait3A_1612 = arith.constant 0 : i32
    %dma_wait3A_1613 = tpu.memref_slice %arg6[%dma_wait3A_1610, %dma_wait3A_1611, %dma_wait3A_1612] : memref<8x128x64xf32, #tpu.memory_space<vmem>> -> memref<1x128x64xf32, #tpu.memory_space<vmem>>
    %dma_wait3A_1614 = tpu.memref_squeeze %dma_wait3A_1613 : memref<1x128x64xf32, #tpu.memory_space<vmem>> -> memref<128x64xf32, #tpu.memory_space<vmem>>
    %dma_wait3A_1615 = arith.constant 0 : i32
    %dma_wait3A_1616 = tpu.memref_slice %arg5[%dma_wait3A_1609, %dma_wait3A_1615] : memref<50x128xi32, #tpu.memory_space<vmem>> -> memref<1x128xi32, #tpu.memory_space<vmem>>
    %dma_wait3A_1617 = tpu.memref_squeeze %dma_wait3A_1616 : memref<1x128xi32, #tpu.memory_space<vmem>> -> memref<128xi32, #tpu.memory_space<vmem>>
    %dma_wait3A_1618 = arith.constant 0 : i32
    %dma_wait3A_1619 = arith.constant 0 : i32
    %dma_wait3A_1620 = tpu.memref_slice %arg3[%dma_wait3A_1618, %dma_wait3A_1619] : memref<1000000x64xf32, #tpu.memory_space<hbm>> -> memref<1000000x64xf32, #tpu.memory_space<hbm>>
    tpu.wait_indirect_dma semaphore(%arg12 : memref<!tpu.dma_semaphore, #tpu.memory_space<semaphore_mem>>) src(%dma_wait3A_1620 : memref<1000000x64xf32, #tpu.memory_space<hbm>>) dst(%dma_wait3A_1614 : memref<128x64xf32, #tpu.memory_space<vmem>>)
    %dma_start3A_1621 = arith.constant 5 : i32
    %dma_start3A_1622 = arith.constant 29 : i32
    %dma_start3A_1623 = arith.constant 0 : i32
    %dma_start3A_1624 = arith.constant 0 : i32
    %dma_start3A_1625 = tpu.memref_slice %arg6[%dma_start3A_1621, %dma_start3A_1623, %dma_start3A_1624] : memref<8x128x64xf32, #tpu.memory_space<vmem>> -> memref<1x128x64xf32, #tpu.memory_space<vmem>>
    %dma_start3A_1626 = tpu.memref_squeeze %dma_start3A_1625 : memref<1x128x64xf32, #tpu.memory_space<vmem>> -> memref<128x64xf32, #tpu.memory_space<vmem>>
    %dma_start3A_1627 = arith.constant 0 : i32
    %dma_start3A_1628 = tpu.memref_slice %arg4[%mul3A_2, %dma_start3A_1622, %dma_start3A_1627] : memref<4096x50x64xf32, #tpu.memory_space<hbm>> -> memref<128x1x64xf32, #tpu.memory_space<hbm>>
    %dma_start3A_1629 = tpu.memref_squeeze %dma_start3A_1628 : memref<128x1x64xf32, #tpu.memory_space<hbm>> -> memref<128x64xf32, #tpu.memory_space<hbm>>
    %dma_start3A_1630 = arith.constant 0 : i32
    %dma_start3A_1631 = tpu.memref_slice %arg4[%mul3A_2, %dma_start3A_1622, %dma_start3A_1630] : memref<4096x50x64xf32, #tpu.memory_space<hbm>> -> memref<128x1x64xf32, #tpu.memory_space<hbm>>
    %dma_start3A_1632 = tpu.memref_squeeze %dma_start3A_1631 : memref<128x1x64xf32, #tpu.memory_space<hbm>> -> memref<128x64xf32, #tpu.memory_space<hbm>>
    %dma_start3A_1633 = arith.constant 0 : i32
    %dma_start3A_1634 = arith.constant 0 : i32
    %dma_start3A_1635 = tpu.memref_slice %arg6[%dma_start3A_1621, %dma_start3A_1633, %dma_start3A_1634] : memref<8x128x64xf32, #tpu.memory_space<vmem>> -> memref<1x128x64xf32, #tpu.memory_space<vmem>>
    %dma_start3A_1636 = tpu.memref_squeeze %dma_start3A_1635 : memref<1x128x64xf32, #tpu.memory_space<vmem>> -> memref<128x64xf32, #tpu.memory_space<vmem>>
    tpu.enqueue_dma source(%dma_start3A_1636 : memref<128x64xf32, #tpu.memory_space<vmem>>) target(%dma_start3A_1632 : memref<128x64xf32, #tpu.memory_space<hbm>>) target_semaphore(%arg20 : memref<!tpu.dma_semaphore, #tpu.memory_space<semaphore_mem>>)
    %dma_wait3A_1637 = arith.constant 1 : i32
    %dma_wait3A_1638 = arith.constant 0 : i32
    %dma_wait3A_1639 = arith.constant 0 : i32
    %dma_wait3A_1640 = arith.constant 0 : i32
    %dma_wait3A_1641 = tpu.memref_slice %arg6[%dma_wait3A_1637, %dma_wait3A_1639, %dma_wait3A_1640] : memref<8x128x64xf32, #tpu.memory_space<vmem>> -> memref<1x128x64xf32, #tpu.memory_space<vmem>>
    %dma_wait3A_1642 = tpu.memref_squeeze %dma_wait3A_1641 : memref<1x128x64xf32, #tpu.memory_space<vmem>> -> memref<128x64xf32, #tpu.memory_space<vmem>>
    %dma_wait3A_1643 = arith.constant 0 : i32
    %dma_wait3A_1644 = tpu.memref_slice %arg4[%mul3A_2, %dma_wait3A_1638, %dma_wait3A_1643] : memref<4096x50x64xf32, #tpu.memory_space<hbm>> -> memref<128x1x64xf32, #tpu.memory_space<hbm>>
    %dma_wait3A_1645 = tpu.memref_squeeze %dma_wait3A_1644 : memref<128x1x64xf32, #tpu.memory_space<hbm>> -> memref<128x64xf32, #tpu.memory_space<hbm>>
    %dma_wait3A_1646 = arith.constant 0 : i32
    %dma_wait3A_1647 = tpu.memref_slice %arg4[%mul3A_2, %dma_wait3A_1638, %dma_wait3A_1646] : memref<4096x50x64xf32, #tpu.memory_space<hbm>> -> memref<128x1x64xf32, #tpu.memory_space<hbm>>
    %dma_wait3A_1648 = tpu.memref_squeeze %dma_wait3A_1647 : memref<128x1x64xf32, #tpu.memory_space<hbm>> -> memref<128x64xf32, #tpu.memory_space<hbm>>
    %dma_wait3A_1649 = arith.constant 0 : i32
    %dma_wait3A_1650 = arith.constant 0 : i32
    %dma_wait3A_1651 = tpu.memref_slice %arg6[%dma_wait3A_1637, %dma_wait3A_1649, %dma_wait3A_1650] : memref<8x128x64xf32, #tpu.memory_space<vmem>> -> memref<1x128x64xf32, #tpu.memory_space<vmem>>
    %dma_wait3A_1652 = tpu.memref_squeeze %dma_wait3A_1651 : memref<1x128x64xf32, #tpu.memory_space<vmem>> -> memref<128x64xf32, #tpu.memory_space<vmem>>
    tpu.wait_dma2 semaphore(%arg16 : memref<!tpu.dma_semaphore, #tpu.memory_space<semaphore_mem>>) src(%dma_wait3A_1652 : memref<128x64xf32, #tpu.memory_space<vmem>>) dst(%dma_wait3A_1648 : memref<128x64xf32, #tpu.memory_space<hbm>>)
    %dma_start3A_1653 = arith.constant 33 : i32
    %dma_start3A_1654 = arith.constant 1 : i32
    %dma_start3A_1655 = arith.constant 0 : i32
    %dma_start3A_1656 = arith.constant 0 : i32
    %dma_start3A_1657 = tpu.memref_slice %arg6[%dma_start3A_1654, %dma_start3A_1655, %dma_start3A_1656] : memref<8x128x64xf32, #tpu.memory_space<vmem>> -> memref<1x128x64xf32, #tpu.memory_space<vmem>>
    %dma_start3A_1658 = tpu.memref_squeeze %dma_start3A_1657 : memref<1x128x64xf32, #tpu.memory_space<vmem>> -> memref<128x64xf32, #tpu.memory_space<vmem>>
    %dma_start3A_1659 = arith.constant 0 : i32
    %dma_start3A_1660 = tpu.memref_slice %arg5[%dma_start3A_1653, %dma_start3A_1659] : memref<50x128xi32, #tpu.memory_space<vmem>> -> memref<1x128xi32, #tpu.memory_space<vmem>>
    %dma_start3A_1661 = tpu.memref_squeeze %dma_start3A_1660 : memref<1x128xi32, #tpu.memory_space<vmem>> -> memref<128xi32, #tpu.memory_space<vmem>>
    %dma_start3A_1662 = arith.constant 0 : i32
    %dma_start3A_1663 = arith.constant 0 : i32
    %dma_start3A_1664 = tpu.memref_slice %arg3[%dma_start3A_1662, %dma_start3A_1663] : memref<1000000x64xf32, #tpu.memory_space<hbm>> -> memref<1000000x64xf32, #tpu.memory_space<hbm>>
    tpu.enqueue_indirect_dma source(%dma_start3A_1664 : memref<1000000x64xf32, #tpu.memory_space<hbm>>) target(%dma_start3A_1658 : memref<128x64xf32, #tpu.memory_space<vmem>>) offsets(%dma_start3A_1661 : memref<128xi32, #tpu.memory_space<vmem>>) semaphore(%arg8 : memref<!tpu.dma_semaphore, #tpu.memory_space<semaphore_mem>>)
    %dma_wait3A_1665 = arith.constant 30 : i32
    %dma_wait3A_1666 = arith.constant 6 : i32
    %dma_wait3A_1667 = arith.constant 0 : i32
    %dma_wait3A_1668 = arith.constant 0 : i32
    %dma_wait3A_1669 = tpu.memref_slice %arg6[%dma_wait3A_1666, %dma_wait3A_1667, %dma_wait3A_1668] : memref<8x128x64xf32, #tpu.memory_space<vmem>> -> memref<1x128x64xf32, #tpu.memory_space<vmem>>
    %dma_wait3A_1670 = tpu.memref_squeeze %dma_wait3A_1669 : memref<1x128x64xf32, #tpu.memory_space<vmem>> -> memref<128x64xf32, #tpu.memory_space<vmem>>
    %dma_wait3A_1671 = arith.constant 0 : i32
    %dma_wait3A_1672 = tpu.memref_slice %arg5[%dma_wait3A_1665, %dma_wait3A_1671] : memref<50x128xi32, #tpu.memory_space<vmem>> -> memref<1x128xi32, #tpu.memory_space<vmem>>
    %dma_wait3A_1673 = tpu.memref_squeeze %dma_wait3A_1672 : memref<1x128xi32, #tpu.memory_space<vmem>> -> memref<128xi32, #tpu.memory_space<vmem>>
    %dma_wait3A_1674 = arith.constant 0 : i32
    %dma_wait3A_1675 = arith.constant 0 : i32
    %dma_wait3A_1676 = tpu.memref_slice %arg3[%dma_wait3A_1674, %dma_wait3A_1675] : memref<1000000x64xf32, #tpu.memory_space<hbm>> -> memref<1000000x64xf32, #tpu.memory_space<hbm>>
    tpu.wait_indirect_dma semaphore(%arg13 : memref<!tpu.dma_semaphore, #tpu.memory_space<semaphore_mem>>) src(%dma_wait3A_1676 : memref<1000000x64xf32, #tpu.memory_space<hbm>>) dst(%dma_wait3A_1670 : memref<128x64xf32, #tpu.memory_space<vmem>>)
    %dma_start3A_1677 = arith.constant 6 : i32
    %dma_start3A_1678 = arith.constant 30 : i32
    %dma_start3A_1679 = arith.constant 0 : i32
    %dma_start3A_1680 = arith.constant 0 : i32
    %dma_start3A_1681 = tpu.memref_slice %arg6[%dma_start3A_1677, %dma_start3A_1679, %dma_start3A_1680] : memref<8x128x64xf32, #tpu.memory_space<vmem>> -> memref<1x128x64xf32, #tpu.memory_space<vmem>>
    %dma_start3A_1682 = tpu.memref_squeeze %dma_start3A_1681 : memref<1x128x64xf32, #tpu.memory_space<vmem>> -> memref<128x64xf32, #tpu.memory_space<vmem>>
    %dma_start3A_1683 = arith.constant 0 : i32
    %dma_start3A_1684 = tpu.memref_slice %arg4[%mul3A_2, %dma_start3A_1678, %dma_start3A_1683] : memref<4096x50x64xf32, #tpu.memory_space<hbm>> -> memref<128x1x64xf32, #tpu.memory_space<hbm>>
    %dma_start3A_1685 = tpu.memref_squeeze %dma_start3A_1684 : memref<128x1x64xf32, #tpu.memory_space<hbm>> -> memref<128x64xf32, #tpu.memory_space<hbm>>
    %dma_start3A_1686 = arith.constant 0 : i32
    %dma_start3A_1687 = tpu.memref_slice %arg4[%mul3A_2, %dma_start3A_1678, %dma_start3A_1686] : memref<4096x50x64xf32, #tpu.memory_space<hbm>> -> memref<128x1x64xf32, #tpu.memory_space<hbm>>
    %dma_start3A_1688 = tpu.memref_squeeze %dma_start3A_1687 : memref<128x1x64xf32, #tpu.memory_space<hbm>> -> memref<128x64xf32, #tpu.memory_space<hbm>>
    %dma_start3A_1689 = arith.constant 0 : i32
    %dma_start3A_1690 = arith.constant 0 : i32
    %dma_start3A_1691 = tpu.memref_slice %arg6[%dma_start3A_1677, %dma_start3A_1689, %dma_start3A_1690] : memref<8x128x64xf32, #tpu.memory_space<vmem>> -> memref<1x128x64xf32, #tpu.memory_space<vmem>>
    %dma_start3A_1692 = tpu.memref_squeeze %dma_start3A_1691 : memref<1x128x64xf32, #tpu.memory_space<vmem>> -> memref<128x64xf32, #tpu.memory_space<vmem>>
    tpu.enqueue_dma source(%dma_start3A_1692 : memref<128x64xf32, #tpu.memory_space<vmem>>) target(%dma_start3A_1688 : memref<128x64xf32, #tpu.memory_space<hbm>>) target_semaphore(%arg21 : memref<!tpu.dma_semaphore, #tpu.memory_space<semaphore_mem>>)
    %dma_wait3A_1693 = arith.constant 2 : i32
    %dma_wait3A_1694 = arith.constant 0 : i32
    %dma_wait3A_1695 = arith.constant 0 : i32
    %dma_wait3A_1696 = arith.constant 0 : i32
    %dma_wait3A_1697 = tpu.memref_slice %arg6[%dma_wait3A_1693, %dma_wait3A_1695, %dma_wait3A_1696] : memref<8x128x64xf32, #tpu.memory_space<vmem>> -> memref<1x128x64xf32, #tpu.memory_space<vmem>>
    %dma_wait3A_1698 = tpu.memref_squeeze %dma_wait3A_1697 : memref<1x128x64xf32, #tpu.memory_space<vmem>> -> memref<128x64xf32, #tpu.memory_space<vmem>>
    %dma_wait3A_1699 = arith.constant 0 : i32
    %dma_wait3A_1700 = tpu.memref_slice %arg4[%mul3A_2, %dma_wait3A_1694, %dma_wait3A_1699] : memref<4096x50x64xf32, #tpu.memory_space<hbm>> -> memref<128x1x64xf32, #tpu.memory_space<hbm>>
    %dma_wait3A_1701 = tpu.memref_squeeze %dma_wait3A_1700 : memref<128x1x64xf32, #tpu.memory_space<hbm>> -> memref<128x64xf32, #tpu.memory_space<hbm>>
    %dma_wait3A_1702 = arith.constant 0 : i32
    %dma_wait3A_1703 = tpu.memref_slice %arg4[%mul3A_2, %dma_wait3A_1694, %dma_wait3A_1702] : memref<4096x50x64xf32, #tpu.memory_space<hbm>> -> memref<128x1x64xf32, #tpu.memory_space<hbm>>
    %dma_wait3A_1704 = tpu.memref_squeeze %dma_wait3A_1703 : memref<128x1x64xf32, #tpu.memory_space<hbm>> -> memref<128x64xf32, #tpu.memory_space<hbm>>
    %dma_wait3A_1705 = arith.constant 0 : i32
    %dma_wait3A_1706 = arith.constant 0 : i32
    %dma_wait3A_1707 = tpu.memref_slice %arg6[%dma_wait3A_1693, %dma_wait3A_1705, %dma_wait3A_1706] : memref<8x128x64xf32, #tpu.memory_space<vmem>> -> memref<1x128x64xf32, #tpu.memory_space<vmem>>
    %dma_wait3A_1708 = tpu.memref_squeeze %dma_wait3A_1707 : memref<1x128x64xf32, #tpu.memory_space<vmem>> -> memref<128x64xf32, #tpu.memory_space<vmem>>
    tpu.wait_dma2 semaphore(%arg17 : memref<!tpu.dma_semaphore, #tpu.memory_space<semaphore_mem>>) src(%dma_wait3A_1708 : memref<128x64xf32, #tpu.memory_space<vmem>>) dst(%dma_wait3A_1704 : memref<128x64xf32, #tpu.memory_space<hbm>>)
    %dma_start3A_1709 = arith.constant 34 : i32
    %dma_start3A_1710 = arith.constant 2 : i32
    %dma_start3A_1711 = arith.constant 0 : i32
    %dma_start3A_1712 = arith.constant 0 : i32
    %dma_start3A_1713 = tpu.memref_slice %arg6[%dma_start3A_1710, %dma_start3A_1711, %dma_start3A_1712] : memref<8x128x64xf32, #tpu.memory_space<vmem>> -> memref<1x128x64xf32, #tpu.memory_space<vmem>>
    %dma_start3A_1714 = tpu.memref_squeeze %dma_start3A_1713 : memref<1x128x64xf32, #tpu.memory_space<vmem>> -> memref<128x64xf32, #tpu.memory_space<vmem>>
    %dma_start3A_1715 = arith.constant 0 : i32
    %dma_start3A_1716 = tpu.memref_slice %arg5[%dma_start3A_1709, %dma_start3A_1715] : memref<50x128xi32, #tpu.memory_space<vmem>> -> memref<1x128xi32, #tpu.memory_space<vmem>>
    %dma_start3A_1717 = tpu.memref_squeeze %dma_start3A_1716 : memref<1x128xi32, #tpu.memory_space<vmem>> -> memref<128xi32, #tpu.memory_space<vmem>>
    %dma_start3A_1718 = arith.constant 0 : i32
    %dma_start3A_1719 = arith.constant 0 : i32
    %dma_start3A_1720 = tpu.memref_slice %arg3[%dma_start3A_1718, %dma_start3A_1719] : memref<1000000x64xf32, #tpu.memory_space<hbm>> -> memref<1000000x64xf32, #tpu.memory_space<hbm>>
    tpu.enqueue_indirect_dma source(%dma_start3A_1720 : memref<1000000x64xf32, #tpu.memory_space<hbm>>) target(%dma_start3A_1714 : memref<128x64xf32, #tpu.memory_space<vmem>>) offsets(%dma_start3A_1717 : memref<128xi32, #tpu.memory_space<vmem>>) semaphore(%arg9 : memref<!tpu.dma_semaphore, #tpu.memory_space<semaphore_mem>>)
    %dma_wait3A_1721 = arith.constant 31 : i32
    %dma_wait3A_1722 = arith.constant 7 : i32
    %dma_wait3A_1723 = arith.constant 0 : i32
    %dma_wait3A_1724 = arith.constant 0 : i32
    %dma_wait3A_1725 = tpu.memref_slice %arg6[%dma_wait3A_1722, %dma_wait3A_1723, %dma_wait3A_1724] : memref<8x128x64xf32, #tpu.memory_space<vmem>> -> memref<1x128x64xf32, #tpu.memory_space<vmem>>
    %dma_wait3A_1726 = tpu.memref_squeeze %dma_wait3A_1725 : memref<1x128x64xf32, #tpu.memory_space<vmem>> -> memref<128x64xf32, #tpu.memory_space<vmem>>
    %dma_wait3A_1727 = arith.constant 0 : i32
    %dma_wait3A_1728 = tpu.memref_slice %arg5[%dma_wait3A_1721, %dma_wait3A_1727] : memref<50x128xi32, #tpu.memory_space<vmem>> -> memref<1x128xi32, #tpu.memory_space<vmem>>
    %dma_wait3A_1729 = tpu.memref_squeeze %dma_wait3A_1728 : memref<1x128xi32, #tpu.memory_space<vmem>> -> memref<128xi32, #tpu.memory_space<vmem>>
    %dma_wait3A_1730 = arith.constant 0 : i32
    %dma_wait3A_1731 = arith.constant 0 : i32
    %dma_wait3A_1732 = tpu.memref_slice %arg3[%dma_wait3A_1730, %dma_wait3A_1731] : memref<1000000x64xf32, #tpu.memory_space<hbm>> -> memref<1000000x64xf32, #tpu.memory_space<hbm>>
    tpu.wait_indirect_dma semaphore(%arg14 : memref<!tpu.dma_semaphore, #tpu.memory_space<semaphore_mem>>) src(%dma_wait3A_1732 : memref<1000000x64xf32, #tpu.memory_space<hbm>>) dst(%dma_wait3A_1726 : memref<128x64xf32, #tpu.memory_space<vmem>>)
    %dma_start3A_1733 = arith.constant 7 : i32
    %dma_start3A_1734 = arith.constant 31 : i32
    %dma_start3A_1735 = arith.constant 0 : i32
    %dma_start3A_1736 = arith.constant 0 : i32
    %dma_start3A_1737 = tpu.memref_slice %arg6[%dma_start3A_1733, %dma_start3A_1735, %dma_start3A_1736] : memref<8x128x64xf32, #tpu.memory_space<vmem>> -> memref<1x128x64xf32, #tpu.memory_space<vmem>>
    %dma_start3A_1738 = tpu.memref_squeeze %dma_start3A_1737 : memref<1x128x64xf32, #tpu.memory_space<vmem>> -> memref<128x64xf32, #tpu.memory_space<vmem>>
    %dma_start3A_1739 = arith.constant 0 : i32
    %dma_start3A_1740 = tpu.memref_slice %arg4[%mul3A_2, %dma_start3A_1734, %dma_start3A_1739] : memref<4096x50x64xf32, #tpu.memory_space<hbm>> -> memref<128x1x64xf32, #tpu.memory_space<hbm>>
    %dma_start3A_1741 = tpu.memref_squeeze %dma_start3A_1740 : memref<128x1x64xf32, #tpu.memory_space<hbm>> -> memref<128x64xf32, #tpu.memory_space<hbm>>
    %dma_start3A_1742 = arith.constant 0 : i32
    %dma_start3A_1743 = tpu.memref_slice %arg4[%mul3A_2, %dma_start3A_1734, %dma_start3A_1742] : memref<4096x50x64xf32, #tpu.memory_space<hbm>> -> memref<128x1x64xf32, #tpu.memory_space<hbm>>
    %dma_start3A_1744 = tpu.memref_squeeze %dma_start3A_1743 : memref<128x1x64xf32, #tpu.memory_space<hbm>> -> memref<128x64xf32, #tpu.memory_space<hbm>>
    %dma_start3A_1745 = arith.constant 0 : i32
    %dma_start3A_1746 = arith.constant 0 : i32
    %dma_start3A_1747 = tpu.memref_slice %arg6[%dma_start3A_1733, %dma_start3A_1745, %dma_start3A_1746] : memref<8x128x64xf32, #tpu.memory_space<vmem>> -> memref<1x128x64xf32, #tpu.memory_space<vmem>>
    %dma_start3A_1748 = tpu.memref_squeeze %dma_start3A_1747 : memref<1x128x64xf32, #tpu.memory_space<vmem>> -> memref<128x64xf32, #tpu.memory_space<vmem>>
    tpu.enqueue_dma source(%dma_start3A_1748 : memref<128x64xf32, #tpu.memory_space<vmem>>) target(%dma_start3A_1744 : memref<128x64xf32, #tpu.memory_space<hbm>>) target_semaphore(%arg22 : memref<!tpu.dma_semaphore, #tpu.memory_space<semaphore_mem>>)
    %dma_wait3A_1749 = arith.constant 3 : i32
    %dma_wait3A_1750 = arith.constant 0 : i32
    %dma_wait3A_1751 = arith.constant 0 : i32
    %dma_wait3A_1752 = arith.constant 0 : i32
    %dma_wait3A_1753 = tpu.memref_slice %arg6[%dma_wait3A_1749, %dma_wait3A_1751, %dma_wait3A_1752] : memref<8x128x64xf32, #tpu.memory_space<vmem>> -> memref<1x128x64xf32, #tpu.memory_space<vmem>>
    %dma_wait3A_1754 = tpu.memref_squeeze %dma_wait3A_1753 : memref<1x128x64xf32, #tpu.memory_space<vmem>> -> memref<128x64xf32, #tpu.memory_space<vmem>>
    %dma_wait3A_1755 = arith.constant 0 : i32
    %dma_wait3A_1756 = tpu.memref_slice %arg4[%mul3A_2, %dma_wait3A_1750, %dma_wait3A_1755] : memref<4096x50x64xf32, #tpu.memory_space<hbm>> -> memref<128x1x64xf32, #tpu.memory_space<hbm>>
    %dma_wait3A_1757 = tpu.memref_squeeze %dma_wait3A_1756 : memref<128x1x64xf32, #tpu.memory_space<hbm>> -> memref<128x64xf32, #tpu.memory_space<hbm>>
    %dma_wait3A_1758 = arith.constant 0 : i32
    %dma_wait3A_1759 = tpu.memref_slice %arg4[%mul3A_2, %dma_wait3A_1750, %dma_wait3A_1758] : memref<4096x50x64xf32, #tpu.memory_space<hbm>> -> memref<128x1x64xf32, #tpu.memory_space<hbm>>
    %dma_wait3A_1760 = tpu.memref_squeeze %dma_wait3A_1759 : memref<128x1x64xf32, #tpu.memory_space<hbm>> -> memref<128x64xf32, #tpu.memory_space<hbm>>
    %dma_wait3A_1761 = arith.constant 0 : i32
    %dma_wait3A_1762 = arith.constant 0 : i32
    %dma_wait3A_1763 = tpu.memref_slice %arg6[%dma_wait3A_1749, %dma_wait3A_1761, %dma_wait3A_1762] : memref<8x128x64xf32, #tpu.memory_space<vmem>> -> memref<1x128x64xf32, #tpu.memory_space<vmem>>
    %dma_wait3A_1764 = tpu.memref_squeeze %dma_wait3A_1763 : memref<1x128x64xf32, #tpu.memory_space<vmem>> -> memref<128x64xf32, #tpu.memory_space<vmem>>
    tpu.wait_dma2 semaphore(%arg18 : memref<!tpu.dma_semaphore, #tpu.memory_space<semaphore_mem>>) src(%dma_wait3A_1764 : memref<128x64xf32, #tpu.memory_space<vmem>>) dst(%dma_wait3A_1760 : memref<128x64xf32, #tpu.memory_space<hbm>>)
    %dma_start3A_1765 = arith.constant 35 : i32
    %dma_start3A_1766 = arith.constant 3 : i32
    %dma_start3A_1767 = arith.constant 0 : i32
    %dma_start3A_1768 = arith.constant 0 : i32
    %dma_start3A_1769 = tpu.memref_slice %arg6[%dma_start3A_1766, %dma_start3A_1767, %dma_start3A_1768] : memref<8x128x64xf32, #tpu.memory_space<vmem>> -> memref<1x128x64xf32, #tpu.memory_space<vmem>>
    %dma_start3A_1770 = tpu.memref_squeeze %dma_start3A_1769 : memref<1x128x64xf32, #tpu.memory_space<vmem>> -> memref<128x64xf32, #tpu.memory_space<vmem>>
    %dma_start3A_1771 = arith.constant 0 : i32
    %dma_start3A_1772 = tpu.memref_slice %arg5[%dma_start3A_1765, %dma_start3A_1771] : memref<50x128xi32, #tpu.memory_space<vmem>> -> memref<1x128xi32, #tpu.memory_space<vmem>>
    %dma_start3A_1773 = tpu.memref_squeeze %dma_start3A_1772 : memref<1x128xi32, #tpu.memory_space<vmem>> -> memref<128xi32, #tpu.memory_space<vmem>>
    %dma_start3A_1774 = arith.constant 0 : i32
    %dma_start3A_1775 = arith.constant 0 : i32
    %dma_start3A_1776 = tpu.memref_slice %arg3[%dma_start3A_1774, %dma_start3A_1775] : memref<1000000x64xf32, #tpu.memory_space<hbm>> -> memref<1000000x64xf32, #tpu.memory_space<hbm>>
    tpu.enqueue_indirect_dma source(%dma_start3A_1776 : memref<1000000x64xf32, #tpu.memory_space<hbm>>) target(%dma_start3A_1770 : memref<128x64xf32, #tpu.memory_space<vmem>>) offsets(%dma_start3A_1773 : memref<128xi32, #tpu.memory_space<vmem>>) semaphore(%arg10 : memref<!tpu.dma_semaphore, #tpu.memory_space<semaphore_mem>>)
    %dma_wait3A_1777 = arith.constant 32 : i32
    %dma_wait3A_1778 = arith.constant 0 : i32
    %dma_wait3A_1779 = arith.constant 0 : i32
    %dma_wait3A_1780 = arith.constant 0 : i32
    %dma_wait3A_1781 = tpu.memref_slice %arg6[%dma_wait3A_1778, %dma_wait3A_1779, %dma_wait3A_1780] : memref<8x128x64xf32, #tpu.memory_space<vmem>> -> memref<1x128x64xf32, #tpu.memory_space<vmem>>
    %dma_wait3A_1782 = tpu.memref_squeeze %dma_wait3A_1781 : memref<1x128x64xf32, #tpu.memory_space<vmem>> -> memref<128x64xf32, #tpu.memory_space<vmem>>
    %dma_wait3A_1783 = arith.constant 0 : i32
    %dma_wait3A_1784 = tpu.memref_slice %arg5[%dma_wait3A_1777, %dma_wait3A_1783] : memref<50x128xi32, #tpu.memory_space<vmem>> -> memref<1x128xi32, #tpu.memory_space<vmem>>
    %dma_wait3A_1785 = tpu.memref_squeeze %dma_wait3A_1784 : memref<1x128xi32, #tpu.memory_space<vmem>> -> memref<128xi32, #tpu.memory_space<vmem>>
    %dma_wait3A_1786 = arith.constant 0 : i32
    %dma_wait3A_1787 = arith.constant 0 : i32
    %dma_wait3A_1788 = tpu.memref_slice %arg3[%dma_wait3A_1786, %dma_wait3A_1787] : memref<1000000x64xf32, #tpu.memory_space<hbm>> -> memref<1000000x64xf32, #tpu.memory_space<hbm>>
    tpu.wait_indirect_dma semaphore(%arg7 : memref<!tpu.dma_semaphore, #tpu.memory_space<semaphore_mem>>) src(%dma_wait3A_1788 : memref<1000000x64xf32, #tpu.memory_space<hbm>>) dst(%dma_wait3A_1782 : memref<128x64xf32, #tpu.memory_space<vmem>>)
    %dma_start3A_1789 = arith.constant 0 : i32
    %dma_start3A_1790 = arith.constant 32 : i32
    %dma_start3A_1791 = arith.constant 0 : i32
    %dma_start3A_1792 = arith.constant 0 : i32
    %dma_start3A_1793 = tpu.memref_slice %arg6[%dma_start3A_1789, %dma_start3A_1791, %dma_start3A_1792] : memref<8x128x64xf32, #tpu.memory_space<vmem>> -> memref<1x128x64xf32, #tpu.memory_space<vmem>>
    %dma_start3A_1794 = tpu.memref_squeeze %dma_start3A_1793 : memref<1x128x64xf32, #tpu.memory_space<vmem>> -> memref<128x64xf32, #tpu.memory_space<vmem>>
    %dma_start3A_1795 = arith.constant 0 : i32
    %dma_start3A_1796 = tpu.memref_slice %arg4[%mul3A_2, %dma_start3A_1790, %dma_start3A_1795] : memref<4096x50x64xf32, #tpu.memory_space<hbm>> -> memref<128x1x64xf32, #tpu.memory_space<hbm>>
    %dma_start3A_1797 = tpu.memref_squeeze %dma_start3A_1796 : memref<128x1x64xf32, #tpu.memory_space<hbm>> -> memref<128x64xf32, #tpu.memory_space<hbm>>
    %dma_start3A_1798 = arith.constant 0 : i32
    %dma_start3A_1799 = tpu.memref_slice %arg4[%mul3A_2, %dma_start3A_1790, %dma_start3A_1798] : memref<4096x50x64xf32, #tpu.memory_space<hbm>> -> memref<128x1x64xf32, #tpu.memory_space<hbm>>
    %dma_start3A_1800 = tpu.memref_squeeze %dma_start3A_1799 : memref<128x1x64xf32, #tpu.memory_space<hbm>> -> memref<128x64xf32, #tpu.memory_space<hbm>>
    %dma_start3A_1801 = arith.constant 0 : i32
    %dma_start3A_1802 = arith.constant 0 : i32
    %dma_start3A_1803 = tpu.memref_slice %arg6[%dma_start3A_1789, %dma_start3A_1801, %dma_start3A_1802] : memref<8x128x64xf32, #tpu.memory_space<vmem>> -> memref<1x128x64xf32, #tpu.memory_space<vmem>>
    %dma_start3A_1804 = tpu.memref_squeeze %dma_start3A_1803 : memref<1x128x64xf32, #tpu.memory_space<vmem>> -> memref<128x64xf32, #tpu.memory_space<vmem>>
    tpu.enqueue_dma source(%dma_start3A_1804 : memref<128x64xf32, #tpu.memory_space<vmem>>) target(%dma_start3A_1800 : memref<128x64xf32, #tpu.memory_space<hbm>>) target_semaphore(%arg15 : memref<!tpu.dma_semaphore, #tpu.memory_space<semaphore_mem>>)
    %dma_wait3A_1805 = arith.constant 4 : i32
    %dma_wait3A_1806 = arith.constant 0 : i32
    %dma_wait3A_1807 = arith.constant 0 : i32
    %dma_wait3A_1808 = arith.constant 0 : i32
    %dma_wait3A_1809 = tpu.memref_slice %arg6[%dma_wait3A_1805, %dma_wait3A_1807, %dma_wait3A_1808] : memref<8x128x64xf32, #tpu.memory_space<vmem>> -> memref<1x128x64xf32, #tpu.memory_space<vmem>>
    %dma_wait3A_1810 = tpu.memref_squeeze %dma_wait3A_1809 : memref<1x128x64xf32, #tpu.memory_space<vmem>> -> memref<128x64xf32, #tpu.memory_space<vmem>>
    %dma_wait3A_1811 = arith.constant 0 : i32
    %dma_wait3A_1812 = tpu.memref_slice %arg4[%mul3A_2, %dma_wait3A_1806, %dma_wait3A_1811] : memref<4096x50x64xf32, #tpu.memory_space<hbm>> -> memref<128x1x64xf32, #tpu.memory_space<hbm>>
    %dma_wait3A_1813 = tpu.memref_squeeze %dma_wait3A_1812 : memref<128x1x64xf32, #tpu.memory_space<hbm>> -> memref<128x64xf32, #tpu.memory_space<hbm>>
    %dma_wait3A_1814 = arith.constant 0 : i32
    %dma_wait3A_1815 = tpu.memref_slice %arg4[%mul3A_2, %dma_wait3A_1806, %dma_wait3A_1814] : memref<4096x50x64xf32, #tpu.memory_space<hbm>> -> memref<128x1x64xf32, #tpu.memory_space<hbm>>
    %dma_wait3A_1816 = tpu.memref_squeeze %dma_wait3A_1815 : memref<128x1x64xf32, #tpu.memory_space<hbm>> -> memref<128x64xf32, #tpu.memory_space<hbm>>
    %dma_wait3A_1817 = arith.constant 0 : i32
    %dma_wait3A_1818 = arith.constant 0 : i32
    %dma_wait3A_1819 = tpu.memref_slice %arg6[%dma_wait3A_1805, %dma_wait3A_1817, %dma_wait3A_1818] : memref<8x128x64xf32, #tpu.memory_space<vmem>> -> memref<1x128x64xf32, #tpu.memory_space<vmem>>
    %dma_wait3A_1820 = tpu.memref_squeeze %dma_wait3A_1819 : memref<1x128x64xf32, #tpu.memory_space<vmem>> -> memref<128x64xf32, #tpu.memory_space<vmem>>
    tpu.wait_dma2 semaphore(%arg19 : memref<!tpu.dma_semaphore, #tpu.memory_space<semaphore_mem>>) src(%dma_wait3A_1820 : memref<128x64xf32, #tpu.memory_space<vmem>>) dst(%dma_wait3A_1816 : memref<128x64xf32, #tpu.memory_space<hbm>>)
    %dma_start3A_1821 = arith.constant 36 : i32
    %dma_start3A_1822 = arith.constant 4 : i32
    %dma_start3A_1823 = arith.constant 0 : i32
    %dma_start3A_1824 = arith.constant 0 : i32
    %dma_start3A_1825 = tpu.memref_slice %arg6[%dma_start3A_1822, %dma_start3A_1823, %dma_start3A_1824] : memref<8x128x64xf32, #tpu.memory_space<vmem>> -> memref<1x128x64xf32, #tpu.memory_space<vmem>>
    %dma_start3A_1826 = tpu.memref_squeeze %dma_start3A_1825 : memref<1x128x64xf32, #tpu.memory_space<vmem>> -> memref<128x64xf32, #tpu.memory_space<vmem>>
    %dma_start3A_1827 = arith.constant 0 : i32
    %dma_start3A_1828 = tpu.memref_slice %arg5[%dma_start3A_1821, %dma_start3A_1827] : memref<50x128xi32, #tpu.memory_space<vmem>> -> memref<1x128xi32, #tpu.memory_space<vmem>>
    %dma_start3A_1829 = tpu.memref_squeeze %dma_start3A_1828 : memref<1x128xi32, #tpu.memory_space<vmem>> -> memref<128xi32, #tpu.memory_space<vmem>>
    %dma_start3A_1830 = arith.constant 0 : i32
    %dma_start3A_1831 = arith.constant 0 : i32
    %dma_start3A_1832 = tpu.memref_slice %arg3[%dma_start3A_1830, %dma_start3A_1831] : memref<1000000x64xf32, #tpu.memory_space<hbm>> -> memref<1000000x64xf32, #tpu.memory_space<hbm>>
    tpu.enqueue_indirect_dma source(%dma_start3A_1832 : memref<1000000x64xf32, #tpu.memory_space<hbm>>) target(%dma_start3A_1826 : memref<128x64xf32, #tpu.memory_space<vmem>>) offsets(%dma_start3A_1829 : memref<128xi32, #tpu.memory_space<vmem>>) semaphore(%arg11 : memref<!tpu.dma_semaphore, #tpu.memory_space<semaphore_mem>>)
    %dma_wait3A_1833 = arith.constant 33 : i32
    %dma_wait3A_1834 = arith.constant 1 : i32
    %dma_wait3A_1835 = arith.constant 0 : i32
    %dma_wait3A_1836 = arith.constant 0 : i32
    %dma_wait3A_1837 = tpu.memref_slice %arg6[%dma_wait3A_1834, %dma_wait3A_1835, %dma_wait3A_1836] : memref<8x128x64xf32, #tpu.memory_space<vmem>> -> memref<1x128x64xf32, #tpu.memory_space<vmem>>
    %dma_wait3A_1838 = tpu.memref_squeeze %dma_wait3A_1837 : memref<1x128x64xf32, #tpu.memory_space<vmem>> -> memref<128x64xf32, #tpu.memory_space<vmem>>
    %dma_wait3A_1839 = arith.constant 0 : i32
    %dma_wait3A_1840 = tpu.memref_slice %arg5[%dma_wait3A_1833, %dma_wait3A_1839] : memref<50x128xi32, #tpu.memory_space<vmem>> -> memref<1x128xi32, #tpu.memory_space<vmem>>
    %dma_wait3A_1841 = tpu.memref_squeeze %dma_wait3A_1840 : memref<1x128xi32, #tpu.memory_space<vmem>> -> memref<128xi32, #tpu.memory_space<vmem>>
    %dma_wait3A_1842 = arith.constant 0 : i32
    %dma_wait3A_1843 = arith.constant 0 : i32
    %dma_wait3A_1844 = tpu.memref_slice %arg3[%dma_wait3A_1842, %dma_wait3A_1843] : memref<1000000x64xf32, #tpu.memory_space<hbm>> -> memref<1000000x64xf32, #tpu.memory_space<hbm>>
    tpu.wait_indirect_dma semaphore(%arg8 : memref<!tpu.dma_semaphore, #tpu.memory_space<semaphore_mem>>) src(%dma_wait3A_1844 : memref<1000000x64xf32, #tpu.memory_space<hbm>>) dst(%dma_wait3A_1838 : memref<128x64xf32, #tpu.memory_space<vmem>>)
    %dma_start3A_1845 = arith.constant 1 : i32
    %dma_start3A_1846 = arith.constant 33 : i32
    %dma_start3A_1847 = arith.constant 0 : i32
    %dma_start3A_1848 = arith.constant 0 : i32
    %dma_start3A_1849 = tpu.memref_slice %arg6[%dma_start3A_1845, %dma_start3A_1847, %dma_start3A_1848] : memref<8x128x64xf32, #tpu.memory_space<vmem>> -> memref<1x128x64xf32, #tpu.memory_space<vmem>>
    %dma_start3A_1850 = tpu.memref_squeeze %dma_start3A_1849 : memref<1x128x64xf32, #tpu.memory_space<vmem>> -> memref<128x64xf32, #tpu.memory_space<vmem>>
    %dma_start3A_1851 = arith.constant 0 : i32
    %dma_start3A_1852 = tpu.memref_slice %arg4[%mul3A_2, %dma_start3A_1846, %dma_start3A_1851] : memref<4096x50x64xf32, #tpu.memory_space<hbm>> -> memref<128x1x64xf32, #tpu.memory_space<hbm>>
    %dma_start3A_1853 = tpu.memref_squeeze %dma_start3A_1852 : memref<128x1x64xf32, #tpu.memory_space<hbm>> -> memref<128x64xf32, #tpu.memory_space<hbm>>
    %dma_start3A_1854 = arith.constant 0 : i32
    %dma_start3A_1855 = tpu.memref_slice %arg4[%mul3A_2, %dma_start3A_1846, %dma_start3A_1854] : memref<4096x50x64xf32, #tpu.memory_space<hbm>> -> memref<128x1x64xf32, #tpu.memory_space<hbm>>
    %dma_start3A_1856 = tpu.memref_squeeze %dma_start3A_1855 : memref<128x1x64xf32, #tpu.memory_space<hbm>> -> memref<128x64xf32, #tpu.memory_space<hbm>>
    %dma_start3A_1857 = arith.constant 0 : i32
    %dma_start3A_1858 = arith.constant 0 : i32
    %dma_start3A_1859 = tpu.memref_slice %arg6[%dma_start3A_1845, %dma_start3A_1857, %dma_start3A_1858] : memref<8x128x64xf32, #tpu.memory_space<vmem>> -> memref<1x128x64xf32, #tpu.memory_space<vmem>>
    %dma_start3A_1860 = tpu.memref_squeeze %dma_start3A_1859 : memref<1x128x64xf32, #tpu.memory_space<vmem>> -> memref<128x64xf32, #tpu.memory_space<vmem>>
    tpu.enqueue_dma source(%dma_start3A_1860 : memref<128x64xf32, #tpu.memory_space<vmem>>) target(%dma_start3A_1856 : memref<128x64xf32, #tpu.memory_space<hbm>>) target_semaphore(%arg16 : memref<!tpu.dma_semaphore, #tpu.memory_space<semaphore_mem>>)
    %dma_wait3A_1861 = arith.constant 5 : i32
    %dma_wait3A_1862 = arith.constant 0 : i32
    %dma_wait3A_1863 = arith.constant 0 : i32
    %dma_wait3A_1864 = arith.constant 0 : i32
    %dma_wait3A_1865 = tpu.memref_slice %arg6[%dma_wait3A_1861, %dma_wait3A_1863, %dma_wait3A_1864] : memref<8x128x64xf32, #tpu.memory_space<vmem>> -> memref<1x128x64xf32, #tpu.memory_space<vmem>>
    %dma_wait3A_1866 = tpu.memref_squeeze %dma_wait3A_1865 : memref<1x128x64xf32, #tpu.memory_space<vmem>> -> memref<128x64xf32, #tpu.memory_space<vmem>>
    %dma_wait3A_1867 = arith.constant 0 : i32
    %dma_wait3A_1868 = tpu.memref_slice %arg4[%mul3A_2, %dma_wait3A_1862, %dma_wait3A_1867] : memref<4096x50x64xf32, #tpu.memory_space<hbm>> -> memref<128x1x64xf32, #tpu.memory_space<hbm>>
    %dma_wait3A_1869 = tpu.memref_squeeze %dma_wait3A_1868 : memref<128x1x64xf32, #tpu.memory_space<hbm>> -> memref<128x64xf32, #tpu.memory_space<hbm>>
    %dma_wait3A_1870 = arith.constant 0 : i32
    %dma_wait3A_1871 = tpu.memref_slice %arg4[%mul3A_2, %dma_wait3A_1862, %dma_wait3A_1870] : memref<4096x50x64xf32, #tpu.memory_space<hbm>> -> memref<128x1x64xf32, #tpu.memory_space<hbm>>
    %dma_wait3A_1872 = tpu.memref_squeeze %dma_wait3A_1871 : memref<128x1x64xf32, #tpu.memory_space<hbm>> -> memref<128x64xf32, #tpu.memory_space<hbm>>
    %dma_wait3A_1873 = arith.constant 0 : i32
    %dma_wait3A_1874 = arith.constant 0 : i32
    %dma_wait3A_1875 = tpu.memref_slice %arg6[%dma_wait3A_1861, %dma_wait3A_1873, %dma_wait3A_1874] : memref<8x128x64xf32, #tpu.memory_space<vmem>> -> memref<1x128x64xf32, #tpu.memory_space<vmem>>
    %dma_wait3A_1876 = tpu.memref_squeeze %dma_wait3A_1875 : memref<1x128x64xf32, #tpu.memory_space<vmem>> -> memref<128x64xf32, #tpu.memory_space<vmem>>
    tpu.wait_dma2 semaphore(%arg20 : memref<!tpu.dma_semaphore, #tpu.memory_space<semaphore_mem>>) src(%dma_wait3A_1876 : memref<128x64xf32, #tpu.memory_space<vmem>>) dst(%dma_wait3A_1872 : memref<128x64xf32, #tpu.memory_space<hbm>>)
    %dma_start3A_1877 = arith.constant 37 : i32
    %dma_start3A_1878 = arith.constant 5 : i32
    %dma_start3A_1879 = arith.constant 0 : i32
    %dma_start3A_1880 = arith.constant 0 : i32
    %dma_start3A_1881 = tpu.memref_slice %arg6[%dma_start3A_1878, %dma_start3A_1879, %dma_start3A_1880] : memref<8x128x64xf32, #tpu.memory_space<vmem>> -> memref<1x128x64xf32, #tpu.memory_space<vmem>>
    %dma_start3A_1882 = tpu.memref_squeeze %dma_start3A_1881 : memref<1x128x64xf32, #tpu.memory_space<vmem>> -> memref<128x64xf32, #tpu.memory_space<vmem>>
    %dma_start3A_1883 = arith.constant 0 : i32
    %dma_start3A_1884 = tpu.memref_slice %arg5[%dma_start3A_1877, %dma_start3A_1883] : memref<50x128xi32, #tpu.memory_space<vmem>> -> memref<1x128xi32, #tpu.memory_space<vmem>>
    %dma_start3A_1885 = tpu.memref_squeeze %dma_start3A_1884 : memref<1x128xi32, #tpu.memory_space<vmem>> -> memref<128xi32, #tpu.memory_space<vmem>>
    %dma_start3A_1886 = arith.constant 0 : i32
    %dma_start3A_1887 = arith.constant 0 : i32
    %dma_start3A_1888 = tpu.memref_slice %arg3[%dma_start3A_1886, %dma_start3A_1887] : memref<1000000x64xf32, #tpu.memory_space<hbm>> -> memref<1000000x64xf32, #tpu.memory_space<hbm>>
    tpu.enqueue_indirect_dma source(%dma_start3A_1888 : memref<1000000x64xf32, #tpu.memory_space<hbm>>) target(%dma_start3A_1882 : memref<128x64xf32, #tpu.memory_space<vmem>>) offsets(%dma_start3A_1885 : memref<128xi32, #tpu.memory_space<vmem>>) semaphore(%arg12 : memref<!tpu.dma_semaphore, #tpu.memory_space<semaphore_mem>>)
    %dma_wait3A_1889 = arith.constant 34 : i32
    %dma_wait3A_1890 = arith.constant 2 : i32
    %dma_wait3A_1891 = arith.constant 0 : i32
    %dma_wait3A_1892 = arith.constant 0 : i32
    %dma_wait3A_1893 = tpu.memref_slice %arg6[%dma_wait3A_1890, %dma_wait3A_1891, %dma_wait3A_1892] : memref<8x128x64xf32, #tpu.memory_space<vmem>> -> memref<1x128x64xf32, #tpu.memory_space<vmem>>
    %dma_wait3A_1894 = tpu.memref_squeeze %dma_wait3A_1893 : memref<1x128x64xf32, #tpu.memory_space<vmem>> -> memref<128x64xf32, #tpu.memory_space<vmem>>
    %dma_wait3A_1895 = arith.constant 0 : i32
    %dma_wait3A_1896 = tpu.memref_slice %arg5[%dma_wait3A_1889, %dma_wait3A_1895] : memref<50x128xi32, #tpu.memory_space<vmem>> -> memref<1x128xi32, #tpu.memory_space<vmem>>
    %dma_wait3A_1897 = tpu.memref_squeeze %dma_wait3A_1896 : memref<1x128xi32, #tpu.memory_space<vmem>> -> memref<128xi32, #tpu.memory_space<vmem>>
    %dma_wait3A_1898 = arith.constant 0 : i32
    %dma_wait3A_1899 = arith.constant 0 : i32
    %dma_wait3A_1900 = tpu.memref_slice %arg3[%dma_wait3A_1898, %dma_wait3A_1899] : memref<1000000x64xf32, #tpu.memory_space<hbm>> -> memref<1000000x64xf32, #tpu.memory_space<hbm>>
    tpu.wait_indirect_dma semaphore(%arg9 : memref<!tpu.dma_semaphore, #tpu.memory_space<semaphore_mem>>) src(%dma_wait3A_1900 : memref<1000000x64xf32, #tpu.memory_space<hbm>>) dst(%dma_wait3A_1894 : memref<128x64xf32, #tpu.memory_space<vmem>>)
    %dma_start3A_1901 = arith.constant 2 : i32
    %dma_start3A_1902 = arith.constant 34 : i32
    %dma_start3A_1903 = arith.constant 0 : i32
    %dma_start3A_1904 = arith.constant 0 : i32
    %dma_start3A_1905 = tpu.memref_slice %arg6[%dma_start3A_1901, %dma_start3A_1903, %dma_start3A_1904] : memref<8x128x64xf32, #tpu.memory_space<vmem>> -> memref<1x128x64xf32, #tpu.memory_space<vmem>>
    %dma_start3A_1906 = tpu.memref_squeeze %dma_start3A_1905 : memref<1x128x64xf32, #tpu.memory_space<vmem>> -> memref<128x64xf32, #tpu.memory_space<vmem>>
    %dma_start3A_1907 = arith.constant 0 : i32
    %dma_start3A_1908 = tpu.memref_slice %arg4[%mul3A_2, %dma_start3A_1902, %dma_start3A_1907] : memref<4096x50x64xf32, #tpu.memory_space<hbm>> -> memref<128x1x64xf32, #tpu.memory_space<hbm>>
    %dma_start3A_1909 = tpu.memref_squeeze %dma_start3A_1908 : memref<128x1x64xf32, #tpu.memory_space<hbm>> -> memref<128x64xf32, #tpu.memory_space<hbm>>
    %dma_start3A_1910 = arith.constant 0 : i32
    %dma_start3A_1911 = tpu.memref_slice %arg4[%mul3A_2, %dma_start3A_1902, %dma_start3A_1910] : memref<4096x50x64xf32, #tpu.memory_space<hbm>> -> memref<128x1x64xf32, #tpu.memory_space<hbm>>
    %dma_start3A_1912 = tpu.memref_squeeze %dma_start3A_1911 : memref<128x1x64xf32, #tpu.memory_space<hbm>> -> memref<128x64xf32, #tpu.memory_space<hbm>>
    %dma_start3A_1913 = arith.constant 0 : i32
    %dma_start3A_1914 = arith.constant 0 : i32
    %dma_start3A_1915 = tpu.memref_slice %arg6[%dma_start3A_1901, %dma_start3A_1913, %dma_start3A_1914] : memref<8x128x64xf32, #tpu.memory_space<vmem>> -> memref<1x128x64xf32, #tpu.memory_space<vmem>>
    %dma_start3A_1916 = tpu.memref_squeeze %dma_start3A_1915 : memref<1x128x64xf32, #tpu.memory_space<vmem>> -> memref<128x64xf32, #tpu.memory_space<vmem>>
    tpu.enqueue_dma source(%dma_start3A_1916 : memref<128x64xf32, #tpu.memory_space<vmem>>) target(%dma_start3A_1912 : memref<128x64xf32, #tpu.memory_space<hbm>>) target_semaphore(%arg17 : memref<!tpu.dma_semaphore, #tpu.memory_space<semaphore_mem>>)
    %dma_wait3A_1917 = arith.constant 6 : i32
    %dma_wait3A_1918 = arith.constant 0 : i32
    %dma_wait3A_1919 = arith.constant 0 : i32
    %dma_wait3A_1920 = arith.constant 0 : i32
    %dma_wait3A_1921 = tpu.memref_slice %arg6[%dma_wait3A_1917, %dma_wait3A_1919, %dma_wait3A_1920] : memref<8x128x64xf32, #tpu.memory_space<vmem>> -> memref<1x128x64xf32, #tpu.memory_space<vmem>>
    %dma_wait3A_1922 = tpu.memref_squeeze %dma_wait3A_1921 : memref<1x128x64xf32, #tpu.memory_space<vmem>> -> memref<128x64xf32, #tpu.memory_space<vmem>>
    %dma_wait3A_1923 = arith.constant 0 : i32
    %dma_wait3A_1924 = tpu.memref_slice %arg4[%mul3A_2, %dma_wait3A_1918, %dma_wait3A_1923] : memref<4096x50x64xf32, #tpu.memory_space<hbm>> -> memref<128x1x64xf32, #tpu.memory_space<hbm>>
    %dma_wait3A_1925 = tpu.memref_squeeze %dma_wait3A_1924 : memref<128x1x64xf32, #tpu.memory_space<hbm>> -> memref<128x64xf32, #tpu.memory_space<hbm>>
    %dma_wait3A_1926 = arith.constant 0 : i32
    %dma_wait3A_1927 = tpu.memref_slice %arg4[%mul3A_2, %dma_wait3A_1918, %dma_wait3A_1926] : memref<4096x50x64xf32, #tpu.memory_space<hbm>> -> memref<128x1x64xf32, #tpu.memory_space<hbm>>
    %dma_wait3A_1928 = tpu.memref_squeeze %dma_wait3A_1927 : memref<128x1x64xf32, #tpu.memory_space<hbm>> -> memref<128x64xf32, #tpu.memory_space<hbm>>
    %dma_wait3A_1929 = arith.constant 0 : i32
    %dma_wait3A_1930 = arith.constant 0 : i32
    %dma_wait3A_1931 = tpu.memref_slice %arg6[%dma_wait3A_1917, %dma_wait3A_1929, %dma_wait3A_1930] : memref<8x128x64xf32, #tpu.memory_space<vmem>> -> memref<1x128x64xf32, #tpu.memory_space<vmem>>
    %dma_wait3A_1932 = tpu.memref_squeeze %dma_wait3A_1931 : memref<1x128x64xf32, #tpu.memory_space<vmem>> -> memref<128x64xf32, #tpu.memory_space<vmem>>
    tpu.wait_dma2 semaphore(%arg21 : memref<!tpu.dma_semaphore, #tpu.memory_space<semaphore_mem>>) src(%dma_wait3A_1932 : memref<128x64xf32, #tpu.memory_space<vmem>>) dst(%dma_wait3A_1928 : memref<128x64xf32, #tpu.memory_space<hbm>>)
    %dma_start3A_1933 = arith.constant 38 : i32
    %dma_start3A_1934 = arith.constant 6 : i32
    %dma_start3A_1935 = arith.constant 0 : i32
    %dma_start3A_1936 = arith.constant 0 : i32
    %dma_start3A_1937 = tpu.memref_slice %arg6[%dma_start3A_1934, %dma_start3A_1935, %dma_start3A_1936] : memref<8x128x64xf32, #tpu.memory_space<vmem>> -> memref<1x128x64xf32, #tpu.memory_space<vmem>>
    %dma_start3A_1938 = tpu.memref_squeeze %dma_start3A_1937 : memref<1x128x64xf32, #tpu.memory_space<vmem>> -> memref<128x64xf32, #tpu.memory_space<vmem>>
    %dma_start3A_1939 = arith.constant 0 : i32
    %dma_start3A_1940 = tpu.memref_slice %arg5[%dma_start3A_1933, %dma_start3A_1939] : memref<50x128xi32, #tpu.memory_space<vmem>> -> memref<1x128xi32, #tpu.memory_space<vmem>>
    %dma_start3A_1941 = tpu.memref_squeeze %dma_start3A_1940 : memref<1x128xi32, #tpu.memory_space<vmem>> -> memref<128xi32, #tpu.memory_space<vmem>>
    %dma_start3A_1942 = arith.constant 0 : i32
    %dma_start3A_1943 = arith.constant 0 : i32
    %dma_start3A_1944 = tpu.memref_slice %arg3[%dma_start3A_1942, %dma_start3A_1943] : memref<1000000x64xf32, #tpu.memory_space<hbm>> -> memref<1000000x64xf32, #tpu.memory_space<hbm>>
    tpu.enqueue_indirect_dma source(%dma_start3A_1944 : memref<1000000x64xf32, #tpu.memory_space<hbm>>) target(%dma_start3A_1938 : memref<128x64xf32, #tpu.memory_space<vmem>>) offsets(%dma_start3A_1941 : memref<128xi32, #tpu.memory_space<vmem>>) semaphore(%arg13 : memref<!tpu.dma_semaphore, #tpu.memory_space<semaphore_mem>>)
    %dma_wait3A_1945 = arith.constant 35 : i32
    %dma_wait3A_1946 = arith.constant 3 : i32
    %dma_wait3A_1947 = arith.constant 0 : i32
    %dma_wait3A_1948 = arith.constant 0 : i32
    %dma_wait3A_1949 = tpu.memref_slice %arg6[%dma_wait3A_1946, %dma_wait3A_1947, %dma_wait3A_1948] : memref<8x128x64xf32, #tpu.memory_space<vmem>> -> memref<1x128x64xf32, #tpu.memory_space<vmem>>
    %dma_wait3A_1950 = tpu.memref_squeeze %dma_wait3A_1949 : memref<1x128x64xf32, #tpu.memory_space<vmem>> -> memref<128x64xf32, #tpu.memory_space<vmem>>
    %dma_wait3A_1951 = arith.constant 0 : i32
    %dma_wait3A_1952 = tpu.memref_slice %arg5[%dma_wait3A_1945, %dma_wait3A_1951] : memref<50x128xi32, #tpu.memory_space<vmem>> -> memref<1x128xi32, #tpu.memory_space<vmem>>
    %dma_wait3A_1953 = tpu.memref_squeeze %dma_wait3A_1952 : memref<1x128xi32, #tpu.memory_space<vmem>> -> memref<128xi32, #tpu.memory_space<vmem>>
    %dma_wait3A_1954 = arith.constant 0 : i32
    %dma_wait3A_1955 = arith.constant 0 : i32
    %dma_wait3A_1956 = tpu.memref_slice %arg3[%dma_wait3A_1954, %dma_wait3A_1955] : memref<1000000x64xf32, #tpu.memory_space<hbm>> -> memref<1000000x64xf32, #tpu.memory_space<hbm>>
    tpu.wait_indirect_dma semaphore(%arg10 : memref<!tpu.dma_semaphore, #tpu.memory_space<semaphore_mem>>) src(%dma_wait3A_1956 : memref<1000000x64xf32, #tpu.memory_space<hbm>>) dst(%dma_wait3A_1950 : memref<128x64xf32, #tpu.memory_space<vmem>>)
    %dma_start3A_1957 = arith.constant 3 : i32
    %dma_start3A_1958 = arith.constant 35 : i32
    %dma_start3A_1959 = arith.constant 0 : i32
    %dma_start3A_1960 = arith.constant 0 : i32
    %dma_start3A_1961 = tpu.memref_slice %arg6[%dma_start3A_1957, %dma_start3A_1959, %dma_start3A_1960] : memref<8x128x64xf32, #tpu.memory_space<vmem>> -> memref<1x128x64xf32, #tpu.memory_space<vmem>>
    %dma_start3A_1962 = tpu.memref_squeeze %dma_start3A_1961 : memref<1x128x64xf32, #tpu.memory_space<vmem>> -> memref<128x64xf32, #tpu.memory_space<vmem>>
    %dma_start3A_1963 = arith.constant 0 : i32
    %dma_start3A_1964 = tpu.memref_slice %arg4[%mul3A_2, %dma_start3A_1958, %dma_start3A_1963] : memref<4096x50x64xf32, #tpu.memory_space<hbm>> -> memref<128x1x64xf32, #tpu.memory_space<hbm>>
    %dma_start3A_1965 = tpu.memref_squeeze %dma_start3A_1964 : memref<128x1x64xf32, #tpu.memory_space<hbm>> -> memref<128x64xf32, #tpu.memory_space<hbm>>
    %dma_start3A_1966 = arith.constant 0 : i32
    %dma_start3A_1967 = tpu.memref_slice %arg4[%mul3A_2, %dma_start3A_1958, %dma_start3A_1966] : memref<4096x50x64xf32, #tpu.memory_space<hbm>> -> memref<128x1x64xf32, #tpu.memory_space<hbm>>
    %dma_start3A_1968 = tpu.memref_squeeze %dma_start3A_1967 : memref<128x1x64xf32, #tpu.memory_space<hbm>> -> memref<128x64xf32, #tpu.memory_space<hbm>>
    %dma_start3A_1969 = arith.constant 0 : i32
    %dma_start3A_1970 = arith.constant 0 : i32
    %dma_start3A_1971 = tpu.memref_slice %arg6[%dma_start3A_1957, %dma_start3A_1969, %dma_start3A_1970] : memref<8x128x64xf32, #tpu.memory_space<vmem>> -> memref<1x128x64xf32, #tpu.memory_space<vmem>>
    %dma_start3A_1972 = tpu.memref_squeeze %dma_start3A_1971 : memref<1x128x64xf32, #tpu.memory_space<vmem>> -> memref<128x64xf32, #tpu.memory_space<vmem>>
    tpu.enqueue_dma source(%dma_start3A_1972 : memref<128x64xf32, #tpu.memory_space<vmem>>) target(%dma_start3A_1968 : memref<128x64xf32, #tpu.memory_space<hbm>>) target_semaphore(%arg18 : memref<!tpu.dma_semaphore, #tpu.memory_space<semaphore_mem>>)
    %dma_wait3A_1973 = arith.constant 7 : i32
    %dma_wait3A_1974 = arith.constant 0 : i32
    %dma_wait3A_1975 = arith.constant 0 : i32
    %dma_wait3A_1976 = arith.constant 0 : i32
    %dma_wait3A_1977 = tpu.memref_slice %arg6[%dma_wait3A_1973, %dma_wait3A_1975, %dma_wait3A_1976] : memref<8x128x64xf32, #tpu.memory_space<vmem>> -> memref<1x128x64xf32, #tpu.memory_space<vmem>>
    %dma_wait3A_1978 = tpu.memref_squeeze %dma_wait3A_1977 : memref<1x128x64xf32, #tpu.memory_space<vmem>> -> memref<128x64xf32, #tpu.memory_space<vmem>>
    %dma_wait3A_1979 = arith.constant 0 : i32
    %dma_wait3A_1980 = tpu.memref_slice %arg4[%mul3A_2, %dma_wait3A_1974, %dma_wait3A_1979] : memref<4096x50x64xf32, #tpu.memory_space<hbm>> -> memref<128x1x64xf32, #tpu.memory_space<hbm>>
    %dma_wait3A_1981 = tpu.memref_squeeze %dma_wait3A_1980 : memref<128x1x64xf32, #tpu.memory_space<hbm>> -> memref<128x64xf32, #tpu.memory_space<hbm>>
    %dma_wait3A_1982 = arith.constant 0 : i32
    %dma_wait3A_1983 = tpu.memref_slice %arg4[%mul3A_2, %dma_wait3A_1974, %dma_wait3A_1982] : memref<4096x50x64xf32, #tpu.memory_space<hbm>> -> memref<128x1x64xf32, #tpu.memory_space<hbm>>
    %dma_wait3A_1984 = tpu.memref_squeeze %dma_wait3A_1983 : memref<128x1x64xf32, #tpu.memory_space<hbm>> -> memref<128x64xf32, #tpu.memory_space<hbm>>
    %dma_wait3A_1985 = arith.constant 0 : i32
    %dma_wait3A_1986 = arith.constant 0 : i32
    %dma_wait3A_1987 = tpu.memref_slice %arg6[%dma_wait3A_1973, %dma_wait3A_1985, %dma_wait3A_1986] : memref<8x128x64xf32, #tpu.memory_space<vmem>> -> memref<1x128x64xf32, #tpu.memory_space<vmem>>
    %dma_wait3A_1988 = tpu.memref_squeeze %dma_wait3A_1987 : memref<1x128x64xf32, #tpu.memory_space<vmem>> -> memref<128x64xf32, #tpu.memory_space<vmem>>
    tpu.wait_dma2 semaphore(%arg22 : memref<!tpu.dma_semaphore, #tpu.memory_space<semaphore_mem>>) src(%dma_wait3A_1988 : memref<128x64xf32, #tpu.memory_space<vmem>>) dst(%dma_wait3A_1984 : memref<128x64xf32, #tpu.memory_space<hbm>>)
    %dma_start3A_1989 = arith.constant 39 : i32
    %dma_start3A_1990 = arith.constant 7 : i32
    %dma_start3A_1991 = arith.constant 0 : i32
    %dma_start3A_1992 = arith.constant 0 : i32
    %dma_start3A_1993 = tpu.memref_slice %arg6[%dma_start3A_1990, %dma_start3A_1991, %dma_start3A_1992] : memref<8x128x64xf32, #tpu.memory_space<vmem>> -> memref<1x128x64xf32, #tpu.memory_space<vmem>>
    %dma_start3A_1994 = tpu.memref_squeeze %dma_start3A_1993 : memref<1x128x64xf32, #tpu.memory_space<vmem>> -> memref<128x64xf32, #tpu.memory_space<vmem>>
    %dma_start3A_1995 = arith.constant 0 : i32
    %dma_start3A_1996 = tpu.memref_slice %arg5[%dma_start3A_1989, %dma_start3A_1995] : memref<50x128xi32, #tpu.memory_space<vmem>> -> memref<1x128xi32, #tpu.memory_space<vmem>>
    %dma_start3A_1997 = tpu.memref_squeeze %dma_start3A_1996 : memref<1x128xi32, #tpu.memory_space<vmem>> -> memref<128xi32, #tpu.memory_space<vmem>>
    %dma_start3A_1998 = arith.constant 0 : i32
    %dma_start3A_1999 = arith.constant 0 : i32
    %dma_start3A_2000 = tpu.memref_slice %arg3[%dma_start3A_1998, %dma_start3A_1999] : memref<1000000x64xf32, #tpu.memory_space<hbm>> -> memref<1000000x64xf32, #tpu.memory_space<hbm>>
    tpu.enqueue_indirect_dma source(%dma_start3A_2000 : memref<1000000x64xf32, #tpu.memory_space<hbm>>) target(%dma_start3A_1994 : memref<128x64xf32, #tpu.memory_space<vmem>>) offsets(%dma_start3A_1997 : memref<128xi32, #tpu.memory_space<vmem>>) semaphore(%arg14 : memref<!tpu.dma_semaphore, #tpu.memory_space<semaphore_mem>>)
    %dma_wait3A_2001 = arith.constant 36 : i32
    %dma_wait3A_2002 = arith.constant 4 : i32
    %dma_wait3A_2003 = arith.constant 0 : i32
    %dma_wait3A_2004 = arith.constant 0 : i32
    %dma_wait3A_2005 = tpu.memref_slice %arg6[%dma_wait3A_2002, %dma_wait3A_2003, %dma_wait3A_2004] : memref<8x128x64xf32, #tpu.memory_space<vmem>> -> memref<1x128x64xf32, #tpu.memory_space<vmem>>
    %dma_wait3A_2006 = tpu.memref_squeeze %dma_wait3A_2005 : memref<1x128x64xf32, #tpu.memory_space<vmem>> -> memref<128x64xf32, #tpu.memory_space<vmem>>
    %dma_wait3A_2007 = arith.constant 0 : i32
    %dma_wait3A_2008 = tpu.memref_slice %arg5[%dma_wait3A_2001, %dma_wait3A_2007] : memref<50x128xi32, #tpu.memory_space<vmem>> -> memref<1x128xi32, #tpu.memory_space<vmem>>
    %dma_wait3A_2009 = tpu.memref_squeeze %dma_wait3A_2008 : memref<1x128xi32, #tpu.memory_space<vmem>> -> memref<128xi32, #tpu.memory_space<vmem>>
    %dma_wait3A_2010 = arith.constant 0 : i32
    %dma_wait3A_2011 = arith.constant 0 : i32
    %dma_wait3A_2012 = tpu.memref_slice %arg3[%dma_wait3A_2010, %dma_wait3A_2011] : memref<1000000x64xf32, #tpu.memory_space<hbm>> -> memref<1000000x64xf32, #tpu.memory_space<hbm>>
    tpu.wait_indirect_dma semaphore(%arg11 : memref<!tpu.dma_semaphore, #tpu.memory_space<semaphore_mem>>) src(%dma_wait3A_2012 : memref<1000000x64xf32, #tpu.memory_space<hbm>>) dst(%dma_wait3A_2006 : memref<128x64xf32, #tpu.memory_space<vmem>>)
    %dma_start3A_2013 = arith.constant 4 : i32
    %dma_start3A_2014 = arith.constant 36 : i32
    %dma_start3A_2015 = arith.constant 0 : i32
    %dma_start3A_2016 = arith.constant 0 : i32
    %dma_start3A_2017 = tpu.memref_slice %arg6[%dma_start3A_2013, %dma_start3A_2015, %dma_start3A_2016] : memref<8x128x64xf32, #tpu.memory_space<vmem>> -> memref<1x128x64xf32, #tpu.memory_space<vmem>>
    %dma_start3A_2018 = tpu.memref_squeeze %dma_start3A_2017 : memref<1x128x64xf32, #tpu.memory_space<vmem>> -> memref<128x64xf32, #tpu.memory_space<vmem>>
    %dma_start3A_2019 = arith.constant 0 : i32
    %dma_start3A_2020 = tpu.memref_slice %arg4[%mul3A_2, %dma_start3A_2014, %dma_start3A_2019] : memref<4096x50x64xf32, #tpu.memory_space<hbm>> -> memref<128x1x64xf32, #tpu.memory_space<hbm>>
    %dma_start3A_2021 = tpu.memref_squeeze %dma_start3A_2020 : memref<128x1x64xf32, #tpu.memory_space<hbm>> -> memref<128x64xf32, #tpu.memory_space<hbm>>
    %dma_start3A_2022 = arith.constant 0 : i32
    %dma_start3A_2023 = tpu.memref_slice %arg4[%mul3A_2, %dma_start3A_2014, %dma_start3A_2022] : memref<4096x50x64xf32, #tpu.memory_space<hbm>> -> memref<128x1x64xf32, #tpu.memory_space<hbm>>
    %dma_start3A_2024 = tpu.memref_squeeze %dma_start3A_2023 : memref<128x1x64xf32, #tpu.memory_space<hbm>> -> memref<128x64xf32, #tpu.memory_space<hbm>>
    %dma_start3A_2025 = arith.constant 0 : i32
    %dma_start3A_2026 = arith.constant 0 : i32
    %dma_start3A_2027 = tpu.memref_slice %arg6[%dma_start3A_2013, %dma_start3A_2025, %dma_start3A_2026] : memref<8x128x64xf32, #tpu.memory_space<vmem>> -> memref<1x128x64xf32, #tpu.memory_space<vmem>>
    %dma_start3A_2028 = tpu.memref_squeeze %dma_start3A_2027 : memref<1x128x64xf32, #tpu.memory_space<vmem>> -> memref<128x64xf32, #tpu.memory_space<vmem>>
    tpu.enqueue_dma source(%dma_start3A_2028 : memref<128x64xf32, #tpu.memory_space<vmem>>) target(%dma_start3A_2024 : memref<128x64xf32, #tpu.memory_space<hbm>>) target_semaphore(%arg19 : memref<!tpu.dma_semaphore, #tpu.memory_space<semaphore_mem>>)
    %dma_wait3A_2029 = arith.constant 0 : i32
    %dma_wait3A_2030 = arith.constant 0 : i32
    %dma_wait3A_2031 = arith.constant 0 : i32
    %dma_wait3A_2032 = arith.constant 0 : i32
    %dma_wait3A_2033 = tpu.memref_slice %arg6[%dma_wait3A_2029, %dma_wait3A_2031, %dma_wait3A_2032] : memref<8x128x64xf32, #tpu.memory_space<vmem>> -> memref<1x128x64xf32, #tpu.memory_space<vmem>>
    %dma_wait3A_2034 = tpu.memref_squeeze %dma_wait3A_2033 : memref<1x128x64xf32, #tpu.memory_space<vmem>> -> memref<128x64xf32, #tpu.memory_space<vmem>>
    %dma_wait3A_2035 = arith.constant 0 : i32
    %dma_wait3A_2036 = tpu.memref_slice %arg4[%mul3A_2, %dma_wait3A_2030, %dma_wait3A_2035] : memref<4096x50x64xf32, #tpu.memory_space<hbm>> -> memref<128x1x64xf32, #tpu.memory_space<hbm>>
    %dma_wait3A_2037 = tpu.memref_squeeze %dma_wait3A_2036 : memref<128x1x64xf32, #tpu.memory_space<hbm>> -> memref<128x64xf32, #tpu.memory_space<hbm>>
    %dma_wait3A_2038 = arith.constant 0 : i32
    %dma_wait3A_2039 = tpu.memref_slice %arg4[%mul3A_2, %dma_wait3A_2030, %dma_wait3A_2038] : memref<4096x50x64xf32, #tpu.memory_space<hbm>> -> memref<128x1x64xf32, #tpu.memory_space<hbm>>
    %dma_wait3A_2040 = tpu.memref_squeeze %dma_wait3A_2039 : memref<128x1x64xf32, #tpu.memory_space<hbm>> -> memref<128x64xf32, #tpu.memory_space<hbm>>
    %dma_wait3A_2041 = arith.constant 0 : i32
    %dma_wait3A_2042 = arith.constant 0 : i32
    %dma_wait3A_2043 = tpu.memref_slice %arg6[%dma_wait3A_2029, %dma_wait3A_2041, %dma_wait3A_2042] : memref<8x128x64xf32, #tpu.memory_space<vmem>> -> memref<1x128x64xf32, #tpu.memory_space<vmem>>
    %dma_wait3A_2044 = tpu.memref_squeeze %dma_wait3A_2043 : memref<1x128x64xf32, #tpu.memory_space<vmem>> -> memref<128x64xf32, #tpu.memory_space<vmem>>
    tpu.wait_dma2 semaphore(%arg15 : memref<!tpu.dma_semaphore, #tpu.memory_space<semaphore_mem>>) src(%dma_wait3A_2044 : memref<128x64xf32, #tpu.memory_space<vmem>>) dst(%dma_wait3A_2040 : memref<128x64xf32, #tpu.memory_space<hbm>>)
    %dma_start3A_2045 = arith.constant 40 : i32
    %dma_start3A_2046 = arith.constant 0 : i32
    %dma_start3A_2047 = arith.constant 0 : i32
    %dma_start3A_2048 = arith.constant 0 : i32
    %dma_start3A_2049 = tpu.memref_slice %arg6[%dma_start3A_2046, %dma_start3A_2047, %dma_start3A_2048] : memref<8x128x64xf32, #tpu.memory_space<vmem>> -> memref<1x128x64xf32, #tpu.memory_space<vmem>>
    %dma_start3A_2050 = tpu.memref_squeeze %dma_start3A_2049 : memref<1x128x64xf32, #tpu.memory_space<vmem>> -> memref<128x64xf32, #tpu.memory_space<vmem>>
    %dma_start3A_2051 = arith.constant 0 : i32
    %dma_start3A_2052 = tpu.memref_slice %arg5[%dma_start3A_2045, %dma_start3A_2051] : memref<50x128xi32, #tpu.memory_space<vmem>> -> memref<1x128xi32, #tpu.memory_space<vmem>>
    %dma_start3A_2053 = tpu.memref_squeeze %dma_start3A_2052 : memref<1x128xi32, #tpu.memory_space<vmem>> -> memref<128xi32, #tpu.memory_space<vmem>>
    %dma_start3A_2054 = arith.constant 0 : i32
    %dma_start3A_2055 = arith.constant 0 : i32
    %dma_start3A_2056 = tpu.memref_slice %arg3[%dma_start3A_2054, %dma_start3A_2055] : memref<1000000x64xf32, #tpu.memory_space<hbm>> -> memref<1000000x64xf32, #tpu.memory_space<hbm>>
    tpu.enqueue_indirect_dma source(%dma_start3A_2056 : memref<1000000x64xf32, #tpu.memory_space<hbm>>) target(%dma_start3A_2050 : memref<128x64xf32, #tpu.memory_space<vmem>>) offsets(%dma_start3A_2053 : memref<128xi32, #tpu.memory_space<vmem>>) semaphore(%arg7 : memref<!tpu.dma_semaphore, #tpu.memory_space<semaphore_mem>>)
    %dma_wait3A_2057 = arith.constant 37 : i32
    %dma_wait3A_2058 = arith.constant 5 : i32
    %dma_wait3A_2059 = arith.constant 0 : i32
    %dma_wait3A_2060 = arith.constant 0 : i32
    %dma_wait3A_2061 = tpu.memref_slice %arg6[%dma_wait3A_2058, %dma_wait3A_2059, %dma_wait3A_2060] : memref<8x128x64xf32, #tpu.memory_space<vmem>> -> memref<1x128x64xf32, #tpu.memory_space<vmem>>
    %dma_wait3A_2062 = tpu.memref_squeeze %dma_wait3A_2061 : memref<1x128x64xf32, #tpu.memory_space<vmem>> -> memref<128x64xf32, #tpu.memory_space<vmem>>
    %dma_wait3A_2063 = arith.constant 0 : i32
    %dma_wait3A_2064 = tpu.memref_slice %arg5[%dma_wait3A_2057, %dma_wait3A_2063] : memref<50x128xi32, #tpu.memory_space<vmem>> -> memref<1x128xi32, #tpu.memory_space<vmem>>
    %dma_wait3A_2065 = tpu.memref_squeeze %dma_wait3A_2064 : memref<1x128xi32, #tpu.memory_space<vmem>> -> memref<128xi32, #tpu.memory_space<vmem>>
    %dma_wait3A_2066 = arith.constant 0 : i32
    %dma_wait3A_2067 = arith.constant 0 : i32
    %dma_wait3A_2068 = tpu.memref_slice %arg3[%dma_wait3A_2066, %dma_wait3A_2067] : memref<1000000x64xf32, #tpu.memory_space<hbm>> -> memref<1000000x64xf32, #tpu.memory_space<hbm>>
    tpu.wait_indirect_dma semaphore(%arg12 : memref<!tpu.dma_semaphore, #tpu.memory_space<semaphore_mem>>) src(%dma_wait3A_2068 : memref<1000000x64xf32, #tpu.memory_space<hbm>>) dst(%dma_wait3A_2062 : memref<128x64xf32, #tpu.memory_space<vmem>>)
    %dma_start3A_2069 = arith.constant 5 : i32
    %dma_start3A_2070 = arith.constant 37 : i32
    %dma_start3A_2071 = arith.constant 0 : i32
    %dma_start3A_2072 = arith.constant 0 : i32
    %dma_start3A_2073 = tpu.memref_slice %arg6[%dma_start3A_2069, %dma_start3A_2071, %dma_start3A_2072] : memref<8x128x64xf32, #tpu.memory_space<vmem>> -> memref<1x128x64xf32, #tpu.memory_space<vmem>>
    %dma_start3A_2074 = tpu.memref_squeeze %dma_start3A_2073 : memref<1x128x64xf32, #tpu.memory_space<vmem>> -> memref<128x64xf32, #tpu.memory_space<vmem>>
    %dma_start3A_2075 = arith.constant 0 : i32
    %dma_start3A_2076 = tpu.memref_slice %arg4[%mul3A_2, %dma_start3A_2070, %dma_start3A_2075] : memref<4096x50x64xf32, #tpu.memory_space<hbm>> -> memref<128x1x64xf32, #tpu.memory_space<hbm>>
    %dma_start3A_2077 = tpu.memref_squeeze %dma_start3A_2076 : memref<128x1x64xf32, #tpu.memory_space<hbm>> -> memref<128x64xf32, #tpu.memory_space<hbm>>
    %dma_start3A_2078 = arith.constant 0 : i32
    %dma_start3A_2079 = tpu.memref_slice %arg4[%mul3A_2, %dma_start3A_2070, %dma_start3A_2078] : memref<4096x50x64xf32, #tpu.memory_space<hbm>> -> memref<128x1x64xf32, #tpu.memory_space<hbm>>
    %dma_start3A_2080 = tpu.memref_squeeze %dma_start3A_2079 : memref<128x1x64xf32, #tpu.memory_space<hbm>> -> memref<128x64xf32, #tpu.memory_space<hbm>>
    %dma_start3A_2081 = arith.constant 0 : i32
    %dma_start3A_2082 = arith.constant 0 : i32
    %dma_start3A_2083 = tpu.memref_slice %arg6[%dma_start3A_2069, %dma_start3A_2081, %dma_start3A_2082] : memref<8x128x64xf32, #tpu.memory_space<vmem>> -> memref<1x128x64xf32, #tpu.memory_space<vmem>>
    %dma_start3A_2084 = tpu.memref_squeeze %dma_start3A_2083 : memref<1x128x64xf32, #tpu.memory_space<vmem>> -> memref<128x64xf32, #tpu.memory_space<vmem>>
    tpu.enqueue_dma source(%dma_start3A_2084 : memref<128x64xf32, #tpu.memory_space<vmem>>) target(%dma_start3A_2080 : memref<128x64xf32, #tpu.memory_space<hbm>>) target_semaphore(%arg20 : memref<!tpu.dma_semaphore, #tpu.memory_space<semaphore_mem>>)
    %dma_wait3A_2085 = arith.constant 1 : i32
    %dma_wait3A_2086 = arith.constant 0 : i32
    %dma_wait3A_2087 = arith.constant 0 : i32
    %dma_wait3A_2088 = arith.constant 0 : i32
    %dma_wait3A_2089 = tpu.memref_slice %arg6[%dma_wait3A_2085, %dma_wait3A_2087, %dma_wait3A_2088] : memref<8x128x64xf32, #tpu.memory_space<vmem>> -> memref<1x128x64xf32, #tpu.memory_space<vmem>>
    %dma_wait3A_2090 = tpu.memref_squeeze %dma_wait3A_2089 : memref<1x128x64xf32, #tpu.memory_space<vmem>> -> memref<128x64xf32, #tpu.memory_space<vmem>>
    %dma_wait3A_2091 = arith.constant 0 : i32
    %dma_wait3A_2092 = tpu.memref_slice %arg4[%mul3A_2, %dma_wait3A_2086, %dma_wait3A_2091] : memref<4096x50x64xf32, #tpu.memory_space<hbm>> -> memref<128x1x64xf32, #tpu.memory_space<hbm>>
    %dma_wait3A_2093 = tpu.memref_squeeze %dma_wait3A_2092 : memref<128x1x64xf32, #tpu.memory_space<hbm>> -> memref<128x64xf32, #tpu.memory_space<hbm>>
    %dma_wait3A_2094 = arith.constant 0 : i32
    %dma_wait3A_2095 = tpu.memref_slice %arg4[%mul3A_2, %dma_wait3A_2086, %dma_wait3A_2094] : memref<4096x50x64xf32, #tpu.memory_space<hbm>> -> memref<128x1x64xf32, #tpu.memory_space<hbm>>
    %dma_wait3A_2096 = tpu.memref_squeeze %dma_wait3A_2095 : memref<128x1x64xf32, #tpu.memory_space<hbm>> -> memref<128x64xf32, #tpu.memory_space<hbm>>
    %dma_wait3A_2097 = arith.constant 0 : i32
    %dma_wait3A_2098 = arith.constant 0 : i32
    %dma_wait3A_2099 = tpu.memref_slice %arg6[%dma_wait3A_2085, %dma_wait3A_2097, %dma_wait3A_2098] : memref<8x128x64xf32, #tpu.memory_space<vmem>> -> memref<1x128x64xf32, #tpu.memory_space<vmem>>
    %dma_wait3A_2100 = tpu.memref_squeeze %dma_wait3A_2099 : memref<1x128x64xf32, #tpu.memory_space<vmem>> -> memref<128x64xf32, #tpu.memory_space<vmem>>
    tpu.wait_dma2 semaphore(%arg16 : memref<!tpu.dma_semaphore, #tpu.memory_space<semaphore_mem>>) src(%dma_wait3A_2100 : memref<128x64xf32, #tpu.memory_space<vmem>>) dst(%dma_wait3A_2096 : memref<128x64xf32, #tpu.memory_space<hbm>>)
    %dma_start3A_2101 = arith.constant 41 : i32
    %dma_start3A_2102 = arith.constant 1 : i32
    %dma_start3A_2103 = arith.constant 0 : i32
    %dma_start3A_2104 = arith.constant 0 : i32
    %dma_start3A_2105 = tpu.memref_slice %arg6[%dma_start3A_2102, %dma_start3A_2103, %dma_start3A_2104] : memref<8x128x64xf32, #tpu.memory_space<vmem>> -> memref<1x128x64xf32, #tpu.memory_space<vmem>>
    %dma_start3A_2106 = tpu.memref_squeeze %dma_start3A_2105 : memref<1x128x64xf32, #tpu.memory_space<vmem>> -> memref<128x64xf32, #tpu.memory_space<vmem>>
    %dma_start3A_2107 = arith.constant 0 : i32
    %dma_start3A_2108 = tpu.memref_slice %arg5[%dma_start3A_2101, %dma_start3A_2107] : memref<50x128xi32, #tpu.memory_space<vmem>> -> memref<1x128xi32, #tpu.memory_space<vmem>>
    %dma_start3A_2109 = tpu.memref_squeeze %dma_start3A_2108 : memref<1x128xi32, #tpu.memory_space<vmem>> -> memref<128xi32, #tpu.memory_space<vmem>>
    %dma_start3A_2110 = arith.constant 0 : i32
    %dma_start3A_2111 = arith.constant 0 : i32
    %dma_start3A_2112 = tpu.memref_slice %arg3[%dma_start3A_2110, %dma_start3A_2111] : memref<1000000x64xf32, #tpu.memory_space<hbm>> -> memref<1000000x64xf32, #tpu.memory_space<hbm>>
    tpu.enqueue_indirect_dma source(%dma_start3A_2112 : memref<1000000x64xf32, #tpu.memory_space<hbm>>) target(%dma_start3A_2106 : memref<128x64xf32, #tpu.memory_space<vmem>>) offsets(%dma_start3A_2109 : memref<128xi32, #tpu.memory_space<vmem>>) semaphore(%arg8 : memref<!tpu.dma_semaphore, #tpu.memory_space<semaphore_mem>>)
    %dma_wait3A_2113 = arith.constant 38 : i32
    %dma_wait3A_2114 = arith.constant 6 : i32
    %dma_wait3A_2115 = arith.constant 0 : i32
    %dma_wait3A_2116 = arith.constant 0 : i32
    %dma_wait3A_2117 = tpu.memref_slice %arg6[%dma_wait3A_2114, %dma_wait3A_2115, %dma_wait3A_2116] : memref<8x128x64xf32, #tpu.memory_space<vmem>> -> memref<1x128x64xf32, #tpu.memory_space<vmem>>
    %dma_wait3A_2118 = tpu.memref_squeeze %dma_wait3A_2117 : memref<1x128x64xf32, #tpu.memory_space<vmem>> -> memref<128x64xf32, #tpu.memory_space<vmem>>
    %dma_wait3A_2119 = arith.constant 0 : i32
    %dma_wait3A_2120 = tpu.memref_slice %arg5[%dma_wait3A_2113, %dma_wait3A_2119] : memref<50x128xi32, #tpu.memory_space<vmem>> -> memref<1x128xi32, #tpu.memory_space<vmem>>
    %dma_wait3A_2121 = tpu.memref_squeeze %dma_wait3A_2120 : memref<1x128xi32, #tpu.memory_space<vmem>> -> memref<128xi32, #tpu.memory_space<vmem>>
    %dma_wait3A_2122 = arith.constant 0 : i32
    %dma_wait3A_2123 = arith.constant 0 : i32
    %dma_wait3A_2124 = tpu.memref_slice %arg3[%dma_wait3A_2122, %dma_wait3A_2123] : memref<1000000x64xf32, #tpu.memory_space<hbm>> -> memref<1000000x64xf32, #tpu.memory_space<hbm>>
    tpu.wait_indirect_dma semaphore(%arg13 : memref<!tpu.dma_semaphore, #tpu.memory_space<semaphore_mem>>) src(%dma_wait3A_2124 : memref<1000000x64xf32, #tpu.memory_space<hbm>>) dst(%dma_wait3A_2118 : memref<128x64xf32, #tpu.memory_space<vmem>>)
    %dma_start3A_2125 = arith.constant 6 : i32
    %dma_start3A_2126 = arith.constant 38 : i32
    %dma_start3A_2127 = arith.constant 0 : i32
    %dma_start3A_2128 = arith.constant 0 : i32
    %dma_start3A_2129 = tpu.memref_slice %arg6[%dma_start3A_2125, %dma_start3A_2127, %dma_start3A_2128] : memref<8x128x64xf32, #tpu.memory_space<vmem>> -> memref<1x128x64xf32, #tpu.memory_space<vmem>>
    %dma_start3A_2130 = tpu.memref_squeeze %dma_start3A_2129 : memref<1x128x64xf32, #tpu.memory_space<vmem>> -> memref<128x64xf32, #tpu.memory_space<vmem>>
    %dma_start3A_2131 = arith.constant 0 : i32
    %dma_start3A_2132 = tpu.memref_slice %arg4[%mul3A_2, %dma_start3A_2126, %dma_start3A_2131] : memref<4096x50x64xf32, #tpu.memory_space<hbm>> -> memref<128x1x64xf32, #tpu.memory_space<hbm>>
    %dma_start3A_2133 = tpu.memref_squeeze %dma_start3A_2132 : memref<128x1x64xf32, #tpu.memory_space<hbm>> -> memref<128x64xf32, #tpu.memory_space<hbm>>
    %dma_start3A_2134 = arith.constant 0 : i32
    %dma_start3A_2135 = tpu.memref_slice %arg4[%mul3A_2, %dma_start3A_2126, %dma_start3A_2134] : memref<4096x50x64xf32, #tpu.memory_space<hbm>> -> memref<128x1x64xf32, #tpu.memory_space<hbm>>
    %dma_start3A_2136 = tpu.memref_squeeze %dma_start3A_2135 : memref<128x1x64xf32, #tpu.memory_space<hbm>> -> memref<128x64xf32, #tpu.memory_space<hbm>>
    %dma_start3A_2137 = arith.constant 0 : i32
    %dma_start3A_2138 = arith.constant 0 : i32
    %dma_start3A_2139 = tpu.memref_slice %arg6[%dma_start3A_2125, %dma_start3A_2137, %dma_start3A_2138] : memref<8x128x64xf32, #tpu.memory_space<vmem>> -> memref<1x128x64xf32, #tpu.memory_space<vmem>>
    %dma_start3A_2140 = tpu.memref_squeeze %dma_start3A_2139 : memref<1x128x64xf32, #tpu.memory_space<vmem>> -> memref<128x64xf32, #tpu.memory_space<vmem>>
    tpu.enqueue_dma source(%dma_start3A_2140 : memref<128x64xf32, #tpu.memory_space<vmem>>) target(%dma_start3A_2136 : memref<128x64xf32, #tpu.memory_space<hbm>>) target_semaphore(%arg21 : memref<!tpu.dma_semaphore, #tpu.memory_space<semaphore_mem>>)
    %dma_wait3A_2141 = arith.constant 2 : i32
    %dma_wait3A_2142 = arith.constant 0 : i32
    %dma_wait3A_2143 = arith.constant 0 : i32
    %dma_wait3A_2144 = arith.constant 0 : i32
    %dma_wait3A_2145 = tpu.memref_slice %arg6[%dma_wait3A_2141, %dma_wait3A_2143, %dma_wait3A_2144] : memref<8x128x64xf32, #tpu.memory_space<vmem>> -> memref<1x128x64xf32, #tpu.memory_space<vmem>>
    %dma_wait3A_2146 = tpu.memref_squeeze %dma_wait3A_2145 : memref<1x128x64xf32, #tpu.memory_space<vmem>> -> memref<128x64xf32, #tpu.memory_space<vmem>>
    %dma_wait3A_2147 = arith.constant 0 : i32
    %dma_wait3A_2148 = tpu.memref_slice %arg4[%mul3A_2, %dma_wait3A_2142, %dma_wait3A_2147] : memref<4096x50x64xf32, #tpu.memory_space<hbm>> -> memref<128x1x64xf32, #tpu.memory_space<hbm>>
    %dma_wait3A_2149 = tpu.memref_squeeze %dma_wait3A_2148 : memref<128x1x64xf32, #tpu.memory_space<hbm>> -> memref<128x64xf32, #tpu.memory_space<hbm>>
    %dma_wait3A_2150 = arith.constant 0 : i32
    %dma_wait3A_2151 = tpu.memref_slice %arg4[%mul3A_2, %dma_wait3A_2142, %dma_wait3A_2150] : memref<4096x50x64xf32, #tpu.memory_space<hbm>> -> memref<128x1x64xf32, #tpu.memory_space<hbm>>
    %dma_wait3A_2152 = tpu.memref_squeeze %dma_wait3A_2151 : memref<128x1x64xf32, #tpu.memory_space<hbm>> -> memref<128x64xf32, #tpu.memory_space<hbm>>
    %dma_wait3A_2153 = arith.constant 0 : i32
    %dma_wait3A_2154 = arith.constant 0 : i32
    %dma_wait3A_2155 = tpu.memref_slice %arg6[%dma_wait3A_2141, %dma_wait3A_2153, %dma_wait3A_2154] : memref<8x128x64xf32, #tpu.memory_space<vmem>> -> memref<1x128x64xf32, #tpu.memory_space<vmem>>
    %dma_wait3A_2156 = tpu.memref_squeeze %dma_wait3A_2155 : memref<1x128x64xf32, #tpu.memory_space<vmem>> -> memref<128x64xf32, #tpu.memory_space<vmem>>
    tpu.wait_dma2 semaphore(%arg17 : memref<!tpu.dma_semaphore, #tpu.memory_space<semaphore_mem>>) src(%dma_wait3A_2156 : memref<128x64xf32, #tpu.memory_space<vmem>>) dst(%dma_wait3A_2152 : memref<128x64xf32, #tpu.memory_space<hbm>>)
    %dma_start3A_2157 = arith.constant 42 : i32
    %dma_start3A_2158 = arith.constant 2 : i32
    %dma_start3A_2159 = arith.constant 0 : i32
    %dma_start3A_2160 = arith.constant 0 : i32
    %dma_start3A_2161 = tpu.memref_slice %arg6[%dma_start3A_2158, %dma_start3A_2159, %dma_start3A_2160] : memref<8x128x64xf32, #tpu.memory_space<vmem>> -> memref<1x128x64xf32, #tpu.memory_space<vmem>>
    %dma_start3A_2162 = tpu.memref_squeeze %dma_start3A_2161 : memref<1x128x64xf32, #tpu.memory_space<vmem>> -> memref<128x64xf32, #tpu.memory_space<vmem>>
    %dma_start3A_2163 = arith.constant 0 : i32
    %dma_start3A_2164 = tpu.memref_slice %arg5[%dma_start3A_2157, %dma_start3A_2163] : memref<50x128xi32, #tpu.memory_space<vmem>> -> memref<1x128xi32, #tpu.memory_space<vmem>>
    %dma_start3A_2165 = tpu.memref_squeeze %dma_start3A_2164 : memref<1x128xi32, #tpu.memory_space<vmem>> -> memref<128xi32, #tpu.memory_space<vmem>>
    %dma_start3A_2166 = arith.constant 0 : i32
    %dma_start3A_2167 = arith.constant 0 : i32
    %dma_start3A_2168 = tpu.memref_slice %arg3[%dma_start3A_2166, %dma_start3A_2167] : memref<1000000x64xf32, #tpu.memory_space<hbm>> -> memref<1000000x64xf32, #tpu.memory_space<hbm>>
    tpu.enqueue_indirect_dma source(%dma_start3A_2168 : memref<1000000x64xf32, #tpu.memory_space<hbm>>) target(%dma_start3A_2162 : memref<128x64xf32, #tpu.memory_space<vmem>>) offsets(%dma_start3A_2165 : memref<128xi32, #tpu.memory_space<vmem>>) semaphore(%arg9 : memref<!tpu.dma_semaphore, #tpu.memory_space<semaphore_mem>>)
    %dma_wait3A_2169 = arith.constant 39 : i32
    %dma_wait3A_2170 = arith.constant 7 : i32
    %dma_wait3A_2171 = arith.constant 0 : i32
    %dma_wait3A_2172 = arith.constant 0 : i32
    %dma_wait3A_2173 = tpu.memref_slice %arg6[%dma_wait3A_2170, %dma_wait3A_2171, %dma_wait3A_2172] : memref<8x128x64xf32, #tpu.memory_space<vmem>> -> memref<1x128x64xf32, #tpu.memory_space<vmem>>
    %dma_wait3A_2174 = tpu.memref_squeeze %dma_wait3A_2173 : memref<1x128x64xf32, #tpu.memory_space<vmem>> -> memref<128x64xf32, #tpu.memory_space<vmem>>
    %dma_wait3A_2175 = arith.constant 0 : i32
    %dma_wait3A_2176 = tpu.memref_slice %arg5[%dma_wait3A_2169, %dma_wait3A_2175] : memref<50x128xi32, #tpu.memory_space<vmem>> -> memref<1x128xi32, #tpu.memory_space<vmem>>
    %dma_wait3A_2177 = tpu.memref_squeeze %dma_wait3A_2176 : memref<1x128xi32, #tpu.memory_space<vmem>> -> memref<128xi32, #tpu.memory_space<vmem>>
    %dma_wait3A_2178 = arith.constant 0 : i32
    %dma_wait3A_2179 = arith.constant 0 : i32
    %dma_wait3A_2180 = tpu.memref_slice %arg3[%dma_wait3A_2178, %dma_wait3A_2179] : memref<1000000x64xf32, #tpu.memory_space<hbm>> -> memref<1000000x64xf32, #tpu.memory_space<hbm>>
    tpu.wait_indirect_dma semaphore(%arg14 : memref<!tpu.dma_semaphore, #tpu.memory_space<semaphore_mem>>) src(%dma_wait3A_2180 : memref<1000000x64xf32, #tpu.memory_space<hbm>>) dst(%dma_wait3A_2174 : memref<128x64xf32, #tpu.memory_space<vmem>>)
    %dma_start3A_2181 = arith.constant 7 : i32
    %dma_start3A_2182 = arith.constant 39 : i32
    %dma_start3A_2183 = arith.constant 0 : i32
    %dma_start3A_2184 = arith.constant 0 : i32
    %dma_start3A_2185 = tpu.memref_slice %arg6[%dma_start3A_2181, %dma_start3A_2183, %dma_start3A_2184] : memref<8x128x64xf32, #tpu.memory_space<vmem>> -> memref<1x128x64xf32, #tpu.memory_space<vmem>>
    %dma_start3A_2186 = tpu.memref_squeeze %dma_start3A_2185 : memref<1x128x64xf32, #tpu.memory_space<vmem>> -> memref<128x64xf32, #tpu.memory_space<vmem>>
    %dma_start3A_2187 = arith.constant 0 : i32
    %dma_start3A_2188 = tpu.memref_slice %arg4[%mul3A_2, %dma_start3A_2182, %dma_start3A_2187] : memref<4096x50x64xf32, #tpu.memory_space<hbm>> -> memref<128x1x64xf32, #tpu.memory_space<hbm>>
    %dma_start3A_2189 = tpu.memref_squeeze %dma_start3A_2188 : memref<128x1x64xf32, #tpu.memory_space<hbm>> -> memref<128x64xf32, #tpu.memory_space<hbm>>
    %dma_start3A_2190 = arith.constant 0 : i32
    %dma_start3A_2191 = tpu.memref_slice %arg4[%mul3A_2, %dma_start3A_2182, %dma_start3A_2190] : memref<4096x50x64xf32, #tpu.memory_space<hbm>> -> memref<128x1x64xf32, #tpu.memory_space<hbm>>
    %dma_start3A_2192 = tpu.memref_squeeze %dma_start3A_2191 : memref<128x1x64xf32, #tpu.memory_space<hbm>> -> memref<128x64xf32, #tpu.memory_space<hbm>>
    %dma_start3A_2193 = arith.constant 0 : i32
    %dma_start3A_2194 = arith.constant 0 : i32
    %dma_start3A_2195 = tpu.memref_slice %arg6[%dma_start3A_2181, %dma_start3A_2193, %dma_start3A_2194] : memref<8x128x64xf32, #tpu.memory_space<vmem>> -> memref<1x128x64xf32, #tpu.memory_space<vmem>>
    %dma_start3A_2196 = tpu.memref_squeeze %dma_start3A_2195 : memref<1x128x64xf32, #tpu.memory_space<vmem>> -> memref<128x64xf32, #tpu.memory_space<vmem>>
    tpu.enqueue_dma source(%dma_start3A_2196 : memref<128x64xf32, #tpu.memory_space<vmem>>) target(%dma_start3A_2192 : memref<128x64xf32, #tpu.memory_space<hbm>>) target_semaphore(%arg22 : memref<!tpu.dma_semaphore, #tpu.memory_space<semaphore_mem>>)
    %dma_wait3A_2197 = arith.constant 3 : i32
    %dma_wait3A_2198 = arith.constant 0 : i32
    %dma_wait3A_2199 = arith.constant 0 : i32
    %dma_wait3A_2200 = arith.constant 0 : i32
    %dma_wait3A_2201 = tpu.memref_slice %arg6[%dma_wait3A_2197, %dma_wait3A_2199, %dma_wait3A_2200] : memref<8x128x64xf32, #tpu.memory_space<vmem>> -> memref<1x128x64xf32, #tpu.memory_space<vmem>>
    %dma_wait3A_2202 = tpu.memref_squeeze %dma_wait3A_2201 : memref<1x128x64xf32, #tpu.memory_space<vmem>> -> memref<128x64xf32, #tpu.memory_space<vmem>>
    %dma_wait3A_2203 = arith.constant 0 : i32
    %dma_wait3A_2204 = tpu.memref_slice %arg4[%mul3A_2, %dma_wait3A_2198, %dma_wait3A_2203] : memref<4096x50x64xf32, #tpu.memory_space<hbm>> -> memref<128x1x64xf32, #tpu.memory_space<hbm>>
    %dma_wait3A_2205 = tpu.memref_squeeze %dma_wait3A_2204 : memref<128x1x64xf32, #tpu.memory_space<hbm>> -> memref<128x64xf32, #tpu.memory_space<hbm>>
    %dma_wait3A_2206 = arith.constant 0 : i32
    %dma_wait3A_2207 = tpu.memref_slice %arg4[%mul3A_2, %dma_wait3A_2198, %dma_wait3A_2206] : memref<4096x50x64xf32, #tpu.memory_space<hbm>> -> memref<128x1x64xf32, #tpu.memory_space<hbm>>
    %dma_wait3A_2208 = tpu.memref_squeeze %dma_wait3A_2207 : memref<128x1x64xf32, #tpu.memory_space<hbm>> -> memref<128x64xf32, #tpu.memory_space<hbm>>
    %dma_wait3A_2209 = arith.constant 0 : i32
    %dma_wait3A_2210 = arith.constant 0 : i32
    %dma_wait3A_2211 = tpu.memref_slice %arg6[%dma_wait3A_2197, %dma_wait3A_2209, %dma_wait3A_2210] : memref<8x128x64xf32, #tpu.memory_space<vmem>> -> memref<1x128x64xf32, #tpu.memory_space<vmem>>
    %dma_wait3A_2212 = tpu.memref_squeeze %dma_wait3A_2211 : memref<1x128x64xf32, #tpu.memory_space<vmem>> -> memref<128x64xf32, #tpu.memory_space<vmem>>
    tpu.wait_dma2 semaphore(%arg18 : memref<!tpu.dma_semaphore, #tpu.memory_space<semaphore_mem>>) src(%dma_wait3A_2212 : memref<128x64xf32, #tpu.memory_space<vmem>>) dst(%dma_wait3A_2208 : memref<128x64xf32, #tpu.memory_space<hbm>>)
    %dma_start3A_2213 = arith.constant 43 : i32
    %dma_start3A_2214 = arith.constant 3 : i32
    %dma_start3A_2215 = arith.constant 0 : i32
    %dma_start3A_2216 = arith.constant 0 : i32
    %dma_start3A_2217 = tpu.memref_slice %arg6[%dma_start3A_2214, %dma_start3A_2215, %dma_start3A_2216] : memref<8x128x64xf32, #tpu.memory_space<vmem>> -> memref<1x128x64xf32, #tpu.memory_space<vmem>>
    %dma_start3A_2218 = tpu.memref_squeeze %dma_start3A_2217 : memref<1x128x64xf32, #tpu.memory_space<vmem>> -> memref<128x64xf32, #tpu.memory_space<vmem>>
    %dma_start3A_2219 = arith.constant 0 : i32
    %dma_start3A_2220 = tpu.memref_slice %arg5[%dma_start3A_2213, %dma_start3A_2219] : memref<50x128xi32, #tpu.memory_space<vmem>> -> memref<1x128xi32, #tpu.memory_space<vmem>>
    %dma_start3A_2221 = tpu.memref_squeeze %dma_start3A_2220 : memref<1x128xi32, #tpu.memory_space<vmem>> -> memref<128xi32, #tpu.memory_space<vmem>>
    %dma_start3A_2222 = arith.constant 0 : i32
    %dma_start3A_2223 = arith.constant 0 : i32
    %dma_start3A_2224 = tpu.memref_slice %arg3[%dma_start3A_2222, %dma_start3A_2223] : memref<1000000x64xf32, #tpu.memory_space<hbm>> -> memref<1000000x64xf32, #tpu.memory_space<hbm>>
    tpu.enqueue_indirect_dma source(%dma_start3A_2224 : memref<1000000x64xf32, #tpu.memory_space<hbm>>) target(%dma_start3A_2218 : memref<128x64xf32, #tpu.memory_space<vmem>>) offsets(%dma_start3A_2221 : memref<128xi32, #tpu.memory_space<vmem>>) semaphore(%arg10 : memref<!tpu.dma_semaphore, #tpu.memory_space<semaphore_mem>>)
    %dma_wait3A_2225 = arith.constant 40 : i32
    %dma_wait3A_2226 = arith.constant 0 : i32
    %dma_wait3A_2227 = arith.constant 0 : i32
    %dma_wait3A_2228 = arith.constant 0 : i32
    %dma_wait3A_2229 = tpu.memref_slice %arg6[%dma_wait3A_2226, %dma_wait3A_2227, %dma_wait3A_2228] : memref<8x128x64xf32, #tpu.memory_space<vmem>> -> memref<1x128x64xf32, #tpu.memory_space<vmem>>
    %dma_wait3A_2230 = tpu.memref_squeeze %dma_wait3A_2229 : memref<1x128x64xf32, #tpu.memory_space<vmem>> -> memref<128x64xf32, #tpu.memory_space<vmem>>
    %dma_wait3A_2231 = arith.constant 0 : i32
    %dma_wait3A_2232 = tpu.memref_slice %arg5[%dma_wait3A_2225, %dma_wait3A_2231] : memref<50x128xi32, #tpu.memory_space<vmem>> -> memref<1x128xi32, #tpu.memory_space<vmem>>
    %dma_wait3A_2233 = tpu.memref_squeeze %dma_wait3A_2232 : memref<1x128xi32, #tpu.memory_space<vmem>> -> memref<128xi32, #tpu.memory_space<vmem>>
    %dma_wait3A_2234 = arith.constant 0 : i32
    %dma_wait3A_2235 = arith.constant 0 : i32
    %dma_wait3A_2236 = tpu.memref_slice %arg3[%dma_wait3A_2234, %dma_wait3A_2235] : memref<1000000x64xf32, #tpu.memory_space<hbm>> -> memref<1000000x64xf32, #tpu.memory_space<hbm>>
    tpu.wait_indirect_dma semaphore(%arg7 : memref<!tpu.dma_semaphore, #tpu.memory_space<semaphore_mem>>) src(%dma_wait3A_2236 : memref<1000000x64xf32, #tpu.memory_space<hbm>>) dst(%dma_wait3A_2230 : memref<128x64xf32, #tpu.memory_space<vmem>>)
    %dma_start3A_2237 = arith.constant 0 : i32
    %dma_start3A_2238 = arith.constant 40 : i32
    %dma_start3A_2239 = arith.constant 0 : i32
    %dma_start3A_2240 = arith.constant 0 : i32
    %dma_start3A_2241 = tpu.memref_slice %arg6[%dma_start3A_2237, %dma_start3A_2239, %dma_start3A_2240] : memref<8x128x64xf32, #tpu.memory_space<vmem>> -> memref<1x128x64xf32, #tpu.memory_space<vmem>>
    %dma_start3A_2242 = tpu.memref_squeeze %dma_start3A_2241 : memref<1x128x64xf32, #tpu.memory_space<vmem>> -> memref<128x64xf32, #tpu.memory_space<vmem>>
    %dma_start3A_2243 = arith.constant 0 : i32
    %dma_start3A_2244 = tpu.memref_slice %arg4[%mul3A_2, %dma_start3A_2238, %dma_start3A_2243] : memref<4096x50x64xf32, #tpu.memory_space<hbm>> -> memref<128x1x64xf32, #tpu.memory_space<hbm>>
    %dma_start3A_2245 = tpu.memref_squeeze %dma_start3A_2244 : memref<128x1x64xf32, #tpu.memory_space<hbm>> -> memref<128x64xf32, #tpu.memory_space<hbm>>
    %dma_start3A_2246 = arith.constant 0 : i32
    %dma_start3A_2247 = tpu.memref_slice %arg4[%mul3A_2, %dma_start3A_2238, %dma_start3A_2246] : memref<4096x50x64xf32, #tpu.memory_space<hbm>> -> memref<128x1x64xf32, #tpu.memory_space<hbm>>
    %dma_start3A_2248 = tpu.memref_squeeze %dma_start3A_2247 : memref<128x1x64xf32, #tpu.memory_space<hbm>> -> memref<128x64xf32, #tpu.memory_space<hbm>>
    %dma_start3A_2249 = arith.constant 0 : i32
    %dma_start3A_2250 = arith.constant 0 : i32
    %dma_start3A_2251 = tpu.memref_slice %arg6[%dma_start3A_2237, %dma_start3A_2249, %dma_start3A_2250] : memref<8x128x64xf32, #tpu.memory_space<vmem>> -> memref<1x128x64xf32, #tpu.memory_space<vmem>>
    %dma_start3A_2252 = tpu.memref_squeeze %dma_start3A_2251 : memref<1x128x64xf32, #tpu.memory_space<vmem>> -> memref<128x64xf32, #tpu.memory_space<vmem>>
    tpu.enqueue_dma source(%dma_start3A_2252 : memref<128x64xf32, #tpu.memory_space<vmem>>) target(%dma_start3A_2248 : memref<128x64xf32, #tpu.memory_space<hbm>>) target_semaphore(%arg15 : memref<!tpu.dma_semaphore, #tpu.memory_space<semaphore_mem>>)
    %dma_wait3A_2253 = arith.constant 4 : i32
    %dma_wait3A_2254 = arith.constant 0 : i32
    %dma_wait3A_2255 = arith.constant 0 : i32
    %dma_wait3A_2256 = arith.constant 0 : i32
    %dma_wait3A_2257 = tpu.memref_slice %arg6[%dma_wait3A_2253, %dma_wait3A_2255, %dma_wait3A_2256] : memref<8x128x64xf32, #tpu.memory_space<vmem>> -> memref<1x128x64xf32, #tpu.memory_space<vmem>>
    %dma_wait3A_2258 = tpu.memref_squeeze %dma_wait3A_2257 : memref<1x128x64xf32, #tpu.memory_space<vmem>> -> memref<128x64xf32, #tpu.memory_space<vmem>>
    %dma_wait3A_2259 = arith.constant 0 : i32
    %dma_wait3A_2260 = tpu.memref_slice %arg4[%mul3A_2, %dma_wait3A_2254, %dma_wait3A_2259] : memref<4096x50x64xf32, #tpu.memory_space<hbm>> -> memref<128x1x64xf32, #tpu.memory_space<hbm>>
    %dma_wait3A_2261 = tpu.memref_squeeze %dma_wait3A_2260 : memref<128x1x64xf32, #tpu.memory_space<hbm>> -> memref<128x64xf32, #tpu.memory_space<hbm>>
    %dma_wait3A_2262 = arith.constant 0 : i32
    %dma_wait3A_2263 = tpu.memref_slice %arg4[%mul3A_2, %dma_wait3A_2254, %dma_wait3A_2262] : memref<4096x50x64xf32, #tpu.memory_space<hbm>> -> memref<128x1x64xf32, #tpu.memory_space<hbm>>
    %dma_wait3A_2264 = tpu.memref_squeeze %dma_wait3A_2263 : memref<128x1x64xf32, #tpu.memory_space<hbm>> -> memref<128x64xf32, #tpu.memory_space<hbm>>
    %dma_wait3A_2265 = arith.constant 0 : i32
    %dma_wait3A_2266 = arith.constant 0 : i32
    %dma_wait3A_2267 = tpu.memref_slice %arg6[%dma_wait3A_2253, %dma_wait3A_2265, %dma_wait3A_2266] : memref<8x128x64xf32, #tpu.memory_space<vmem>> -> memref<1x128x64xf32, #tpu.memory_space<vmem>>
    %dma_wait3A_2268 = tpu.memref_squeeze %dma_wait3A_2267 : memref<1x128x64xf32, #tpu.memory_space<vmem>> -> memref<128x64xf32, #tpu.memory_space<vmem>>
    tpu.wait_dma2 semaphore(%arg19 : memref<!tpu.dma_semaphore, #tpu.memory_space<semaphore_mem>>) src(%dma_wait3A_2268 : memref<128x64xf32, #tpu.memory_space<vmem>>) dst(%dma_wait3A_2264 : memref<128x64xf32, #tpu.memory_space<hbm>>)
    %dma_start3A_2269 = arith.constant 44 : i32
    %dma_start3A_2270 = arith.constant 4 : i32
    %dma_start3A_2271 = arith.constant 0 : i32
    %dma_start3A_2272 = arith.constant 0 : i32
    %dma_start3A_2273 = tpu.memref_slice %arg6[%dma_start3A_2270, %dma_start3A_2271, %dma_start3A_2272] : memref<8x128x64xf32, #tpu.memory_space<vmem>> -> memref<1x128x64xf32, #tpu.memory_space<vmem>>
    %dma_start3A_2274 = tpu.memref_squeeze %dma_start3A_2273 : memref<1x128x64xf32, #tpu.memory_space<vmem>> -> memref<128x64xf32, #tpu.memory_space<vmem>>
    %dma_start3A_2275 = arith.constant 0 : i32
    %dma_start3A_2276 = tpu.memref_slice %arg5[%dma_start3A_2269, %dma_start3A_2275] : memref<50x128xi32, #tpu.memory_space<vmem>> -> memref<1x128xi32, #tpu.memory_space<vmem>>
    %dma_start3A_2277 = tpu.memref_squeeze %dma_start3A_2276 : memref<1x128xi32, #tpu.memory_space<vmem>> -> memref<128xi32, #tpu.memory_space<vmem>>
    %dma_start3A_2278 = arith.constant 0 : i32
    %dma_start3A_2279 = arith.constant 0 : i32
    %dma_start3A_2280 = tpu.memref_slice %arg3[%dma_start3A_2278, %dma_start3A_2279] : memref<1000000x64xf32, #tpu.memory_space<hbm>> -> memref<1000000x64xf32, #tpu.memory_space<hbm>>
    tpu.enqueue_indirect_dma source(%dma_start3A_2280 : memref<1000000x64xf32, #tpu.memory_space<hbm>>) target(%dma_start3A_2274 : memref<128x64xf32, #tpu.memory_space<vmem>>) offsets(%dma_start3A_2277 : memref<128xi32, #tpu.memory_space<vmem>>) semaphore(%arg11 : memref<!tpu.dma_semaphore, #tpu.memory_space<semaphore_mem>>)
    %dma_wait3A_2281 = arith.constant 41 : i32
    %dma_wait3A_2282 = arith.constant 1 : i32
    %dma_wait3A_2283 = arith.constant 0 : i32
    %dma_wait3A_2284 = arith.constant 0 : i32
    %dma_wait3A_2285 = tpu.memref_slice %arg6[%dma_wait3A_2282, %dma_wait3A_2283, %dma_wait3A_2284] : memref<8x128x64xf32, #tpu.memory_space<vmem>> -> memref<1x128x64xf32, #tpu.memory_space<vmem>>
    %dma_wait3A_2286 = tpu.memref_squeeze %dma_wait3A_2285 : memref<1x128x64xf32, #tpu.memory_space<vmem>> -> memref<128x64xf32, #tpu.memory_space<vmem>>
    %dma_wait3A_2287 = arith.constant 0 : i32
    %dma_wait3A_2288 = tpu.memref_slice %arg5[%dma_wait3A_2281, %dma_wait3A_2287] : memref<50x128xi32, #tpu.memory_space<vmem>> -> memref<1x128xi32, #tpu.memory_space<vmem>>
    %dma_wait3A_2289 = tpu.memref_squeeze %dma_wait3A_2288 : memref<1x128xi32, #tpu.memory_space<vmem>> -> memref<128xi32, #tpu.memory_space<vmem>>
    %dma_wait3A_2290 = arith.constant 0 : i32
    %dma_wait3A_2291 = arith.constant 0 : i32
    %dma_wait3A_2292 = tpu.memref_slice %arg3[%dma_wait3A_2290, %dma_wait3A_2291] : memref<1000000x64xf32, #tpu.memory_space<hbm>> -> memref<1000000x64xf32, #tpu.memory_space<hbm>>
    tpu.wait_indirect_dma semaphore(%arg8 : memref<!tpu.dma_semaphore, #tpu.memory_space<semaphore_mem>>) src(%dma_wait3A_2292 : memref<1000000x64xf32, #tpu.memory_space<hbm>>) dst(%dma_wait3A_2286 : memref<128x64xf32, #tpu.memory_space<vmem>>)
    %dma_start3A_2293 = arith.constant 1 : i32
    %dma_start3A_2294 = arith.constant 41 : i32
    %dma_start3A_2295 = arith.constant 0 : i32
    %dma_start3A_2296 = arith.constant 0 : i32
    %dma_start3A_2297 = tpu.memref_slice %arg6[%dma_start3A_2293, %dma_start3A_2295, %dma_start3A_2296] : memref<8x128x64xf32, #tpu.memory_space<vmem>> -> memref<1x128x64xf32, #tpu.memory_space<vmem>>
    %dma_start3A_2298 = tpu.memref_squeeze %dma_start3A_2297 : memref<1x128x64xf32, #tpu.memory_space<vmem>> -> memref<128x64xf32, #tpu.memory_space<vmem>>
    %dma_start3A_2299 = arith.constant 0 : i32
    %dma_start3A_2300 = tpu.memref_slice %arg4[%mul3A_2, %dma_start3A_2294, %dma_start3A_2299] : memref<4096x50x64xf32, #tpu.memory_space<hbm>> -> memref<128x1x64xf32, #tpu.memory_space<hbm>>
    %dma_start3A_2301 = tpu.memref_squeeze %dma_start3A_2300 : memref<128x1x64xf32, #tpu.memory_space<hbm>> -> memref<128x64xf32, #tpu.memory_space<hbm>>
    %dma_start3A_2302 = arith.constant 0 : i32
    %dma_start3A_2303 = tpu.memref_slice %arg4[%mul3A_2, %dma_start3A_2294, %dma_start3A_2302] : memref<4096x50x64xf32, #tpu.memory_space<hbm>> -> memref<128x1x64xf32, #tpu.memory_space<hbm>>
    %dma_start3A_2304 = tpu.memref_squeeze %dma_start3A_2303 : memref<128x1x64xf32, #tpu.memory_space<hbm>> -> memref<128x64xf32, #tpu.memory_space<hbm>>
    %dma_start3A_2305 = arith.constant 0 : i32
    %dma_start3A_2306 = arith.constant 0 : i32
    %dma_start3A_2307 = tpu.memref_slice %arg6[%dma_start3A_2293, %dma_start3A_2305, %dma_start3A_2306] : memref<8x128x64xf32, #tpu.memory_space<vmem>> -> memref<1x128x64xf32, #tpu.memory_space<vmem>>
    %dma_start3A_2308 = tpu.memref_squeeze %dma_start3A_2307 : memref<1x128x64xf32, #tpu.memory_space<vmem>> -> memref<128x64xf32, #tpu.memory_space<vmem>>
    tpu.enqueue_dma source(%dma_start3A_2308 : memref<128x64xf32, #tpu.memory_space<vmem>>) target(%dma_start3A_2304 : memref<128x64xf32, #tpu.memory_space<hbm>>) target_semaphore(%arg16 : memref<!tpu.dma_semaphore, #tpu.memory_space<semaphore_mem>>)
    %dma_wait3A_2309 = arith.constant 5 : i32
    %dma_wait3A_2310 = arith.constant 0 : i32
    %dma_wait3A_2311 = arith.constant 0 : i32
    %dma_wait3A_2312 = arith.constant 0 : i32
    %dma_wait3A_2313 = tpu.memref_slice %arg6[%dma_wait3A_2309, %dma_wait3A_2311, %dma_wait3A_2312] : memref<8x128x64xf32, #tpu.memory_space<vmem>> -> memref<1x128x64xf32, #tpu.memory_space<vmem>>
    %dma_wait3A_2314 = tpu.memref_squeeze %dma_wait3A_2313 : memref<1x128x64xf32, #tpu.memory_space<vmem>> -> memref<128x64xf32, #tpu.memory_space<vmem>>
    %dma_wait3A_2315 = arith.constant 0 : i32
    %dma_wait3A_2316 = tpu.memref_slice %arg4[%mul3A_2, %dma_wait3A_2310, %dma_wait3A_2315] : memref<4096x50x64xf32, #tpu.memory_space<hbm>> -> memref<128x1x64xf32, #tpu.memory_space<hbm>>
    %dma_wait3A_2317 = tpu.memref_squeeze %dma_wait3A_2316 : memref<128x1x64xf32, #tpu.memory_space<hbm>> -> memref<128x64xf32, #tpu.memory_space<hbm>>
    %dma_wait3A_2318 = arith.constant 0 : i32
    %dma_wait3A_2319 = tpu.memref_slice %arg4[%mul3A_2, %dma_wait3A_2310, %dma_wait3A_2318] : memref<4096x50x64xf32, #tpu.memory_space<hbm>> -> memref<128x1x64xf32, #tpu.memory_space<hbm>>
    %dma_wait3A_2320 = tpu.memref_squeeze %dma_wait3A_2319 : memref<128x1x64xf32, #tpu.memory_space<hbm>> -> memref<128x64xf32, #tpu.memory_space<hbm>>
    %dma_wait3A_2321 = arith.constant 0 : i32
    %dma_wait3A_2322 = arith.constant 0 : i32
    %dma_wait3A_2323 = tpu.memref_slice %arg6[%dma_wait3A_2309, %dma_wait3A_2321, %dma_wait3A_2322] : memref<8x128x64xf32, #tpu.memory_space<vmem>> -> memref<1x128x64xf32, #tpu.memory_space<vmem>>
    %dma_wait3A_2324 = tpu.memref_squeeze %dma_wait3A_2323 : memref<1x128x64xf32, #tpu.memory_space<vmem>> -> memref<128x64xf32, #tpu.memory_space<vmem>>
    tpu.wait_dma2 semaphore(%arg20 : memref<!tpu.dma_semaphore, #tpu.memory_space<semaphore_mem>>) src(%dma_wait3A_2324 : memref<128x64xf32, #tpu.memory_space<vmem>>) dst(%dma_wait3A_2320 : memref<128x64xf32, #tpu.memory_space<hbm>>)
    %dma_start3A_2325 = arith.constant 45 : i32
    %dma_start3A_2326 = arith.constant 5 : i32
    %dma_start3A_2327 = arith.constant 0 : i32
    %dma_start3A_2328 = arith.constant 0 : i32
    %dma_start3A_2329 = tpu.memref_slice %arg6[%dma_start3A_2326, %dma_start3A_2327, %dma_start3A_2328] : memref<8x128x64xf32, #tpu.memory_space<vmem>> -> memref<1x128x64xf32, #tpu.memory_space<vmem>>
    %dma_start3A_2330 = tpu.memref_squeeze %dma_start3A_2329 : memref<1x128x64xf32, #tpu.memory_space<vmem>> -> memref<128x64xf32, #tpu.memory_space<vmem>>
    %dma_start3A_2331 = arith.constant 0 : i32
    %dma_start3A_2332 = tpu.memref_slice %arg5[%dma_start3A_2325, %dma_start3A_2331] : memref<50x128xi32, #tpu.memory_space<vmem>> -> memref<1x128xi32, #tpu.memory_space<vmem>>
    %dma_start3A_2333 = tpu.memref_squeeze %dma_start3A_2332 : memref<1x128xi32, #tpu.memory_space<vmem>> -> memref<128xi32, #tpu.memory_space<vmem>>
    %dma_start3A_2334 = arith.constant 0 : i32
    %dma_start3A_2335 = arith.constant 0 : i32
    %dma_start3A_2336 = tpu.memref_slice %arg3[%dma_start3A_2334, %dma_start3A_2335] : memref<1000000x64xf32, #tpu.memory_space<hbm>> -> memref<1000000x64xf32, #tpu.memory_space<hbm>>
    tpu.enqueue_indirect_dma source(%dma_start3A_2336 : memref<1000000x64xf32, #tpu.memory_space<hbm>>) target(%dma_start3A_2330 : memref<128x64xf32, #tpu.memory_space<vmem>>) offsets(%dma_start3A_2333 : memref<128xi32, #tpu.memory_space<vmem>>) semaphore(%arg12 : memref<!tpu.dma_semaphore, #tpu.memory_space<semaphore_mem>>)
    %dma_wait3A_2337 = arith.constant 42 : i32
    %dma_wait3A_2338 = arith.constant 2 : i32
    %dma_wait3A_2339 = arith.constant 0 : i32
    %dma_wait3A_2340 = arith.constant 0 : i32
    %dma_wait3A_2341 = tpu.memref_slice %arg6[%dma_wait3A_2338, %dma_wait3A_2339, %dma_wait3A_2340] : memref<8x128x64xf32, #tpu.memory_space<vmem>> -> memref<1x128x64xf32, #tpu.memory_space<vmem>>
    %dma_wait3A_2342 = tpu.memref_squeeze %dma_wait3A_2341 : memref<1x128x64xf32, #tpu.memory_space<vmem>> -> memref<128x64xf32, #tpu.memory_space<vmem>>
    %dma_wait3A_2343 = arith.constant 0 : i32
    %dma_wait3A_2344 = tpu.memref_slice %arg5[%dma_wait3A_2337, %dma_wait3A_2343] : memref<50x128xi32, #tpu.memory_space<vmem>> -> memref<1x128xi32, #tpu.memory_space<vmem>>
    %dma_wait3A_2345 = tpu.memref_squeeze %dma_wait3A_2344 : memref<1x128xi32, #tpu.memory_space<vmem>> -> memref<128xi32, #tpu.memory_space<vmem>>
    %dma_wait3A_2346 = arith.constant 0 : i32
    %dma_wait3A_2347 = arith.constant 0 : i32
    %dma_wait3A_2348 = tpu.memref_slice %arg3[%dma_wait3A_2346, %dma_wait3A_2347] : memref<1000000x64xf32, #tpu.memory_space<hbm>> -> memref<1000000x64xf32, #tpu.memory_space<hbm>>
    tpu.wait_indirect_dma semaphore(%arg9 : memref<!tpu.dma_semaphore, #tpu.memory_space<semaphore_mem>>) src(%dma_wait3A_2348 : memref<1000000x64xf32, #tpu.memory_space<hbm>>) dst(%dma_wait3A_2342 : memref<128x64xf32, #tpu.memory_space<vmem>>)
    %dma_start3A_2349 = arith.constant 2 : i32
    %dma_start3A_2350 = arith.constant 42 : i32
    %dma_start3A_2351 = arith.constant 0 : i32
    %dma_start3A_2352 = arith.constant 0 : i32
    %dma_start3A_2353 = tpu.memref_slice %arg6[%dma_start3A_2349, %dma_start3A_2351, %dma_start3A_2352] : memref<8x128x64xf32, #tpu.memory_space<vmem>> -> memref<1x128x64xf32, #tpu.memory_space<vmem>>
    %dma_start3A_2354 = tpu.memref_squeeze %dma_start3A_2353 : memref<1x128x64xf32, #tpu.memory_space<vmem>> -> memref<128x64xf32, #tpu.memory_space<vmem>>
    %dma_start3A_2355 = arith.constant 0 : i32
    %dma_start3A_2356 = tpu.memref_slice %arg4[%mul3A_2, %dma_start3A_2350, %dma_start3A_2355] : memref<4096x50x64xf32, #tpu.memory_space<hbm>> -> memref<128x1x64xf32, #tpu.memory_space<hbm>>
    %dma_start3A_2357 = tpu.memref_squeeze %dma_start3A_2356 : memref<128x1x64xf32, #tpu.memory_space<hbm>> -> memref<128x64xf32, #tpu.memory_space<hbm>>
    %dma_start3A_2358 = arith.constant 0 : i32
    %dma_start3A_2359 = tpu.memref_slice %arg4[%mul3A_2, %dma_start3A_2350, %dma_start3A_2358] : memref<4096x50x64xf32, #tpu.memory_space<hbm>> -> memref<128x1x64xf32, #tpu.memory_space<hbm>>
    %dma_start3A_2360 = tpu.memref_squeeze %dma_start3A_2359 : memref<128x1x64xf32, #tpu.memory_space<hbm>> -> memref<128x64xf32, #tpu.memory_space<hbm>>
    %dma_start3A_2361 = arith.constant 0 : i32
    %dma_start3A_2362 = arith.constant 0 : i32
    %dma_start3A_2363 = tpu.memref_slice %arg6[%dma_start3A_2349, %dma_start3A_2361, %dma_start3A_2362] : memref<8x128x64xf32, #tpu.memory_space<vmem>> -> memref<1x128x64xf32, #tpu.memory_space<vmem>>
    %dma_start3A_2364 = tpu.memref_squeeze %dma_start3A_2363 : memref<1x128x64xf32, #tpu.memory_space<vmem>> -> memref<128x64xf32, #tpu.memory_space<vmem>>
    tpu.enqueue_dma source(%dma_start3A_2364 : memref<128x64xf32, #tpu.memory_space<vmem>>) target(%dma_start3A_2360 : memref<128x64xf32, #tpu.memory_space<hbm>>) target_semaphore(%arg17 : memref<!tpu.dma_semaphore, #tpu.memory_space<semaphore_mem>>)
    %dma_wait3A_2365 = arith.constant 6 : i32
    %dma_wait3A_2366 = arith.constant 0 : i32
    %dma_wait3A_2367 = arith.constant 0 : i32
    %dma_wait3A_2368 = arith.constant 0 : i32
    %dma_wait3A_2369 = tpu.memref_slice %arg6[%dma_wait3A_2365, %dma_wait3A_2367, %dma_wait3A_2368] : memref<8x128x64xf32, #tpu.memory_space<vmem>> -> memref<1x128x64xf32, #tpu.memory_space<vmem>>
    %dma_wait3A_2370 = tpu.memref_squeeze %dma_wait3A_2369 : memref<1x128x64xf32, #tpu.memory_space<vmem>> -> memref<128x64xf32, #tpu.memory_space<vmem>>
    %dma_wait3A_2371 = arith.constant 0 : i32
    %dma_wait3A_2372 = tpu.memref_slice %arg4[%mul3A_2, %dma_wait3A_2366, %dma_wait3A_2371] : memref<4096x50x64xf32, #tpu.memory_space<hbm>> -> memref<128x1x64xf32, #tpu.memory_space<hbm>>
    %dma_wait3A_2373 = tpu.memref_squeeze %dma_wait3A_2372 : memref<128x1x64xf32, #tpu.memory_space<hbm>> -> memref<128x64xf32, #tpu.memory_space<hbm>>
    %dma_wait3A_2374 = arith.constant 0 : i32
    %dma_wait3A_2375 = tpu.memref_slice %arg4[%mul3A_2, %dma_wait3A_2366, %dma_wait3A_2374] : memref<4096x50x64xf32, #tpu.memory_space<hbm>> -> memref<128x1x64xf32, #tpu.memory_space<hbm>>
    %dma_wait3A_2376 = tpu.memref_squeeze %dma_wait3A_2375 : memref<128x1x64xf32, #tpu.memory_space<hbm>> -> memref<128x64xf32, #tpu.memory_space<hbm>>
    %dma_wait3A_2377 = arith.constant 0 : i32
    %dma_wait3A_2378 = arith.constant 0 : i32
    %dma_wait3A_2379 = tpu.memref_slice %arg6[%dma_wait3A_2365, %dma_wait3A_2377, %dma_wait3A_2378] : memref<8x128x64xf32, #tpu.memory_space<vmem>> -> memref<1x128x64xf32, #tpu.memory_space<vmem>>
    %dma_wait3A_2380 = tpu.memref_squeeze %dma_wait3A_2379 : memref<1x128x64xf32, #tpu.memory_space<vmem>> -> memref<128x64xf32, #tpu.memory_space<vmem>>
    tpu.wait_dma2 semaphore(%arg21 : memref<!tpu.dma_semaphore, #tpu.memory_space<semaphore_mem>>) src(%dma_wait3A_2380 : memref<128x64xf32, #tpu.memory_space<vmem>>) dst(%dma_wait3A_2376 : memref<128x64xf32, #tpu.memory_space<hbm>>)
    %dma_start3A_2381 = arith.constant 46 : i32
    %dma_start3A_2382 = arith.constant 6 : i32
    %dma_start3A_2383 = arith.constant 0 : i32
    %dma_start3A_2384 = arith.constant 0 : i32
    %dma_start3A_2385 = tpu.memref_slice %arg6[%dma_start3A_2382, %dma_start3A_2383, %dma_start3A_2384] : memref<8x128x64xf32, #tpu.memory_space<vmem>> -> memref<1x128x64xf32, #tpu.memory_space<vmem>>
    %dma_start3A_2386 = tpu.memref_squeeze %dma_start3A_2385 : memref<1x128x64xf32, #tpu.memory_space<vmem>> -> memref<128x64xf32, #tpu.memory_space<vmem>>
    %dma_start3A_2387 = arith.constant 0 : i32
    %dma_start3A_2388 = tpu.memref_slice %arg5[%dma_start3A_2381, %dma_start3A_2387] : memref<50x128xi32, #tpu.memory_space<vmem>> -> memref<1x128xi32, #tpu.memory_space<vmem>>
    %dma_start3A_2389 = tpu.memref_squeeze %dma_start3A_2388 : memref<1x128xi32, #tpu.memory_space<vmem>> -> memref<128xi32, #tpu.memory_space<vmem>>
    %dma_start3A_2390 = arith.constant 0 : i32
    %dma_start3A_2391 = arith.constant 0 : i32
    %dma_start3A_2392 = tpu.memref_slice %arg3[%dma_start3A_2390, %dma_start3A_2391] : memref<1000000x64xf32, #tpu.memory_space<hbm>> -> memref<1000000x64xf32, #tpu.memory_space<hbm>>
    tpu.enqueue_indirect_dma source(%dma_start3A_2392 : memref<1000000x64xf32, #tpu.memory_space<hbm>>) target(%dma_start3A_2386 : memref<128x64xf32, #tpu.memory_space<vmem>>) offsets(%dma_start3A_2389 : memref<128xi32, #tpu.memory_space<vmem>>) semaphore(%arg13 : memref<!tpu.dma_semaphore, #tpu.memory_space<semaphore_mem>>)
    %dma_wait3A_2393 = arith.constant 43 : i32
    %dma_wait3A_2394 = arith.constant 3 : i32
    %dma_wait3A_2395 = arith.constant 0 : i32
    %dma_wait3A_2396 = arith.constant 0 : i32
    %dma_wait3A_2397 = tpu.memref_slice %arg6[%dma_wait3A_2394, %dma_wait3A_2395, %dma_wait3A_2396] : memref<8x128x64xf32, #tpu.memory_space<vmem>> -> memref<1x128x64xf32, #tpu.memory_space<vmem>>
    %dma_wait3A_2398 = tpu.memref_squeeze %dma_wait3A_2397 : memref<1x128x64xf32, #tpu.memory_space<vmem>> -> memref<128x64xf32, #tpu.memory_space<vmem>>
    %dma_wait3A_2399 = arith.constant 0 : i32
    %dma_wait3A_2400 = tpu.memref_slice %arg5[%dma_wait3A_2393, %dma_wait3A_2399] : memref<50x128xi32, #tpu.memory_space<vmem>> -> memref<1x128xi32, #tpu.memory_space<vmem>>
    %dma_wait3A_2401 = tpu.memref_squeeze %dma_wait3A_2400 : memref<1x128xi32, #tpu.memory_space<vmem>> -> memref<128xi32, #tpu.memory_space<vmem>>
    %dma_wait3A_2402 = arith.constant 0 : i32
    %dma_wait3A_2403 = arith.constant 0 : i32
    %dma_wait3A_2404 = tpu.memref_slice %arg3[%dma_wait3A_2402, %dma_wait3A_2403] : memref<1000000x64xf32, #tpu.memory_space<hbm>> -> memref<1000000x64xf32, #tpu.memory_space<hbm>>
    tpu.wait_indirect_dma semaphore(%arg10 : memref<!tpu.dma_semaphore, #tpu.memory_space<semaphore_mem>>) src(%dma_wait3A_2404 : memref<1000000x64xf32, #tpu.memory_space<hbm>>) dst(%dma_wait3A_2398 : memref<128x64xf32, #tpu.memory_space<vmem>>)
    %dma_start3A_2405 = arith.constant 3 : i32
    %dma_start3A_2406 = arith.constant 43 : i32
    %dma_start3A_2407 = arith.constant 0 : i32
    %dma_start3A_2408 = arith.constant 0 : i32
    %dma_start3A_2409 = tpu.memref_slice %arg6[%dma_start3A_2405, %dma_start3A_2407, %dma_start3A_2408] : memref<8x128x64xf32, #tpu.memory_space<vmem>> -> memref<1x128x64xf32, #tpu.memory_space<vmem>>
    %dma_start3A_2410 = tpu.memref_squeeze %dma_start3A_2409 : memref<1x128x64xf32, #tpu.memory_space<vmem>> -> memref<128x64xf32, #tpu.memory_space<vmem>>
    %dma_start3A_2411 = arith.constant 0 : i32
    %dma_start3A_2412 = tpu.memref_slice %arg4[%mul3A_2, %dma_start3A_2406, %dma_start3A_2411] : memref<4096x50x64xf32, #tpu.memory_space<hbm>> -> memref<128x1x64xf32, #tpu.memory_space<hbm>>
    %dma_start3A_2413 = tpu.memref_squeeze %dma_start3A_2412 : memref<128x1x64xf32, #tpu.memory_space<hbm>> -> memref<128x64xf32, #tpu.memory_space<hbm>>
    %dma_start3A_2414 = arith.constant 0 : i32
    %dma_start3A_2415 = tpu.memref_slice %arg4[%mul3A_2, %dma_start3A_2406, %dma_start3A_2414] : memref<4096x50x64xf32, #tpu.memory_space<hbm>> -> memref<128x1x64xf32, #tpu.memory_space<hbm>>
    %dma_start3A_2416 = tpu.memref_squeeze %dma_start3A_2415 : memref<128x1x64xf32, #tpu.memory_space<hbm>> -> memref<128x64xf32, #tpu.memory_space<hbm>>
    %dma_start3A_2417 = arith.constant 0 : i32
    %dma_start3A_2418 = arith.constant 0 : i32
    %dma_start3A_2419 = tpu.memref_slice %arg6[%dma_start3A_2405, %dma_start3A_2417, %dma_start3A_2418] : memref<8x128x64xf32, #tpu.memory_space<vmem>> -> memref<1x128x64xf32, #tpu.memory_space<vmem>>
    %dma_start3A_2420 = tpu.memref_squeeze %dma_start3A_2419 : memref<1x128x64xf32, #tpu.memory_space<vmem>> -> memref<128x64xf32, #tpu.memory_space<vmem>>
    tpu.enqueue_dma source(%dma_start3A_2420 : memref<128x64xf32, #tpu.memory_space<vmem>>) target(%dma_start3A_2416 : memref<128x64xf32, #tpu.memory_space<hbm>>) target_semaphore(%arg18 : memref<!tpu.dma_semaphore, #tpu.memory_space<semaphore_mem>>)
    %dma_wait3A_2421 = arith.constant 7 : i32
    %dma_wait3A_2422 = arith.constant 0 : i32
    %dma_wait3A_2423 = arith.constant 0 : i32
    %dma_wait3A_2424 = arith.constant 0 : i32
    %dma_wait3A_2425 = tpu.memref_slice %arg6[%dma_wait3A_2421, %dma_wait3A_2423, %dma_wait3A_2424] : memref<8x128x64xf32, #tpu.memory_space<vmem>> -> memref<1x128x64xf32, #tpu.memory_space<vmem>>
    %dma_wait3A_2426 = tpu.memref_squeeze %dma_wait3A_2425 : memref<1x128x64xf32, #tpu.memory_space<vmem>> -> memref<128x64xf32, #tpu.memory_space<vmem>>
    %dma_wait3A_2427 = arith.constant 0 : i32
    %dma_wait3A_2428 = tpu.memref_slice %arg4[%mul3A_2, %dma_wait3A_2422, %dma_wait3A_2427] : memref<4096x50x64xf32, #tpu.memory_space<hbm>> -> memref<128x1x64xf32, #tpu.memory_space<hbm>>
    %dma_wait3A_2429 = tpu.memref_squeeze %dma_wait3A_2428 : memref<128x1x64xf32, #tpu.memory_space<hbm>> -> memref<128x64xf32, #tpu.memory_space<hbm>>
    %dma_wait3A_2430 = arith.constant 0 : i32
    %dma_wait3A_2431 = tpu.memref_slice %arg4[%mul3A_2, %dma_wait3A_2422, %dma_wait3A_2430] : memref<4096x50x64xf32, #tpu.memory_space<hbm>> -> memref<128x1x64xf32, #tpu.memory_space<hbm>>
    %dma_wait3A_2432 = tpu.memref_squeeze %dma_wait3A_2431 : memref<128x1x64xf32, #tpu.memory_space<hbm>> -> memref<128x64xf32, #tpu.memory_space<hbm>>
    %dma_wait3A_2433 = arith.constant 0 : i32
    %dma_wait3A_2434 = arith.constant 0 : i32
    %dma_wait3A_2435 = tpu.memref_slice %arg6[%dma_wait3A_2421, %dma_wait3A_2433, %dma_wait3A_2434] : memref<8x128x64xf32, #tpu.memory_space<vmem>> -> memref<1x128x64xf32, #tpu.memory_space<vmem>>
    %dma_wait3A_2436 = tpu.memref_squeeze %dma_wait3A_2435 : memref<1x128x64xf32, #tpu.memory_space<vmem>> -> memref<128x64xf32, #tpu.memory_space<vmem>>
    tpu.wait_dma2 semaphore(%arg22 : memref<!tpu.dma_semaphore, #tpu.memory_space<semaphore_mem>>) src(%dma_wait3A_2436 : memref<128x64xf32, #tpu.memory_space<vmem>>) dst(%dma_wait3A_2432 : memref<128x64xf32, #tpu.memory_space<hbm>>)
    %dma_start3A_2437 = arith.constant 47 : i32
    %dma_start3A_2438 = arith.constant 7 : i32
    %dma_start3A_2439 = arith.constant 0 : i32
    %dma_start3A_2440 = arith.constant 0 : i32
    %dma_start3A_2441 = tpu.memref_slice %arg6[%dma_start3A_2438, %dma_start3A_2439, %dma_start3A_2440] : memref<8x128x64xf32, #tpu.memory_space<vmem>> -> memref<1x128x64xf32, #tpu.memory_space<vmem>>
    %dma_start3A_2442 = tpu.memref_squeeze %dma_start3A_2441 : memref<1x128x64xf32, #tpu.memory_space<vmem>> -> memref<128x64xf32, #tpu.memory_space<vmem>>
    %dma_start3A_2443 = arith.constant 0 : i32
    %dma_start3A_2444 = tpu.memref_slice %arg5[%dma_start3A_2437, %dma_start3A_2443] : memref<50x128xi32, #tpu.memory_space<vmem>> -> memref<1x128xi32, #tpu.memory_space<vmem>>
    %dma_start3A_2445 = tpu.memref_squeeze %dma_start3A_2444 : memref<1x128xi32, #tpu.memory_space<vmem>> -> memref<128xi32, #tpu.memory_space<vmem>>
    %dma_start3A_2446 = arith.constant 0 : i32
    %dma_start3A_2447 = arith.constant 0 : i32
    %dma_start3A_2448 = tpu.memref_slice %arg3[%dma_start3A_2446, %dma_start3A_2447] : memref<1000000x64xf32, #tpu.memory_space<hbm>> -> memref<1000000x64xf32, #tpu.memory_space<hbm>>
    tpu.enqueue_indirect_dma source(%dma_start3A_2448 : memref<1000000x64xf32, #tpu.memory_space<hbm>>) target(%dma_start3A_2442 : memref<128x64xf32, #tpu.memory_space<vmem>>) offsets(%dma_start3A_2445 : memref<128xi32, #tpu.memory_space<vmem>>) semaphore(%arg14 : memref<!tpu.dma_semaphore, #tpu.memory_space<semaphore_mem>>)
    %dma_wait3A_2449 = arith.constant 44 : i32
    %dma_wait3A_2450 = arith.constant 4 : i32
    %dma_wait3A_2451 = arith.constant 0 : i32
    %dma_wait3A_2452 = arith.constant 0 : i32
    %dma_wait3A_2453 = tpu.memref_slice %arg6[%dma_wait3A_2450, %dma_wait3A_2451, %dma_wait3A_2452] : memref<8x128x64xf32, #tpu.memory_space<vmem>> -> memref<1x128x64xf32, #tpu.memory_space<vmem>>
    %dma_wait3A_2454 = tpu.memref_squeeze %dma_wait3A_2453 : memref<1x128x64xf32, #tpu.memory_space<vmem>> -> memref<128x64xf32, #tpu.memory_space<vmem>>
    %dma_wait3A_2455 = arith.constant 0 : i32
    %dma_wait3A_2456 = tpu.memref_slice %arg5[%dma_wait3A_2449, %dma_wait3A_2455] : memref<50x128xi32, #tpu.memory_space<vmem>> -> memref<1x128xi32, #tpu.memory_space<vmem>>
    %dma_wait3A_2457 = tpu.memref_squeeze %dma_wait3A_2456 : memref<1x128xi32, #tpu.memory_space<vmem>> -> memref<128xi32, #tpu.memory_space<vmem>>
    %dma_wait3A_2458 = arith.constant 0 : i32
    %dma_wait3A_2459 = arith.constant 0 : i32
    %dma_wait3A_2460 = tpu.memref_slice %arg3[%dma_wait3A_2458, %dma_wait3A_2459] : memref<1000000x64xf32, #tpu.memory_space<hbm>> -> memref<1000000x64xf32, #tpu.memory_space<hbm>>
    tpu.wait_indirect_dma semaphore(%arg11 : memref<!tpu.dma_semaphore, #tpu.memory_space<semaphore_mem>>) src(%dma_wait3A_2460 : memref<1000000x64xf32, #tpu.memory_space<hbm>>) dst(%dma_wait3A_2454 : memref<128x64xf32, #tpu.memory_space<vmem>>)
    %dma_start3A_2461 = arith.constant 4 : i32
    %dma_start3A_2462 = arith.constant 44 : i32
    %dma_start3A_2463 = arith.constant 0 : i32
    %dma_start3A_2464 = arith.constant 0 : i32
    %dma_start3A_2465 = tpu.memref_slice %arg6[%dma_start3A_2461, %dma_start3A_2463, %dma_start3A_2464] : memref<8x128x64xf32, #tpu.memory_space<vmem>> -> memref<1x128x64xf32, #tpu.memory_space<vmem>>
    %dma_start3A_2466 = tpu.memref_squeeze %dma_start3A_2465 : memref<1x128x64xf32, #tpu.memory_space<vmem>> -> memref<128x64xf32, #tpu.memory_space<vmem>>
    %dma_start3A_2467 = arith.constant 0 : i32
    %dma_start3A_2468 = tpu.memref_slice %arg4[%mul3A_2, %dma_start3A_2462, %dma_start3A_2467] : memref<4096x50x64xf32, #tpu.memory_space<hbm>> -> memref<128x1x64xf32, #tpu.memory_space<hbm>>
    %dma_start3A_2469 = tpu.memref_squeeze %dma_start3A_2468 : memref<128x1x64xf32, #tpu.memory_space<hbm>> -> memref<128x64xf32, #tpu.memory_space<hbm>>
    %dma_start3A_2470 = arith.constant 0 : i32
    %dma_start3A_2471 = tpu.memref_slice %arg4[%mul3A_2, %dma_start3A_2462, %dma_start3A_2470] : memref<4096x50x64xf32, #tpu.memory_space<hbm>> -> memref<128x1x64xf32, #tpu.memory_space<hbm>>
    %dma_start3A_2472 = tpu.memref_squeeze %dma_start3A_2471 : memref<128x1x64xf32, #tpu.memory_space<hbm>> -> memref<128x64xf32, #tpu.memory_space<hbm>>
    %dma_start3A_2473 = arith.constant 0 : i32
    %dma_start3A_2474 = arith.constant 0 : i32
    %dma_start3A_2475 = tpu.memref_slice %arg6[%dma_start3A_2461, %dma_start3A_2473, %dma_start3A_2474] : memref<8x128x64xf32, #tpu.memory_space<vmem>> -> memref<1x128x64xf32, #tpu.memory_space<vmem>>
    %dma_start3A_2476 = tpu.memref_squeeze %dma_start3A_2475 : memref<1x128x64xf32, #tpu.memory_space<vmem>> -> memref<128x64xf32, #tpu.memory_space<vmem>>
    tpu.enqueue_dma source(%dma_start3A_2476 : memref<128x64xf32, #tpu.memory_space<vmem>>) target(%dma_start3A_2472 : memref<128x64xf32, #tpu.memory_space<hbm>>) target_semaphore(%arg19 : memref<!tpu.dma_semaphore, #tpu.memory_space<semaphore_mem>>)
    %dma_wait3A_2477 = arith.constant 0 : i32
    %dma_wait3A_2478 = arith.constant 0 : i32
    %dma_wait3A_2479 = arith.constant 0 : i32
    %dma_wait3A_2480 = arith.constant 0 : i32
    %dma_wait3A_2481 = tpu.memref_slice %arg6[%dma_wait3A_2477, %dma_wait3A_2479, %dma_wait3A_2480] : memref<8x128x64xf32, #tpu.memory_space<vmem>> -> memref<1x128x64xf32, #tpu.memory_space<vmem>>
    %dma_wait3A_2482 = tpu.memref_squeeze %dma_wait3A_2481 : memref<1x128x64xf32, #tpu.memory_space<vmem>> -> memref<128x64xf32, #tpu.memory_space<vmem>>
    %dma_wait3A_2483 = arith.constant 0 : i32
    %dma_wait3A_2484 = tpu.memref_slice %arg4[%mul3A_2, %dma_wait3A_2478, %dma_wait3A_2483] : memref<4096x50x64xf32, #tpu.memory_space<hbm>> -> memref<128x1x64xf32, #tpu.memory_space<hbm>>
    %dma_wait3A_2485 = tpu.memref_squeeze %dma_wait3A_2484 : memref<128x1x64xf32, #tpu.memory_space<hbm>> -> memref<128x64xf32, #tpu.memory_space<hbm>>
    %dma_wait3A_2486 = arith.constant 0 : i32
    %dma_wait3A_2487 = tpu.memref_slice %arg4[%mul3A_2, %dma_wait3A_2478, %dma_wait3A_2486] : memref<4096x50x64xf32, #tpu.memory_space<hbm>> -> memref<128x1x64xf32, #tpu.memory_space<hbm>>
    %dma_wait3A_2488 = tpu.memref_squeeze %dma_wait3A_2487 : memref<128x1x64xf32, #tpu.memory_space<hbm>> -> memref<128x64xf32, #tpu.memory_space<hbm>>
    %dma_wait3A_2489 = arith.constant 0 : i32
    %dma_wait3A_2490 = arith.constant 0 : i32
    %dma_wait3A_2491 = tpu.memref_slice %arg6[%dma_wait3A_2477, %dma_wait3A_2489, %dma_wait3A_2490] : memref<8x128x64xf32, #tpu.memory_space<vmem>> -> memref<1x128x64xf32, #tpu.memory_space<vmem>>
    %dma_wait3A_2492 = tpu.memref_squeeze %dma_wait3A_2491 : memref<1x128x64xf32, #tpu.memory_space<vmem>> -> memref<128x64xf32, #tpu.memory_space<vmem>>
    tpu.wait_dma2 semaphore(%arg15 : memref<!tpu.dma_semaphore, #tpu.memory_space<semaphore_mem>>) src(%dma_wait3A_2492 : memref<128x64xf32, #tpu.memory_space<vmem>>) dst(%dma_wait3A_2488 : memref<128x64xf32, #tpu.memory_space<hbm>>)
    %dma_start3A_2493 = arith.constant 48 : i32
    %dma_start3A_2494 = arith.constant 0 : i32
    %dma_start3A_2495 = arith.constant 0 : i32
    %dma_start3A_2496 = arith.constant 0 : i32
    %dma_start3A_2497 = tpu.memref_slice %arg6[%dma_start3A_2494, %dma_start3A_2495, %dma_start3A_2496] : memref<8x128x64xf32, #tpu.memory_space<vmem>> -> memref<1x128x64xf32, #tpu.memory_space<vmem>>
    %dma_start3A_2498 = tpu.memref_squeeze %dma_start3A_2497 : memref<1x128x64xf32, #tpu.memory_space<vmem>> -> memref<128x64xf32, #tpu.memory_space<vmem>>
    %dma_start3A_2499 = arith.constant 0 : i32
    %dma_start3A_2500 = tpu.memref_slice %arg5[%dma_start3A_2493, %dma_start3A_2499] : memref<50x128xi32, #tpu.memory_space<vmem>> -> memref<1x128xi32, #tpu.memory_space<vmem>>
    %dma_start3A_2501 = tpu.memref_squeeze %dma_start3A_2500 : memref<1x128xi32, #tpu.memory_space<vmem>> -> memref<128xi32, #tpu.memory_space<vmem>>
    %dma_start3A_2502 = arith.constant 0 : i32
    %dma_start3A_2503 = arith.constant 0 : i32
    %dma_start3A_2504 = tpu.memref_slice %arg3[%dma_start3A_2502, %dma_start3A_2503] : memref<1000000x64xf32, #tpu.memory_space<hbm>> -> memref<1000000x64xf32, #tpu.memory_space<hbm>>
    tpu.enqueue_indirect_dma source(%dma_start3A_2504 : memref<1000000x64xf32, #tpu.memory_space<hbm>>) target(%dma_start3A_2498 : memref<128x64xf32, #tpu.memory_space<vmem>>) offsets(%dma_start3A_2501 : memref<128xi32, #tpu.memory_space<vmem>>) semaphore(%arg7 : memref<!tpu.dma_semaphore, #tpu.memory_space<semaphore_mem>>)
    %dma_wait3A_2505 = arith.constant 45 : i32
    %dma_wait3A_2506 = arith.constant 5 : i32
    %dma_wait3A_2507 = arith.constant 0 : i32
    %dma_wait3A_2508 = arith.constant 0 : i32
    %dma_wait3A_2509 = tpu.memref_slice %arg6[%dma_wait3A_2506, %dma_wait3A_2507, %dma_wait3A_2508] : memref<8x128x64xf32, #tpu.memory_space<vmem>> -> memref<1x128x64xf32, #tpu.memory_space<vmem>>
    %dma_wait3A_2510 = tpu.memref_squeeze %dma_wait3A_2509 : memref<1x128x64xf32, #tpu.memory_space<vmem>> -> memref<128x64xf32, #tpu.memory_space<vmem>>
    %dma_wait3A_2511 = arith.constant 0 : i32
    %dma_wait3A_2512 = tpu.memref_slice %arg5[%dma_wait3A_2505, %dma_wait3A_2511] : memref<50x128xi32, #tpu.memory_space<vmem>> -> memref<1x128xi32, #tpu.memory_space<vmem>>
    %dma_wait3A_2513 = tpu.memref_squeeze %dma_wait3A_2512 : memref<1x128xi32, #tpu.memory_space<vmem>> -> memref<128xi32, #tpu.memory_space<vmem>>
    %dma_wait3A_2514 = arith.constant 0 : i32
    %dma_wait3A_2515 = arith.constant 0 : i32
    %dma_wait3A_2516 = tpu.memref_slice %arg3[%dma_wait3A_2514, %dma_wait3A_2515] : memref<1000000x64xf32, #tpu.memory_space<hbm>> -> memref<1000000x64xf32, #tpu.memory_space<hbm>>
    tpu.wait_indirect_dma semaphore(%arg12 : memref<!tpu.dma_semaphore, #tpu.memory_space<semaphore_mem>>) src(%dma_wait3A_2516 : memref<1000000x64xf32, #tpu.memory_space<hbm>>) dst(%dma_wait3A_2510 : memref<128x64xf32, #tpu.memory_space<vmem>>)
    %dma_start3A_2517 = arith.constant 5 : i32
    %dma_start3A_2518 = arith.constant 45 : i32
    %dma_start3A_2519 = arith.constant 0 : i32
    %dma_start3A_2520 = arith.constant 0 : i32
    %dma_start3A_2521 = tpu.memref_slice %arg6[%dma_start3A_2517, %dma_start3A_2519, %dma_start3A_2520] : memref<8x128x64xf32, #tpu.memory_space<vmem>> -> memref<1x128x64xf32, #tpu.memory_space<vmem>>
    %dma_start3A_2522 = tpu.memref_squeeze %dma_start3A_2521 : memref<1x128x64xf32, #tpu.memory_space<vmem>> -> memref<128x64xf32, #tpu.memory_space<vmem>>
    %dma_start3A_2523 = arith.constant 0 : i32
    %dma_start3A_2524 = tpu.memref_slice %arg4[%mul3A_2, %dma_start3A_2518, %dma_start3A_2523] : memref<4096x50x64xf32, #tpu.memory_space<hbm>> -> memref<128x1x64xf32, #tpu.memory_space<hbm>>
    %dma_start3A_2525 = tpu.memref_squeeze %dma_start3A_2524 : memref<128x1x64xf32, #tpu.memory_space<hbm>> -> memref<128x64xf32, #tpu.memory_space<hbm>>
    %dma_start3A_2526 = arith.constant 0 : i32
    %dma_start3A_2527 = tpu.memref_slice %arg4[%mul3A_2, %dma_start3A_2518, %dma_start3A_2526] : memref<4096x50x64xf32, #tpu.memory_space<hbm>> -> memref<128x1x64xf32, #tpu.memory_space<hbm>>
    %dma_start3A_2528 = tpu.memref_squeeze %dma_start3A_2527 : memref<128x1x64xf32, #tpu.memory_space<hbm>> -> memref<128x64xf32, #tpu.memory_space<hbm>>
    %dma_start3A_2529 = arith.constant 0 : i32
    %dma_start3A_2530 = arith.constant 0 : i32
    %dma_start3A_2531 = tpu.memref_slice %arg6[%dma_start3A_2517, %dma_start3A_2529, %dma_start3A_2530] : memref<8x128x64xf32, #tpu.memory_space<vmem>> -> memref<1x128x64xf32, #tpu.memory_space<vmem>>
    %dma_start3A_2532 = tpu.memref_squeeze %dma_start3A_2531 : memref<1x128x64xf32, #tpu.memory_space<vmem>> -> memref<128x64xf32, #tpu.memory_space<vmem>>
    tpu.enqueue_dma source(%dma_start3A_2532 : memref<128x64xf32, #tpu.memory_space<vmem>>) target(%dma_start3A_2528 : memref<128x64xf32, #tpu.memory_space<hbm>>) target_semaphore(%arg20 : memref<!tpu.dma_semaphore, #tpu.memory_space<semaphore_mem>>)
    %dma_wait3A_2533 = arith.constant 1 : i32
    %dma_wait3A_2534 = arith.constant 0 : i32
    %dma_wait3A_2535 = arith.constant 0 : i32
    %dma_wait3A_2536 = arith.constant 0 : i32
    %dma_wait3A_2537 = tpu.memref_slice %arg6[%dma_wait3A_2533, %dma_wait3A_2535, %dma_wait3A_2536] : memref<8x128x64xf32, #tpu.memory_space<vmem>> -> memref<1x128x64xf32, #tpu.memory_space<vmem>>
    %dma_wait3A_2538 = tpu.memref_squeeze %dma_wait3A_2537 : memref<1x128x64xf32, #tpu.memory_space<vmem>> -> memref<128x64xf32, #tpu.memory_space<vmem>>
    %dma_wait3A_2539 = arith.constant 0 : i32
    %dma_wait3A_2540 = tpu.memref_slice %arg4[%mul3A_2, %dma_wait3A_2534, %dma_wait3A_2539] : memref<4096x50x64xf32, #tpu.memory_space<hbm>> -> memref<128x1x64xf32, #tpu.memory_space<hbm>>
    %dma_wait3A_2541 = tpu.memref_squeeze %dma_wait3A_2540 : memref<128x1x64xf32, #tpu.memory_space<hbm>> -> memref<128x64xf32, #tpu.memory_space<hbm>>
    %dma_wait3A_2542 = arith.constant 0 : i32
    %dma_wait3A_2543 = tpu.memref_slice %arg4[%mul3A_2, %dma_wait3A_2534, %dma_wait3A_2542] : memref<4096x50x64xf32, #tpu.memory_space<hbm>> -> memref<128x1x64xf32, #tpu.memory_space<hbm>>
    %dma_wait3A_2544 = tpu.memref_squeeze %dma_wait3A_2543 : memref<128x1x64xf32, #tpu.memory_space<hbm>> -> memref<128x64xf32, #tpu.memory_space<hbm>>
    %dma_wait3A_2545 = arith.constant 0 : i32
    %dma_wait3A_2546 = arith.constant 0 : i32
    %dma_wait3A_2547 = tpu.memref_slice %arg6[%dma_wait3A_2533, %dma_wait3A_2545, %dma_wait3A_2546] : memref<8x128x64xf32, #tpu.memory_space<vmem>> -> memref<1x128x64xf32, #tpu.memory_space<vmem>>
    %dma_wait3A_2548 = tpu.memref_squeeze %dma_wait3A_2547 : memref<1x128x64xf32, #tpu.memory_space<vmem>> -> memref<128x64xf32, #tpu.memory_space<vmem>>
    tpu.wait_dma2 semaphore(%arg16 : memref<!tpu.dma_semaphore, #tpu.memory_space<semaphore_mem>>) src(%dma_wait3A_2548 : memref<128x64xf32, #tpu.memory_space<vmem>>) dst(%dma_wait3A_2544 : memref<128x64xf32, #tpu.memory_space<hbm>>)
    %dma_start3A_2549 = arith.constant 49 : i32
    %dma_start3A_2550 = arith.constant 1 : i32
    %dma_start3A_2551 = arith.constant 0 : i32
    %dma_start3A_2552 = arith.constant 0 : i32
    %dma_start3A_2553 = tpu.memref_slice %arg6[%dma_start3A_2550, %dma_start3A_2551, %dma_start3A_2552] : memref<8x128x64xf32, #tpu.memory_space<vmem>> -> memref<1x128x64xf32, #tpu.memory_space<vmem>>
    %dma_start3A_2554 = tpu.memref_squeeze %dma_start3A_2553 : memref<1x128x64xf32, #tpu.memory_space<vmem>> -> memref<128x64xf32, #tpu.memory_space<vmem>>
    %dma_start3A_2555 = arith.constant 0 : i32
    %dma_start3A_2556 = tpu.memref_slice %arg5[%dma_start3A_2549, %dma_start3A_2555] : memref<50x128xi32, #tpu.memory_space<vmem>> -> memref<1x128xi32, #tpu.memory_space<vmem>>
    %dma_start3A_2557 = tpu.memref_squeeze %dma_start3A_2556 : memref<1x128xi32, #tpu.memory_space<vmem>> -> memref<128xi32, #tpu.memory_space<vmem>>
    %dma_start3A_2558 = arith.constant 0 : i32
    %dma_start3A_2559 = arith.constant 0 : i32
    %dma_start3A_2560 = tpu.memref_slice %arg3[%dma_start3A_2558, %dma_start3A_2559] : memref<1000000x64xf32, #tpu.memory_space<hbm>> -> memref<1000000x64xf32, #tpu.memory_space<hbm>>
    tpu.enqueue_indirect_dma source(%dma_start3A_2560 : memref<1000000x64xf32, #tpu.memory_space<hbm>>) target(%dma_start3A_2554 : memref<128x64xf32, #tpu.memory_space<vmem>>) offsets(%dma_start3A_2557 : memref<128xi32, #tpu.memory_space<vmem>>) semaphore(%arg8 : memref<!tpu.dma_semaphore, #tpu.memory_space<semaphore_mem>>)
    %dma_wait3A_2561 = arith.constant 46 : i32
    %dma_wait3A_2562 = arith.constant 6 : i32
    %dma_wait3A_2563 = arith.constant 0 : i32
    %dma_wait3A_2564 = arith.constant 0 : i32
    %dma_wait3A_2565 = tpu.memref_slice %arg6[%dma_wait3A_2562, %dma_wait3A_2563, %dma_wait3A_2564] : memref<8x128x64xf32, #tpu.memory_space<vmem>> -> memref<1x128x64xf32, #tpu.memory_space<vmem>>
    %dma_wait3A_2566 = tpu.memref_squeeze %dma_wait3A_2565 : memref<1x128x64xf32, #tpu.memory_space<vmem>> -> memref<128x64xf32, #tpu.memory_space<vmem>>
    %dma_wait3A_2567 = arith.constant 0 : i32
    %dma_wait3A_2568 = tpu.memref_slice %arg5[%dma_wait3A_2561, %dma_wait3A_2567] : memref<50x128xi32, #tpu.memory_space<vmem>> -> memref<1x128xi32, #tpu.memory_space<vmem>>
    %dma_wait3A_2569 = tpu.memref_squeeze %dma_wait3A_2568 : memref<1x128xi32, #tpu.memory_space<vmem>> -> memref<128xi32, #tpu.memory_space<vmem>>
    %dma_wait3A_2570 = arith.constant 0 : i32
    %dma_wait3A_2571 = arith.constant 0 : i32
    %dma_wait3A_2572 = tpu.memref_slice %arg3[%dma_wait3A_2570, %dma_wait3A_2571] : memref<1000000x64xf32, #tpu.memory_space<hbm>> -> memref<1000000x64xf32, #tpu.memory_space<hbm>>
    tpu.wait_indirect_dma semaphore(%arg13 : memref<!tpu.dma_semaphore, #tpu.memory_space<semaphore_mem>>) src(%dma_wait3A_2572 : memref<1000000x64xf32, #tpu.memory_space<hbm>>) dst(%dma_wait3A_2566 : memref<128x64xf32, #tpu.memory_space<vmem>>)
    %dma_start3A_2573 = arith.constant 6 : i32
    %dma_start3A_2574 = arith.constant 46 : i32
    %dma_start3A_2575 = arith.constant 0 : i32
    %dma_start3A_2576 = arith.constant 0 : i32
    %dma_start3A_2577 = tpu.memref_slice %arg6[%dma_start3A_2573, %dma_start3A_2575, %dma_start3A_2576] : memref<8x128x64xf32, #tpu.memory_space<vmem>> -> memref<1x128x64xf32, #tpu.memory_space<vmem>>
    %dma_start3A_2578 = tpu.memref_squeeze %dma_start3A_2577 : memref<1x128x64xf32, #tpu.memory_space<vmem>> -> memref<128x64xf32, #tpu.memory_space<vmem>>
    %dma_start3A_2579 = arith.constant 0 : i32
    %dma_start3A_2580 = tpu.memref_slice %arg4[%mul3A_2, %dma_start3A_2574, %dma_start3A_2579] : memref<4096x50x64xf32, #tpu.memory_space<hbm>> -> memref<128x1x64xf32, #tpu.memory_space<hbm>>
    %dma_start3A_2581 = tpu.memref_squeeze %dma_start3A_2580 : memref<128x1x64xf32, #tpu.memory_space<hbm>> -> memref<128x64xf32, #tpu.memory_space<hbm>>
    %dma_start3A_2582 = arith.constant 0 : i32
    %dma_start3A_2583 = tpu.memref_slice %arg4[%mul3A_2, %dma_start3A_2574, %dma_start3A_2582] : memref<4096x50x64xf32, #tpu.memory_space<hbm>> -> memref<128x1x64xf32, #tpu.memory_space<hbm>>
    %dma_start3A_2584 = tpu.memref_squeeze %dma_start3A_2583 : memref<128x1x64xf32, #tpu.memory_space<hbm>> -> memref<128x64xf32, #tpu.memory_space<hbm>>
    %dma_start3A_2585 = arith.constant 0 : i32
    %dma_start3A_2586 = arith.constant 0 : i32
    %dma_start3A_2587 = tpu.memref_slice %arg6[%dma_start3A_2573, %dma_start3A_2585, %dma_start3A_2586] : memref<8x128x64xf32, #tpu.memory_space<vmem>> -> memref<1x128x64xf32, #tpu.memory_space<vmem>>
    %dma_start3A_2588 = tpu.memref_squeeze %dma_start3A_2587 : memref<1x128x64xf32, #tpu.memory_space<vmem>> -> memref<128x64xf32, #tpu.memory_space<vmem>>
    tpu.enqueue_dma source(%dma_start3A_2588 : memref<128x64xf32, #tpu.memory_space<vmem>>) target(%dma_start3A_2584 : memref<128x64xf32, #tpu.memory_space<hbm>>) target_semaphore(%arg21 : memref<!tpu.dma_semaphore, #tpu.memory_space<semaphore_mem>>)
    %dma_wait3A_2589 = arith.constant 47 : i32
    %dma_wait3A_2590 = arith.constant 7 : i32
    %dma_wait3A_2591 = arith.constant 0 : i32
    %dma_wait3A_2592 = arith.constant 0 : i32
    %dma_wait3A_2593 = tpu.memref_slice %arg6[%dma_wait3A_2590, %dma_wait3A_2591, %dma_wait3A_2592] : memref<8x128x64xf32, #tpu.memory_space<vmem>> -> memref<1x128x64xf32, #tpu.memory_space<vmem>>
    %dma_wait3A_2594 = tpu.memref_squeeze %dma_wait3A_2593 : memref<1x128x64xf32, #tpu.memory_space<vmem>> -> memref<128x64xf32, #tpu.memory_space<vmem>>
    %dma_wait3A_2595 = arith.constant 0 : i32
    %dma_wait3A_2596 = tpu.memref_slice %arg5[%dma_wait3A_2589, %dma_wait3A_2595] : memref<50x128xi32, #tpu.memory_space<vmem>> -> memref<1x128xi32, #tpu.memory_space<vmem>>
    %dma_wait3A_2597 = tpu.memref_squeeze %dma_wait3A_2596 : memref<1x128xi32, #tpu.memory_space<vmem>> -> memref<128xi32, #tpu.memory_space<vmem>>
    %dma_wait3A_2598 = arith.constant 0 : i32
    %dma_wait3A_2599 = arith.constant 0 : i32
    %dma_wait3A_2600 = tpu.memref_slice %arg3[%dma_wait3A_2598, %dma_wait3A_2599] : memref<1000000x64xf32, #tpu.memory_space<hbm>> -> memref<1000000x64xf32, #tpu.memory_space<hbm>>
    tpu.wait_indirect_dma semaphore(%arg14 : memref<!tpu.dma_semaphore, #tpu.memory_space<semaphore_mem>>) src(%dma_wait3A_2600 : memref<1000000x64xf32, #tpu.memory_space<hbm>>) dst(%dma_wait3A_2594 : memref<128x64xf32, #tpu.memory_space<vmem>>)
    %dma_start3A_2601 = arith.constant 7 : i32
    %dma_start3A_2602 = arith.constant 47 : i32
    %dma_start3A_2603 = arith.constant 0 : i32
    %dma_start3A_2604 = arith.constant 0 : i32
    %dma_start3A_2605 = tpu.memref_slice %arg6[%dma_start3A_2601, %dma_start3A_2603, %dma_start3A_2604] : memref<8x128x64xf32, #tpu.memory_space<vmem>> -> memref<1x128x64xf32, #tpu.memory_space<vmem>>
    %dma_start3A_2606 = tpu.memref_squeeze %dma_start3A_2605 : memref<1x128x64xf32, #tpu.memory_space<vmem>> -> memref<128x64xf32, #tpu.memory_space<vmem>>
    %dma_start3A_2607 = arith.constant 0 : i32
    %dma_start3A_2608 = tpu.memref_slice %arg4[%mul3A_2, %dma_start3A_2602, %dma_start3A_2607] : memref<4096x50x64xf32, #tpu.memory_space<hbm>> -> memref<128x1x64xf32, #tpu.memory_space<hbm>>
    %dma_start3A_2609 = tpu.memref_squeeze %dma_start3A_2608 : memref<128x1x64xf32, #tpu.memory_space<hbm>> -> memref<128x64xf32, #tpu.memory_space<hbm>>
    %dma_start3A_2610 = arith.constant 0 : i32
    %dma_start3A_2611 = tpu.memref_slice %arg4[%mul3A_2, %dma_start3A_2602, %dma_start3A_2610] : memref<4096x50x64xf32, #tpu.memory_space<hbm>> -> memref<128x1x64xf32, #tpu.memory_space<hbm>>
    %dma_start3A_2612 = tpu.memref_squeeze %dma_start3A_2611 : memref<128x1x64xf32, #tpu.memory_space<hbm>> -> memref<128x64xf32, #tpu.memory_space<hbm>>
    %dma_start3A_2613 = arith.constant 0 : i32
    %dma_start3A_2614 = arith.constant 0 : i32
    %dma_start3A_2615 = tpu.memref_slice %arg6[%dma_start3A_2601, %dma_start3A_2613, %dma_start3A_2614] : memref<8x128x64xf32, #tpu.memory_space<vmem>> -> memref<1x128x64xf32, #tpu.memory_space<vmem>>
    %dma_start3A_2616 = tpu.memref_squeeze %dma_start3A_2615 : memref<1x128x64xf32, #tpu.memory_space<vmem>> -> memref<128x64xf32, #tpu.memory_space<vmem>>
    tpu.enqueue_dma source(%dma_start3A_2616 : memref<128x64xf32, #tpu.memory_space<vmem>>) target(%dma_start3A_2612 : memref<128x64xf32, #tpu.memory_space<hbm>>) target_semaphore(%arg22 : memref<!tpu.dma_semaphore, #tpu.memory_space<semaphore_mem>>)
    %dma_wait3A_2617 = arith.constant 48 : i32
    %dma_wait3A_2618 = arith.constant 0 : i32
    %dma_wait3A_2619 = arith.constant 0 : i32
    %dma_wait3A_2620 = arith.constant 0 : i32
    %dma_wait3A_2621 = tpu.memref_slice %arg6[%dma_wait3A_2618, %dma_wait3A_2619, %dma_wait3A_2620] : memref<8x128x64xf32, #tpu.memory_space<vmem>> -> memref<1x128x64xf32, #tpu.memory_space<vmem>>
    %dma_wait3A_2622 = tpu.memref_squeeze %dma_wait3A_2621 : memref<1x128x64xf32, #tpu.memory_space<vmem>> -> memref<128x64xf32, #tpu.memory_space<vmem>>
    %dma_wait3A_2623 = arith.constant 0 : i32
    %dma_wait3A_2624 = tpu.memref_slice %arg5[%dma_wait3A_2617, %dma_wait3A_2623] : memref<50x128xi32, #tpu.memory_space<vmem>> -> memref<1x128xi32, #tpu.memory_space<vmem>>
    %dma_wait3A_2625 = tpu.memref_squeeze %dma_wait3A_2624 : memref<1x128xi32, #tpu.memory_space<vmem>> -> memref<128xi32, #tpu.memory_space<vmem>>
    %dma_wait3A_2626 = arith.constant 0 : i32
    %dma_wait3A_2627 = arith.constant 0 : i32
    %dma_wait3A_2628 = tpu.memref_slice %arg3[%dma_wait3A_2626, %dma_wait3A_2627] : memref<1000000x64xf32, #tpu.memory_space<hbm>> -> memref<1000000x64xf32, #tpu.memory_space<hbm>>
    tpu.wait_indirect_dma semaphore(%arg7 : memref<!tpu.dma_semaphore, #tpu.memory_space<semaphore_mem>>) src(%dma_wait3A_2628 : memref<1000000x64xf32, #tpu.memory_space<hbm>>) dst(%dma_wait3A_2622 : memref<128x64xf32, #tpu.memory_space<vmem>>)
    %dma_start3A_2629 = arith.constant 0 : i32
    %dma_start3A_2630 = arith.constant 48 : i32
    %dma_start3A_2631 = arith.constant 0 : i32
    %dma_start3A_2632 = arith.constant 0 : i32
    %dma_start3A_2633 = tpu.memref_slice %arg6[%dma_start3A_2629, %dma_start3A_2631, %dma_start3A_2632] : memref<8x128x64xf32, #tpu.memory_space<vmem>> -> memref<1x128x64xf32, #tpu.memory_space<vmem>>
    %dma_start3A_2634 = tpu.memref_squeeze %dma_start3A_2633 : memref<1x128x64xf32, #tpu.memory_space<vmem>> -> memref<128x64xf32, #tpu.memory_space<vmem>>
    %dma_start3A_2635 = arith.constant 0 : i32
    %dma_start3A_2636 = tpu.memref_slice %arg4[%mul3A_2, %dma_start3A_2630, %dma_start3A_2635] : memref<4096x50x64xf32, #tpu.memory_space<hbm>> -> memref<128x1x64xf32, #tpu.memory_space<hbm>>
    %dma_start3A_2637 = tpu.memref_squeeze %dma_start3A_2636 : memref<128x1x64xf32, #tpu.memory_space<hbm>> -> memref<128x64xf32, #tpu.memory_space<hbm>>
    %dma_start3A_2638 = arith.constant 0 : i32
    %dma_start3A_2639 = tpu.memref_slice %arg4[%mul3A_2, %dma_start3A_2630, %dma_start3A_2638] : memref<4096x50x64xf32, #tpu.memory_space<hbm>> -> memref<128x1x64xf32, #tpu.memory_space<hbm>>
    %dma_start3A_2640 = tpu.memref_squeeze %dma_start3A_2639 : memref<128x1x64xf32, #tpu.memory_space<hbm>> -> memref<128x64xf32, #tpu.memory_space<hbm>>
    %dma_start3A_2641 = arith.constant 0 : i32
    %dma_start3A_2642 = arith.constant 0 : i32
    %dma_start3A_2643 = tpu.memref_slice %arg6[%dma_start3A_2629, %dma_start3A_2641, %dma_start3A_2642] : memref<8x128x64xf32, #tpu.memory_space<vmem>> -> memref<1x128x64xf32, #tpu.memory_space<vmem>>
    %dma_start3A_2644 = tpu.memref_squeeze %dma_start3A_2643 : memref<1x128x64xf32, #tpu.memory_space<vmem>> -> memref<128x64xf32, #tpu.memory_space<vmem>>
    tpu.enqueue_dma source(%dma_start3A_2644 : memref<128x64xf32, #tpu.memory_space<vmem>>) target(%dma_start3A_2640 : memref<128x64xf32, #tpu.memory_space<hbm>>) target_semaphore(%arg15 : memref<!tpu.dma_semaphore, #tpu.memory_space<semaphore_mem>>)
    %dma_wait3A_2645 = arith.constant 49 : i32
    %dma_wait3A_2646 = arith.constant 1 : i32
    %dma_wait3A_2647 = arith.constant 0 : i32
    %dma_wait3A_2648 = arith.constant 0 : i32
    %dma_wait3A_2649 = tpu.memref_slice %arg6[%dma_wait3A_2646, %dma_wait3A_2647, %dma_wait3A_2648] : memref<8x128x64xf32, #tpu.memory_space<vmem>> -> memref<1x128x64xf32, #tpu.memory_space<vmem>>
    %dma_wait3A_2650 = tpu.memref_squeeze %dma_wait3A_2649 : memref<1x128x64xf32, #tpu.memory_space<vmem>> -> memref<128x64xf32, #tpu.memory_space<vmem>>
    %dma_wait3A_2651 = arith.constant 0 : i32
    %dma_wait3A_2652 = tpu.memref_slice %arg5[%dma_wait3A_2645, %dma_wait3A_2651] : memref<50x128xi32, #tpu.memory_space<vmem>> -> memref<1x128xi32, #tpu.memory_space<vmem>>
    %dma_wait3A_2653 = tpu.memref_squeeze %dma_wait3A_2652 : memref<1x128xi32, #tpu.memory_space<vmem>> -> memref<128xi32, #tpu.memory_space<vmem>>
    %dma_wait3A_2654 = arith.constant 0 : i32
    %dma_wait3A_2655 = arith.constant 0 : i32
    %dma_wait3A_2656 = tpu.memref_slice %arg3[%dma_wait3A_2654, %dma_wait3A_2655] : memref<1000000x64xf32, #tpu.memory_space<hbm>> -> memref<1000000x64xf32, #tpu.memory_space<hbm>>
    tpu.wait_indirect_dma semaphore(%arg8 : memref<!tpu.dma_semaphore, #tpu.memory_space<semaphore_mem>>) src(%dma_wait3A_2656 : memref<1000000x64xf32, #tpu.memory_space<hbm>>) dst(%dma_wait3A_2650 : memref<128x64xf32, #tpu.memory_space<vmem>>)
    %dma_start3A_2657 = arith.constant 1 : i32
    %dma_start3A_2658 = arith.constant 49 : i32
    %dma_start3A_2659 = arith.constant 0 : i32
    %dma_start3A_2660 = arith.constant 0 : i32
    %dma_start3A_2661 = tpu.memref_slice %arg6[%dma_start3A_2657, %dma_start3A_2659, %dma_start3A_2660] : memref<8x128x64xf32, #tpu.memory_space<vmem>> -> memref<1x128x64xf32, #tpu.memory_space<vmem>>
    %dma_start3A_2662 = tpu.memref_squeeze %dma_start3A_2661 : memref<1x128x64xf32, #tpu.memory_space<vmem>> -> memref<128x64xf32, #tpu.memory_space<vmem>>
    %dma_start3A_2663 = arith.constant 0 : i32
    %dma_start3A_2664 = tpu.memref_slice %arg4[%mul3A_2, %dma_start3A_2658, %dma_start3A_2663] : memref<4096x50x64xf32, #tpu.memory_space<hbm>> -> memref<128x1x64xf32, #tpu.memory_space<hbm>>
    %dma_start3A_2665 = tpu.memref_squeeze %dma_start3A_2664 : memref<128x1x64xf32, #tpu.memory_space<hbm>> -> memref<128x64xf32, #tpu.memory_space<hbm>>
    %dma_start3A_2666 = arith.constant 0 : i32
    %dma_start3A_2667 = tpu.memref_slice %arg4[%mul3A_2, %dma_start3A_2658, %dma_start3A_2666] : memref<4096x50x64xf32, #tpu.memory_space<hbm>> -> memref<128x1x64xf32, #tpu.memory_space<hbm>>
    %dma_start3A_2668 = tpu.memref_squeeze %dma_start3A_2667 : memref<128x1x64xf32, #tpu.memory_space<hbm>> -> memref<128x64xf32, #tpu.memory_space<hbm>>
    %dma_start3A_2669 = arith.constant 0 : i32
    %dma_start3A_2670 = arith.constant 0 : i32
    %dma_start3A_2671 = tpu.memref_slice %arg6[%dma_start3A_2657, %dma_start3A_2669, %dma_start3A_2670] : memref<8x128x64xf32, #tpu.memory_space<vmem>> -> memref<1x128x64xf32, #tpu.memory_space<vmem>>
    %dma_start3A_2672 = tpu.memref_squeeze %dma_start3A_2671 : memref<1x128x64xf32, #tpu.memory_space<vmem>> -> memref<128x64xf32, #tpu.memory_space<vmem>>
    tpu.enqueue_dma source(%dma_start3A_2672 : memref<128x64xf32, #tpu.memory_space<vmem>>) target(%dma_start3A_2668 : memref<128x64xf32, #tpu.memory_space<hbm>>) target_semaphore(%arg16 : memref<!tpu.dma_semaphore, #tpu.memory_space<semaphore_mem>>)
    %dma_wait3A_2673 = arith.constant 1 : i32
    %dma_wait3A_2674 = arith.constant 0 : i32
    %dma_wait3A_2675 = arith.constant 0 : i32
    %dma_wait3A_2676 = arith.constant 0 : i32
    %dma_wait3A_2677 = tpu.memref_slice %arg6[%dma_wait3A_2673, %dma_wait3A_2675, %dma_wait3A_2676] : memref<8x128x64xf32, #tpu.memory_space<vmem>> -> memref<1x128x64xf32, #tpu.memory_space<vmem>>
    %dma_wait3A_2678 = tpu.memref_squeeze %dma_wait3A_2677 : memref<1x128x64xf32, #tpu.memory_space<vmem>> -> memref<128x64xf32, #tpu.memory_space<vmem>>
    %dma_wait3A_2679 = arith.constant 0 : i32
    %dma_wait3A_2680 = tpu.memref_slice %arg4[%mul3A_2, %dma_wait3A_2674, %dma_wait3A_2679] : memref<4096x50x64xf32, #tpu.memory_space<hbm>> -> memref<128x1x64xf32, #tpu.memory_space<hbm>>
    %dma_wait3A_2681 = tpu.memref_squeeze %dma_wait3A_2680 : memref<128x1x64xf32, #tpu.memory_space<hbm>> -> memref<128x64xf32, #tpu.memory_space<hbm>>
    %dma_wait3A_2682 = arith.constant 0 : i32
    %dma_wait3A_2683 = tpu.memref_slice %arg4[%mul3A_2, %dma_wait3A_2674, %dma_wait3A_2682] : memref<4096x50x64xf32, #tpu.memory_space<hbm>> -> memref<128x1x64xf32, #tpu.memory_space<hbm>>
    %dma_wait3A_2684 = tpu.memref_squeeze %dma_wait3A_2683 : memref<128x1x64xf32, #tpu.memory_space<hbm>> -> memref<128x64xf32, #tpu.memory_space<hbm>>
    %dma_wait3A_2685 = arith.constant 0 : i32
    %dma_wait3A_2686 = arith.constant 0 : i32
    %dma_wait3A_2687 = tpu.memref_slice %arg6[%dma_wait3A_2673, %dma_wait3A_2685, %dma_wait3A_2686] : memref<8x128x64xf32, #tpu.memory_space<vmem>> -> memref<1x128x64xf32, #tpu.memory_space<vmem>>
    %dma_wait3A_2688 = tpu.memref_squeeze %dma_wait3A_2687 : memref<1x128x64xf32, #tpu.memory_space<vmem>> -> memref<128x64xf32, #tpu.memory_space<vmem>>
    tpu.wait_dma2 semaphore(%arg16 : memref<!tpu.dma_semaphore, #tpu.memory_space<semaphore_mem>>) src(%dma_wait3A_2688 : memref<128x64xf32, #tpu.memory_space<vmem>>) dst(%dma_wait3A_2684 : memref<128x64xf32, #tpu.memory_space<hbm>>)
    %dma_wait3A_2689 = arith.constant 0 : i32
    %dma_wait3A_2690 = arith.constant 0 : i32
    %dma_wait3A_2691 = arith.constant 0 : i32
    %dma_wait3A_2692 = arith.constant 0 : i32
    %dma_wait3A_2693 = tpu.memref_slice %arg6[%dma_wait3A_2689, %dma_wait3A_2691, %dma_wait3A_2692] : memref<8x128x64xf32, #tpu.memory_space<vmem>> -> memref<1x128x64xf32, #tpu.memory_space<vmem>>
    %dma_wait3A_2694 = tpu.memref_squeeze %dma_wait3A_2693 : memref<1x128x64xf32, #tpu.memory_space<vmem>> -> memref<128x64xf32, #tpu.memory_space<vmem>>
    %dma_wait3A_2695 = arith.constant 0 : i32
    %dma_wait3A_2696 = tpu.memref_slice %arg4[%mul3A_2, %dma_wait3A_2690, %dma_wait3A_2695] : memref<4096x50x64xf32, #tpu.memory_space<hbm>> -> memref<128x1x64xf32, #tpu.memory_space<hbm>>
    %dma_wait3A_2697 = tpu.memref_squeeze %dma_wait3A_2696 : memref<128x1x64xf32, #tpu.memory_space<hbm>> -> memref<128x64xf32, #tpu.memory_space<hbm>>
    %dma_wait3A_2698 = arith.constant 0 : i32
    %dma_wait3A_2699 = tpu.memref_slice %arg4[%mul3A_2, %dma_wait3A_2690, %dma_wait3A_2698] : memref<4096x50x64xf32, #tpu.memory_space<hbm>> -> memref<128x1x64xf32, #tpu.memory_space<hbm>>
    %dma_wait3A_2700 = tpu.memref_squeeze %dma_wait3A_2699 : memref<128x1x64xf32, #tpu.memory_space<hbm>> -> memref<128x64xf32, #tpu.memory_space<hbm>>
    %dma_wait3A_2701 = arith.constant 0 : i32
    %dma_wait3A_2702 = arith.constant 0 : i32
    %dma_wait3A_2703 = tpu.memref_slice %arg6[%dma_wait3A_2689, %dma_wait3A_2701, %dma_wait3A_2702] : memref<8x128x64xf32, #tpu.memory_space<vmem>> -> memref<1x128x64xf32, #tpu.memory_space<vmem>>
    %dma_wait3A_2704 = tpu.memref_squeeze %dma_wait3A_2703 : memref<1x128x64xf32, #tpu.memory_space<vmem>> -> memref<128x64xf32, #tpu.memory_space<vmem>>
    tpu.wait_dma2 semaphore(%arg15 : memref<!tpu.dma_semaphore, #tpu.memory_space<semaphore_mem>>) src(%dma_wait3A_2704 : memref<128x64xf32, #tpu.memory_space<vmem>>) dst(%dma_wait3A_2700 : memref<128x64xf32, #tpu.memory_space<hbm>>)
    %dma_wait3A_2705 = arith.constant 7 : i32
    %dma_wait3A_2706 = arith.constant 0 : i32
    %dma_wait3A_2707 = arith.constant 0 : i32
    %dma_wait3A_2708 = arith.constant 0 : i32
    %dma_wait3A_2709 = tpu.memref_slice %arg6[%dma_wait3A_2705, %dma_wait3A_2707, %dma_wait3A_2708] : memref<8x128x64xf32, #tpu.memory_space<vmem>> -> memref<1x128x64xf32, #tpu.memory_space<vmem>>
    %dma_wait3A_2710 = tpu.memref_squeeze %dma_wait3A_2709 : memref<1x128x64xf32, #tpu.memory_space<vmem>> -> memref<128x64xf32, #tpu.memory_space<vmem>>
    %dma_wait3A_2711 = arith.constant 0 : i32
    %dma_wait3A_2712 = tpu.memref_slice %arg4[%mul3A_2, %dma_wait3A_2706, %dma_wait3A_2711] : memref<4096x50x64xf32, #tpu.memory_space<hbm>> -> memref<128x1x64xf32, #tpu.memory_space<hbm>>
    %dma_wait3A_2713 = tpu.memref_squeeze %dma_wait3A_2712 : memref<128x1x64xf32, #tpu.memory_space<hbm>> -> memref<128x64xf32, #tpu.memory_space<hbm>>
    %dma_wait3A_2714 = arith.constant 0 : i32
    %dma_wait3A_2715 = tpu.memref_slice %arg4[%mul3A_2, %dma_wait3A_2706, %dma_wait3A_2714] : memref<4096x50x64xf32, #tpu.memory_space<hbm>> -> memref<128x1x64xf32, #tpu.memory_space<hbm>>
    %dma_wait3A_2716 = tpu.memref_squeeze %dma_wait3A_2715 : memref<128x1x64xf32, #tpu.memory_space<hbm>> -> memref<128x64xf32, #tpu.memory_space<hbm>>
    %dma_wait3A_2717 = arith.constant 0 : i32
    %dma_wait3A_2718 = arith.constant 0 : i32
    %dma_wait3A_2719 = tpu.memref_slice %arg6[%dma_wait3A_2705, %dma_wait3A_2717, %dma_wait3A_2718] : memref<8x128x64xf32, #tpu.memory_space<vmem>> -> memref<1x128x64xf32, #tpu.memory_space<vmem>>
    %dma_wait3A_2720 = tpu.memref_squeeze %dma_wait3A_2719 : memref<1x128x64xf32, #tpu.memory_space<vmem>> -> memref<128x64xf32, #tpu.memory_space<vmem>>
    tpu.wait_dma2 semaphore(%arg22 : memref<!tpu.dma_semaphore, #tpu.memory_space<semaphore_mem>>) src(%dma_wait3A_2720 : memref<128x64xf32, #tpu.memory_space<vmem>>) dst(%dma_wait3A_2716 : memref<128x64xf32, #tpu.memory_space<hbm>>)
    %dma_wait3A_2721 = arith.constant 6 : i32
    %dma_wait3A_2722 = arith.constant 0 : i32
    %dma_wait3A_2723 = arith.constant 0 : i32
    %dma_wait3A_2724 = arith.constant 0 : i32
    %dma_wait3A_2725 = tpu.memref_slice %arg6[%dma_wait3A_2721, %dma_wait3A_2723, %dma_wait3A_2724] : memref<8x128x64xf32, #tpu.memory_space<vmem>> -> memref<1x128x64xf32, #tpu.memory_space<vmem>>
    %dma_wait3A_2726 = tpu.memref_squeeze %dma_wait3A_2725 : memref<1x128x64xf32, #tpu.memory_space<vmem>> -> memref<128x64xf32, #tpu.memory_space<vmem>>
    %dma_wait3A_2727 = arith.constant 0 : i32
    %dma_wait3A_2728 = tpu.memref_slice %arg4[%mul3A_2, %dma_wait3A_2722, %dma_wait3A_2727] : memref<4096x50x64xf32, #tpu.memory_space<hbm>> -> memref<128x1x64xf32, #tpu.memory_space<hbm>>
    %dma_wait3A_2729 = tpu.memref_squeeze %dma_wait3A_2728 : memref<128x1x64xf32, #tpu.memory_space<hbm>> -> memref<128x64xf32, #tpu.memory_space<hbm>>
    %dma_wait3A_2730 = arith.constant 0 : i32
    %dma_wait3A_2731 = tpu.memref_slice %arg4[%mul3A_2, %dma_wait3A_2722, %dma_wait3A_2730] : memref<4096x50x64xf32, #tpu.memory_space<hbm>> -> memref<128x1x64xf32, #tpu.memory_space<hbm>>
    %dma_wait3A_2732 = tpu.memref_squeeze %dma_wait3A_2731 : memref<128x1x64xf32, #tpu.memory_space<hbm>> -> memref<128x64xf32, #tpu.memory_space<hbm>>
    %dma_wait3A_2733 = arith.constant 0 : i32
    %dma_wait3A_2734 = arith.constant 0 : i32
    %dma_wait3A_2735 = tpu.memref_slice %arg6[%dma_wait3A_2721, %dma_wait3A_2733, %dma_wait3A_2734] : memref<8x128x64xf32, #tpu.memory_space<vmem>> -> memref<1x128x64xf32, #tpu.memory_space<vmem>>
    %dma_wait3A_2736 = tpu.memref_squeeze %dma_wait3A_2735 : memref<1x128x64xf32, #tpu.memory_space<vmem>> -> memref<128x64xf32, #tpu.memory_space<vmem>>
    tpu.wait_dma2 semaphore(%arg21 : memref<!tpu.dma_semaphore, #tpu.memory_space<semaphore_mem>>) src(%dma_wait3A_2736 : memref<128x64xf32, #tpu.memory_space<vmem>>) dst(%dma_wait3A_2732 : memref<128x64xf32, #tpu.memory_space<hbm>>)
    %dma_wait3A_2737 = arith.constant 5 : i32
    %dma_wait3A_2738 = arith.constant 0 : i32
    %dma_wait3A_2739 = arith.constant 0 : i32
    %dma_wait3A_2740 = arith.constant 0 : i32
    %dma_wait3A_2741 = tpu.memref_slice %arg6[%dma_wait3A_2737, %dma_wait3A_2739, %dma_wait3A_2740] : memref<8x128x64xf32, #tpu.memory_space<vmem>> -> memref<1x128x64xf32, #tpu.memory_space<vmem>>
    %dma_wait3A_2742 = tpu.memref_squeeze %dma_wait3A_2741 : memref<1x128x64xf32, #tpu.memory_space<vmem>> -> memref<128x64xf32, #tpu.memory_space<vmem>>
    %dma_wait3A_2743 = arith.constant 0 : i32
    %dma_wait3A_2744 = tpu.memref_slice %arg4[%mul3A_2, %dma_wait3A_2738, %dma_wait3A_2743] : memref<4096x50x64xf32, #tpu.memory_space<hbm>> -> memref<128x1x64xf32, #tpu.memory_space<hbm>>
    %dma_wait3A_2745 = tpu.memref_squeeze %dma_wait3A_2744 : memref<128x1x64xf32, #tpu.memory_space<hbm>> -> memref<128x64xf32, #tpu.memory_space<hbm>>
    %dma_wait3A_2746 = arith.constant 0 : i32
    %dma_wait3A_2747 = tpu.memref_slice %arg4[%mul3A_2, %dma_wait3A_2738, %dma_wait3A_2746] : memref<4096x50x64xf32, #tpu.memory_space<hbm>> -> memref<128x1x64xf32, #tpu.memory_space<hbm>>
    %dma_wait3A_2748 = tpu.memref_squeeze %dma_wait3A_2747 : memref<128x1x64xf32, #tpu.memory_space<hbm>> -> memref<128x64xf32, #tpu.memory_space<hbm>>
    %dma_wait3A_2749 = arith.constant 0 : i32
    %dma_wait3A_2750 = arith.constant 0 : i32
    %dma_wait3A_2751 = tpu.memref_slice %arg6[%dma_wait3A_2737, %dma_wait3A_2749, %dma_wait3A_2750] : memref<8x128x64xf32, #tpu.memory_space<vmem>> -> memref<1x128x64xf32, #tpu.memory_space<vmem>>
    %dma_wait3A_2752 = tpu.memref_squeeze %dma_wait3A_2751 : memref<1x128x64xf32, #tpu.memory_space<vmem>> -> memref<128x64xf32, #tpu.memory_space<vmem>>
    tpu.wait_dma2 semaphore(%arg20 : memref<!tpu.dma_semaphore, #tpu.memory_space<semaphore_mem>>) src(%dma_wait3A_2752 : memref<128x64xf32, #tpu.memory_space<vmem>>) dst(%dma_wait3A_2748 : memref<128x64xf32, #tpu.memory_space<hbm>>)
    %dma_wait3A_2753 = arith.constant 4 : i32
    %dma_wait3A_2754 = arith.constant 0 : i32
    %dma_wait3A_2755 = arith.constant 0 : i32
    %dma_wait3A_2756 = arith.constant 0 : i32
    %dma_wait3A_2757 = tpu.memref_slice %arg6[%dma_wait3A_2753, %dma_wait3A_2755, %dma_wait3A_2756] : memref<8x128x64xf32, #tpu.memory_space<vmem>> -> memref<1x128x64xf32, #tpu.memory_space<vmem>>
    %dma_wait3A_2758 = tpu.memref_squeeze %dma_wait3A_2757 : memref<1x128x64xf32, #tpu.memory_space<vmem>> -> memref<128x64xf32, #tpu.memory_space<vmem>>
    %dma_wait3A_2759 = arith.constant 0 : i32
    %dma_wait3A_2760 = tpu.memref_slice %arg4[%mul3A_2, %dma_wait3A_2754, %dma_wait3A_2759] : memref<4096x50x64xf32, #tpu.memory_space<hbm>> -> memref<128x1x64xf32, #tpu.memory_space<hbm>>
    %dma_wait3A_2761 = tpu.memref_squeeze %dma_wait3A_2760 : memref<128x1x64xf32, #tpu.memory_space<hbm>> -> memref<128x64xf32, #tpu.memory_space<hbm>>
    %dma_wait3A_2762 = arith.constant 0 : i32
    %dma_wait3A_2763 = tpu.memref_slice %arg4[%mul3A_2, %dma_wait3A_2754, %dma_wait3A_2762] : memref<4096x50x64xf32, #tpu.memory_space<hbm>> -> memref<128x1x64xf32, #tpu.memory_space<hbm>>
    %dma_wait3A_2764 = tpu.memref_squeeze %dma_wait3A_2763 : memref<128x1x64xf32, #tpu.memory_space<hbm>> -> memref<128x64xf32, #tpu.memory_space<hbm>>
    %dma_wait3A_2765 = arith.constant 0 : i32
    %dma_wait3A_2766 = arith.constant 0 : i32
    %dma_wait3A_2767 = tpu.memref_slice %arg6[%dma_wait3A_2753, %dma_wait3A_2765, %dma_wait3A_2766] : memref<8x128x64xf32, #tpu.memory_space<vmem>> -> memref<1x128x64xf32, #tpu.memory_space<vmem>>
    %dma_wait3A_2768 = tpu.memref_squeeze %dma_wait3A_2767 : memref<1x128x64xf32, #tpu.memory_space<vmem>> -> memref<128x64xf32, #tpu.memory_space<vmem>>
    tpu.wait_dma2 semaphore(%arg19 : memref<!tpu.dma_semaphore, #tpu.memory_space<semaphore_mem>>) src(%dma_wait3A_2768 : memref<128x64xf32, #tpu.memory_space<vmem>>) dst(%dma_wait3A_2764 : memref<128x64xf32, #tpu.memory_space<hbm>>)
    %dma_wait3A_2769 = arith.constant 3 : i32
    %dma_wait3A_2770 = arith.constant 0 : i32
    %dma_wait3A_2771 = arith.constant 0 : i32
    %dma_wait3A_2772 = arith.constant 0 : i32
    %dma_wait3A_2773 = tpu.memref_slice %arg6[%dma_wait3A_2769, %dma_wait3A_2771, %dma_wait3A_2772] : memref<8x128x64xf32, #tpu.memory_space<vmem>> -> memref<1x128x64xf32, #tpu.memory_space<vmem>>
    %dma_wait3A_2774 = tpu.memref_squeeze %dma_wait3A_2773 : memref<1x128x64xf32, #tpu.memory_space<vmem>> -> memref<128x64xf32, #tpu.memory_space<vmem>>
    %dma_wait3A_2775 = arith.constant 0 : i32
    %dma_wait3A_2776 = tpu.memref_slice %arg4[%mul3A_2, %dma_wait3A_2770, %dma_wait3A_2775] : memref<4096x50x64xf32, #tpu.memory_space<hbm>> -> memref<128x1x64xf32, #tpu.memory_space<hbm>>
    %dma_wait3A_2777 = tpu.memref_squeeze %dma_wait3A_2776 : memref<128x1x64xf32, #tpu.memory_space<hbm>> -> memref<128x64xf32, #tpu.memory_space<hbm>>
    %dma_wait3A_2778 = arith.constant 0 : i32
    %dma_wait3A_2779 = tpu.memref_slice %arg4[%mul3A_2, %dma_wait3A_2770, %dma_wait3A_2778] : memref<4096x50x64xf32, #tpu.memory_space<hbm>> -> memref<128x1x64xf32, #tpu.memory_space<hbm>>
    %dma_wait3A_2780 = tpu.memref_squeeze %dma_wait3A_2779 : memref<128x1x64xf32, #tpu.memory_space<hbm>> -> memref<128x64xf32, #tpu.memory_space<hbm>>
    %dma_wait3A_2781 = arith.constant 0 : i32
    %dma_wait3A_2782 = arith.constant 0 : i32
    %dma_wait3A_2783 = tpu.memref_slice %arg6[%dma_wait3A_2769, %dma_wait3A_2781, %dma_wait3A_2782] : memref<8x128x64xf32, #tpu.memory_space<vmem>> -> memref<1x128x64xf32, #tpu.memory_space<vmem>>
    %dma_wait3A_2784 = tpu.memref_squeeze %dma_wait3A_2783 : memref<1x128x64xf32, #tpu.memory_space<vmem>> -> memref<128x64xf32, #tpu.memory_space<vmem>>
    tpu.wait_dma2 semaphore(%arg18 : memref<!tpu.dma_semaphore, #tpu.memory_space<semaphore_mem>>) src(%dma_wait3A_2784 : memref<128x64xf32, #tpu.memory_space<vmem>>) dst(%dma_wait3A_2780 : memref<128x64xf32, #tpu.memory_space<hbm>>)
    %dma_wait3A_2785 = arith.constant 2 : i32
    %dma_wait3A_2786 = arith.constant 0 : i32
    %dma_wait3A_2787 = arith.constant 0 : i32
    %dma_wait3A_2788 = arith.constant 0 : i32
    %dma_wait3A_2789 = tpu.memref_slice %arg6[%dma_wait3A_2785, %dma_wait3A_2787, %dma_wait3A_2788] : memref<8x128x64xf32, #tpu.memory_space<vmem>> -> memref<1x128x64xf32, #tpu.memory_space<vmem>>
    %dma_wait3A_2790 = tpu.memref_squeeze %dma_wait3A_2789 : memref<1x128x64xf32, #tpu.memory_space<vmem>> -> memref<128x64xf32, #tpu.memory_space<vmem>>
    %dma_wait3A_2791 = arith.constant 0 : i32
    %dma_wait3A_2792 = tpu.memref_slice %arg4[%mul3A_2, %dma_wait3A_2786, %dma_wait3A_2791] : memref<4096x50x64xf32, #tpu.memory_space<hbm>> -> memref<128x1x64xf32, #tpu.memory_space<hbm>>
    %dma_wait3A_2793 = tpu.memref_squeeze %dma_wait3A_2792 : memref<128x1x64xf32, #tpu.memory_space<hbm>> -> memref<128x64xf32, #tpu.memory_space<hbm>>
    %dma_wait3A_2794 = arith.constant 0 : i32
    %dma_wait3A_2795 = tpu.memref_slice %arg4[%mul3A_2, %dma_wait3A_2786, %dma_wait3A_2794] : memref<4096x50x64xf32, #tpu.memory_space<hbm>> -> memref<128x1x64xf32, #tpu.memory_space<hbm>>
    %dma_wait3A_2796 = tpu.memref_squeeze %dma_wait3A_2795 : memref<128x1x64xf32, #tpu.memory_space<hbm>> -> memref<128x64xf32, #tpu.memory_space<hbm>>
    %dma_wait3A_2797 = arith.constant 0 : i32
    %dma_wait3A_2798 = arith.constant 0 : i32
    %dma_wait3A_2799 = tpu.memref_slice %arg6[%dma_wait3A_2785, %dma_wait3A_2797, %dma_wait3A_2798] : memref<8x128x64xf32, #tpu.memory_space<vmem>> -> memref<1x128x64xf32, #tpu.memory_space<vmem>>
    %dma_wait3A_2800 = tpu.memref_squeeze %dma_wait3A_2799 : memref<1x128x64xf32, #tpu.memory_space<vmem>> -> memref<128x64xf32, #tpu.memory_space<vmem>>
    tpu.wait_dma2 semaphore(%arg17 : memref<!tpu.dma_semaphore, #tpu.memory_space<semaphore_mem>>) src(%dma_wait3A_2800 : memref<128x64xf32, #tpu.memory_space<vmem>>) dst(%dma_wait3A_2796 : memref<128x64xf32, #tpu.memory_space<hbm>>)
    return
  }
}

</mosaic_0001>

<sc_bundles>
// kernel: kernel.3.cloned.1.call-start
scs
__scs_entry_jumppad:
0x0: {  	(pc) =	sbr.rel $0x88, $3  }
0x1: {  	(tag) =	ssettag $0x0;
	lr =	simm.s32 $0x1  }
0x2: {  	[smem:$0x3F9F] =	sst lr;
	_ =	strace $0xD0000000  }
0x3: {  	_ = 	snop  }
0x4: {  	_ = 	snop  }
0x5: {  	_ = 	snop  }
0x6: {  	_ = 	snop  }
0x7: {  	_ = 	snop  }
__scs_overlays_trampoline_lowered:
0x8: {  	[smem:$0x3FAE] =	sst s0  }
0x9: {  	[smem:$0x3FAF] =	sst s1  }
0xa: {  	[smem:$0x3FB0] =	sst s2  }
0xb: {  	[smem:$0x3FB1] =	sst s3  }
0xc: {  	[smem:$0x3FB2] =	sst s4  }
0xd: {  	[smem:$0x3FB3] =	sst s5  }
0xe: {  	[smem:$0x3FB4] =	sst s6  }
0xf: {  	[smem:$0x3FB5] =	sst s7  }
0x10: {  	[smem:$0x3FB6] =	sst s8  }
0x11: {  	[smem:$0x3FB7] =	sst s9;
	s0 =	simm.s32 @!p0 $0x0  }
0x12: {  	s1 =	sld [smem:$0x3F9D];
	s0 =	simm.s32 @p0 $0x1  }
0x13: {  	[smem:$0x3FB8] =	sst s0;
	s0 =	simm.s32 @!p1 $0x0  }
0x14: {  	s2 =	sld [smem:$0x3F9C];
	s0 =	simm.s32 @p1 $0x1  }
0x15: {  	[smem:$0x3FB9] =	sst s0;
	s0 =	simm.s32 @!p2 $0x0  }
0x16: {  	s3 =	sld [smem:$0x3FDB];
	s0 =	simm.s32 @p2 $0x1  }
0x17: {  	s4 =	simm.s32 $0x1BF5;
	[smem:$0x3FBB] =	sst s0  }
0x18: {  	s0 =	sld [smem:$0x3F9E];
	_ =	swait.ge [sflag:s4], $0x0  }
0x19: {  	s7 =	sld [smem:$0x3F9F]  }
0x1a: {  	s8 =	sadd.s32 $0xFFFFE003, lr  }
0x1b: {  	s9 =	sadd.s32 $0xFFFFFEF7, lr;
	s5 =	simm.s32 $0xFFFFFFFF;
	p2 =	slt.u32 s8, $0xFFFFF086  }
0x1c: {  	p1 =	slt.u32 s9, $0xF7A;
	s5 =	simm.s32 @!p2 $0x0  }
0x1d: {  	s5 =	simm.s32 @p1 $0x1;
	p0 =	seq.s32 s7, s2  }
0x1e: {  	s7 =	smul.u32 @!p0 $0xF7A, s2;
	p2 =	seq.s32 @!p0 s5, $0x0  }
0x1f: {  	s9 =	smul.u32 $0xF7A, s1;
	s8 =	simm.s32 @!p0 $0x1BF5;
	p2 =	por !p2, p0  }
0x20: {  	[sflag:s8] =	ssyncset.s32 @!p0 $0xFFFFF086;
	s6 =	sadd.s32 @!p0 s3, s7;
	s7 =	simm.s32 @!p0 $0x108  }
0x21: {  	s3 =	sadd.s32 s3, s9;
	s6 =	sadd.s32 @!p0 $0x88, s6;
	s7 =	simm.s32 @p2 $0x1082  }
0x22: {  	[simem:s7], [sflag:s8] =	dma.local @!p0 [hbm:s6], $0xF7A  }
0x23: {  	s9 =	sor.u32 $0xD0000000, s2;
	s6 =	simm.s32 $0x108;
	_ =	swait.ge @!p0 [sflag:s8], $0x0  }
0x24: {  	s3 =	sadd.s32 $0x88, s3;
	s6 =	simm.s32 @!p1 $0x1082;
	[sflag:s4] =	ssyncset.s32 $0xFFFFF086  }
0x25: {  	[simem:s6], [sflag:s4] =	dma.local [hbm:s3], $0xF7A  }
0x26: {  	[smem:$0x3F9F] =	sst s1;
	(tag) =	ssettag s2;
	_ =	strace s9  }
0x27: {  	s1 =	sld [smem:$0x3FAF]  }
0x28: {  	s2 =	sld [smem:$0x3FB0]  }
0x29: {  	s4 =	sld [smem:$0x3FB2]  }
0x2a: {  	p0 =	seq.s32 s5, $0x0;
	s5 =	sld [smem:$0x3FB3]  }
0x2b: {  	s6 =	sld [smem:$0x3FB4]  }
0x2c: {  	s7 =	sld [smem:$0x3FB5]  }
0x2d: {  	s3 =	simm.s32 $0x108;
	s8 =	sld [smem:$0x3FB6]  }
0x2e: {  	s3 =	simm.s32 @!p0 $0x1082;
	s9 =	sld [smem:$0x3FB7]  }
0x2f: {  	lr =	sadd.s32 s0, s3;
	s0 =	sld [smem:$0x3FAE]  }
0x30: {  	s3 =	sld [smem:$0x3FB1]  }
0x31: {  	[smem:$0x3FBA] =	sst s10  }
0x32: {  	s10 =	sld [smem:$0x3FB8];
	_ =	sdelay $0x3  }
0x33: {  	p0 =	seq.s32 s10, $0x1;
	s10 =	sld [smem:$0x3FBA];
	_ =	sdelay $0x3  }
0x34: {  	[smem:$0x3FBA] =	sst s10  }
0x35: {  	s10 =	sld [smem:$0x3FB9];
	_ =	sdelay $0x3  }
0x36: {  	p1 =	seq.s32 s10, $0x1;
	s10 =	sld [smem:$0x3FBA];
	_ =	sdelay $0x3  }
0x37: {  	[smem:$0x3FBA] =	sst s10  }
0x38: {  	s10 =	sld [smem:$0x3FBB]  }
0x39: {  	_ = 	snop;
	(pc) =	sbr.ind lr, $3  }
0x3a: {  	_ = 	snop  }
0x3b: {  	_ = 	snop  }
0x3c: {  	p2 =	seq.s32 s10, $0x1;
	s10 =	sld [smem:$0x3FBA]  }
0x3d: {  	_ =	shalt  }
0x3e: {  	_ =	shalt  }
0x3f: {  	_ =	shalt  }
0x40: {  	_ =	shalt  }
0x41: {  	_ =	shalt  }
0x42: {  	_ =	shalt  }
0x43: {  	_ =	shalt  }
0x44: {  	_ =	shalt  }
0x45: {  	_ =	shalt  }
0x46: {  	_ =	shalt  }
0x47: {  	_ =	shalt  }
0x48: {  	_ =	shalt  }
0x49: {  	_ =	shalt  }
0x4a: {  	_ =	shalt  }
0x4b: {  	_ =	shalt  }
0x4c: {  	_ =	shalt  }
0x4d: {  	_ =	shalt  }
0x4e: {  	_ =	shalt  }
0x4f: {  	_ =	shalt  }
0x50: {  	_ =	shalt  }
0x51: {  	_ =	shalt  }
0x52: {  	_ =	shalt  }
0x53: {  	_ =	shalt  }
0x54: {  	_ =	shalt  }
0x55: {  	_ =	shalt  }
0x56: {  	_ =	shalt  }
0x57: {  	_ =	shalt  }
0x58: {  	_ =	shalt  }
0x59: {  	_ =	shalt  }
0x5a: {  	_ =	shalt  }
0x5b: {  	_ =	shalt  }
0x5c: {  	_ =	shalt  }
0x5d: {  	_ =	shalt  }
0x5e: {  	_ =	shalt  }
0x5f: {  	_ =	shalt  }
0x60: {  	_ =	shalt  }
0x61: {  	_ =	shalt  }
0x62: {  	_ =	shalt  }
0x63: {  	_ =	shalt  }
0x64: {  	_ =	shalt  }
0x65: {  	_ =	shalt  }
0x66: {  	_ =	shalt  }
0x67: {  	_ =	shalt  }
0x68: {  	_ =	shalt  }
0x69: {  	_ =	shalt  }
0x6a: {  	_ =	shalt  }
0x6b: {  	_ =	shalt  }
0x6c: {  	_ =	shalt  }
0x6d: {  	_ =	shalt  }
0x6e: {  	_ =	shalt  }
0x6f: {  	_ =	shalt  }
0x70: {  	_ =	shalt  }
0x71: {  	_ =	shalt  }
0x72: {  	_ =	shalt  }
0x73: {  	_ =	shalt  }
0x74: {  	_ =	shalt  }
0x75: {  	_ =	shalt  }
0x76: {  	_ =	shalt  }
0x77: {  	_ =	shalt  }
0x78: {  	_ =	shalt  }
0x79: {  	_ =	shalt  }
0x7a: {  	_ =	shalt  }
0x7b: {  	_ =	shalt  }
0x7c: {  	_ =	shalt  }
0x7d: {  	_ =	shalt  }
0x7e: {  	_ =	shalt  }
0x7f: {  	_ =	shalt  }
0x80: {  	_ =	shalt  }
0x81: {  	_ =	shalt  }
0x82: {  	_ =	shalt  }
0x83: {  	_ =	shalt  }
0x84: {  	_ =	shalt  }
0x85: {  	_ =	shalt  }
0x86: {  	_ =	shalt  }
0x87: {  	_ =	shalt  }
.Lfunc_end0:
.L_simem_size_0:
called_computation.1_lowered:
.L_overlay_start_0:
0x88: {  	s2 =	sld [smem:$0x3FD9]  }
0x89: {  	s3 =	sld [smem:$0x3FFE];
	_ =	sdelay $0x1  }
0x8a: {  	s1 =	srdreg.scid  }
0x8b: {  	s0 =	sand.u32 $0x1, s1  }
0x8c: {  	s17 =	sshll.u32 s0, $0xA;
	s2 =	sadd.s32 s3, s2  }
0x8d: {  	s2 =	sadd.s32 s2, s17  }
0x8e: {  	[smem:$0x3FC6] =	sst s2  }
0x8f: {  	_ = 	snop  }
0x90: {  	s2 =	sld [smem:$0x3FD0];
	(tm) =	ssettm $0x1  }
0x91: {  	s18 =	sld [smem:$0x3FFB];
	_ =	sdelay $0x3  }
0x92: {  	_ =	strace s18  }
0x93: {  	s3 =	sld [smem:$0x3FFC];
	_ =	sdelay $0x3  }
0x94: {  	_ =	strace s3  }
0x95: {  	s3 =	sld [smem:$0x3FFD];
	_ =	sdelay $0x3  }
0x96: {  	_ =	strace s3  }
0x97: {  	_ =	strace $0x8FFFFFFF  }
0x98: {  	s19 =	sld [smem:$0x3FDB];
	_ =	sdelay $0x1  }
0x99: {  	s4 =	simm.s32 $_scs_section_size  }
0x9a: {  	s5 =	simm.s32 $_size__tile_overlayer_lowered;
	s6 =	simm.s32 $_tile_overlayer_lowered  }
0x9b: {  	s22 =	simm.s32 $0x1BFF;
	s21 =	sshll.u32 s6, $0x1;
	s3 =	sadd.s32 s4, s19  }
0x9c: {  	s7 =	simm.s32 $0x0;
	s20 =	sshll.u32 s5, $0x1;
	s5 =	sadd.s32 s21, s3  }
0x9d: {  	[timem:s7], [sflag:s22] =	dma.local [hbm:s5], s20  }
0x9e: {  	_ =	swait.ge [sflag:s22], s20  }
0x9f: {  	s4 =	ssub.s32 $0x0, s20;
	[sflag:s22] =	ssyncset.done $0x0  }
0xa0: {  	[sflag:s22] =	ssyncadd.s32 s4;
	_ =	sdelay $0x1  }
0xa1: {  	s23 =	simm.s32 $0x1B8B  }
0xa2: {  	_ =	swait.ge [sflag:s23], $0x1  }
0xa3: {  	[sflag:s23] =	ssyncset.done $0x0  }
0xa4: {  	s25 =	simm.s32 $0x1B8E;
	s24 =	sld [smem:$0x3FFE];
	[sflag:s23] =	ssyncadd.s32 $0xFFFFFFFF  }
0xa5: {  	s26 =	simm.s32 $execute0_lowered;
	[smem:$0x3FD2] =	sst s25  }
0xa6: {  	s5 =	sshll.u32 s26, $0x1;
	_ =	strace $0x80000046;
	[dreg:$0x1] =	wrdreg $0xFFFFFFFF  }
0xa7: {  	s28 =	simm.s32 $_size_execute0_lowered;
	s3 =	sadd.s32 s3, s5;
	[dreg:$0x0] =	wrdreg $0x0  }
0xa8: {  	s5 =	sshll.u32 s28, $0x1;
	[dreg:$0x2] =	wrdreg s3  }
0xa9: {  	[dreg:$0x3] =	wrdreg s5  }
0xaa: {  	[dreg:$0x4] =	wrdreg $0xC0  }
0xab: {  	_ =	task [dreg:s7], $0x5FFFF  }
0xac: {  	[dreg:$0x1] =	wrdreg $0xFFFFFFFF  }
0xad: {  	[dreg:$0x0] =	wrdreg $0x60  }
0xae: {  	[dreg:$0x2] =	wrdreg s24  }
0xaf: {  	[dreg:$0x3] =	wrdreg s2  }
0xb0: {  	[dreg:$0x4] =	wrdreg $0x9  }
0xb1: {  	_ =	task.clear_ibuf [dreg:s7], $0x5FFFF;
	_ =	strace $0x90000046  }
0xb2: {  	s29 =	simm.s32 $0x9;
	_ =	strace $0x80000048  }
0xb3: {  	_ =	swait.ge [sflag:s29], $0x1  }
0xb4: {  	[sflag:s29] =	ssyncadd.s32 $0xFFFFFFFF  }
0xb5: {  	_ =	strace $0x90000048  }
0xb6: {  	_ =	sfence  }
0xb7: {  	s30 =	sld [smem:$0x0];
	_ =	sdelay $0x2  }
0xb8: {  	s31 =	sshll.u32 s1, $0xD;
	s1 =	sshrl.u32 s1, $0x2  }
0xb9: {  	s3 =	sand.u32 $0x4000, s31;
	s1 =	sadd.s32 s1, s30  }
0xba: {  	s0 =	sor.u32 s3, s0;
	s1 =	sshll.u32 s1, $0x11  }
0xbb: {  	s0 =	sor.u32 s1, s0  }
0xbc: {  	s0 =	sadd.s32 $0x8F2B, s0  }
0xbd: {  	[sflag:s0] =	ssyncadd.remote.s32 $0x1  }
0xbe: {  	_ =	sfence.sel $0xFFFF  }
0xbf: {  	[dreg:$0x0] =	wrdreg $0xFFFFFFFF;
	(pc) =	sbr.abs _section_cstart, $3  }
0xc0: {  	[dreg:$0x1] =	wrdreg $0xFFFFFFFF  }
0xc1: {  	_ =	task.clear_ibuf [dreg:s7], $0x2FFFF;
	_ =	strace $0x9FFFFFFF  }
0xc2: {  	(tm) =	ssettm $0x7FFFFFFF  }
0xc3: {  	_ =	shalt  }
tec
execute0_lowered:
.L_overlay_start_1:
0x0: {  	(tag) =	ssettag $0x1  }
0x1: {  	s0 =	srdreg.scid  }
0x2: {  	s3 =	stileid.u32;
	s0 =	sand.u32 $0x1, s0  }
0x3: {  	s3 =	sshll.u32 s3, $0x8;
	s4 =	sshll.u32 s0, $0x7  }
0x4: {  	s2 =	rddreg [dreg:$0x0];
	s3 =	sor.u32 s4, s3  }
0x5: {  	s1 =	rddreg [dreg:$0x1];
	s4 =	sshrl.u32 s3, $0x3  }
0x6: {  	s5 =	simm.s32 $0x0;
	s3 =	smul.u32 $0x190, s3;
	s4 =	sadd.s32 s4, s2  }
0x7: {  	[smem:$0x7FF] =	sst s5;
	s4 =	sadd.s32 $0xA00, s4  }
0x8: {  	_ =	strace $0x80000047;
	s3 =	sadd.s32 s1, s3;
	[dreg:$0x3] =	wrdreg s4  }
0x9: {  	s1 =	sadd.s32 $0x8, s3;
	[smem:$0x7CD] =	sst s3  }
0xa: {  	s26 =	sadd.s32 $0x10, s3;
	[dreg:$0x4] =	wrdreg s1  }
0xb: {  	s31 =	sadd.s32 $0x18, s3;
	[dreg:$0x5] =	wrdreg s26  }
0xc: {  	s4 =	sadd.s32 $0x20, s3;
	[dreg:$0x6] =	wrdreg s31  }
0xd: {  	s5 =	sadd.s32 $0x28, s3;
	[dreg:$0x7] =	wrdreg s4  }
0xe: {  	s6 =	sadd.s32 $0x30, s3;
	[dreg:$0x8] =	wrdreg s5  }
0xf: {  	s7 =	sadd.s32 $0x38, s3;
	[dreg:$0x9] =	wrdreg s6  }
0x10: {  	s8 =	sadd.s32 $0x40, s3;
	[dreg:$0xa] =	wrdreg s7  }
0x11: {  	s9 =	sadd.s32 $0x48, s3;
	[dreg:$0xb] =	wrdreg s8  }
0x12: {  	s10 =	sadd.s32 $0x50, s3;
	[dreg:$0xc] =	wrdreg s9  }
0x13: {  	s11 =	sadd.s32 $0x58, s3;
	[dreg:$0xd] =	wrdreg s10  }
0x14: {  	s12 =	sadd.s32 $0x60, s3;
	[dreg:$0xe] =	wrdreg s11  }
0x15: {  	s13 =	sadd.s32 $0x68, s3;
	[dreg:$0xf] =	wrdreg s12  }
0x16: {  	s14 =	sadd.s32 $0x70, s3;
	[dreg:$0x10] =	wrdreg s13  }
0x17: {  	s15 =	sadd.s32 $0x78, s3;
	[dreg:$0x11] =	wrdreg s14  }
0x18: {  	s16 =	sadd.s32 $0x80, s3;
	[dreg:$0x12] =	wrdreg s15  }
0x19: {  	s17 =	sadd.s32 $0x88, s3;
	[dreg:$0x13] =	wrdreg s16  }
0x1a: {  	s18 =	sadd.s32 $0x90, s3;
	[dreg:$0x14] =	wrdreg s17  }
0x1b: {  	s19 =	sadd.s32 $0x98, s3;
	[dreg:$0x15] =	wrdreg s18  }
0x1c: {  	s20 =	sadd.s32 $0xA0, s3;
	[dreg:$0x16] =	wrdreg s19  }
0x1d: {  	s21 =	sadd.s32 $0xA8, s3;
	[dreg:$0x17] =	wrdreg s20  }
0x1e: {  	s22 =	sadd.s32 $0xB0, s3;
	[dreg:$0x18] =	wrdreg s21  }
0x1f: {  	s23 =	sadd.s32 $0xB8, s3;
	[dreg:$0x19] =	wrdreg s22  }
0x20: {  	s24 =	sadd.s32 $0xC0, s3;
	[dreg:$0x1a] =	wrdreg s23  }
0x21: {  	s25 =	sadd.s32 $0xC8, s3;
	[dreg:$0x1b] =	wrdreg s24  }
0x22: {  	[dreg:$0x1c] =	wrdreg s25  }
0x23: {  	s26 =	sadd.s32 $0xD0, s3;
	s1 =	rddreg [dreg:$0x3]  }
0x24: {  	s31 =	sadd.s32 $0xD8, s3;
	[dreg:$0x1d] =	wrdreg s26  }
0x25: {  	s4 =	sadd.s32 $0xE0, s3;
	[dreg:$0x1e] =	wrdreg s31  }
0x26: {  	s5 =	sadd.s32 $0xE8, s3;
	[dreg:$0x1f] =	wrdreg s4  }
0x27: {  	s6 =	sadd.s32 $0xF0, s3;
	[smem:$0x7B9] =	sst s5  }
0x28: {  	s7 =	sadd.s32 $0xF8, s3;
	[smem:$0x7BA] =	sst s6  }
0x29: {  	s8 =	sadd.s32 $0x100, s3;
	[smem:$0x7BB] =	sst s7  }
0x2a: {  	s9 =	sadd.s32 $0x108, s3;
	[smem:$0x7BC] =	sst s8  }
0x2b: {  	s10 =	sadd.s32 $0x110, s3;
	[smem:$0x7BD] =	sst s9  }
0x2c: {  	s11 =	sadd.s32 $0x118, s3;
	[smem:$0x7BE] =	sst s10  }
0x2d: {  	s12 =	sadd.s32 $0x120, s3;
	[smem:$0x7BF] =	sst s11  }
0x2e: {  	s13 =	sadd.s32 $0x128, s3;
	[smem:$0x7C0] =	sst s12  }
0x2f: {  	s14 =	sadd.s32 $0x130, s3;
	[smem:$0x7C1] =	sst s13  }
0x30: {  	s15 =	sadd.s32 $0x138, s3;
	[smem:$0x7C2] =	sst s14  }
0x31: {  	s16 =	sadd.s32 $0x140, s3;
	[smem:$0x7C3] =	sst s15  }
0x32: {  	s17 =	sadd.s32 $0x148, s3;
	[smem:$0x7C4] =	sst s16  }
0x33: {  	s18 =	sadd.s32 $0x150, s3;
	[smem:$0x7C5] =	sst s17  }
0x34: {  	s19 =	sadd.s32 $0x158, s3;
	[smem:$0x7C6] =	sst s18  }
0x35: {  	s20 =	sadd.s32 $0x160, s3;
	[smem:$0x7C7] =	sst s19  }
0x36: {  	s21 =	sadd.s32 $0x168, s3;
	[smem:$0x7C8] =	sst s20  }
0x37: {  	s22 =	sadd.s32 $0x170, s3;
	[smem:$0x7C9] =	sst s21  }
0x38: {  	s23 =	sadd.s32 $0x178, s3;
	[smem:$0x7CA] =	sst s22  }
0x39: {  	s24 =	sadd.s32 $0x180, s3;
	[smem:$0x7CB] =	sst s23  }
0x3a: {  	s25 =	sadd.s32 $0x188, s3;
	[smem:$0x7CC] =	sst s24  }
0x3b: {  	s3 =	simm.s32 $0x200;
	[smem:$0x7CE] =	sst s25  }
0x3c: {  	s26 =	simm.s32 $0x100;
	[smem:$0x7D1] =	sst s3  }
0x3d: {  	s31 =	simm.s32 $0x180;
	[smem:$0x7CF] =	sst s26  }
0x3e: {  	s4 =	simm.s32 $0x280;
	[smem:$0x7D0] =	sst s31  }
0x3f: {  	s5 =	simm.s32 $0x300;
	[smem:$0x7D2] =	sst s4  }
0x40: {  	s6 =	simm.s32 $0x380;
	[smem:$0x7D3] =	sst s5  }
0x41: {  	s7 =	simm.s32 $0x400;
	[smem:$0x7D4] =	sst s6  }
0x42: {  	s8 =	simm.s32 $0x480;
	[smem:$0x7D5] =	sst s7  }
0x43: {  	s9 =	simm.s32 $0x500;
	[smem:$0x7D6] =	sst s8  }
0x44: {  	s10 =	simm.s32 $0x580;
	[smem:$0x7D7] =	sst s9  }
0x45: {  	s11 =	simm.s32 $0x600;
	[smem:$0x7D8] =	sst s10  }
0x46: {  	s12 =	simm.s32 $0x680;
	[smem:$0x7D9] =	sst s11  }
0x47: {  	s13 =	simm.s32 $0x700;
	[smem:$0x7DA] =	sst s12  }
0x48: {  	s14 =	simm.s32 $0x780;
	[smem:$0x7DB] =	sst s13  }
0x49: {  	s15 =	simm.s32 $0x800;
	[smem:$0x7DC] =	sst s14  }
0x4a: {  	s16 =	simm.s32 $0x880;
	[smem:$0x7DD] =	sst s15  }
0x4b: {  	s17 =	simm.s32 $0x900;
	[smem:$0x7DE] =	sst s16  }
0x4c: {  	s18 =	simm.s32 $0x980;
	[smem:$0x7DF] =	sst s17  }
0x4d: {  	s19 =	simm.s32 $0xA00;
	[smem:$0x7E0] =	sst s18  }
0x4e: {  	s20 =	simm.s32 $0xA80;
	[smem:$0x7E1] =	sst s19  }
0x4f: {  	s21 =	simm.s32 $0xB00;
	[smem:$0x7E2] =	sst s20  }
0x50: {  	s22 =	simm.s32 $0xB80;
	[smem:$0x7E3] =	sst s21  }
0x51: {  	s23 =	simm.s32 $0xC00;
	[smem:$0x7E4] =	sst s22  }
0x52: {  	s30 =	simm.s32 $0x3;
	s24 =	simm.s32 $0xD00;
	[smem:$0x7E5] =	sst s23  }
0x53: {  	s29 =	simm.s32 $0x4;
	s3 =	simm.s32 $0xE80;
	[smem:$0x7E6] =	sst s24  }
0x54: {  	s28 =	simm.s32 $0x5;
	s26 =	simm.s32 $0xD80;
	[smem:$0x7E9] =	sst s3  }
0x55: {  	p0 =	por $0x0, $0x0;
	s31 =	simm.s32 $0xE00;
	[smem:$0x7E7] =	sst s26  }
0x56: {  	s0 =	ssub.s32 $0x2, s0;
	s4 =	simm.s32 $0xF00;
	[smem:$0x7E8] =	sst s31  }
0x57: {  	s2 =	sadd.s32 $0xF42E00, s2;
	s6 =	simm.s32 $0xF80;
	[smem:$0x7EA] =	sst s4  }
0x58: {  	s25 =	sshrl.u32 s0, $0x1;
	s7 =	simm.s32 $0x1080;
	[smem:$0x7EB] =	sst s6  }
0x59: {  	s0 =	ssub.s32 s0, s25;
	s8 =	simm.s32 $0x1100;
	[smem:$0x7EC] =	sst s7  }
0x5a: {  	s5 =	simm.s32 $0x80;
	s9 =	simm.s32 $0x1180;
	[smem:$0x7ED] =	sst s8  }
0x5b: {  	s3 =	simm.s32 $0x3900;
	s10 =	simm.s32 $0x1200;
	[smem:$0x7EE] =	sst s9  }
0x5c: {  	s23 =	simm.s32 $0x5900;
	s11 =	simm.s32 $0x1280;
	[smem:$0x7EF] =	sst s10  }
0x5d: {  	s21 =	simm.s32 $0x7900;
	s12 =	simm.s32 $0x1300;
	[smem:$0x7F0] =	sst s11  }
0x5e: {  	s13 =	simm.s32 $0x1380;
	s14 =	simm.s32 $0x1400;
	[smem:$0x7F1] =	sst s12  }
0x5f: {  	s22 =	simm.s32 $0x9900;
	s15 =	simm.s32 $0x1480;
	[smem:$0x7F2] =	sst s13  }
0x60: {  	s16 =	simm.s32 $0x1500;
	s19 =	simm.s32 $0xB900;
	[smem:$0x7F3] =	sst s14  }
0x61: {  	s17 =	simm.s32 $0x1580;
	s18 =	simm.s32 $0x1600;
	[smem:$0x7F4] =	sst s15  }
0x62: {  	s20 =	simm.s32 $0x1680;
	s24 =	simm.s32 $0x1700;
	[smem:$0x7F5] =	sst s16  }
0x63: {  	s25 =	simm.s32 $0x1780;
	s0 =	smax.u32 s0, $0x1;
	[smem:$0x7F6] =	sst s17  }
0x64: {  	s4 =	simm.s32 $0x1900;
	s7 =	simm.s32 $0x1;
	[smem:$0x7F7] =	sst s18  }
0x65: {  	s6 =	simm.s32 $0x40;
	s8 =	simm.s32 $0xC80;
	[smem:$0x7F8] =	sst s20  }
0x66: {  	s9 =	simm.s32 $0x2;
	s15 =	simm.s32 $0xD900;
	[smem:$0x7F9] =	sst s24  }
0x67: {  	s17 =	simm.s32 $0xF900;
	[smem:$0x7FA] =	sst s25;
	s26 =	simm.s32 $0x1800  }
0x68: {  	s12 =	simm.s32 $0x9;
	s31 =	simm.s32 $0x1880;
	p1 =	sne.s32 s0, $0x1  }
.Ltmp0:
0x69: {  	s18 =	simm.s32 $0xA;
	s25 =	simm.s32 $0x7;
	(pc) =	sbr.rel @!p1 .LBB2_3-.Ltmp0, $4  }
0x6a: {  	s10 =	simm.s32 $0xB;
	s24 =	simm.s32 $0x8;
	s11 =	simm.s32 $0xC  }
0x6b: {  	s13 =	simm.s32 $0xD;
	s14 =	simm.s32 $0xE;
	[smem:$0x7FB] =	sst s26  }
0x6c: {  	s16 =	simm.s32 $0xF;
	[smem:$0x7FC] =	sst s31;
	s0 =	sadd.s32 $0xFFFFFFFF, s0  }
0x6d: {  	s20 =	simm.s32 $0x10;
	s26 =	simm.s32 $0x6;
	[smem:$0x7FD] =	sst s0  }
0x6e: {  	s31 =	simm.s32 $0x1000;
	s0 =	simm.s32 $0x0  }
0x6f: {  	[tilespmem:s0], [sflag:$0x11] =	stream.strided.gather [hbm4b:s1+s5], $0x1900, s31, s5, $0x38;
	[tilespmem:$0x11900] =	vst v63  }
0x70: {  	s0 =	simm.s32 $0x11  }
0x71: {  	_ =	swait.ge [sflag:s0], $0x1900  }
0x72: {  	[sflag:s0] =	ssyncset.done $0x0  }
0x73: {  	s1 =	simm.s32 $0x0;
	[sflag:s0] =	ssyncadd.s32 $0xFFFFE700  }
0x74: {  	[tilespmem:s4], [sflag:$0x1] =	stream.indirect.gather [hbm4b:s2+s5], $0x40, s1, s5, $0xb8;
	[tilespmem:$0x11900] =	vst v63  }
0x75: {  	s1 =	sld [smem:$0x7CF]  }
0x76: {  	[tilespmem:s3], [sflag:$0x2] =	stream.indirect.gather [hbm4b:s2+s5], $0x40, s5, s5, $0xb8;
	[tilespmem:$0x11900] =	vst v63  }
0x77: {  	s0 =	sld [smem:$0x7D0]  }
0x78: {  	[tilespmem:s23], [sflag:$0x3] =	stream.indirect.gather [hbm4b:s2+s5], $0x40, s1, s5, $0xb8;
	[tilespmem:$0x11900] =	vst v63  }
0x79: {  	_ = 	snop  }
0x7a: {  	[tilespmem:s21], [sflag:$0x4] =	stream.indirect.gather [hbm4b:s2+s5], $0x40, s0, s5, $0xb8;
	[tilespmem:$0x11900] =	vst v63  }
0x7b: {  	_ =	swait.ge [sflag:s7], $0x2000  }
0x7c: {  	s1 =	sld [smem:$0x7CD]  }
0x7d: {  	[sflag:s7] =	ssyncset.done $0x0  }
0x7e: {  	s0 =	sld [smem:$0x7D1];
	[sflag:s7] =	ssyncadd.s32 $0xFFFFE000  }
0x7f: {  	[hbm4b:s1+s6] =	stream.strided.scatter [tilespmem:s4], [sflag:$0x9], $0x2000, s8, s6, $0x38;
	[tilespmem:$0x11900] =	vst v63  }
0x80: {  	_ = 	snop  }
0x81: {  	[tilespmem:s22], [sflag:$0x5] =	stream.indirect.gather [hbm4b:s2+s5], $0x40, s0, s5, $0xb8;
	[tilespmem:$0x11900] =	vst v63  }
0x82: {  	_ =	swait.ge [sflag:s9], $0x2000  }
0x83: {  	s0 =	rddreg [dreg:$0x4];
	[sflag:s9] =	ssyncset.done $0x0  }
0x84: {  	s1 =	sld [smem:$0x7D2];
	[sflag:s9] =	ssyncadd.s32 $0xFFFFE000  }
0x85: {  	[hbm4b:s0+s6] =	stream.strided.scatter [tilespmem:s3], [sflag:$0xA], $0x2000, s8, s6, $0x38;
	[tilespmem:$0x11900] =	vst v63  }
0x86: {  	_ = 	snop  }
0x87: {  	[tilespmem:s19], [sflag:$0x6] =	stream.indirect.gather [hbm4b:s2+s5], $0x40, s1, s5, $0xb8;
	[tilespmem:$0x11900] =	vst v63  }
0x88: {  	_ =	swait.ge [sflag:s30], $0x2000  }
0x89: {  	s0 =	rddreg [dreg:$0x5];
	[sflag:s30] =	ssyncset.done $0x0  }
0x8a: {  	s1 =	sld [smem:$0x7D3];
	[sflag:s30] =	ssyncadd.s32 $0xFFFFE000  }
0x8b: {  	[hbm4b:s0+s6] =	stream.strided.scatter [tilespmem:s23], [sflag:$0xB], $0x2000, s8, s6, $0x38;
	[tilespmem:$0x11900] =	vst v63  }
0x8c: {  	_ = 	snop  }
0x8d: {  	[tilespmem:s15], [sflag:$0x7] =	stream.indirect.gather [hbm4b:s2+s5], $0x40, s1, s5, $0xb8;
	[tilespmem:$0x11900] =	vst v63  }
0x8e: {  	_ =	swait.ge [sflag:s29], $0x2000  }
0x8f: {  	s0 =	rddreg [dreg:$0x6];
	[sflag:s29] =	ssyncset.done $0x0  }
0x90: {  	s1 =	sld [smem:$0x7D4];
	[sflag:s29] =	ssyncadd.s32 $0xFFFFE000  }
0x91: {  	[hbm4b:s0+s6] =	stream.strided.scatter [tilespmem:s21], [sflag:$0xC], $0x2000, s8, s6, $0x38;
	[tilespmem:$0x11900] =	vst v63  }
0x92: {  	_ = 	snop  }
0x93: {  	[tilespmem:s17], [sflag:$0x8] =	stream.indirect.gather [hbm4b:s2+s5], $0x40, s1, s5, $0xb8;
	[tilespmem:$0x11900] =	vst v63  }
0x94: {  	_ =	swait.ge [sflag:s28], $0x2000  }
0x95: {  	[sflag:s28] =	ssyncset.done $0x0  }
0x96: {  	s1 =	rddreg [dreg:$0x7];
	[sflag:s28] =	ssyncadd.s32 $0xFFFFE000  }
0x97: {  	[hbm4b:s1+s6] =	stream.strided.scatter [tilespmem:s22], [sflag:$0xD], $0x2000, s8, s6, $0x38;
	[tilespmem:$0x11900] =	vst v63  }
0x98: {  	_ =	swait.ge [sflag:s12], $0x2000  }
0x99: {  	s1 =	sld [smem:$0x7D5]  }
0x9a: {  	[sflag:s12] =	ssyncset.done $0x0  }
0x9b: {  	[sflag:s12] =	ssyncadd.s32 $0xFFFFE000  }
0x9c: {  	[tilespmem:s4], [sflag:$0x1] =	stream.indirect.gather [hbm4b:s2+s5], $0x40, s1, s5, $0xb8;
	[tilespmem:$0x11900] =	vst v63  }
0x9d: {  	_ =	swait.ge [sflag:s26], $0x2000  }
0x9e: {  	[sflag:s26] =	ssyncset.done $0x0  }
0x9f: {  	s1 =	rddreg [dreg:$0x8];
	[sflag:s26] =	ssyncadd.s32 $0xFFFFE000  }
0xa0: {  	[hbm4b:s1+s6] =	stream.strided.scatter [tilespmem:s19], [sflag:$0xE], $0x2000, s8, s6, $0x38;
	[tilespmem:$0x11900] =	vst v63  }
0xa1: {  	_ =	swait.ge [sflag:s18], $0x2000  }
0xa2: {  	s1 =	sld [smem:$0x7D6]  }
0xa3: {  	[sflag:s18] =	ssyncset.done $0x0  }
0xa4: {  	[sflag:s18] =	ssyncadd.s32 $0xFFFFE000  }
0xa5: {  	[tilespmem:s3], [sflag:$0x2] =	stream.indirect.gather [hbm4b:s2+s5], $0x40, s1, s5, $0xb8;
	[tilespmem:$0x11900] =	vst v63  }
0xa6: {  	_ =	swait.ge [sflag:s25], $0x2000  }
0xa7: {  	[sflag:s25] =	ssyncset.done $0x0  }
0xa8: {  	s1 =	rddreg [dreg:$0x9];
	[sflag:s25] =	ssyncadd.s32 $0xFFFFE000  }
0xa9: {  	[hbm4b:s1+s6] =	stream.strided.scatter [tilespmem:s15], [sflag:$0xF], $0x2000, s8, s6, $0x38;
	[tilespmem:$0x11900] =	vst v63  }
0xaa: {  	_ =	swait.ge [sflag:s10], $0x2000  }
0xab: {  	s1 =	sld [smem:$0x7D7]  }
0xac: {  	[sflag:s10] =	ssyncset.done $0x0  }
0xad: {  	[sflag:s10] =	ssyncadd.s32 $0xFFFFE000  }
0xae: {  	[tilespmem:s23], [sflag:$0x3] =	stream.indirect.gather [hbm4b:s2+s5], $0x40, s1, s5, $0xb8;
	[tilespmem:$0x11900] =	vst v63  }
0xaf: {  	_ =	swait.ge [sflag:s24], $0x2000  }
0xb0: {  	[sflag:s24] =	ssyncset.done $0x0  }
0xb1: {  	s1 =	rddreg [dreg:$0xa];
	[sflag:s24] =	ssyncadd.s32 $0xFFFFE000  }
0xb2: {  	[hbm4b:s1+s6] =	stream.strided.scatter [tilespmem:s17], [sflag:$0x10], $0x2000, s8, s6, $0x38;
	[tilespmem:$0x11900] =	vst v63  }
0xb3: {  	_ =	swait.ge [sflag:s11], $0x2000  }
0xb4: {  	s1 =	sld [smem:$0x7D8]  }
0xb5: {  	[sflag:s11] =	ssyncset.done $0x0  }
0xb6: {  	[sflag:s11] =	ssyncadd.s32 $0xFFFFE000  }
0xb7: {  	[tilespmem:s21], [sflag:$0x4] =	stream.indirect.gather [hbm4b:s2+s5], $0x40, s1, s5, $0xb8;
	[tilespmem:$0x11900] =	vst v63  }
0xb8: {  	_ =	swait.ge [sflag:s7], $0x2000  }
0xb9: {  	[sflag:s7] =	ssyncset.done $0x0  }
0xba: {  	s1 =	rddreg [dreg:$0xb];
	[sflag:s7] =	ssyncadd.s32 $0xFFFFE000  }
0xbb: {  	[hbm4b:s1+s6] =	stream.strided.scatter [tilespmem:s4], [sflag:$0x9], $0x2000, s8, s6, $0x38;
	[tilespmem:$0x11900] =	vst v63  }
0xbc: {  	_ =	swait.ge [sflag:s13], $0x2000  }
0xbd: {  	s1 =	sld [smem:$0x7D9]  }
0xbe: {  	[sflag:s13] =	ssyncset.done $0x0  }
0xbf: {  	[sflag:s13] =	ssyncadd.s32 $0xFFFFE000  }
0xc0: {  	[tilespmem:s22], [sflag:$0x5] =	stream.indirect.gather [hbm4b:s2+s5], $0x40, s1, s5, $0xb8;
	[tilespmem:$0x11900] =	vst v63  }
0xc1: {  	_ =	swait.ge [sflag:s9], $0x2000  }
0xc2: {  	[sflag:s9] =	ssyncset.done $0x0  }
0xc3: {  	s1 =	rddreg [dreg:$0xc];
	[sflag:s9] =	ssyncadd.s32 $0xFFFFE000  }
0xc4: {  	[hbm4b:s1+s6] =	stream.strided.scatter [tilespmem:s3], [sflag:$0xA], $0x2000, s8, s6, $0x38;
	[tilespmem:$0x11900] =	vst v63  }
0xc5: {  	_ =	swait.ge [sflag:s14], $0x2000  }
0xc6: {  	s1 =	sld [smem:$0x7DA]  }
0xc7: {  	[sflag:s14] =	ssyncset.done $0x0  }
0xc8: {  	[sflag:s14] =	ssyncadd.s32 $0xFFFFE000  }
0xc9: {  	[tilespmem:s19], [sflag:$0x6] =	stream.indirect.gather [hbm4b:s2+s5], $0x40, s1, s5, $0xb8;
	[tilespmem:$0x11900] =	vst v63  }
0xca: {  	_ =	swait.ge [sflag:s30], $0x2000  }
0xcb: {  	[sflag:s30] =	ssyncset.done $0x0  }
0xcc: {  	s1 =	rddreg [dreg:$0xd];
	[sflag:s30] =	ssyncadd.s32 $0xFFFFE000  }
0xcd: {  	[hbm4b:s1+s6] =	stream.strided.scatter [tilespmem:s23], [sflag:$0xB], $0x2000, s8, s6, $0x38;
	[tilespmem:$0x11900] =	vst v63  }
0xce: {  	_ =	swait.ge [sflag:s16], $0x2000  }
0xcf: {  	s1 =	sld [smem:$0x7DB]  }
0xd0: {  	[sflag:s16] =	ssyncset.done $0x0  }
0xd1: {  	[sflag:s16] =	ssyncadd.s32 $0xFFFFE000  }
0xd2: {  	[tilespmem:s15], [sflag:$0x7] =	stream.indirect.gather [hbm4b:s2+s5], $0x40, s1, s5, $0xb8;
	[tilespmem:$0x11900] =	vst v63  }
0xd3: {  	_ =	swait.ge [sflag:s29], $0x2000  }
0xd4: {  	[sflag:s29] =	ssyncset.done $0x0  }
0xd5: {  	s1 =	rddreg [dreg:$0xe];
	[sflag:s29] =	ssyncadd.s32 $0xFFFFE000  }
0xd6: {  	[hbm4b:s1+s6] =	stream.strided.scatter [tilespmem:s21], [sflag:$0xC], $0x2000, s8, s6, $0x38;
	[tilespmem:$0x11900] =	vst v63  }
0xd7: {  	_ =	swait.ge [sflag:s20], $0x2000  }
0xd8: {  	s1 =	sld [smem:$0x7DC]  }
0xd9: {  	[sflag:s20] =	ssyncset.done $0x0  }
0xda: {  	[sflag:s20] =	ssyncadd.s32 $0xFFFFE000  }
0xdb: {  	[tilespmem:s17], [sflag:$0x8] =	stream.indirect.gather [hbm4b:s2+s5], $0x40, s1, s5, $0xb8;
	[tilespmem:$0x11900] =	vst v63  }
0xdc: {  	_ =	swait.ge [sflag:s28], $0x2000  }
0xdd: {  	[sflag:s28] =	ssyncset.done $0x0  }
0xde: {  	s1 =	rddreg [dreg:$0xf];
	[sflag:s28] =	ssyncadd.s32 $0xFFFFE000  }
0xdf: {  	[hbm4b:s1+s6] =	stream.strided.scatter [tilespmem:s22], [sflag:$0xD], $0x2000, s8, s6, $0x38;
	[tilespmem:$0x11900] =	vst v63  }
0xe0: {  	_ =	swait.ge [sflag:s12], $0x2000  }
0xe1: {  	s1 =	sld [smem:$0x7DD]  }
0xe2: {  	[sflag:s12] =	ssyncset.done $0x0  }
0xe3: {  	[sflag:s12] =	ssyncadd.s32 $0xFFFFE000  }
0xe4: {  	[tilespmem:s4], [sflag:$0x1] =	stream.indirect.gather [hbm4b:s2+s5], $0x40, s1, s5, $0xb8;
	[tilespmem:$0x11900] =	vst v63  }
0xe5: {  	_ =	swait.ge [sflag:s26], $0x2000  }
0xe6: {  	[sflag:s26] =	ssyncset.done $0x0  }
0xe7: {  	s1 =	rddreg [dreg:$0x10];
	[sflag:s26] =	ssyncadd.s32 $0xFFFFE000  }
0xe8: {  	[hbm4b:s1+s6] =	stream.strided.scatter [tilespmem:s19], [sflag:$0xE], $0x2000, s8, s6, $0x38;
	[tilespmem:$0x11900] =	vst v63  }
0xe9: {  	_ =	swait.ge [sflag:s18], $0x2000  }
0xea: {  	s1 =	sld [smem:$0x7DE]  }
0xeb: {  	[sflag:s18] =	ssyncset.done $0x0  }
0xec: {  	[sflag:s18] =	ssyncadd.s32 $0xFFFFE000  }
0xed: {  	[tilespmem:s3], [sflag:$0x2] =	stream.indirect.gather [hbm4b:s2+s5], $0x40, s1, s5, $0xb8;
	[tilespmem:$0x11900] =	vst v63  }
0xee: {  	_ =	swait.ge [sflag:s25], $0x2000  }
0xef: {  	[sflag:s25] =	ssyncset.done $0x0  }
0xf0: {  	s1 =	rddreg [dreg:$0x11];
	[sflag:s25] =	ssyncadd.s32 $0xFFFFE000  }
0xf1: {  	[hbm4b:s1+s6] =	stream.strided.scatter [tilespmem:s15], [sflag:$0xF], $0x2000, s8, s6, $0x38;
	[tilespmem:$0x11900] =	vst v63  }
0xf2: {  	_ =	swait.ge [sflag:s10], $0x2000  }
0xf3: {  	s1 =	sld [smem:$0x7DF]  }
0xf4: {  	[sflag:s10] =	ssyncset.done $0x0  }
0xf5: {  	[sflag:s10] =	ssyncadd.s32 $0xFFFFE000  }
0xf6: {  	[tilespmem:s23], [sflag:$0x3] =	stream.indirect.gather [hbm4b:s2+s5], $0x40, s1, s5, $0xb8;
	[tilespmem:$0x11900] =	vst v63  }
0xf7: {  	_ =	swait.ge [sflag:s24], $0x2000  }
0xf8: {  	[sflag:s24] =	ssyncset.done $0x0  }
0xf9: {  	s1 =	rddreg [dreg:$0x12];
	[sflag:s24] =	ssyncadd.s32 $0xFFFFE000  }
0xfa: {  	[hbm4b:s1+s6] =	stream.strided.scatter [tilespmem:s17], [sflag:$0x10], $0x2000, s8, s6, $0x38;
	[tilespmem:$0x11900] =	vst v63  }
0xfb: {  	_ =	swait.ge [sflag:s11], $0x2000  }
0xfc: {  	s1 =	sld [smem:$0x7E0]  }
0xfd: {  	[sflag:s11] =	ssyncset.done $0x0  }
0xfe: {  	[sflag:s11] =	ssyncadd.s32 $0xFFFFE000  }
0xff: {  	[tilespmem:s21], [sflag:$0x4] =	stream.indirect.gather [hbm4b:s2+s5], $0x40, s1, s5, $0xb8;
	[tilespmem:$0x11900] =	vst v63  }
0x100: {  	_ =	swait.ge [sflag:s7], $0x2000  }
0x101: {  	[sflag:s7] =	ssyncset.done $0x0  }
0x102: {  	s1 =	rddreg [dreg:$0x13];
	[sflag:s7] =	ssyncadd.s32 $0xFFFFE000  }
0x103: {  	[hbm4b:s1+s6] =	stream.strided.scatter [tilespmem:s4], [sflag:$0x9], $0x2000, s8, s6, $0x38;
	[tilespmem:$0x11900] =	vst v63  }
0x104: {  	_ =	swait.ge [sflag:s13], $0x2000  }
0x105: {  	s1 =	sld [smem:$0x7E1]  }
0x106: {  	[sflag:s13] =	ssyncset.done $0x0  }
0x107: {  	[sflag:s13] =	ssyncadd.s32 $0xFFFFE000  }
0x108: {  	[tilespmem:s22], [sflag:$0x5] =	stream.indirect.gather [hbm4b:s2+s5], $0x40, s1, s5, $0xb8;
	[tilespmem:$0x11900] =	vst v63  }
0x109: {  	_ =	swait.ge [sflag:s9], $0x2000  }
0x10a: {  	[sflag:s9] =	ssyncset.done $0x0  }
0x10b: {  	s1 =	rddreg [dreg:$0x14];
	[sflag:s9] =	ssyncadd.s32 $0xFFFFE000  }
0x10c: {  	[hbm4b:s1+s6] =	stream.strided.scatter [tilespmem:s3], [sflag:$0xA], $0x2000, s8, s6, $0x38;
	[tilespmem:$0x11900] =	vst v63  }
0x10d: {  	_ =	swait.ge [sflag:s14], $0x2000  }
0x10e: {  	s1 =	sld [smem:$0x7E2]  }
0x10f: {  	[sflag:s14] =	ssyncset.done $0x0  }
0x110: {  	[sflag:s14] =	ssyncadd.s32 $0xFFFFE000  }
0x111: {  	[tilespmem:s19], [sflag:$0x6] =	stream.indirect.gather [hbm4b:s2+s5], $0x40, s1, s5, $0xb8;
	[tilespmem:$0x11900] =	vst v63  }
0x112: {  	_ =	swait.ge [sflag:s30], $0x2000  }
0x113: {  	[sflag:s30] =	ssyncset.done $0x0  }
0x114: {  	s1 =	rddreg [dreg:$0x15];
	[sflag:s30] =	ssyncadd.s32 $0xFFFFE000  }
0x115: {  	[hbm4b:s1+s6] =	stream.strided.scatter [tilespmem:s23], [sflag:$0xB], $0x2000, s8, s6, $0x38;
	[tilespmem:$0x11900] =	vst v63  }
0x116: {  	_ =	swait.ge [sflag:s16], $0x2000  }
0x117: {  	s1 =	sld [smem:$0x7E3]  }
0x118: {  	[sflag:s16] =	ssyncset.done $0x0  }
0x119: {  	[sflag:s16] =	ssyncadd.s32 $0xFFFFE000  }
0x11a: {  	[tilespmem:s15], [sflag:$0x7] =	stream.indirect.gather [hbm4b:s2+s5], $0x40, s1, s5, $0xb8;
	[tilespmem:$0x11900] =	vst v63  }
0x11b: {  	_ =	swait.ge [sflag:s29], $0x2000  }
0x11c: {  	[sflag:s29] =	ssyncset.done $0x0  }
0x11d: {  	s1 =	rddreg [dreg:$0x16];
	[sflag:s29] =	ssyncadd.s32 $0xFFFFE000  }
0x11e: {  	[hbm4b:s1+s6] =	stream.strided.scatter [tilespmem:s21], [sflag:$0xC], $0x2000, s8, s6, $0x38;
	[tilespmem:$0x11900] =	vst v63  }
0x11f: {  	_ =	swait.ge [sflag:s20], $0x2000  }
0x120: {  	s1 =	sld [smem:$0x7E4]  }
0x121: {  	[sflag:s20] =	ssyncset.done $0x0  }
0x122: {  	[sflag:s20] =	ssyncadd.s32 $0xFFFFE000  }
0x123: {  	[tilespmem:s17], [sflag:$0x8] =	stream.indirect.gather [hbm4b:s2+s5], $0x40, s1, s5, $0xb8;
	[tilespmem:$0x11900] =	vst v63  }
0x124: {  	_ =	swait.ge [sflag:s28], $0x2000  }
0x125: {  	[sflag:s28] =	ssyncset.done $0x0  }
0x126: {  	s1 =	rddreg [dreg:$0x17];
	[sflag:s28] =	ssyncadd.s32 $0xFFFFE000  }
0x127: {  	[hbm4b:s1+s6] =	stream.strided.scatter [tilespmem:s22], [sflag:$0xD], $0x2000, s8, s6, $0x38;
	[tilespmem:$0x11900] =	vst v63  }
0x128: {  	_ =	swait.ge [sflag:s12], $0x2000  }
0x129: {  	s1 =	sld [smem:$0x7E5]  }
0x12a: {  	[sflag:s12] =	ssyncset.done $0x0  }
0x12b: {  	[sflag:s12] =	ssyncadd.s32 $0xFFFFE000  }
0x12c: {  	[tilespmem:s4], [sflag:$0x1] =	stream.indirect.gather [hbm4b:s2+s5], $0x40, s1, s5, $0xb8;
	[tilespmem:$0x11900] =	vst v63  }
0x12d: {  	_ =	swait.ge [sflag:s26], $0x2000  }
0x12e: {  	[sflag:s26] =	ssyncset.done $0x0  }
0x12f: {  	s1 =	rddreg [dreg:$0x18];
	[sflag:s26] =	ssyncadd.s32 $0xFFFFE000  }
0x130: {  	[hbm4b:s1+s6] =	stream.strided.scatter [tilespmem:s19], [sflag:$0xE], $0x2000, s8, s6, $0x38;
	[tilespmem:$0x11900] =	vst v63  }
0x131: {  	_ =	swait.ge [sflag:s18], $0x2000  }
0x132: {  	[sflag:s18] =	ssyncset.done $0x0  }
0x133: {  	[sflag:s18] =	ssyncadd.s32 $0xFFFFE000  }
0x134: {  	[tilespmem:s3], [sflag:$0x2] =	stream.indirect.gather [hbm4b:s2+s5], $0x40, s8, s5, $0xb8;
	[tilespmem:$0x11900] =	vst v63  }
0x135: {  	_ =	swait.ge [sflag:s25], $0x2000  }
0x136: {  	[sflag:s25] =	ssyncset.done $0x0  }
0x137: {  	s1 =	rddreg [dreg:$0x19];
	[sflag:s25] =	ssyncadd.s32 $0xFFFFE000  }
0x138: {  	[hbm4b:s1+s6] =	stream.strided.scatter [tilespmem:s15], [sflag:$0xF], $0x2000, s8, s6, $0x38;
	[tilespmem:$0x11900] =	vst v63  }
0x139: {  	_ =	swait.ge [sflag:s10], $0x2000  }
0x13a: {  	s1 =	sld [smem:$0x7E6]  }
0x13b: {  	[sflag:s10] =	ssyncset.done $0x0  }
0x13c: {  	[sflag:s10] =	ssyncadd.s32 $0xFFFFE000  }
0x13d: {  	[tilespmem:s23], [sflag:$0x3] =	stream.indirect.gather [hbm4b:s2+s5], $0x40, s1, s5, $0xb8;
	[tilespmem:$0x11900] =	vst v63  }
0x13e: {  	_ =	swait.ge [sflag:s24], $0x2000  }
0x13f: {  	[sflag:s24] =	ssyncset.done $0x0  }
0x140: {  	s1 =	rddreg [dreg:$0x1a];
	[sflag:s24] =	ssyncadd.s32 $0xFFFFE000  }
0x141: {  	[hbm4b:s1+s6] =	stream.strided.scatter [tilespmem:s17], [sflag:$0x10], $0x2000, s8, s6, $0x38;
	[tilespmem:$0x11900] =	vst v63  }
0x142: {  	_ =	swait.ge [sflag:s11], $0x2000  }
0x143: {  	s1 =	sld [smem:$0x7E7]  }
0x144: {  	[sflag:s11] =	ssyncset.done $0x0  }
0x145: {  	[sflag:s11] =	ssyncadd.s32 $0xFFFFE000  }
0x146: {  	[tilespmem:s21], [sflag:$0x4] =	stream.indirect.gather [hbm4b:s2+s5], $0x40, s1, s5, $0xb8;
	[tilespmem:$0x11900] =	vst v63  }
0x147: {  	_ =	swait.ge [sflag:s7], $0x2000  }
0x148: {  	[sflag:s7] =	ssyncset.done $0x0  }
0x149: {  	s1 =	rddreg [dreg:$0x1b];
	[sflag:s7] =	ssyncadd.s32 $0xFFFFE000  }
0x14a: {  	[hbm4b:s1+s6] =	stream.strided.scatter [tilespmem:s4], [sflag:$0x9], $0x2000, s8, s6, $0x38;
	[tilespmem:$0x11900] =	vst v63  }
0x14b: {  	_ =	swait.ge [sflag:s13], $0x2000  }
0x14c: {  	s1 =	sld [smem:$0x7E8]  }
0x14d: {  	[sflag:s13] =	ssyncset.done $0x0  }
0x14e: {  	[sflag:s13] =	ssyncadd.s32 $0xFFFFE000  }
0x14f: {  	[tilespmem:s22], [sflag:$0x5] =	stream.indirect.gather [hbm4b:s2+s5], $0x40, s1, s5, $0xb8;
	[tilespmem:$0x11900] =	vst v63  }
0x150: {  	_ =	swait.ge [sflag:s9], $0x2000  }
0x151: {  	[sflag:s9] =	ssyncset.done $0x0  }
0x152: {  	s1 =	rddreg [dreg:$0x1c];
	[sflag:s9] =	ssyncadd.s32 $0xFFFFE000  }
0x153: {  	[hbm4b:s1+s6] =	stream.strided.scatter [tilespmem:s3], [sflag:$0xA], $0x2000, s8, s6, $0x38;
	[tilespmem:$0x11900] =	vst v63  }
0x154: {  	_ =	swait.ge [sflag:s14], $0x2000  }
0x155: {  	s1 =	sld [smem:$0x7E9]  }
0x156: {  	[sflag:s14] =	ssyncset.done $0x0  }
0x157: {  	[sflag:s14] =	ssyncadd.s32 $0xFFFFE000  }
0x158: {  	[tilespmem:s19], [sflag:$0x6] =	stream.indirect.gather [hbm4b:s2+s5], $0x40, s1, s5, $0xb8;
	[tilespmem:$0x11900] =	vst v63  }
0x159: {  	_ =	swait.ge [sflag:s30], $0x2000  }
0x15a: {  	[sflag:s30] =	ssyncset.done $0x0  }
0x15b: {  	s1 =	rddreg [dreg:$0x1d];
	[sflag:s30] =	ssyncadd.s32 $0xFFFFE000  }
0x15c: {  	[hbm4b:s1+s6] =	stream.strided.scatter [tilespmem:s23], [sflag:$0xB], $0x2000, s8, s6, $0x38;
	[tilespmem:$0x11900] =	vst v63  }
0x15d: {  	_ =	swait.ge [sflag:s16], $0x2000  }
0x15e: {  	s1 =	sld [smem:$0x7EA]  }
0x15f: {  	[sflag:s16] =	ssyncset.done $0x0  }
0x160: {  	[sflag:s16] =	ssyncadd.s32 $0xFFFFE000  }
0x161: {  	[tilespmem:s15], [sflag:$0x7] =	stream.indirect.gather [hbm4b:s2+s5], $0x40, s1, s5, $0xb8;
	[tilespmem:$0x11900] =	vst v63  }
0x162: {  	_ =	swait.ge [sflag:s29], $0x2000  }
0x163: {  	[sflag:s29] =	ssyncset.done $0x0  }
0x164: {  	s1 =	rddreg [dreg:$0x1e];
	[sflag:s29] =	ssyncadd.s32 $0xFFFFE000  }
0x165: {  	[hbm4b:s1+s6] =	stream.strided.scatter [tilespmem:s21], [sflag:$0xC], $0x2000, s8, s6, $0x38;
	[tilespmem:$0x11900] =	vst v63  }
0x166: {  	_ =	swait.ge [sflag:s20], $0x2000  }
0x167: {  	s1 =	sld [smem:$0x7EB]  }
0x168: {  	[sflag:s20] =	ssyncset.done $0x0  }
0x169: {  	[sflag:s20] =	ssyncadd.s32 $0xFFFFE000  }
0x16a: {  	[tilespmem:s17], [sflag:$0x8] =	stream.indirect.gather [hbm4b:s2+s5], $0x40, s1, s5, $0xb8;
	[tilespmem:$0x11900] =	vst v63  }
0x16b: {  	_ =	swait.ge [sflag:s28], $0x2000  }
0x16c: {  	[sflag:s28] =	ssyncset.done $0x0  }
0x16d: {  	s1 =	rddreg [dreg:$0x1f];
	[sflag:s28] =	ssyncadd.s32 $0xFFFFE000  }
0x16e: {  	[hbm4b:s1+s6] =	stream.strided.scatter [tilespmem:s22], [sflag:$0xD], $0x2000, s8, s6, $0x38;
	[tilespmem:$0x11900] =	vst v63  }
0x16f: {  	_ =	swait.ge [sflag:s12], $0x2000  }
0x170: {  	[sflag:s12] =	ssyncset.done $0x0  }
0x171: {  	s31 =	simm.s32 $0x1000;
	[sflag:s12] =	ssyncadd.s32 $0xFFFFE000  }
0x172: {  	[tilespmem:s4], [sflag:$0x1] =	stream.indirect.gather [hbm4b:s2+s5], $0x40, s31, s5, $0xb8;
	[tilespmem:$0x11900] =	vst v63  }
0x173: {  	_ =	swait.ge [sflag:s26], $0x2000  }
0x174: {  	s1 =	sld [smem:$0x7B9]  }
0x175: {  	[sflag:s26] =	ssyncset.done $0x0  }
0x176: {  	[sflag:s26] =	ssyncadd.s32 $0xFFFFE000  }
0x177: {  	[hbm4b:s1+s6] =	stream.strided.scatter [tilespmem:s19], [sflag:$0xE], $0x2000, s8, s6, $0x38;
	[tilespmem:$0x11900] =	vst v63  }
0x178: {  	_ =	swait.ge [sflag:s18], $0x2000  }
0x179: {  	s1 =	sld [smem:$0x7EC]  }
0x17a: {  	[sflag:s18] =	ssyncset.done $0x0  }
0x17b: {  	[sflag:s18] =	ssyncadd.s32 $0xFFFFE000  }
0x17c: {  	[tilespmem:s3], [sflag:$0x2] =	stream.indirect.gather [hbm4b:s2+s5], $0x40, s1, s5, $0xb8;
	[tilespmem:$0x11900] =	vst v63  }
0x17d: {  	_ =	swait.ge [sflag:s25], $0x2000  }
0x17e: {  	s1 =	sld [smem:$0x7BA]  }
0x17f: {  	[sflag:s25] =	ssyncset.done $0x0  }
0x180: {  	[sflag:s25] =	ssyncadd.s32 $0xFFFFE000  }
0x181: {  	[hbm4b:s1+s6] =	stream.strided.scatter [tilespmem:s15], [sflag:$0xF], $0x2000, s8, s6, $0x38;
	[tilespmem:$0x11900] =	vst v63  }
0x182: {  	_ =	swait.ge [sflag:s10], $0x2000  }
0x183: {  	s1 =	sld [smem:$0x7ED]  }
0x184: {  	[sflag:s10] =	ssyncset.done $0x0  }
0x185: {  	[sflag:s10] =	ssyncadd.s32 $0xFFFFE000  }
0x186: {  	[tilespmem:s23], [sflag:$0x3] =	stream.indirect.gather [hbm4b:s2+s5], $0x40, s1, s5, $0xb8;
	[tilespmem:$0x11900] =	vst v63  }
0x187: {  	_ =	swait.ge [sflag:s24], $0x2000  }
0x188: {  	s1 =	sld [smem:$0x7BB]  }
0x189: {  	[sflag:s24] =	ssyncset.done $0x0  }
0x18a: {  	[sflag:s24] =	ssyncadd.s32 $0xFFFFE000  }
0x18b: {  	[hbm4b:s1+s6] =	stream.strided.scatter [tilespmem:s17], [sflag:$0x10], $0x2000, s8, s6, $0x38;
	[tilespmem:$0x11900] =	vst v63  }
0x18c: {  	_ =	swait.ge [sflag:s11], $0x2000  }
0x18d: {  	s1 =	sld [smem:$0x7EE]  }
0x18e: {  	[sflag:s11] =	ssyncset.done $0x0  }
0x18f: {  	[sflag:s11] =	ssyncadd.s32 $0xFFFFE000  }
0x190: {  	[tilespmem:s21], [sflag:$0x4] =	stream.indirect.gather [hbm4b:s2+s5], $0x40, s1, s5, $0xb8;
	[tilespmem:$0x11900] =	vst v63  }
0x191: {  	_ =	swait.ge [sflag:s7], $0x2000  }
0x192: {  	s1 =	sld [smem:$0x7BC]  }
0x193: {  	[sflag:s7] =	ssyncset.done $0x0  }
0x194: {  	[sflag:s7] =	ssyncadd.s32 $0xFFFFE000  }
0x195: {  	[hbm4b:s1+s6] =	stream.strided.scatter [tilespmem:s4], [sflag:$0x9], $0x2000, s8, s6, $0x38;
	[tilespmem:$0x11900] =	vst v63  }
0x196: {  	_ =	swait.ge [sflag:s13], $0x2000  }
0x197: {  	s1 =	sld [smem:$0x7EF]  }
0x198: {  	[sflag:s13] =	ssyncset.done $0x0  }
0x199: {  	[sflag:s13] =	ssyncadd.s32 $0xFFFFE000  }
0x19a: {  	[tilespmem:s22], [sflag:$0x5] =	stream.indirect.gather [hbm4b:s2+s5], $0x40, s1, s5, $0xb8;
	[tilespmem:$0x11900] =	vst v63  }
0x19b: {  	_ =	swait.ge [sflag:s9], $0x2000  }
0x19c: {  	s1 =	sld [smem:$0x7BD]  }
0x19d: {  	[sflag:s9] =	ssyncset.done $0x0  }
0x19e: {  	[sflag:s9] =	ssyncadd.s32 $0xFFFFE000  }
0x19f: {  	[hbm4b:s1+s6] =	stream.strided.scatter [tilespmem:s3], [sflag:$0xA], $0x2000, s8, s6, $0x38;
	[tilespmem:$0x11900] =	vst v63  }
0x1a0: {  	_ =	swait.ge [sflag:s14], $0x2000  }
0x1a1: {  	s1 =	sld [smem:$0x7F0]  }
0x1a2: {  	[sflag:s14] =	ssyncset.done $0x0  }
0x1a3: {  	[sflag:s14] =	ssyncadd.s32 $0xFFFFE000  }
0x1a4: {  	[tilespmem:s19], [sflag:$0x6] =	stream.indirect.gather [hbm4b:s2+s5], $0x40, s1, s5, $0xb8;
	[tilespmem:$0x11900] =	vst v63  }
0x1a5: {  	_ =	swait.ge [sflag:s30], $0x2000  }
0x1a6: {  	s1 =	sld [smem:$0x7BE]  }
0x1a7: {  	[sflag:s30] =	ssyncset.done $0x0  }
0x1a8: {  	[sflag:s30] =	ssyncadd.s32 $0xFFFFE000  }
0x1a9: {  	[hbm4b:s1+s6] =	stream.strided.scatter [tilespmem:s23], [sflag:$0xB], $0x2000, s8, s6, $0x38;
	[tilespmem:$0x11900] =	vst v63  }
0x1aa: {  	_ =	swait.ge [sflag:s16], $0x2000  }
0x1ab: {  	s1 =	sld [smem:$0x7F1]  }
0x1ac: {  	[sflag:s16] =	ssyncset.done $0x0  }
0x1ad: {  	[sflag:s16] =	ssyncadd.s32 $0xFFFFE000  }
0x1ae: {  	[tilespmem:s15], [sflag:$0x7] =	stream.indirect.gather [hbm4b:s2+s5], $0x40, s1, s5, $0xb8;
	[tilespmem:$0x11900] =	vst v63  }
0x1af: {  	_ =	swait.ge [sflag:s29], $0x2000  }
0x1b0: {  	s1 =	sld [smem:$0x7BF]  }
0x1b1: {  	[sflag:s29] =	ssyncset.done $0x0  }
0x1b2: {  	[sflag:s29] =	ssyncadd.s32 $0xFFFFE000  }
0x1b3: {  	[hbm4b:s1+s6] =	stream.strided.scatter [tilespmem:s21], [sflag:$0xC], $0x2000, s8, s6, $0x38;
	[tilespmem:$0x11900] =	vst v63  }
0x1b4: {  	_ =	swait.ge [sflag:s20], $0x2000  }
0x1b5: {  	s1 =	sld [smem:$0x7F2]  }
0x1b6: {  	[sflag:s20] =	ssyncset.done $0x0  }
0x1b7: {  	[sflag:s20] =	ssyncadd.s32 $0xFFFFE000  }
0x1b8: {  	[tilespmem:s17], [sflag:$0x8] =	stream.indirect.gather [hbm4b:s2+s5], $0x40, s1, s5, $0xb8;
	[tilespmem:$0x11900] =	vst v63  }
0x1b9: {  	_ =	swait.ge [sflag:s28], $0x2000  }
0x1ba: {  	s1 =	sld [smem:$0x7C0]  }
0x1bb: {  	[sflag:s28] =	ssyncset.done $0x0  }
0x1bc: {  	[sflag:s28] =	ssyncadd.s32 $0xFFFFE000  }
0x1bd: {  	[hbm4b:s1+s6] =	stream.strided.scatter [tilespmem:s22], [sflag:$0xD], $0x2000, s8, s6, $0x38;
	[tilespmem:$0x11900] =	vst v63  }
0x1be: {  	_ =	swait.ge [sflag:s12], $0x2000  }
0x1bf: {  	s1 =	sld [smem:$0x7F3]  }
0x1c0: {  	[sflag:s12] =	ssyncset.done $0x0  }
0x1c1: {  	[sflag:s12] =	ssyncadd.s32 $0xFFFFE000  }
0x1c2: {  	[tilespmem:s4], [sflag:$0x1] =	stream.indirect.gather [hbm4b:s2+s5], $0x40, s1, s5, $0xb8;
	[tilespmem:$0x11900] =	vst v63  }
0x1c3: {  	_ =	swait.ge [sflag:s26], $0x2000  }
0x1c4: {  	s1 =	sld [smem:$0x7C1]  }
0x1c5: {  	[sflag:s26] =	ssyncset.done $0x0  }
0x1c6: {  	[sflag:s26] =	ssyncadd.s32 $0xFFFFE000  }
0x1c7: {  	[hbm4b:s1+s6] =	stream.strided.scatter [tilespmem:s19], [sflag:$0xE], $0x2000, s8, s6, $0x38;
	[tilespmem:$0x11900] =	vst v63  }
0x1c8: {  	_ =	swait.ge [sflag:s18], $0x2000  }
0x1c9: {  	s1 =	sld [smem:$0x7F4]  }
0x1ca: {  	[sflag:s18] =	ssyncset.done $0x0  }
0x1cb: {  	[sflag:s18] =	ssyncadd.s32 $0xFFFFE000  }
0x1cc: {  	[tilespmem:s3], [sflag:$0x2] =	stream.indirect.gather [hbm4b:s2+s5], $0x40, s1, s5, $0xb8;
	[tilespmem:$0x11900] =	vst v63  }
0x1cd: {  	_ =	swait.ge [sflag:s25], $0x2000  }
0x1ce: {  	s1 =	sld [smem:$0x7C2]  }
0x1cf: {  	[sflag:s25] =	ssyncset.done $0x0  }
0x1d0: {  	[sflag:s25] =	ssyncadd.s32 $0xFFFFE000  }
0x1d1: {  	[hbm4b:s1+s6] =	stream.strided.scatter [tilespmem:s15], [sflag:$0xF], $0x2000, s8, s6, $0x38;
	[tilespmem:$0x11900] =	vst v63  }
0x1d2: {  	_ =	swait.ge [sflag:s10], $0x2000  }
0x1d3: {  	s1 =	sld [smem:$0x7F5]  }
0x1d4: {  	[sflag:s10] =	ssyncset.done $0x0  }
0x1d5: {  	[sflag:s10] =	ssyncadd.s32 $0xFFFFE000  }
0x1d6: {  	[tilespmem:s23], [sflag:$0x3] =	stream.indirect.gather [hbm4b:s2+s5], $0x40, s1, s5, $0xb8;
	[tilespmem:$0x11900] =	vst v63  }
0x1d7: {  	_ =	swait.ge [sflag:s24], $0x2000  }
0x1d8: {  	s1 =	sld [smem:$0x7C3]  }
0x1d9: {  	[sflag:s24] =	ssyncset.done $0x0  }
0x1da: {  	[sflag:s24] =	ssyncadd.s32 $0xFFFFE000  }
0x1db: {  	[hbm4b:s1+s6] =	stream.strided.scatter [tilespmem:s17], [sflag:$0x10], $0x2000, s8, s6, $0x38;
	[tilespmem:$0x11900] =	vst v63  }
0x1dc: {  	_ =	swait.ge [sflag:s11], $0x2000  }
0x1dd: {  	s1 =	sld [smem:$0x7F6]  }
0x1de: {  	[sflag:s11] =	ssyncset.done $0x0  }
0x1df: {  	[sflag:s11] =	ssyncadd.s32 $0xFFFFE000  }
0x1e0: {  	[tilespmem:s21], [sflag:$0x4] =	stream.indirect.gather [hbm4b:s2+s5], $0x40, s1, s5, $0xb8;
	[tilespmem:$0x11900] =	vst v63  }
0x1e1: {  	_ =	swait.ge [sflag:s7], $0x2000  }
0x1e2: {  	s1 =	sld [smem:$0x7C4]  }
0x1e3: {  	[sflag:s7] =	ssyncset.done $0x0  }
0x1e4: {  	[sflag:s7] =	ssyncadd.s32 $0xFFFFE000  }
0x1e5: {  	[hbm4b:s1+s6] =	stream.strided.scatter [tilespmem:s4], [sflag:$0x9], $0x2000, s8, s6, $0x38;
	[tilespmem:$0x11900] =	vst v63  }
0x1e6: {  	_ =	swait.ge [sflag:s13], $0x2000  }
0x1e7: {  	s1 =	sld [smem:$0x7F7]  }
0x1e8: {  	[sflag:s13] =	ssyncset.done $0x0  }
0x1e9: {  	[sflag:s13] =	ssyncadd.s32 $0xFFFFE000  }
0x1ea: {  	[tilespmem:s22], [sflag:$0x5] =	stream.indirect.gather [hbm4b:s2+s5], $0x40, s1, s5, $0xb8;
	[tilespmem:$0x11900] =	vst v63  }
0x1eb: {  	_ =	swait.ge [sflag:s9], $0x2000  }
0x1ec: {  	s1 =	sld [smem:$0x7C5]  }
0x1ed: {  	[sflag:s9] =	ssyncset.done $0x0  }
0x1ee: {  	[sflag:s9] =	ssyncadd.s32 $0xFFFFE000  }
0x1ef: {  	[hbm4b:s1+s6] =	stream.strided.scatter [tilespmem:s3], [sflag:$0xA], $0x2000, s8, s6, $0x38;
	[tilespmem:$0x11900] =	vst v63  }
0x1f0: {  	_ =	swait.ge [sflag:s14], $0x2000  }
0x1f1: {  	s1 =	sld [smem:$0x7F8]  }
0x1f2: {  	[sflag:s14] =	ssyncset.done $0x0  }
0x1f3: {  	[sflag:s14] =	ssyncadd.s32 $0xFFFFE000  }
0x1f4: {  	[tilespmem:s19], [sflag:$0x6] =	stream.indirect.gather [hbm4b:s2+s5], $0x40, s1, s5, $0xb8;
	[tilespmem:$0x11900] =	vst v63  }
0x1f5: {  	_ =	swait.ge [sflag:s30], $0x2000  }
0x1f6: {  	s1 =	sld [smem:$0x7C6]  }
0x1f7: {  	[sflag:s30] =	ssyncset.done $0x0  }
0x1f8: {  	[sflag:s30] =	ssyncadd.s32 $0xFFFFE000  }
0x1f9: {  	[hbm4b:s1+s6] =	stream.strided.scatter [tilespmem:s23], [sflag:$0xB], $0x2000, s8, s6, $0x38;
	[tilespmem:$0x11900] =	vst v63  }
0x1fa: {  	_ =	swait.ge [sflag:s16], $0x2000  }
0x1fb: {  	s1 =	sld [smem:$0x7F9]  }
0x1fc: {  	[sflag:s16] =	ssyncset.done $0x0  }
0x1fd: {  	[sflag:s16] =	ssyncadd.s32 $0xFFFFE000  }
0x1fe: {  	[tilespmem:s15], [sflag:$0x7] =	stream.indirect.gather [hbm4b:s2+s5], $0x40, s1, s5, $0xb8;
	[tilespmem:$0x11900] =	vst v63  }
0x1ff: {  	_ =	swait.ge [sflag:s29], $0x2000  }
0x200: {  	s1 =	sld [smem:$0x7C7]  }
0x201: {  	[sflag:s29] =	ssyncset.done $0x0  }
0x202: {  	[sflag:s29] =	ssyncadd.s32 $0xFFFFE000  }
0x203: {  	[hbm4b:s1+s6] =	stream.strided.scatter [tilespmem:s21], [sflag:$0xC], $0x2000, s8, s6, $0x38;
	[tilespmem:$0x11900] =	vst v63  }
0x204: {  	_ =	swait.ge [sflag:s20], $0x2000  }
0x205: {  	s1 =	sld [smem:$0x7FA]  }
0x206: {  	[sflag:s20] =	ssyncset.done $0x0  }
0x207: {  	[sflag:s20] =	ssyncadd.s32 $0xFFFFE000  }
0x208: {  	[tilespmem:s17], [sflag:$0x8] =	stream.indirect.gather [hbm4b:s2+s5], $0x40, s1, s5, $0xb8;
	[tilespmem:$0x11900] =	vst v63  }
0x209: {  	_ =	swait.ge [sflag:s28], $0x2000  }
0x20a: {  	s1 =	sld [smem:$0x7C8]  }
0x20b: {  	[sflag:s28] =	ssyncset.done $0x0  }
0x20c: {  	[sflag:s28] =	ssyncadd.s32 $0xFFFFE000  }
0x20d: {  	[hbm4b:s1+s6] =	stream.strided.scatter [tilespmem:s22], [sflag:$0xD], $0x2000, s8, s6, $0x38;
	[tilespmem:$0x11900] =	vst v63  }
0x20e: {  	_ =	swait.ge [sflag:s12], $0x2000  }
0x20f: {  	s1 =	sld [smem:$0x7FB]  }
0x210: {  	[sflag:s12] =	ssyncset.done $0x0  }
0x211: {  	[sflag:s12] =	ssyncadd.s32 $0xFFFFE000  }
0x212: {  	[tilespmem:s4], [sflag:$0x1] =	stream.indirect.gather [hbm4b:s2+s5], $0x40, s1, s5, $0xb8;
	[tilespmem:$0x11900] =	vst v63  }
0x213: {  	_ =	swait.ge [sflag:s26], $0x2000  }
0x214: {  	s1 =	sld [smem:$0x7C9]  }
0x215: {  	[sflag:s26] =	ssyncset.done $0x0  }
0x216: {  	[sflag:s26] =	ssyncadd.s32 $0xFFFFE000  }
0x217: {  	[hbm4b:s1+s6] =	stream.strided.scatter [tilespmem:s19], [sflag:$0xE], $0x2000, s8, s6, $0x38;
	[tilespmem:$0x11900] =	vst v63  }
0x218: {  	_ =	swait.ge [sflag:s18], $0x2000  }
0x219: {  	s1 =	sld [smem:$0x7FC]  }
0x21a: {  	[sflag:s18] =	ssyncset.done $0x0  }
0x21b: {  	[sflag:s18] =	ssyncadd.s32 $0xFFFFE000  }
0x21c: {  	[tilespmem:s3], [sflag:$0x2] =	stream.indirect.gather [hbm4b:s2+s5], $0x40, s1, s5, $0xb8;
	[tilespmem:$0x11900] =	vst v63  }
0x21d: {  	_ =	swait.ge [sflag:s25], $0x2000  }
0x21e: {  	s1 =	sld [smem:$0x7CA]  }
0x21f: {  	[sflag:s25] =	ssyncset.done $0x0  }
0x220: {  	[sflag:s25] =	ssyncadd.s32 $0xFFFFE000  }
0x221: {  	[hbm4b:s1+s6] =	stream.strided.scatter [tilespmem:s15], [sflag:$0xF], $0x2000, s8, s6, $0x38;
	[tilespmem:$0x11900] =	vst v63  }
0x222: {  	_ =	swait.ge [sflag:s24], $0x2000  }
0x223: {  	s1 =	sld [smem:$0x7CB]  }
0x224: {  	[sflag:s24] =	ssyncset.done $0x0  }
0x225: {  	[sflag:s24] =	ssyncadd.s32 $0xFFFFE000  }
0x226: {  	[hbm4b:s1+s6] =	stream.strided.scatter [tilespmem:s17], [sflag:$0x10], $0x2000, s8, s6, $0x38;
	[tilespmem:$0x11900] =	vst v63  }
0x227: {  	_ =	swait.ge [sflag:s7], $0x2000  }
0x228: {  	s1 =	sld [smem:$0x7CC]  }
0x229: {  	[sflag:s7] =	ssyncset.done $0x0  }
0x22a: {  	[sflag:s7] =	ssyncadd.s32 $0xFFFFE000  }
0x22b: {  	[hbm4b:s1+s6] =	stream.strided.scatter [tilespmem:s4], [sflag:$0x9], $0x2000, s8, s6, $0x38;
	[tilespmem:$0x11900] =	vst v63  }
0x22c: {  	_ =	swait.ge [sflag:s9], $0x2000  }
0x22d: {  	s1 =	sld [smem:$0x7CE]  }
0x22e: {  	[sflag:s9] =	ssyncset.done $0x0  }
0x22f: {  	[sflag:s9] =	ssyncadd.s32 $0xFFFFE000  }
0x230: {  	[hbm4b:s1+s6] =	stream.strided.scatter [tilespmem:s3], [sflag:$0xA], $0x2000, s8, s6, $0x38;
	[tilespmem:$0x11900] =	vst v63  }
0x231: {  	_ =	swait.ge [sflag:s18], $0x2000  }
0x232: {  	[sflag:s18] =	ssyncset.done $0x0  }
0x233: {  	[sflag:s18] =	ssyncadd.s32 $0xFFFFE000  }
0x234: {  	_ =	swait.ge [sflag:s12], $0x2000  }
0x235: {  	[sflag:s12] =	ssyncset.done $0x0  }
0x236: {  	[sflag:s12] =	ssyncadd.s32 $0xFFFFE000  }
0x237: {  	_ =	swait.ge [sflag:s20], $0x2000  }
0x238: {  	[sflag:s20] =	ssyncset.done $0x0  }
0x239: {  	[sflag:s20] =	ssyncadd.s32 $0xFFFFE000  }
0x23a: {  	_ =	swait.ge [sflag:s16], $0x2000  }
0x23b: {  	[sflag:s16] =	ssyncset.done $0x0  }
0x23c: {  	[sflag:s16] =	ssyncadd.s32 $0xFFFFE000  }
0x23d: {  	_ =	swait.ge [sflag:s14], $0x2000  }
0x23e: {  	[sflag:s14] =	ssyncset.done $0x0  }
0x23f: {  	[sflag:s14] =	ssyncadd.s32 $0xFFFFE000  }
0x240: {  	_ =	swait.ge [sflag:s13], $0x2000  }
0x241: {  	[sflag:s13] =	ssyncset.done $0x0  }
0x242: {  	[sflag:s13] =	ssyncadd.s32 $0xFFFFE000  }
0x243: {  	_ =	swait.ge [sflag:s11], $0x2000  }
0x244: {  	s1 =	sld [smem:$0x7FD];
	_ =	sdelay $0x2  }
0x245: {  	p1 =	sne.s32 s1, $0x1  }
.Ltmp1:
0x246: {  	_ = 	snop;
	(pc) =	sbr.rel @!p1 .LBB2_3-.Ltmp1, $4  }
0x247: {  	[sflag:s11] =	ssyncset.done $0x0  }
0x248: {  	[sflag:s11] =	ssyncadd.s32 $0xFFFFE000  }
0x249: {  	p0 =	por $0x1, $0x1;
	s31 =	simm.s32 $0x1000;
	_ =	swait.ge [sflag:s10], $0x2000  }
0x24a: {  	s0 =	sadd.s32 $0xFFFFFFFF, s1;
	s1 =	rddreg [dreg:$0x3];
	[sflag:s10] =	ssyncset.done $0x0  }
.LBB2_2:
0x24b: {  	[sflag:s10] =	ssyncadd.s32 $0xFFFFE000;
	s15 =	simm.s32 $0x0  }
0x24c: {  	[tilespmem:s15], [sflag:$0x11] =	stream.strided.gather [hbm4b:s1+s5], $0x1900, s31, s5, $0x38;
	[tilespmem:$0x11900] =	vst v63  }
0x24d: {  	s1 =	simm.s32 $0x11  }
0x24e: {  	_ =	swait.ge [sflag:s1], $0x1900  }
0x24f: {  	[sflag:s1] =	ssyncset.done $0x0  }
0x250: {  	[sflag:s1] =	ssyncadd.s32 $0xFFFFE700  }
0x251: {  	[tilespmem:s4], [sflag:$0x1] =	stream.indirect.gather [hbm4b:s2+s5], $0x40, s15, s5, $0xb8;
	[tilespmem:$0x11900] =	vst v63  }
0x252: {  	s1 =	sld [smem:$0x7CF]  }
0x253: {  	[tilespmem:s3], [sflag:$0x2] =	stream.indirect.gather [hbm4b:s2+s5], $0x40, s5, s5, $0xb8;
	[tilespmem:$0x11900] =	vst v63  }
0x254: {  	s31 =	sld [smem:$0x7D0]  }
0x255: {  	[tilespmem:s23], [sflag:$0x3] =	stream.indirect.gather [hbm4b:s2+s5], $0x40, s1, s5, $0xb8;
	[tilespmem:$0x11900] =	vst v63  }
0x256: {  	_ = 	snop  }
0x257: {  	[tilespmem:s21], [sflag:$0x4] =	stream.indirect.gather [hbm4b:s2+s5], $0x40, s31, s5, $0xb8;
	[tilespmem:$0x11900] =	vst v63  }
0x258: {  	_ =	swait.ge [sflag:s7], $0x2000  }
0x259: {  	s31 =	sld [smem:$0x7CD]  }
0x25a: {  	[sflag:s7] =	ssyncset.done $0x0  }
0x25b: {  	s1 =	sld [smem:$0x7D1];
	[sflag:s7] =	ssyncadd.s32 $0xFFFFE000  }
0x25c: {  	[hbm4b:s31+s6] =	stream.strided.scatter [tilespmem:s4], [sflag:$0x9], $0x2000, s8, s6, $0x38;
	[tilespmem:$0x11900] =	vst v63  }
0x25d: {  	_ = 	snop  }
0x25e: {  	[tilespmem:s22], [sflag:$0x5] =	stream.indirect.gather [hbm4b:s2+s5], $0x40, s1, s5, $0xb8;
	[tilespmem:$0x11900] =	vst v63  }
0x25f: {  	_ =	swait.ge [sflag:s9], $0x2000  }
0x260: {  	s1 =	rddreg [dreg:$0x4];
	[sflag:s9] =	ssyncset.done $0x0  }
0x261: {  	s31 =	sld [smem:$0x7D2];
	[sflag:s9] =	ssyncadd.s32 $0xFFFFE000  }
0x262: {  	[hbm4b:s1+s6] =	stream.strided.scatter [tilespmem:s3], [sflag:$0xA], $0x2000, s8, s6, $0x38;
	[tilespmem:$0x11900] =	vst v63  }
0x263: {  	_ = 	snop  }
0x264: {  	[tilespmem:s19], [sflag:$0x6] =	stream.indirect.gather [hbm4b:s2+s5], $0x40, s31, s5, $0xb8;
	[tilespmem:$0x11900] =	vst v63  }
0x265: {  	_ =	swait.ge [sflag:s30], $0x2000  }
0x266: {  	s1 =	rddreg [dreg:$0x5];
	[sflag:s30] =	ssyncset.done $0x0  }
0x267: {  	s31 =	sld [smem:$0x7D3];
	[sflag:s30] =	ssyncadd.s32 $0xFFFFE000  }
0x268: {  	[hbm4b:s1+s6] =	stream.strided.scatter [tilespmem:s23], [sflag:$0xB], $0x2000, s8, s6, $0x38;
	[tilespmem:$0x11900] =	vst v63  }
0x269: {  	s15 =	simm.s32 $0xD900  }
0x26a: {  	[tilespmem:s15], [sflag:$0x7] =	stream.indirect.gather [hbm4b:s2+s5], $0x40, s31, s5, $0xb8;
	[tilespmem:$0x11900] =	vst v63  }
0x26b: {  	_ =	swait.ge [sflag:s29], $0x2000  }
0x26c: {  	s1 =	rddreg [dreg:$0x6];
	[sflag:s29] =	ssyncset.done $0x0  }
0x26d: {  	s31 =	sld [smem:$0x7D4];
	[sflag:s29] =	ssyncadd.s32 $0xFFFFE000  }
0x26e: {  	[hbm4b:s1+s6] =	stream.strided.scatter [tilespmem:s21], [sflag:$0xC], $0x2000, s8, s6, $0x38;
	[tilespmem:$0x11900] =	vst v63  }
0x26f: {  	_ = 	snop  }
0x270: {  	[tilespmem:s17], [sflag:$0x8] =	stream.indirect.gather [hbm4b:s2+s5], $0x40, s31, s5, $0xb8;
	[tilespmem:$0x11900] =	vst v63  }
0x271: {  	_ =	swait.ge [sflag:s28], $0x2000  }
0x272: {  	[sflag:s28] =	ssyncset.done $0x0  }
0x273: {  	s1 =	rddreg [dreg:$0x7];
	[sflag:s28] =	ssyncadd.s32 $0xFFFFE000  }
0x274: {  	[hbm4b:s1+s6] =	stream.strided.scatter [tilespmem:s22], [sflag:$0xD], $0x2000, s8, s6, $0x38;
	[tilespmem:$0x11900] =	vst v63  }
0x275: {  	_ =	swait.ge [sflag:s12], $0x2000  }
0x276: {  	s1 =	sld [smem:$0x7D5]  }
0x277: {  	[sflag:s12] =	ssyncset.done $0x0  }
0x278: {  	[sflag:s12] =	ssyncadd.s32 $0xFFFFE000  }
0x279: {  	[tilespmem:s4], [sflag:$0x1] =	stream.indirect.gather [hbm4b:s2+s5], $0x40, s1, s5, $0xb8;
	[tilespmem:$0x11900] =	vst v63  }
0x27a: {  	_ =	swait.ge [sflag:s26], $0x2000  }
0x27b: {  	[sflag:s26] =	ssyncset.done $0x0  }
0x27c: {  	s1 =	rddreg [dreg:$0x8];
	[sflag:s26] =	ssyncadd.s32 $0xFFFFE000  }
0x27d: {  	[hbm4b:s1+s6] =	stream.strided.scatter [tilespmem:s19], [sflag:$0xE], $0x2000, s8, s6, $0x38;
	[tilespmem:$0x11900] =	vst v63  }
0x27e: {  	_ =	swait.ge [sflag:s18], $0x2000  }
0x27f: {  	s1 =	sld [smem:$0x7D6]  }
0x280: {  	[sflag:s18] =	ssyncset.done $0x0  }
0x281: {  	[sflag:s18] =	ssyncadd.s32 $0xFFFFE000  }
0x282: {  	[tilespmem:s3], [sflag:$0x2] =	stream.indirect.gather [hbm4b:s2+s5], $0x40, s1, s5, $0xb8;
	[tilespmem:$0x11900] =	vst v63  }
0x283: {  	_ =	swait.ge [sflag:s25], $0x2000  }
0x284: {  	[sflag:s25] =	ssyncset.done $0x0  }
0x285: {  	s1 =	rddreg [dreg:$0x9];
	[sflag:s25] =	ssyncadd.s32 $0xFFFFE000  }
0x286: {  	[hbm4b:s1+s6] =	stream.strided.scatter [tilespmem:s15], [sflag:$0xF], $0x2000, s8, s6, $0x38;
	[tilespmem:$0x11900] =	vst v63  }
0x287: {  	_ =	swait.ge [sflag:s10], $0x2000  }
0x288: {  	s1 =	sld [smem:$0x7D7]  }
0x289: {  	[sflag:s10] =	ssyncset.done $0x0  }
0x28a: {  	[sflag:s10] =	ssyncadd.s32 $0xFFFFE000  }
0x28b: {  	[tilespmem:s23], [sflag:$0x3] =	stream.indirect.gather [hbm4b:s2+s5], $0x40, s1, s5, $0xb8;
	[tilespmem:$0x11900] =	vst v63  }
0x28c: {  	_ =	swait.ge [sflag:s24], $0x2000  }
0x28d: {  	[sflag:s24] =	ssyncset.done $0x0  }
0x28e: {  	s1 =	rddreg [dreg:$0xa];
	[sflag:s24] =	ssyncadd.s32 $0xFFFFE000  }
0x28f: {  	[hbm4b:s1+s6] =	stream.strided.scatter [tilespmem:s17], [sflag:$0x10], $0x2000, s8, s6, $0x38;
	[tilespmem:$0x11900] =	vst v63  }
0x290: {  	_ =	swait.ge [sflag:s11], $0x2000  }
0x291: {  	s1 =	sld [smem:$0x7D8]  }
0x292: {  	[sflag:s11] =	ssyncset.done $0x0  }
0x293: {  	[sflag:s11] =	ssyncadd.s32 $0xFFFFE000  }
0x294: {  	[tilespmem:s21], [sflag:$0x4] =	stream.indirect.gather [hbm4b:s2+s5], $0x40, s1, s5, $0xb8;
	[tilespmem:$0x11900] =	vst v63  }
0x295: {  	_ =	swait.ge [sflag:s7], $0x2000  }
0x296: {  	[sflag:s7] =	ssyncset.done $0x0  }
0x297: {  	s1 =	rddreg [dreg:$0xb];
	[sflag:s7] =	ssyncadd.s32 $0xFFFFE000  }
0x298: {  	[hbm4b:s1+s6] =	stream.strided.scatter [tilespmem:s4], [sflag:$0x9], $0x2000, s8, s6, $0x38;
	[tilespmem:$0x11900] =	vst v63  }
0x299: {  	_ =	swait.ge [sflag:s13], $0x2000  }
0x29a: {  	s1 =	sld [smem:$0x7D9]  }
0x29b: {  	[sflag:s13] =	ssyncset.done $0x0  }
0x29c: {  	[sflag:s13] =	ssyncadd.s32 $0xFFFFE000  }
0x29d: {  	[tilespmem:s22], [sflag:$0x5] =	stream.indirect.gather [hbm4b:s2+s5], $0x40, s1, s5, $0xb8;
	[tilespmem:$0x11900] =	vst v63  }
0x29e: {  	_ =	swait.ge [sflag:s9], $0x2000  }
0x29f: {  	[sflag:s9] =	ssyncset.done $0x0  }
0x2a0: {  	s1 =	rddreg [dreg:$0xc];
	[sflag:s9] =	ssyncadd.s32 $0xFFFFE000  }
0x2a1: {  	[hbm4b:s1+s6] =	stream.strided.scatter [tilespmem:s3], [sflag:$0xA], $0x2000, s8, s6, $0x38;
	[tilespmem:$0x11900] =	vst v63  }
0x2a2: {  	_ =	swait.ge [sflag:s14], $0x2000  }
0x2a3: {  	s1 =	sld [smem:$0x7DA]  }
0x2a4: {  	[sflag:s14] =	ssyncset.done $0x0  }
0x2a5: {  	[sflag:s14] =	ssyncadd.s32 $0xFFFFE000  }
0x2a6: {  	[tilespmem:s19], [sflag:$0x6] =	stream.indirect.gather [hbm4b:s2+s5], $0x40, s1, s5, $0xb8;
	[tilespmem:$0x11900] =	vst v63  }
0x2a7: {  	_ =	swait.ge [sflag:s30], $0x2000  }
0x2a8: {  	[sflag:s30] =	ssyncset.done $0x0  }
0x2a9: {  	s1 =	rddreg [dreg:$0xd];
	[sflag:s30] =	ssyncadd.s32 $0xFFFFE000  }
0x2aa: {  	[hbm4b:s1+s6] =	stream.strided.scatter [tilespmem:s23], [sflag:$0xB], $0x2000, s8, s6, $0x38;
	[tilespmem:$0x11900] =	vst v63  }
0x2ab: {  	_ =	swait.ge [sflag:s16], $0x2000  }
0x2ac: {  	s1 =	sld [smem:$0x7DB]  }
0x2ad: {  	[sflag:s16] =	ssyncset.done $0x0  }
0x2ae: {  	[sflag:s16] =	ssyncadd.s32 $0xFFFFE000  }
0x2af: {  	[tilespmem:s15], [sflag:$0x7] =	stream.indirect.gather [hbm4b:s2+s5], $0x40, s1, s5, $0xb8;
	[tilespmem:$0x11900] =	vst v63  }
0x2b0: {  	_ =	swait.ge [sflag:s29], $0x2000  }
0x2b1: {  	[sflag:s29] =	ssyncset.done $0x0  }
0x2b2: {  	s1 =	rddreg [dreg:$0xe];
	[sflag:s29] =	ssyncadd.s32 $0xFFFFE000  }
0x2b3: {  	[hbm4b:s1+s6] =	stream.strided.scatter [tilespmem:s21], [sflag:$0xC], $0x2000, s8, s6, $0x38;
	[tilespmem:$0x11900] =	vst v63  }
0x2b4: {  	_ =	swait.ge [sflag:s20], $0x2000  }
0x2b5: {  	s1 =	sld [smem:$0x7DC]  }
0x2b6: {  	[sflag:s20] =	ssyncset.done $0x0  }
0x2b7: {  	[sflag:s20] =	ssyncadd.s32 $0xFFFFE000  }
0x2b8: {  	[tilespmem:s17], [sflag:$0x8] =	stream.indirect.gather [hbm4b:s2+s5], $0x40, s1, s5, $0xb8;
	[tilespmem:$0x11900] =	vst v63  }
0x2b9: {  	_ =	swait.ge [sflag:s28], $0x2000  }
0x2ba: {  	[sflag:s28] =	ssyncset.done $0x0  }
0x2bb: {  	s1 =	rddreg [dreg:$0xf];
	[sflag:s28] =	ssyncadd.s32 $0xFFFFE000  }
0x2bc: {  	[hbm4b:s1+s6] =	stream.strided.scatter [tilespmem:s22], [sflag:$0xD], $0x2000, s8, s6, $0x38;
	[tilespmem:$0x11900] =	vst v63  }
0x2bd: {  	_ =	swait.ge [sflag:s12], $0x2000  }
0x2be: {  	s1 =	sld [smem:$0x7DD]  }
0x2bf: {  	[sflag:s12] =	ssyncset.done $0x0  }
0x2c0: {  	[sflag:s12] =	ssyncadd.s32 $0xFFFFE000  }
0x2c1: {  	[tilespmem:s4], [sflag:$0x1] =	stream.indirect.gather [hbm4b:s2+s5], $0x40, s1, s5, $0xb8;
	[tilespmem:$0x11900] =	vst v63  }
0x2c2: {  	_ =	swait.ge [sflag:s26], $0x2000  }
0x2c3: {  	[sflag:s26] =	ssyncset.done $0x0  }
0x2c4: {  	s1 =	rddreg [dreg:$0x10];
	[sflag:s26] =	ssyncadd.s32 $0xFFFFE000  }
0x2c5: {  	[hbm4b:s1+s6] =	stream.strided.scatter [tilespmem:s19], [sflag:$0xE], $0x2000, s8, s6, $0x38;
	[tilespmem:$0x11900] =	vst v63  }
0x2c6: {  	_ =	swait.ge [sflag:s18], $0x2000  }
0x2c7: {  	s1 =	sld [smem:$0x7DE]  }
0x2c8: {  	[sflag:s18] =	ssyncset.done $0x0  }
0x2c9: {  	[sflag:s18] =	ssyncadd.s32 $0xFFFFE000  }
0x2ca: {  	[tilespmem:s3], [sflag:$0x2] =	stream.indirect.gather [hbm4b:s2+s5], $0x40, s1, s5, $0xb8;
	[tilespmem:$0x11900] =	vst v63  }
0x2cb: {  	_ =	swait.ge [sflag:s25], $0x2000  }
0x2cc: {  	[sflag:s25] =	ssyncset.done $0x0  }
0x2cd: {  	s1 =	rddreg [dreg:$0x11];
	[sflag:s25] =	ssyncadd.s32 $0xFFFFE000  }
0x2ce: {  	[hbm4b:s1+s6] =	stream.strided.scatter [tilespmem:s15], [sflag:$0xF], $0x2000, s8, s6, $0x38;
	[tilespmem:$0x11900] =	vst v63  }
0x2cf: {  	_ =	swait.ge [sflag:s10], $0x2000  }
0x2d0: {  	s1 =	sld [smem:$0x7DF]  }
0x2d1: {  	[sflag:s10] =	ssyncset.done $0x0  }
0x2d2: {  	[sflag:s10] =	ssyncadd.s32 $0xFFFFE000  }
0x2d3: {  	[tilespmem:s23], [sflag:$0x3] =	stream.indirect.gather [hbm4b:s2+s5], $0x40, s1, s5, $0xb8;
	[tilespmem:$0x11900] =	vst v63  }
0x2d4: {  	_ =	swait.ge [sflag:s24], $0x2000  }
0x2d5: {  	[sflag:s24] =	ssyncset.done $0x0  }
0x2d6: {  	s1 =	rddreg [dreg:$0x12];
	[sflag:s24] =	ssyncadd.s32 $0xFFFFE000  }
0x2d7: {  	[hbm4b:s1+s6] =	stream.strided.scatter [tilespmem:s17], [sflag:$0x10], $0x2000, s8, s6, $0x38;
	[tilespmem:$0x11900] =	vst v63  }
0x2d8: {  	_ =	swait.ge [sflag:s11], $0x2000  }
0x2d9: {  	s1 =	sld [smem:$0x7E0]  }
0x2da: {  	[sflag:s11] =	ssyncset.done $0x0  }
0x2db: {  	[sflag:s11] =	ssyncadd.s32 $0xFFFFE000  }
0x2dc: {  	[tilespmem:s21], [sflag:$0x4] =	stream.indirect.gather [hbm4b:s2+s5], $0x40, s1, s5, $0xb8;
	[tilespmem:$0x11900] =	vst v63  }
0x2dd: {  	_ =	swait.ge [sflag:s7], $0x2000  }
0x2de: {  	[sflag:s7] =	ssyncset.done $0x0  }
0x2df: {  	s1 =	rddreg [dreg:$0x13];
	[sflag:s7] =	ssyncadd.s32 $0xFFFFE000  }
0x2e0: {  	[hbm4b:s1+s6] =	stream.strided.scatter [tilespmem:s4], [sflag:$0x9], $0x2000, s8, s6, $0x38;
	[tilespmem:$0x11900] =	vst v63  }
0x2e1: {  	_ =	swait.ge [sflag:s13], $0x2000  }
0x2e2: {  	s1 =	sld [smem:$0x7E1]  }
0x2e3: {  	[sflag:s13] =	ssyncset.done $0x0  }
0x2e4: {  	[sflag:s13] =	ssyncadd.s32 $0xFFFFE000  }
0x2e5: {  	[tilespmem:s22], [sflag:$0x5] =	stream.indirect.gather [hbm4b:s2+s5], $0x40, s1, s5, $0xb8;
	[tilespmem:$0x11900] =	vst v63  }
0x2e6: {  	_ =	swait.ge [sflag:s9], $0x2000  }
0x2e7: {  	[sflag:s9] =	ssyncset.done $0x0  }
0x2e8: {  	s1 =	rddreg [dreg:$0x14];
	[sflag:s9] =	ssyncadd.s32 $0xFFFFE000  }
0x2e9: {  	[hbm4b:s1+s6] =	stream.strided.scatter [tilespmem:s3], [sflag:$0xA], $0x2000, s8, s6, $0x38;
	[tilespmem:$0x11900] =	vst v63  }
0x2ea: {  	_ =	swait.ge [sflag:s14], $0x2000  }
0x2eb: {  	s1 =	sld [smem:$0x7E2]  }
0x2ec: {  	[sflag:s14] =	ssyncset.done $0x0  }
0x2ed: {  	[sflag:s14] =	ssyncadd.s32 $0xFFFFE000  }
0x2ee: {  	[tilespmem:s19], [sflag:$0x6] =	stream.indirect.gather [hbm4b:s2+s5], $0x40, s1, s5, $0xb8;
	[tilespmem:$0x11900] =	vst v63  }
0x2ef: {  	_ =	swait.ge [sflag:s30], $0x2000  }
0x2f0: {  	[sflag:s30] =	ssyncset.done $0x0  }
0x2f1: {  	s1 =	rddreg [dreg:$0x15];
	[sflag:s30] =	ssyncadd.s32 $0xFFFFE000  }
0x2f2: {  	[hbm4b:s1+s6] =	stream.strided.scatter [tilespmem:s23], [sflag:$0xB], $0x2000, s8, s6, $0x38;
	[tilespmem:$0x11900] =	vst v63  }
0x2f3: {  	_ =	swait.ge [sflag:s16], $0x2000  }
0x2f4: {  	s1 =	sld [smem:$0x7E3]  }
0x2f5: {  	[sflag:s16] =	ssyncset.done $0x0  }
0x2f6: {  	[sflag:s16] =	ssyncadd.s32 $0xFFFFE000  }
0x2f7: {  	[tilespmem:s15], [sflag:$0x7] =	stream.indirect.gather [hbm4b:s2+s5], $0x40, s1, s5, $0xb8;
	[tilespmem:$0x11900] =	vst v63  }
0x2f8: {  	_ =	swait.ge [sflag:s29], $0x2000  }
0x2f9: {  	[sflag:s29] =	ssyncset.done $0x0  }
0x2fa: {  	s1 =	rddreg [dreg:$0x16];
	[sflag:s29] =	ssyncadd.s32 $0xFFFFE000  }
0x2fb: {  	[hbm4b:s1+s6] =	stream.strided.scatter [tilespmem:s21], [sflag:$0xC], $0x2000, s8, s6, $0x38;
	[tilespmem:$0x11900] =	vst v63  }
0x2fc: {  	_ =	swait.ge [sflag:s20], $0x2000  }
0x2fd: {  	s1 =	sld [smem:$0x7E4]  }
0x2fe: {  	[sflag:s20] =	ssyncset.done $0x0  }
0x2ff: {  	[sflag:s20] =	ssyncadd.s32 $0xFFFFE000  }
0x300: {  	[tilespmem:s17], [sflag:$0x8] =	stream.indirect.gather [hbm4b:s2+s5], $0x40, s1, s5, $0xb8;
	[tilespmem:$0x11900] =	vst v63  }
0x301: {  	_ =	swait.ge [sflag:s28], $0x2000  }
0x302: {  	[sflag:s28] =	ssyncset.done $0x0  }
0x303: {  	s1 =	rddreg [dreg:$0x17];
	[sflag:s28] =	ssyncadd.s32 $0xFFFFE000  }
0x304: {  	[hbm4b:s1+s6] =	stream.strided.scatter [tilespmem:s22], [sflag:$0xD], $0x2000, s8, s6, $0x38;
	[tilespmem:$0x11900] =	vst v63  }
0x305: {  	_ =	swait.ge [sflag:s12], $0x2000  }
0x306: {  	s1 =	sld [smem:$0x7E5]  }
0x307: {  	[sflag:s12] =	ssyncset.done $0x0  }
0x308: {  	[sflag:s12] =	ssyncadd.s32 $0xFFFFE000  }
0x309: {  	[tilespmem:s4], [sflag:$0x1] =	stream.indirect.gather [hbm4b:s2+s5], $0x40, s1, s5, $0xb8;
	[tilespmem:$0x11900] =	vst v63  }
0x30a: {  	_ =	swait.ge [sflag:s26], $0x2000  }
0x30b: {  	[sflag:s26] =	ssyncset.done $0x0  }
0x30c: {  	s1 =	rddreg [dreg:$0x18];
	[sflag:s26] =	ssyncadd.s32 $0xFFFFE000  }
0x30d: {  	[hbm4b:s1+s6] =	stream.strided.scatter [tilespmem:s19], [sflag:$0xE], $0x2000, s8, s6, $0x38;
	[tilespmem:$0x11900] =	vst v63  }
0x30e: {  	_ =	swait.ge [sflag:s18], $0x2000  }
0x30f: {  	[sflag:s18] =	ssyncset.done $0x0  }
0x310: {  	[sflag:s18] =	ssyncadd.s32 $0xFFFFE000  }
0x311: {  	[tilespmem:s3], [sflag:$0x2] =	stream.indirect.gather [hbm4b:s2+s5], $0x40, s8, s5, $0xb8;
	[tilespmem:$0x11900] =	vst v63  }
0x312: {  	_ =	swait.ge [sflag:s25], $0x2000  }
0x313: {  	[sflag:s25] =	ssyncset.done $0x0  }
0x314: {  	s1 =	rddreg [dreg:$0x19];
	[sflag:s25] =	ssyncadd.s32 $0xFFFFE000  }
0x315: {  	[hbm4b:s1+s6] =	stream.strided.scatter [tilespmem:s15], [sflag:$0xF], $0x2000, s8, s6, $0x38;
	[tilespmem:$0x11900] =	vst v63  }
0x316: {  	_ =	swait.ge [sflag:s10], $0x2000  }
0x317: {  	s1 =	sld [smem:$0x7E6]  }
0x318: {  	[sflag:s10] =	ssyncset.done $0x0  }
0x319: {  	[sflag:s10] =	ssyncadd.s32 $0xFFFFE000  }
0x31a: {  	[tilespmem:s23], [sflag:$0x3] =	stream.indirect.gather [hbm4b:s2+s5], $0x40, s1, s5, $0xb8;
	[tilespmem:$0x11900] =	vst v63  }
0x31b: {  	_ =	swait.ge [sflag:s24], $0x2000  }
0x31c: {  	[sflag:s24] =	ssyncset.done $0x0  }
0x31d: {  	s1 =	rddreg [dreg:$0x1a];
	[sflag:s24] =	ssyncadd.s32 $0xFFFFE000  }
0x31e: {  	[hbm4b:s1+s6] =	stream.strided.scatter [tilespmem:s17], [sflag:$0x10], $0x2000, s8, s6, $0x38;
	[tilespmem:$0x11900] =	vst v63  }
0x31f: {  	_ =	swait.ge [sflag:s11], $0x2000  }
0x320: {  	s1 =	sld [smem:$0x7E7]  }
0x321: {  	[sflag:s11] =	ssyncset.done $0x0  }
0x322: {  	[sflag:s11] =	ssyncadd.s32 $0xFFFFE000  }
0x323: {  	[tilespmem:s21], [sflag:$0x4] =	stream.indirect.gather [hbm4b:s2+s5], $0x40, s1, s5, $0xb8;
	[tilespmem:$0x11900] =	vst v63  }
0x324: {  	_ =	swait.ge [sflag:s7], $0x2000  }
0x325: {  	[sflag:s7] =	ssyncset.done $0x0  }
0x326: {  	s1 =	rddreg [dreg:$0x1b];
	[sflag:s7] =	ssyncadd.s32 $0xFFFFE000  }
0x327: {  	[hbm4b:s1+s6] =	stream.strided.scatter [tilespmem:s4], [sflag:$0x9], $0x2000, s8, s6, $0x38;
	[tilespmem:$0x11900] =	vst v63  }
0x328: {  	_ =	swait.ge [sflag:s13], $0x2000  }
0x329: {  	s1 =	sld [smem:$0x7E8]  }
0x32a: {  	[sflag:s13] =	ssyncset.done $0x0  }
0x32b: {  	[sflag:s13] =	ssyncadd.s32 $0xFFFFE000  }
0x32c: {  	[tilespmem:s22], [sflag:$0x5] =	stream.indirect.gather [hbm4b:s2+s5], $0x40, s1, s5, $0xb8;
	[tilespmem:$0x11900] =	vst v63  }
0x32d: {  	_ =	swait.ge [sflag:s9], $0x2000  }
0x32e: {  	[sflag:s9] =	ssyncset.done $0x0  }
0x32f: {  	s1 =	rddreg [dreg:$0x1c];
	[sflag:s9] =	ssyncadd.s32 $0xFFFFE000  }
0x330: {  	[hbm4b:s1+s6] =	stream.strided.scatter [tilespmem:s3], [sflag:$0xA], $0x2000, s8, s6, $0x38;
	[tilespmem:$0x11900] =	vst v63  }
0x331: {  	_ =	swait.ge [sflag:s14], $0x2000  }
0x332: {  	s1 =	sld [smem:$0x7E9]  }
0x333: {  	[sflag:s14] =	ssyncset.done $0x0  }
0x334: {  	[sflag:s14] =	ssyncadd.s32 $0xFFFFE000  }
0x335: {  	[tilespmem:s19], [sflag:$0x6] =	stream.indirect.gather [hbm4b:s2+s5], $0x40, s1, s5, $0xb8;
	[tilespmem:$0x11900] =	vst v63  }
0x336: {  	_ =	swait.ge [sflag:s30], $0x2000  }
0x337: {  	[sflag:s30] =	ssyncset.done $0x0  }
0x338: {  	s1 =	rddreg [dreg:$0x1d];
	[sflag:s30] =	ssyncadd.s32 $0xFFFFE000  }
0x339: {  	[hbm4b:s1+s6] =	stream.strided.scatter [tilespmem:s23], [sflag:$0xB], $0x2000, s8, s6, $0x38;
	[tilespmem:$0x11900] =	vst v63  }
0x33a: {  	_ =	swait.ge [sflag:s16], $0x2000  }
0x33b: {  	s1 =	sld [smem:$0x7EA]  }
0x33c: {  	[sflag:s16] =	ssyncset.done $0x0  }
0x33d: {  	[sflag:s16] =	ssyncadd.s32 $0xFFFFE000  }
0x33e: {  	[tilespmem:s15], [sflag:$0x7] =	stream.indirect.gather [hbm4b:s2+s5], $0x40, s1, s5, $0xb8;
	[tilespmem:$0x11900] =	vst v63  }
0x33f: {  	_ =	swait.ge [sflag:s29], $0x2000  }
0x340: {  	[sflag:s29] =	ssyncset.done $0x0  }
0x341: {  	s1 =	rddreg [dreg:$0x1e];
	[sflag:s29] =	ssyncadd.s32 $0xFFFFE000  }
0x342: {  	[hbm4b:s1+s6] =	stream.strided.scatter [tilespmem:s21], [sflag:$0xC], $0x2000, s8, s6, $0x38;
	[tilespmem:$0x11900] =	vst v63  }
0x343: {  	_ =	swait.ge [sflag:s20], $0x2000  }
0x344: {  	s1 =	sld [smem:$0x7EB]  }
0x345: {  	[sflag:s20] =	ssyncset.done $0x0  }
0x346: {  	[sflag:s20] =	ssyncadd.s32 $0xFFFFE000  }
0x347: {  	[tilespmem:s17], [sflag:$0x8] =	stream.indirect.gather [hbm4b:s2+s5], $0x40, s1, s5, $0xb8;
	[tilespmem:$0x11900] =	vst v63  }
0x348: {  	_ =	swait.ge [sflag:s28], $0x2000  }
0x349: {  	[sflag:s28] =	ssyncset.done $0x0  }
0x34a: {  	s1 =	rddreg [dreg:$0x1f];
	[sflag:s28] =	ssyncadd.s32 $0xFFFFE000  }
0x34b: {  	[hbm4b:s1+s6] =	stream.strided.scatter [tilespmem:s22], [sflag:$0xD], $0x2000, s8, s6, $0x38;
	[tilespmem:$0x11900] =	vst v63  }
0x34c: {  	_ =	swait.ge [sflag:s12], $0x2000  }
0x34d: {  	[sflag:s12] =	ssyncset.done $0x0  }
0x34e: {  	s31 =	simm.s32 $0x1000;
	[sflag:s12] =	ssyncadd.s32 $0xFFFFE000  }
0x34f: {  	[tilespmem:s4], [sflag:$0x1] =	stream.indirect.gather [hbm4b:s2+s5], $0x40, s31, s5, $0xb8;
	[tilespmem:$0x11900] =	vst v63  }
0x350: {  	_ =	swait.ge [sflag:s26], $0x2000  }
0x351: {  	s1 =	sld [smem:$0x7B9]  }
0x352: {  	[sflag:s26] =	ssyncset.done $0x0  }
0x353: {  	[sflag:s26] =	ssyncadd.s32 $0xFFFFE000  }
0x354: {  	[hbm4b:s1+s6] =	stream.strided.scatter [tilespmem:s19], [sflag:$0xE], $0x2000, s8, s6, $0x38;
	[tilespmem:$0x11900] =	vst v63  }
0x355: {  	_ =	swait.ge [sflag:s18], $0x2000  }
0x356: {  	s1 =	sld [smem:$0x7EC]  }
0x357: {  	[sflag:s18] =	ssyncset.done $0x0  }
0x358: {  	[sflag:s18] =	ssyncadd.s32 $0xFFFFE000  }
0x359: {  	[tilespmem:s3], [sflag:$0x2] =	stream.indirect.gather [hbm4b:s2+s5], $0x40, s1, s5, $0xb8;
	[tilespmem:$0x11900] =	vst v63  }
0x35a: {  	_ =	swait.ge [sflag:s25], $0x2000  }
0x35b: {  	s1 =	sld [smem:$0x7BA]  }
0x35c: {  	[sflag:s25] =	ssyncset.done $0x0  }
0x35d: {  	[sflag:s25] =	ssyncadd.s32 $0xFFFFE000  }
0x35e: {  	[hbm4b:s1+s6] =	stream.strided.scatter [tilespmem:s15], [sflag:$0xF], $0x2000, s8, s6, $0x38;
	[tilespmem:$0x11900] =	vst v63  }
0x35f: {  	_ =	swait.ge [sflag:s10], $0x2000  }
0x360: {  	s1 =	sld [smem:$0x7ED]  }
0x361: {  	[sflag:s10] =	ssyncset.done $0x0  }
0x362: {  	[sflag:s10] =	ssyncadd.s32 $0xFFFFE000  }
0x363: {  	[tilespmem:s23], [sflag:$0x3] =	stream.indirect.gather [hbm4b:s2+s5], $0x40, s1, s5, $0xb8;
	[tilespmem:$0x11900] =	vst v63  }
0x364: {  	_ =	swait.ge [sflag:s24], $0x2000  }
0x365: {  	s1 =	sld [smem:$0x7BB]  }
0x366: {  	[sflag:s24] =	ssyncset.done $0x0  }
0x367: {  	[sflag:s24] =	ssyncadd.s32 $0xFFFFE000  }
0x368: {  	[hbm4b:s1+s6] =	stream.strided.scatter [tilespmem:s17], [sflag:$0x10], $0x2000, s8, s6, $0x38;
	[tilespmem:$0x11900] =	vst v63  }
0x369: {  	_ =	swait.ge [sflag:s11], $0x2000  }
0x36a: {  	s1 =	sld [smem:$0x7EE]  }
0x36b: {  	[sflag:s11] =	ssyncset.done $0x0  }
0x36c: {  	[sflag:s11] =	ssyncadd.s32 $0xFFFFE000  }
0x36d: {  	[tilespmem:s21], [sflag:$0x4] =	stream.indirect.gather [hbm4b:s2+s5], $0x40, s1, s5, $0xb8;
	[tilespmem:$0x11900] =	vst v63  }
0x36e: {  	_ =	swait.ge [sflag:s7], $0x2000  }
0x36f: {  	s1 =	sld [smem:$0x7BC]  }
0x370: {  	[sflag:s7] =	ssyncset.done $0x0  }
0x371: {  	[sflag:s7] =	ssyncadd.s32 $0xFFFFE000  }
0x372: {  	[hbm4b:s1+s6] =	stream.strided.scatter [tilespmem:s4], [sflag:$0x9], $0x2000, s8, s6, $0x38;
	[tilespmem:$0x11900] =	vst v63  }
0x373: {  	_ =	swait.ge [sflag:s13], $0x2000  }
0x374: {  	s1 =	sld [smem:$0x7EF]  }
0x375: {  	[sflag:s13] =	ssyncset.done $0x0  }
0x376: {  	[sflag:s13] =	ssyncadd.s32 $0xFFFFE000  }
0x377: {  	[tilespmem:s22], [sflag:$0x5] =	stream.indirect.gather [hbm4b:s2+s5], $0x40, s1, s5, $0xb8;
	[tilespmem:$0x11900] =	vst v63  }
0x378: {  	_ =	swait.ge [sflag:s9], $0x2000  }
0x379: {  	s1 =	sld [smem:$0x7BD]  }
0x37a: {  	[sflag:s9] =	ssyncset.done $0x0  }
0x37b: {  	[sflag:s9] =	ssyncadd.s32 $0xFFFFE000  }
0x37c: {  	[hbm4b:s1+s6] =	stream.strided.scatter [tilespmem:s3], [sflag:$0xA], $0x2000, s8, s6, $0x38;
	[tilespmem:$0x11900] =	vst v63  }
0x37d: {  	_ =	swait.ge [sflag:s14], $0x2000  }
0x37e: {  	s1 =	sld [smem:$0x7F0]  }
0x37f: {  	[sflag:s14] =	ssyncset.done $0x0  }
0x380: {  	[sflag:s14] =	ssyncadd.s32 $0xFFFFE000  }
0x381: {  	[tilespmem:s19], [sflag:$0x6] =	stream.indirect.gather [hbm4b:s2+s5], $0x40, s1, s5, $0xb8;
	[tilespmem:$0x11900] =	vst v63  }
0x382: {  	_ =	swait.ge [sflag:s30], $0x2000  }
0x383: {  	s1 =	sld [smem:$0x7BE]  }
0x384: {  	[sflag:s30] =	ssyncset.done $0x0  }
0x385: {  	[sflag:s30] =	ssyncadd.s32 $0xFFFFE000  }
0x386: {  	[hbm4b:s1+s6] =	stream.strided.scatter [tilespmem:s23], [sflag:$0xB], $0x2000, s8, s6, $0x38;
	[tilespmem:$0x11900] =	vst v63  }
0x387: {  	_ =	swait.ge [sflag:s16], $0x2000  }
0x388: {  	s1 =	sld [smem:$0x7F1]  }
0x389: {  	[sflag:s16] =	ssyncset.done $0x0  }
0x38a: {  	[sflag:s16] =	ssyncadd.s32 $0xFFFFE000  }
0x38b: {  	[tilespmem:s15], [sflag:$0x7] =	stream.indirect.gather [hbm4b:s2+s5], $0x40, s1, s5, $0xb8;
	[tilespmem:$0x11900] =	vst v63  }
0x38c: {  	_ =	swait.ge [sflag:s29], $0x2000  }
0x38d: {  	s1 =	sld [smem:$0x7BF]  }
0x38e: {  	[sflag:s29] =	ssyncset.done $0x0  }
0x38f: {  	[sflag:s29] =	ssyncadd.s32 $0xFFFFE000  }
0x390: {  	[hbm4b:s1+s6] =	stream.strided.scatter [tilespmem:s21], [sflag:$0xC], $0x2000, s8, s6, $0x38;
	[tilespmem:$0x11900] =	vst v63  }
0x391: {  	_ =	swait.ge [sflag:s20], $0x2000  }
0x392: {  	s1 =	sld [smem:$0x7F2]  }
0x393: {  	[sflag:s20] =	ssyncset.done $0x0  }
0x394: {  	[sflag:s20] =	ssyncadd.s32 $0xFFFFE000  }
0x395: {  	[tilespmem:s17], [sflag:$0x8] =	stream.indirect.gather [hbm4b:s2+s5], $0x40, s1, s5, $0xb8;
	[tilespmem:$0x11900] =	vst v63  }
0x396: {  	_ =	swait.ge [sflag:s28], $0x2000  }
0x397: {  	s1 =	sld [smem:$0x7C0]  }
0x398: {  	[sflag:s28] =	ssyncset.done $0x0  }
0x399: {  	[sflag:s28] =	ssyncadd.s32 $0xFFFFE000  }
0x39a: {  	[hbm4b:s1+s6] =	stream.strided.scatter [tilespmem:s22], [sflag:$0xD], $0x2000, s8, s6, $0x38;
	[tilespmem:$0x11900] =	vst v63  }
0x39b: {  	_ =	swait.ge [sflag:s12], $0x2000  }
0x39c: {  	s1 =	sld [smem:$0x7F3]  }
0x39d: {  	[sflag:s12] =	ssyncset.done $0x0  }
0x39e: {  	[sflag:s12] =	ssyncadd.s32 $0xFFFFE000  }
0x39f: {  	[tilespmem:s4], [sflag:$0x1] =	stream.indirect.gather [hbm4b:s2+s5], $0x40, s1, s5, $0xb8;
	[tilespmem:$0x11900] =	vst v63  }
0x3a0: {  	_ =	swait.ge [sflag:s26], $0x2000  }
0x3a1: {  	s1 =	sld [smem:$0x7C1]  }
0x3a2: {  	[sflag:s26] =	ssyncset.done $0x0  }
0x3a3: {  	[sflag:s26] =	ssyncadd.s32 $0xFFFFE000  }
0x3a4: {  	[hbm4b:s1+s6] =	stream.strided.scatter [tilespmem:s19], [sflag:$0xE], $0x2000, s8, s6, $0x38;
	[tilespmem:$0x11900] =	vst v63  }
0x3a5: {  	_ =	swait.ge [sflag:s18], $0x2000  }
0x3a6: {  	s1 =	sld [smem:$0x7F4]  }
0x3a7: {  	[sflag:s18] =	ssyncset.done $0x0  }
0x3a8: {  	[sflag:s18] =	ssyncadd.s32 $0xFFFFE000  }
0x3a9: {  	[tilespmem:s3], [sflag:$0x2] =	stream.indirect.gather [hbm4b:s2+s5], $0x40, s1, s5, $0xb8;
	[tilespmem:$0x11900] =	vst v63  }
0x3aa: {  	_ =	swait.ge [sflag:s25], $0x2000  }
0x3ab: {  	s1 =	sld [smem:$0x7C2]  }
0x3ac: {  	[sflag:s25] =	ssyncset.done $0x0  }
0x3ad: {  	[sflag:s25] =	ssyncadd.s32 $0xFFFFE000  }
0x3ae: {  	[hbm4b:s1+s6] =	stream.strided.scatter [tilespmem:s15], [sflag:$0xF], $0x2000, s8, s6, $0x38;
	[tilespmem:$0x11900] =	vst v63  }
0x3af: {  	_ =	swait.ge [sflag:s10], $0x2000  }
0x3b0: {  	s1 =	sld [smem:$0x7F5]  }
0x3b1: {  	[sflag:s10] =	ssyncset.done $0x0  }
0x3b2: {  	[sflag:s10] =	ssyncadd.s32 $0xFFFFE000  }
0x3b3: {  	[tilespmem:s23], [sflag:$0x3] =	stream.indirect.gather [hbm4b:s2+s5], $0x40, s1, s5, $0xb8;
	[tilespmem:$0x11900] =	vst v63  }
0x3b4: {  	_ =	swait.ge [sflag:s24], $0x2000  }
0x3b5: {  	s1 =	sld [smem:$0x7C3]  }
0x3b6: {  	[sflag:s24] =	ssyncset.done $0x0  }
0x3b7: {  	[sflag:s24] =	ssyncadd.s32 $0xFFFFE000  }
0x3b8: {  	[hbm4b:s1+s6] =	stream.strided.scatter [tilespmem:s17], [sflag:$0x10], $0x2000, s8, s6, $0x38;
	[tilespmem:$0x11900] =	vst v63  }
0x3b9: {  	_ =	swait.ge [sflag:s11], $0x2000  }
0x3ba: {  	s1 =	sld [smem:$0x7F6]  }
0x3bb: {  	[sflag:s11] =	ssyncset.done $0x0  }
0x3bc: {  	[sflag:s11] =	ssyncadd.s32 $0xFFFFE000  }
0x3bd: {  	[tilespmem:s21], [sflag:$0x4] =	stream.indirect.gather [hbm4b:s2+s5], $0x40, s1, s5, $0xb8;
	[tilespmem:$0x11900] =	vst v63  }
0x3be: {  	_ =	swait.ge [sflag:s7], $0x2000  }
0x3bf: {  	s1 =	sld [smem:$0x7C4]  }
0x3c0: {  	[sflag:s7] =	ssyncset.done $0x0  }
0x3c1: {  	[sflag:s7] =	ssyncadd.s32 $0xFFFFE000  }
0x3c2: {  	[hbm4b:s1+s6] =	stream.strided.scatter [tilespmem:s4], [sflag:$0x9], $0x2000, s8, s6, $0x38;
	[tilespmem:$0x11900] =	vst v63  }
0x3c3: {  	_ =	swait.ge [sflag:s13], $0x2000  }
0x3c4: {  	s1 =	sld [smem:$0x7F7]  }
0x3c5: {  	[sflag:s13] =	ssyncset.done $0x0  }
0x3c6: {  	[sflag:s13] =	ssyncadd.s32 $0xFFFFE000  }
0x3c7: {  	[tilespmem:s22], [sflag:$0x5] =	stream.indirect.gather [hbm4b:s2+s5], $0x40, s1, s5, $0xb8;
	[tilespmem:$0x11900] =	vst v63  }
0x3c8: {  	_ =	swait.ge [sflag:s9], $0x2000  }
0x3c9: {  	s1 =	sld [smem:$0x7C5]  }
0x3ca: {  	[sflag:s9] =	ssyncset.done $0x0  }
0x3cb: {  	[sflag:s9] =	ssyncadd.s32 $0xFFFFE000  }
0x3cc: {  	[hbm4b:s1+s6] =	stream.strided.scatter [tilespmem:s3], [sflag:$0xA], $0x2000, s8, s6, $0x38;
	[tilespmem:$0x11900] =	vst v63  }
0x3cd: {  	_ =	swait.ge [sflag:s14], $0x2000  }
0x3ce: {  	s1 =	sld [smem:$0x7F8]  }
0x3cf: {  	[sflag:s14] =	ssyncset.done $0x0  }
0x3d0: {  	[sflag:s14] =	ssyncadd.s32 $0xFFFFE000  }
0x3d1: {  	[tilespmem:s19], [sflag:$0x6] =	stream.indirect.gather [hbm4b:s2+s5], $0x40, s1, s5, $0xb8;
	[tilespmem:$0x11900] =	vst v63  }
0x3d2: {  	_ =	swait.ge [sflag:s30], $0x2000  }
0x3d3: {  	s1 =	sld [smem:$0x7C6]  }
0x3d4: {  	[sflag:s30] =	ssyncset.done $0x0  }
0x3d5: {  	[sflag:s30] =	ssyncadd.s32 $0xFFFFE000  }
0x3d6: {  	[hbm4b:s1+s6] =	stream.strided.scatter [tilespmem:s23], [sflag:$0xB], $0x2000, s8, s6, $0x38;
	[tilespmem:$0x11900] =	vst v63  }
0x3d7: {  	_ =	swait.ge [sflag:s16], $0x2000  }
0x3d8: {  	s1 =	sld [smem:$0x7F9]  }
0x3d9: {  	[sflag:s16] =	ssyncset.done $0x0  }
0x3da: {  	[sflag:s16] =	ssyncadd.s32 $0xFFFFE000  }
0x3db: {  	[tilespmem:s15], [sflag:$0x7] =	stream.indirect.gather [hbm4b:s2+s5], $0x40, s1, s5, $0xb8;
	[tilespmem:$0x11900] =	vst v63  }
0x3dc: {  	_ =	swait.ge [sflag:s29], $0x2000  }
0x3dd: {  	s1 =	sld [smem:$0x7C7]  }
0x3de: {  	[sflag:s29] =	ssyncset.done $0x0  }
0x3df: {  	[sflag:s29] =	ssyncadd.s32 $0xFFFFE000  }
0x3e0: {  	[hbm4b:s1+s6] =	stream.strided.scatter [tilespmem:s21], [sflag:$0xC], $0x2000, s8, s6, $0x38;
	[tilespmem:$0x11900] =	vst v63  }
0x3e1: {  	_ =	swait.ge [sflag:s20], $0x2000  }
0x3e2: {  	s1 =	sld [smem:$0x7FA]  }
0x3e3: {  	[sflag:s20] =	ssyncset.done $0x0  }
0x3e4: {  	[sflag:s20] =	ssyncadd.s32 $0xFFFFE000  }
0x3e5: {  	[tilespmem:s17], [sflag:$0x8] =	stream.indirect.gather [hbm4b:s2+s5], $0x40, s1, s5, $0xb8;
	[tilespmem:$0x11900] =	vst v63  }
0x3e6: {  	_ =	swait.ge [sflag:s28], $0x2000  }
0x3e7: {  	s1 =	sld [smem:$0x7C8]  }
0x3e8: {  	[sflag:s28] =	ssyncset.done $0x0  }
0x3e9: {  	[sflag:s28] =	ssyncadd.s32 $0xFFFFE000  }
0x3ea: {  	[hbm4b:s1+s6] =	stream.strided.scatter [tilespmem:s22], [sflag:$0xD], $0x2000, s8, s6, $0x38;
	[tilespmem:$0x11900] =	vst v63  }
0x3eb: {  	_ =	swait.ge [sflag:s12], $0x2000  }
0x3ec: {  	s1 =	sld [smem:$0x7FB]  }
0x3ed: {  	[sflag:s12] =	ssyncset.done $0x0  }
0x3ee: {  	[sflag:s12] =	ssyncadd.s32 $0xFFFFE000  }
0x3ef: {  	[tilespmem:s4], [sflag:$0x1] =	stream.indirect.gather [hbm4b:s2+s5], $0x40, s1, s5, $0xb8;
	[tilespmem:$0x11900] =	vst v63  }
0x3f0: {  	_ =	swait.ge [sflag:s26], $0x2000  }
0x3f1: {  	s1 =	sld [smem:$0x7C9]  }
0x3f2: {  	[sflag:s26] =	ssyncset.done $0x0  }
0x3f3: {  	[sflag:s26] =	ssyncadd.s32 $0xFFFFE000  }
0x3f4: {  	[hbm4b:s1+s6] =	stream.strided.scatter [tilespmem:s19], [sflag:$0xE], $0x2000, s8, s6, $0x38;
	[tilespmem:$0x11900] =	vst v63  }
0x3f5: {  	_ =	swait.ge [sflag:s18], $0x2000  }
0x3f6: {  	s1 =	sld [smem:$0x7FC]  }
0x3f7: {  	[sflag:s18] =	ssyncset.done $0x0  }
0x3f8: {  	[sflag:s18] =	ssyncadd.s32 $0xFFFFE000  }
0x3f9: {  	[tilespmem:s3], [sflag:$0x2] =	stream.indirect.gather [hbm4b:s2+s5], $0x40, s1, s5, $0xb8;
	[tilespmem:$0x11900] =	vst v63  }
0x3fa: {  	_ =	swait.ge [sflag:s25], $0x2000  }
0x3fb: {  	s1 =	sld [smem:$0x7CA]  }
0x3fc: {  	[sflag:s25] =	ssyncset.done $0x0  }
0x3fd: {  	[sflag:s25] =	ssyncadd.s32 $0xFFFFE000  }
0x3fe: {  	[hbm4b:s1+s6] =	stream.strided.scatter [tilespmem:s15], [sflag:$0xF], $0x2000, s8, s6, $0x38;
	[tilespmem:$0x11900] =	vst v63  }
0x3ff: {  	_ =	swait.ge [sflag:s24], $0x2000  }
0x400: {  	s1 =	sld [smem:$0x7CB]  }
0x401: {  	[sflag:s24] =	ssyncset.done $0x0  }
0x402: {  	[sflag:s24] =	ssyncadd.s32 $0xFFFFE000  }
0x403: {  	[hbm4b:s1+s6] =	stream.strided.scatter [tilespmem:s17], [sflag:$0x10], $0x2000, s8, s6, $0x38;
	[tilespmem:$0x11900] =	vst v63  }
0x404: {  	_ =	swait.ge [sflag:s7], $0x2000  }
0x405: {  	s1 =	sld [smem:$0x7CC]  }
0x406: {  	[sflag:s7] =	ssyncset.done $0x0  }
0x407: {  	[sflag:s7] =	ssyncadd.s32 $0xFFFFE000  }
0x408: {  	[hbm4b:s1+s6] =	stream.strided.scatter [tilespmem:s4], [sflag:$0x9], $0x2000, s8, s6, $0x38;
	[tilespmem:$0x11900] =	vst v63  }
0x409: {  	_ =	swait.ge [sflag:s9], $0x2000  }
0x40a: {  	s1 =	sld [smem:$0x7CE]  }
0x40b: {  	[sflag:s9] =	ssyncset.done $0x0  }
0x40c: {  	[sflag:s9] =	ssyncadd.s32 $0xFFFFE000  }
0x40d: {  	[hbm4b:s1+s6] =	stream.strided.scatter [tilespmem:s3], [sflag:$0xA], $0x2000, s8, s6, $0x38;
	[tilespmem:$0x11900] =	vst v63  }
0x40e: {  	_ =	swait.ge [sflag:s18], $0x2000  }
0x40f: {  	[sflag:s18] =	ssyncset.done $0x0  }
0x410: {  	[sflag:s18] =	ssyncadd.s32 $0xFFFFE000  }
0x411: {  	_ =	swait.ge [sflag:s12], $0x2000  }
0x412: {  	[sflag:s12] =	ssyncset.done $0x0  }
0x413: {  	[sflag:s12] =	ssyncadd.s32 $0xFFFFE000  }
0x414: {  	_ =	swait.ge [sflag:s20], $0x2000  }
0x415: {  	[sflag:s20] =	ssyncset.done $0x0  }
0x416: {  	[sflag:s20] =	ssyncadd.s32 $0xFFFFE000  }
0x417: {  	_ =	swait.ge [sflag:s16], $0x2000  }
0x418: {  	[sflag:s16] =	ssyncset.done $0x0  }
0x419: {  	[sflag:s16] =	ssyncadd.s32 $0xFFFFE000  }
0x41a: {  	_ =	swait.ge [sflag:s14], $0x2000  }
0x41b: {  	[sflag:s14] =	ssyncset.done $0x0  }
0x41c: {  	[sflag:s14] =	ssyncadd.s32 $0xFFFFE000  }
0x41d: {  	_ =	swait.ge [sflag:s13], $0x2000  }
0x41e: {  	[sflag:s13] =	ssyncset.done $0x0  }
0x41f: {  	p1 =	sne.s32 s0, $0x1;
	[sflag:s13] =	ssyncadd.s32 $0xFFFFE000  }
.Ltmp2:
0x420: {  	_ =	swait.ge [sflag:s11], $0x2000;
	(pc) =	sbr.rel @p1 .LBB2_2-.Ltmp2, $4  }
0x421: {  	[sflag:s11] =	ssyncset.done $0x0  }
0x422: {  	[sflag:s11] =	ssyncadd.s32 $0xFFFFE000  }
0x423: {  	_ =	swait.ge [sflag:s10], $0x2000  }
0x424: {  	s0 =	sadd.s32 $0xFFFFFFFF, s0;
	s1 =	rddreg [dreg:$0x3];
	[sflag:s10] =	ssyncset.done $0x0  }
.LBB2_3:
0x425: {  	[sflag:s10] =	ssyncadd.s32 @p0 $0xFFFFE000;
	s0 =	simm.s32 $0x0;
	s31 =	simm.s32 $0x1000  }
0x426: {  	[tilespmem:s0], [sflag:$0x11] =	stream.strided.gather [hbm4b:s1+s5], $0x1900, s31, s5, $0x38;
	[tilespmem:$0x11900] =	vst v63  }
0x427: {  	s1 =	simm.s32 $0x11  }
0x428: {  	_ =	swait.ge [sflag:s1], $0x1900  }
0x429: {  	[sflag:s1] =	ssyncset.done $0x0  }
0x42a: {  	[sflag:s1] =	ssyncadd.s32 $0xFFFFE700  }
0x42b: {  	[tilespmem:s4], [sflag:$0x1] =	stream.indirect.gather [hbm4b:s2+s5], $0x40, s0, s5, $0xb8;
	[tilespmem:$0x11900] =	vst v63  }
0x42c: {  	s0 =	sld [smem:$0x7CF]  }
0x42d: {  	[tilespmem:s3], [sflag:$0x2] =	stream.indirect.gather [hbm4b:s2+s5], $0x40, s5, s5, $0xb8;
	[tilespmem:$0x11900] =	vst v63  }
0x42e: {  	s1 =	sld [smem:$0x7D0]  }
0x42f: {  	[tilespmem:s23], [sflag:$0x3] =	stream.indirect.gather [hbm4b:s2+s5], $0x40, s0, s5, $0xb8;
	[tilespmem:$0x11900] =	vst v63  }
0x430: {  	_ = 	snop  }
0x431: {  	[tilespmem:s21], [sflag:$0x4] =	stream.indirect.gather [hbm4b:s2+s5], $0x40, s1, s5, $0xb8;
	[tilespmem:$0x11900] =	vst v63  }
0x432: {  	_ =	swait.ge [sflag:s7], $0x2000  }
0x433: {  	s1 =	sld [smem:$0x7CD]  }
0x434: {  	[sflag:s7] =	ssyncset.done $0x0  }
0x435: {  	s0 =	sld [smem:$0x7D1];
	[sflag:s7] =	ssyncadd.s32 $0xFFFFE000  }
0x436: {  	[hbm4b:s1+s6] =	stream.strided.scatter [tilespmem:s4], [sflag:$0x9], $0x2000, s8, s6, $0x38;
	[tilespmem:$0x11900] =	vst v63  }
0x437: {  	_ = 	snop  }
0x438: {  	[tilespmem:s22], [sflag:$0x5] =	stream.indirect.gather [hbm4b:s2+s5], $0x40, s0, s5, $0xb8;
	[tilespmem:$0x11900] =	vst v63  }
0x439: {  	_ =	swait.ge [sflag:s9], $0x2000  }
0x43a: {  	s0 =	rddreg [dreg:$0x4];
	[sflag:s9] =	ssyncset.done $0x0  }
0x43b: {  	s1 =	sld [smem:$0x7D2];
	[sflag:s9] =	ssyncadd.s32 $0xFFFFE000  }
0x43c: {  	[hbm4b:s0+s6] =	stream.strided.scatter [tilespmem:s3], [sflag:$0xA], $0x2000, s8, s6, $0x38;
	[tilespmem:$0x11900] =	vst v63  }
0x43d: {  	_ = 	snop  }
0x43e: {  	[tilespmem:s19], [sflag:$0x6] =	stream.indirect.gather [hbm4b:s2+s5], $0x40, s1, s5, $0xb8;
	[tilespmem:$0x11900] =	vst v63  }
0x43f: {  	_ =	swait.ge [sflag:s30], $0x2000  }
0x440: {  	s0 =	rddreg [dreg:$0x5];
	[sflag:s30] =	ssyncset.done $0x0  }
0x441: {  	s1 =	sld [smem:$0x7D3];
	[sflag:s30] =	ssyncadd.s32 $0xFFFFE000  }
0x442: {  	[hbm4b:s0+s6] =	stream.strided.scatter [tilespmem:s23], [sflag:$0xB], $0x2000, s8, s6, $0x38;
	[tilespmem:$0x11900] =	vst v63  }
0x443: {  	_ = 	snop  }
0x444: {  	[tilespmem:s15], [sflag:$0x7] =	stream.indirect.gather [hbm4b:s2+s5], $0x40, s1, s5, $0xb8;
	[tilespmem:$0x11900] =	vst v63  }
0x445: {  	_ =	swait.ge [sflag:s29], $0x2000  }
0x446: {  	s0 =	rddreg [dreg:$0x6];
	[sflag:s29] =	ssyncset.done $0x0  }
0x447: {  	s1 =	sld [smem:$0x7D4];
	[sflag:s29] =	ssyncadd.s32 $0xFFFFE000  }
0x448: {  	[hbm4b:s0+s6] =	stream.strided.scatter [tilespmem:s21], [sflag:$0xC], $0x2000, s8, s6, $0x38;
	[tilespmem:$0x11900] =	vst v63  }
0x449: {  	_ = 	snop  }
0x44a: {  	[tilespmem:s17], [sflag:$0x8] =	stream.indirect.gather [hbm4b:s2+s5], $0x40, s1, s5, $0xb8;
	[tilespmem:$0x11900] =	vst v63  }
0x44b: {  	_ =	swait.ge [sflag:s28], $0x2000  }
0x44c: {  	[sflag:s28] =	ssyncset.done $0x0  }
0x44d: {  	s1 =	rddreg [dreg:$0x7];
	[sflag:s28] =	ssyncadd.s32 $0xFFFFE000  }
0x44e: {  	[hbm4b:s1+s6] =	stream.strided.scatter [tilespmem:s22], [sflag:$0xD], $0x2000, s8, s6, $0x38;
	[tilespmem:$0x11900] =	vst v63  }
0x44f: {  	_ =	swait.ge [sflag:s12], $0x2000  }
0x450: {  	s1 =	sld [smem:$0x7D5]  }
0x451: {  	[sflag:s12] =	ssyncset.done $0x0  }
0x452: {  	[sflag:s12] =	ssyncadd.s32 $0xFFFFE000  }
0x453: {  	[tilespmem:s4], [sflag:$0x1] =	stream.indirect.gather [hbm4b:s2+s5], $0x40, s1, s5, $0xb8;
	[tilespmem:$0x11900] =	vst v63  }
0x454: {  	_ =	swait.ge [sflag:s26], $0x2000  }
0x455: {  	[sflag:s26] =	ssyncset.done $0x0  }
0x456: {  	s1 =	rddreg [dreg:$0x8];
	[sflag:s26] =	ssyncadd.s32 $0xFFFFE000  }
0x457: {  	[hbm4b:s1+s6] =	stream.strided.scatter [tilespmem:s19], [sflag:$0xE], $0x2000, s8, s6, $0x38;
	[tilespmem:$0x11900] =	vst v63  }
0x458: {  	_ =	swait.ge [sflag:s18], $0x2000  }
0x459: {  	s1 =	sld [smem:$0x7D6]  }
0x45a: {  	[sflag:s18] =	ssyncset.done $0x0  }
0x45b: {  	[sflag:s18] =	ssyncadd.s32 $0xFFFFE000  }
0x45c: {  	[tilespmem:s3], [sflag:$0x2] =	stream.indirect.gather [hbm4b:s2+s5], $0x40, s1, s5, $0xb8;
	[tilespmem:$0x11900] =	vst v63  }
0x45d: {  	_ =	swait.ge [sflag:s25], $0x2000  }
0x45e: {  	[sflag:s25] =	ssyncset.done $0x0  }
0x45f: {  	s1 =	rddreg [dreg:$0x9];
	[sflag:s25] =	ssyncadd.s32 $0xFFFFE000  }
0x460: {  	[hbm4b:s1+s6] =	stream.strided.scatter [tilespmem:s15], [sflag:$0xF], $0x2000, s8, s6, $0x38;
	[tilespmem:$0x11900] =	vst v63  }
0x461: {  	_ =	swait.ge [sflag:s10], $0x2000  }
0x462: {  	s1 =	sld [smem:$0x7D7]  }
0x463: {  	[sflag:s10] =	ssyncset.done $0x0  }
0x464: {  	[sflag:s10] =	ssyncadd.s32 $0xFFFFE000  }
0x465: {  	[tilespmem:s23], [sflag:$0x3] =	stream.indirect.gather [hbm4b:s2+s5], $0x40, s1, s5, $0xb8;
	[tilespmem:$0x11900] =	vst v63  }
0x466: {  	_ =	swait.ge [sflag:s24], $0x2000  }
0x467: {  	[sflag:s24] =	ssyncset.done $0x0  }
0x468: {  	s1 =	rddreg [dreg:$0xa];
	[sflag:s24] =	ssyncadd.s32 $0xFFFFE000  }
0x469: {  	[hbm4b:s1+s6] =	stream.strided.scatter [tilespmem:s17], [sflag:$0x10], $0x2000, s8, s6, $0x38;
	[tilespmem:$0x11900] =	vst v63  }
0x46a: {  	_ =	swait.ge [sflag:s11], $0x2000  }
0x46b: {  	s1 =	sld [smem:$0x7D8]  }
0x46c: {  	[sflag:s11] =	ssyncset.done $0x0  }
0x46d: {  	[sflag:s11] =	ssyncadd.s32 $0xFFFFE000  }
0x46e: {  	[tilespmem:s21], [sflag:$0x4] =	stream.indirect.gather [hbm4b:s2+s5], $0x40, s1, s5, $0xb8;
	[tilespmem:$0x11900] =	vst v63  }
0x46f: {  	_ =	swait.ge [sflag:s7], $0x2000  }
0x470: {  	[sflag:s7] =	ssyncset.done $0x0  }
0x471: {  	s1 =	rddreg [dreg:$0xb];
	[sflag:s7] =	ssyncadd.s32 $0xFFFFE000  }
0x472: {  	[hbm4b:s1+s6] =	stream.strided.scatter [tilespmem:s4], [sflag:$0x9], $0x2000, s8, s6, $0x38;
	[tilespmem:$0x11900] =	vst v63  }
0x473: {  	_ =	swait.ge [sflag:s13], $0x2000  }
0x474: {  	s1 =	sld [smem:$0x7D9]  }
0x475: {  	[sflag:s13] =	ssyncset.done $0x0  }
0x476: {  	[sflag:s13] =	ssyncadd.s32 $0xFFFFE000  }
0x477: {  	[tilespmem:s22], [sflag:$0x5] =	stream.indirect.gather [hbm4b:s2+s5], $0x40, s1, s5, $0xb8;
	[tilespmem:$0x11900] =	vst v63  }
0x478: {  	_ =	swait.ge [sflag:s9], $0x2000  }
0x479: {  	[sflag:s9] =	ssyncset.done $0x0  }
0x47a: {  	s1 =	rddreg [dreg:$0xc];
	[sflag:s9] =	ssyncadd.s32 $0xFFFFE000  }
0x47b: {  	[hbm4b:s1+s6] =	stream.strided.scatter [tilespmem:s3], [sflag:$0xA], $0x2000, s8, s6, $0x38;
	[tilespmem:$0x11900] =	vst v63  }
0x47c: {  	_ =	swait.ge [sflag:s14], $0x2000  }
0x47d: {  	s1 =	sld [smem:$0x7DA]  }
0x47e: {  	[sflag:s14] =	ssyncset.done $0x0  }
0x47f: {  	[sflag:s14] =	ssyncadd.s32 $0xFFFFE000  }
0x480: {  	[tilespmem:s19], [sflag:$0x6] =	stream.indirect.gather [hbm4b:s2+s5], $0x40, s1, s5, $0xb8;
	[tilespmem:$0x11900] =	vst v63  }
0x481: {  	_ =	swait.ge [sflag:s30], $0x2000  }
0x482: {  	[sflag:s30] =	ssyncset.done $0x0  }
0x483: {  	s1 =	rddreg [dreg:$0xd];
	[sflag:s30] =	ssyncadd.s32 $0xFFFFE000  }
0x484: {  	[hbm4b:s1+s6] =	stream.strided.scatter [tilespmem:s23], [sflag:$0xB], $0x2000, s8, s6, $0x38;
	[tilespmem:$0x11900] =	vst v63  }
0x485: {  	_ =	swait.ge [sflag:s16], $0x2000  }
0x486: {  	s1 =	sld [smem:$0x7DB]  }
0x487: {  	[sflag:s16] =	ssyncset.done $0x0  }
0x488: {  	[sflag:s16] =	ssyncadd.s32 $0xFFFFE000  }
0x489: {  	[tilespmem:s15], [sflag:$0x7] =	stream.indirect.gather [hbm4b:s2+s5], $0x40, s1, s5, $0xb8;
	[tilespmem:$0x11900] =	vst v63  }
0x48a: {  	_ =	swait.ge [sflag:s29], $0x2000  }
0x48b: {  	[sflag:s29] =	ssyncset.done $0x0  }
0x48c: {  	s1 =	rddreg [dreg:$0xe];
	[sflag:s29] =	ssyncadd.s32 $0xFFFFE000  }
0x48d: {  	[hbm4b:s1+s6] =	stream.strided.scatter [tilespmem:s21], [sflag:$0xC], $0x2000, s8, s6, $0x38;
	[tilespmem:$0x11900] =	vst v63  }
0x48e: {  	_ =	swait.ge [sflag:s20], $0x2000  }
0x48f: {  	s1 =	sld [smem:$0x7DC]  }
0x490: {  	[sflag:s20] =	ssyncset.done $0x0  }
0x491: {  	[sflag:s20] =	ssyncadd.s32 $0xFFFFE000  }
0x492: {  	[tilespmem:s17], [sflag:$0x8] =	stream.indirect.gather [hbm4b:s2+s5], $0x40, s1, s5, $0xb8;
	[tilespmem:$0x11900] =	vst v63  }
0x493: {  	_ =	swait.ge [sflag:s28], $0x2000  }
0x494: {  	[sflag:s28] =	ssyncset.done $0x0  }
0x495: {  	s1 =	rddreg [dreg:$0xf];
	[sflag:s28] =	ssyncadd.s32 $0xFFFFE000  }
0x496: {  	[hbm4b:s1+s6] =	stream.strided.scatter [tilespmem:s22], [sflag:$0xD], $0x2000, s8, s6, $0x38;
	[tilespmem:$0x11900] =	vst v63  }
0x497: {  	_ =	swait.ge [sflag:s12], $0x2000  }
0x498: {  	s1 =	sld [smem:$0x7DD]  }
0x499: {  	[sflag:s12] =	ssyncset.done $0x0  }
0x49a: {  	[sflag:s12] =	ssyncadd.s32 $0xFFFFE000  }
0x49b: {  	[tilespmem:s4], [sflag:$0x1] =	stream.indirect.gather [hbm4b:s2+s5], $0x40, s1, s5, $0xb8;
	[tilespmem:$0x11900] =	vst v63  }
0x49c: {  	_ =	swait.ge [sflag:s26], $0x2000  }
0x49d: {  	[sflag:s26] =	ssyncset.done $0x0  }
0x49e: {  	s1 =	rddreg [dreg:$0x10];
	[sflag:s26] =	ssyncadd.s32 $0xFFFFE000  }
0x49f: {  	[hbm4b:s1+s6] =	stream.strided.scatter [tilespmem:s19], [sflag:$0xE], $0x2000, s8, s6, $0x38;
	[tilespmem:$0x11900] =	vst v63  }
0x4a0: {  	_ =	swait.ge [sflag:s18], $0x2000  }
0x4a1: {  	s1 =	sld [smem:$0x7DE]  }
0x4a2: {  	[sflag:s18] =	ssyncset.done $0x0  }
0x4a3: {  	[sflag:s18] =	ssyncadd.s32 $0xFFFFE000  }
0x4a4: {  	[tilespmem:s3], [sflag:$0x2] =	stream.indirect.gather [hbm4b:s2+s5], $0x40, s1, s5, $0xb8;
	[tilespmem:$0x11900] =	vst v63  }
0x4a5: {  	_ =	swait.ge [sflag:s25], $0x2000  }
0x4a6: {  	[sflag:s25] =	ssyncset.done $0x0  }
0x4a7: {  	s1 =	rddreg [dreg:$0x11];
	[sflag:s25] =	ssyncadd.s32 $0xFFFFE000  }
0x4a8: {  	[hbm4b:s1+s6] =	stream.strided.scatter [tilespmem:s15], [sflag:$0xF], $0x2000, s8, s6, $0x38;
	[tilespmem:$0x11900] =	vst v63  }
0x4a9: {  	_ =	swait.ge [sflag:s10], $0x2000  }
0x4aa: {  	s1 =	sld [smem:$0x7DF]  }
0x4ab: {  	[sflag:s10] =	ssyncset.done $0x0  }
0x4ac: {  	[sflag:s10] =	ssyncadd.s32 $0xFFFFE000  }
0x4ad: {  	[tilespmem:s23], [sflag:$0x3] =	stream.indirect.gather [hbm4b:s2+s5], $0x40, s1, s5, $0xb8;
	[tilespmem:$0x11900] =	vst v63  }
0x4ae: {  	_ =	swait.ge [sflag:s24], $0x2000  }
0x4af: {  	[sflag:s24] =	ssyncset.done $0x0  }
0x4b0: {  	s1 =	rddreg [dreg:$0x12];
	[sflag:s24] =	ssyncadd.s32 $0xFFFFE000  }
0x4b1: {  	[hbm4b:s1+s6] =	stream.strided.scatter [tilespmem:s17], [sflag:$0x10], $0x2000, s8, s6, $0x38;
	[tilespmem:$0x11900] =	vst v63  }
0x4b2: {  	_ =	swait.ge [sflag:s11], $0x2000  }
0x4b3: {  	s1 =	sld [smem:$0x7E0]  }
0x4b4: {  	[sflag:s11] =	ssyncset.done $0x0  }
0x4b5: {  	[sflag:s11] =	ssyncadd.s32 $0xFFFFE000  }
0x4b6: {  	[tilespmem:s21], [sflag:$0x4] =	stream.indirect.gather [hbm4b:s2+s5], $0x40, s1, s5, $0xb8;
	[tilespmem:$0x11900] =	vst v63  }
0x4b7: {  	_ =	swait.ge [sflag:s7], $0x2000  }
0x4b8: {  	[sflag:s7] =	ssyncset.done $0x0  }
0x4b9: {  	s1 =	rddreg [dreg:$0x13];
	[sflag:s7] =	ssyncadd.s32 $0xFFFFE000  }
0x4ba: {  	[hbm4b:s1+s6] =	stream.strided.scatter [tilespmem:s4], [sflag:$0x9], $0x2000, s8, s6, $0x38;
	[tilespmem:$0x11900] =	vst v63  }
0x4bb: {  	_ =	swait.ge [sflag:s13], $0x2000  }
0x4bc: {  	s1 =	sld [smem:$0x7E1]  }
0x4bd: {  	[sflag:s13] =	ssyncset.done $0x0  }
0x4be: {  	[sflag:s13] =	ssyncadd.s32 $0xFFFFE000  }
0x4bf: {  	[tilespmem:s22], [sflag:$0x5] =	stream.indirect.gather [hbm4b:s2+s5], $0x40, s1, s5, $0xb8;
	[tilespmem:$0x11900] =	vst v63  }
0x4c0: {  	_ =	swait.ge [sflag:s9], $0x2000  }
0x4c1: {  	[sflag:s9] =	ssyncset.done $0x0  }
0x4c2: {  	s1 =	rddreg [dreg:$0x14];
	[sflag:s9] =	ssyncadd.s32 $0xFFFFE000  }
0x4c3: {  	[hbm4b:s1+s6] =	stream.strided.scatter [tilespmem:s3], [sflag:$0xA], $0x2000, s8, s6, $0x38;
	[tilespmem:$0x11900] =	vst v63  }
0x4c4: {  	_ =	swait.ge [sflag:s14], $0x2000  }
0x4c5: {  	s1 =	sld [smem:$0x7E2]  }
0x4c6: {  	[sflag:s14] =	ssyncset.done $0x0  }
0x4c7: {  	[sflag:s14] =	ssyncadd.s32 $0xFFFFE000  }
0x4c8: {  	[tilespmem:s19], [sflag:$0x6] =	stream.indirect.gather [hbm4b:s2+s5], $0x40, s1, s5, $0xb8;
	[tilespmem:$0x11900] =	vst v63  }
0x4c9: {  	_ =	swait.ge [sflag:s30], $0x2000  }
0x4ca: {  	[sflag:s30] =	ssyncset.done $0x0  }
0x4cb: {  	s1 =	rddreg [dreg:$0x15];
	[sflag:s30] =	ssyncadd.s32 $0xFFFFE000  }
0x4cc: {  	[hbm4b:s1+s6] =	stream.strided.scatter [tilespmem:s23], [sflag:$0xB], $0x2000, s8, s6, $0x38;
	[tilespmem:$0x11900] =	vst v63  }
0x4cd: {  	_ =	swait.ge [sflag:s16], $0x2000  }
0x4ce: {  	s1 =	sld [smem:$0x7E3]  }
0x4cf: {  	[sflag:s16] =	ssyncset.done $0x0  }
0x4d0: {  	[sflag:s16] =	ssyncadd.s32 $0xFFFFE000  }
0x4d1: {  	[tilespmem:s15], [sflag:$0x7] =	stream.indirect.gather [hbm4b:s2+s5], $0x40, s1, s5, $0xb8;
	[tilespmem:$0x11900] =	vst v63  }
0x4d2: {  	_ =	swait.ge [sflag:s29], $0x2000  }
0x4d3: {  	[sflag:s29] =	ssyncset.done $0x0  }
0x4d4: {  	s1 =	rddreg [dreg:$0x16];
	[sflag:s29] =	ssyncadd.s32 $0xFFFFE000  }
0x4d5: {  	[hbm4b:s1+s6] =	stream.strided.scatter [tilespmem:s21], [sflag:$0xC], $0x2000, s8, s6, $0x38;
	[tilespmem:$0x11900] =	vst v63  }
0x4d6: {  	_ =	swait.ge [sflag:s20], $0x2000  }
0x4d7: {  	s1 =	sld [smem:$0x7E4]  }
0x4d8: {  	[sflag:s20] =	ssyncset.done $0x0  }
0x4d9: {  	[sflag:s20] =	ssyncadd.s32 $0xFFFFE000  }
0x4da: {  	[tilespmem:s17], [sflag:$0x8] =	stream.indirect.gather [hbm4b:s2+s5], $0x40, s1, s5, $0xb8;
	[tilespmem:$0x11900] =	vst v63  }
0x4db: {  	_ =	swait.ge [sflag:s28], $0x2000  }
0x4dc: {  	[sflag:s28] =	ssyncset.done $0x0  }
0x4dd: {  	s1 =	rddreg [dreg:$0x17];
	[sflag:s28] =	ssyncadd.s32 $0xFFFFE000  }
0x4de: {  	[hbm4b:s1+s6] =	stream.strided.scatter [tilespmem:s22], [sflag:$0xD], $0x2000, s8, s6, $0x38;
	[tilespmem:$0x11900] =	vst v63  }
0x4df: {  	_ =	swait.ge [sflag:s12], $0x2000  }
0x4e0: {  	s1 =	sld [smem:$0x7E5]  }
0x4e1: {  	[sflag:s12] =	ssyncset.done $0x0  }
0x4e2: {  	[sflag:s12] =	ssyncadd.s32 $0xFFFFE000  }
0x4e3: {  	[tilespmem:s4], [sflag:$0x1] =	stream.indirect.gather [hbm4b:s2+s5], $0x40, s1, s5, $0xb8;
	[tilespmem:$0x11900] =	vst v63  }
0x4e4: {  	_ =	swait.ge [sflag:s26], $0x2000  }
0x4e5: {  	[sflag:s26] =	ssyncset.done $0x0  }
0x4e6: {  	s1 =	rddreg [dreg:$0x18];
	[sflag:s26] =	ssyncadd.s32 $0xFFFFE000  }
0x4e7: {  	[hbm4b:s1+s6] =	stream.strided.scatter [tilespmem:s19], [sflag:$0xE], $0x2000, s8, s6, $0x38;
	[tilespmem:$0x11900] =	vst v63  }
0x4e8: {  	_ =	swait.ge [sflag:s18], $0x2000  }
0x4e9: {  	[sflag:s18] =	ssyncset.done $0x0  }
0x4ea: {  	[sflag:s18] =	ssyncadd.s32 $0xFFFFE000  }
0x4eb: {  	[tilespmem:s3], [sflag:$0x2] =	stream.indirect.gather [hbm4b:s2+s5], $0x40, s8, s5, $0xb8;
	[tilespmem:$0x11900] =	vst v63  }
0x4ec: {  	_ =	swait.ge [sflag:s25], $0x2000  }
0x4ed: {  	[sflag:s25] =	ssyncset.done $0x0  }
0x4ee: {  	s1 =	rddreg [dreg:$0x19];
	[sflag:s25] =	ssyncadd.s32 $0xFFFFE000  }
0x4ef: {  	[hbm4b:s1+s6] =	stream.strided.scatter [tilespmem:s15], [sflag:$0xF], $0x2000, s8, s6, $0x38;
	[tilespmem:$0x11900] =	vst v63  }
0x4f0: {  	_ =	swait.ge [sflag:s10], $0x2000  }
0x4f1: {  	s1 =	sld [smem:$0x7E6]  }
0x4f2: {  	[sflag:s10] =	ssyncset.done $0x0  }
0x4f3: {  	[sflag:s10] =	ssyncadd.s32 $0xFFFFE000  }
0x4f4: {  	[tilespmem:s23], [sflag:$0x3] =	stream.indirect.gather [hbm4b:s2+s5], $0x40, s1, s5, $0xb8;
	[tilespmem:$0x11900] =	vst v63  }
0x4f5: {  	_ =	swait.ge [sflag:s24], $0x2000  }
0x4f6: {  	[sflag:s24] =	ssyncset.done $0x0  }
0x4f7: {  	s1 =	rddreg [dreg:$0x1a];
	[sflag:s24] =	ssyncadd.s32 $0xFFFFE000  }
0x4f8: {  	[hbm4b:s1+s6] =	stream.strided.scatter [tilespmem:s17], [sflag:$0x10], $0x2000, s8, s6, $0x38;
	[tilespmem:$0x11900] =	vst v63  }
0x4f9: {  	_ =	swait.ge [sflag:s11], $0x2000  }
0x4fa: {  	s1 =	sld [smem:$0x7E7]  }
0x4fb: {  	[sflag:s11] =	ssyncset.done $0x0  }
0x4fc: {  	[sflag:s11] =	ssyncadd.s32 $0xFFFFE000  }
0x4fd: {  	[tilespmem:s21], [sflag:$0x4] =	stream.indirect.gather [hbm4b:s2+s5], $0x40, s1, s5, $0xb8;
	[tilespmem:$0x11900] =	vst v63  }
0x4fe: {  	_ =	swait.ge [sflag:s7], $0x2000  }
0x4ff: {  	[sflag:s7] =	ssyncset.done $0x0  }
0x500: {  	s1 =	rddreg [dreg:$0x1b];
	[sflag:s7] =	ssyncadd.s32 $0xFFFFE000  }
0x501: {  	[hbm4b:s1+s6] =	stream.strided.scatter [tilespmem:s4], [sflag:$0x9], $0x2000, s8, s6, $0x38;
	[tilespmem:$0x11900] =	vst v63  }
0x502: {  	_ =	swait.ge [sflag:s13], $0x2000  }
0x503: {  	s1 =	sld [smem:$0x7E8]  }
0x504: {  	[sflag:s13] =	ssyncset.done $0x0  }
0x505: {  	[sflag:s13] =	ssyncadd.s32 $0xFFFFE000  }
0x506: {  	[tilespmem:s22], [sflag:$0x5] =	stream.indirect.gather [hbm4b:s2+s5], $0x40, s1, s5, $0xb8;
	[tilespmem:$0x11900] =	vst v63  }
0x507: {  	_ =	swait.ge [sflag:s9], $0x2000  }
0x508: {  	[sflag:s9] =	ssyncset.done $0x0  }
0x509: {  	s1 =	rddreg [dreg:$0x1c];
	[sflag:s9] =	ssyncadd.s32 $0xFFFFE000  }
0x50a: {  	[hbm4b:s1+s6] =	stream.strided.scatter [tilespmem:s3], [sflag:$0xA], $0x2000, s8, s6, $0x38;
	[tilespmem:$0x11900] =	vst v63  }
0x50b: {  	_ =	swait.ge [sflag:s14], $0x2000  }
0x50c: {  	s1 =	sld [smem:$0x7E9]  }
0x50d: {  	[sflag:s14] =	ssyncset.done $0x0  }
0x50e: {  	[sflag:s14] =	ssyncadd.s32 $0xFFFFE000  }
0x50f: {  	[tilespmem:s19], [sflag:$0x6] =	stream.indirect.gather [hbm4b:s2+s5], $0x40, s1, s5, $0xb8;
	[tilespmem:$0x11900] =	vst v63  }
0x510: {  	_ =	swait.ge [sflag:s30], $0x2000  }
0x511: {  	[sflag:s30] =	ssyncset.done $0x0  }
0x512: {  	s1 =	rddreg [dreg:$0x1d];
	[sflag:s30] =	ssyncadd.s32 $0xFFFFE000  }
0x513: {  	[hbm4b:s1+s6] =	stream.strided.scatter [tilespmem:s23], [sflag:$0xB], $0x2000, s8, s6, $0x38;
	[tilespmem:$0x11900] =	vst v63  }
0x514: {  	_ =	swait.ge [sflag:s16], $0x2000  }
0x515: {  	s1 =	sld [smem:$0x7EA]  }
0x516: {  	[sflag:s16] =	ssyncset.done $0x0  }
0x517: {  	[sflag:s16] =	ssyncadd.s32 $0xFFFFE000  }
0x518: {  	[tilespmem:s15], [sflag:$0x7] =	stream.indirect.gather [hbm4b:s2+s5], $0x40, s1, s5, $0xb8;
	[tilespmem:$0x11900] =	vst v63  }
0x519: {  	_ =	swait.ge [sflag:s29], $0x2000  }
0x51a: {  	[sflag:s29] =	ssyncset.done $0x0  }
0x51b: {  	s1 =	rddreg [dreg:$0x1e];
	[sflag:s29] =	ssyncadd.s32 $0xFFFFE000  }
0x51c: {  	[hbm4b:s1+s6] =	stream.strided.scatter [tilespmem:s21], [sflag:$0xC], $0x2000, s8, s6, $0x38;
	[tilespmem:$0x11900] =	vst v63  }
0x51d: {  	_ =	swait.ge [sflag:s20], $0x2000  }
0x51e: {  	s1 =	sld [smem:$0x7EB]  }
0x51f: {  	[sflag:s20] =	ssyncset.done $0x0  }
0x520: {  	[sflag:s20] =	ssyncadd.s32 $0xFFFFE000  }
0x521: {  	[tilespmem:s17], [sflag:$0x8] =	stream.indirect.gather [hbm4b:s2+s5], $0x40, s1, s5, $0xb8;
	[tilespmem:$0x11900] =	vst v63  }
0x522: {  	_ =	swait.ge [sflag:s28], $0x2000  }
0x523: {  	[sflag:s28] =	ssyncset.done $0x0  }
0x524: {  	s1 =	rddreg [dreg:$0x1f];
	[sflag:s28] =	ssyncadd.s32 $0xFFFFE000  }
0x525: {  	[hbm4b:s1+s6] =	stream.strided.scatter [tilespmem:s22], [sflag:$0xD], $0x2000, s8, s6, $0x38;
	[tilespmem:$0x11900] =	vst v63  }
0x526: {  	_ =	swait.ge [sflag:s12], $0x2000  }
0x527: {  	[sflag:s12] =	ssyncset.done $0x0  }
0x528: {  	s31 =	simm.s32 $0x1000;
	[sflag:s12] =	ssyncadd.s32 $0xFFFFE000  }
0x529: {  	[tilespmem:s4], [sflag:$0x1] =	stream.indirect.gather [hbm4b:s2+s5], $0x40, s31, s5, $0xb8;
	[tilespmem:$0x11900] =	vst v63  }
0x52a: {  	_ =	swait.ge [sflag:s26], $0x2000  }
0x52b: {  	s1 =	sld [smem:$0x7B9]  }
0x52c: {  	[sflag:s26] =	ssyncset.done $0x0  }
0x52d: {  	[sflag:s26] =	ssyncadd.s32 $0xFFFFE000  }
0x52e: {  	[hbm4b:s1+s6] =	stream.strided.scatter [tilespmem:s19], [sflag:$0xE], $0x2000, s8, s6, $0x38;
	[tilespmem:$0x11900] =	vst v63  }
0x52f: {  	_ =	swait.ge [sflag:s18], $0x2000  }
0x530: {  	s31 =	sld [smem:$0x7EC]  }
0x531: {  	[sflag:s18] =	ssyncset.done $0x0  }
0x532: {  	[sflag:s18] =	ssyncadd.s32 $0xFFFFE000  }
0x533: {  	[tilespmem:s3], [sflag:$0x2] =	stream.indirect.gather [hbm4b:s2+s5], $0x40, s31, s5, $0xb8;
	[tilespmem:$0x11900] =	vst v63  }
0x534: {  	_ =	swait.ge [sflag:s25], $0x2000  }
0x535: {  	s1 =	sld [smem:$0x7BA]  }
0x536: {  	[sflag:s25] =	ssyncset.done $0x0  }
0x537: {  	[sflag:s25] =	ssyncadd.s32 $0xFFFFE000  }
0x538: {  	[hbm4b:s1+s6] =	stream.strided.scatter [tilespmem:s15], [sflag:$0xF], $0x2000, s8, s6, $0x38;
	[tilespmem:$0x11900] =	vst v63  }
0x539: {  	_ =	swait.ge [sflag:s10], $0x2000  }
0x53a: {  	s31 =	sld [smem:$0x7ED]  }
0x53b: {  	[sflag:s10] =	ssyncset.done $0x0  }
0x53c: {  	[sflag:s10] =	ssyncadd.s32 $0xFFFFE000  }
0x53d: {  	[tilespmem:s23], [sflag:$0x3] =	stream.indirect.gather [hbm4b:s2+s5], $0x40, s31, s5, $0xb8;
	[tilespmem:$0x11900] =	vst v63  }
0x53e: {  	_ =	swait.ge [sflag:s24], $0x2000  }
0x53f: {  	s1 =	sld [smem:$0x7BB]  }
0x540: {  	[sflag:s24] =	ssyncset.done $0x0  }
0x541: {  	[sflag:s24] =	ssyncadd.s32 $0xFFFFE000  }
0x542: {  	[hbm4b:s1+s6] =	stream.strided.scatter [tilespmem:s17], [sflag:$0x10], $0x2000, s8, s6, $0x38;
	[tilespmem:$0x11900] =	vst v63  }
0x543: {  	_ =	swait.ge [sflag:s11], $0x2000  }
0x544: {  	s31 =	sld [smem:$0x7EE]  }
0x545: {  	[sflag:s11] =	ssyncset.done $0x0  }
0x546: {  	[sflag:s11] =	ssyncadd.s32 $0xFFFFE000  }
0x547: {  	[tilespmem:s21], [sflag:$0x4] =	stream.indirect.gather [hbm4b:s2+s5], $0x40, s31, s5, $0xb8;
	[tilespmem:$0x11900] =	vst v63  }
0x548: {  	_ =	swait.ge [sflag:s7], $0x2000  }
0x549: {  	s1 =	sld [smem:$0x7BC]  }
0x54a: {  	[sflag:s7] =	ssyncset.done $0x0  }
0x54b: {  	[sflag:s7] =	ssyncadd.s32 $0xFFFFE000  }
0x54c: {  	[hbm4b:s1+s6] =	stream.strided.scatter [tilespmem:s4], [sflag:$0x9], $0x2000, s8, s6, $0x38;
	[tilespmem:$0x11900] =	vst v63  }
0x54d: {  	_ =	swait.ge [sflag:s13], $0x2000  }
0x54e: {  	s31 =	sld [smem:$0x7EF]  }
0x54f: {  	[sflag:s13] =	ssyncset.done $0x0  }
0x550: {  	[sflag:s13] =	ssyncadd.s32 $0xFFFFE000  }
0x551: {  	[tilespmem:s22], [sflag:$0x5] =	stream.indirect.gather [hbm4b:s2+s5], $0x40, s31, s5, $0xb8;
	[tilespmem:$0x11900] =	vst v63  }
0x552: {  	_ =	swait.ge [sflag:s9], $0x2000  }
0x553: {  	s1 =	sld [smem:$0x7BD]  }
0x554: {  	[sflag:s9] =	ssyncset.done $0x0  }
0x555: {  	[sflag:s9] =	ssyncadd.s32 $0xFFFFE000  }
0x556: {  	[hbm4b:s1+s6] =	stream.strided.scatter [tilespmem:s3], [sflag:$0xA], $0x2000, s8, s6, $0x38;
	[tilespmem:$0x11900] =	vst v63  }
0x557: {  	_ =	swait.ge [sflag:s14], $0x2000  }
0x558: {  	s31 =	sld [smem:$0x7F0]  }
0x559: {  	[sflag:s14] =	ssyncset.done $0x0  }
0x55a: {  	[sflag:s14] =	ssyncadd.s32 $0xFFFFE000  }
0x55b: {  	[tilespmem:s19], [sflag:$0x6] =	stream.indirect.gather [hbm4b:s2+s5], $0x40, s31, s5, $0xb8;
	[tilespmem:$0x11900] =	vst v63  }
0x55c: {  	_ =	swait.ge [sflag:s30], $0x2000  }
0x55d: {  	s1 =	sld [smem:$0x7BE]  }
0x55e: {  	[sflag:s30] =	ssyncset.done $0x0  }
0x55f: {  	[sflag:s30] =	ssyncadd.s32 $0xFFFFE000  }
0x560: {  	[hbm4b:s1+s6] =	stream.strided.scatter [tilespmem:s23], [sflag:$0xB], $0x2000, s8, s6, $0x38;
	[tilespmem:$0x11900] =	vst v63  }
0x561: {  	_ =	swait.ge [sflag:s16], $0x2000  }
0x562: {  	s31 =	sld [smem:$0x7F1]  }
0x563: {  	[sflag:s16] =	ssyncset.done $0x0  }
0x564: {  	[sflag:s16] =	ssyncadd.s32 $0xFFFFE000  }
0x565: {  	[tilespmem:s15], [sflag:$0x7] =	stream.indirect.gather [hbm4b:s2+s5], $0x40, s31, s5, $0xb8;
	[tilespmem:$0x11900] =	vst v63  }
0x566: {  	_ =	swait.ge [sflag:s29], $0x2000  }
0x567: {  	s1 =	sld [smem:$0x7BF]  }
0x568: {  	[sflag:s29] =	ssyncset.done $0x0  }
0x569: {  	[sflag:s29] =	ssyncadd.s32 $0xFFFFE000  }
0x56a: {  	[hbm4b:s1+s6] =	stream.strided.scatter [tilespmem:s21], [sflag:$0xC], $0x2000, s8, s6, $0x38;
	[tilespmem:$0x11900] =	vst v63  }
0x56b: {  	_ =	swait.ge [sflag:s20], $0x2000  }
0x56c: {  	s31 =	sld [smem:$0x7F2]  }
0x56d: {  	[sflag:s20] =	ssyncset.done $0x0  }
0x56e: {  	[sflag:s20] =	ssyncadd.s32 $0xFFFFE000  }
0x56f: {  	[tilespmem:s17], [sflag:$0x8] =	stream.indirect.gather [hbm4b:s2+s5], $0x40, s31, s5, $0xb8;
	[tilespmem:$0x11900] =	vst v63  }
0x570: {  	_ =	swait.ge [sflag:s28], $0x2000  }
0x571: {  	s1 =	sld [smem:$0x7C0]  }
0x572: {  	[sflag:s28] =	ssyncset.done $0x0  }
0x573: {  	[sflag:s28] =	ssyncadd.s32 $0xFFFFE000  }
0x574: {  	[hbm4b:s1+s6] =	stream.strided.scatter [tilespmem:s22], [sflag:$0xD], $0x2000, s8, s6, $0x38;
	[tilespmem:$0x11900] =	vst v63  }
0x575: {  	_ =	swait.ge [sflag:s12], $0x2000  }
0x576: {  	s31 =	sld [smem:$0x7F3]  }
0x577: {  	[sflag:s12] =	ssyncset.done $0x0  }
0x578: {  	[sflag:s12] =	ssyncadd.s32 $0xFFFFE000  }
0x579: {  	[tilespmem:s4], [sflag:$0x1] =	stream.indirect.gather [hbm4b:s2+s5], $0x40, s31, s5, $0xb8;
	[tilespmem:$0x11900] =	vst v63  }
0x57a: {  	_ =	swait.ge [sflag:s26], $0x2000  }
0x57b: {  	s1 =	sld [smem:$0x7C1]  }
0x57c: {  	[sflag:s26] =	ssyncset.done $0x0  }
0x57d: {  	[sflag:s26] =	ssyncadd.s32 $0xFFFFE000  }
0x57e: {  	[hbm4b:s1+s6] =	stream.strided.scatter [tilespmem:s19], [sflag:$0xE], $0x2000, s8, s6, $0x38;
	[tilespmem:$0x11900] =	vst v63  }
0x57f: {  	_ =	swait.ge [sflag:s18], $0x2000  }
0x580: {  	s31 =	sld [smem:$0x7F4]  }
0x581: {  	[sflag:s18] =	ssyncset.done $0x0  }
0x582: {  	[sflag:s18] =	ssyncadd.s32 $0xFFFFE000  }
0x583: {  	[tilespmem:s3], [sflag:$0x2] =	stream.indirect.gather [hbm4b:s2+s5], $0x40, s31, s5, $0xb8;
	[tilespmem:$0x11900] =	vst v63  }
0x584: {  	_ =	swait.ge [sflag:s25], $0x2000  }
0x585: {  	s1 =	sld [smem:$0x7C2]  }
0x586: {  	[sflag:s25] =	ssyncset.done $0x0  }
0x587: {  	[sflag:s25] =	ssyncadd.s32 $0xFFFFE000  }
0x588: {  	[hbm4b:s1+s6] =	stream.strided.scatter [tilespmem:s15], [sflag:$0xF], $0x2000, s8, s6, $0x38;
	[tilespmem:$0x11900] =	vst v63  }
0x589: {  	_ =	swait.ge [sflag:s10], $0x2000  }
0x58a: {  	s31 =	sld [smem:$0x7F5]  }
0x58b: {  	[sflag:s10] =	ssyncset.done $0x0  }
0x58c: {  	[sflag:s10] =	ssyncadd.s32 $0xFFFFE000  }
0x58d: {  	[tilespmem:s23], [sflag:$0x3] =	stream.indirect.gather [hbm4b:s2+s5], $0x40, s31, s5, $0xb8;
	[tilespmem:$0x11900] =	vst v63  }
0x58e: {  	_ =	swait.ge [sflag:s24], $0x2000  }
0x58f: {  	s1 =	sld [smem:$0x7C3]  }
0x590: {  	[sflag:s24] =	ssyncset.done $0x0  }
0x591: {  	[sflag:s24] =	ssyncadd.s32 $0xFFFFE000  }
0x592: {  	[hbm4b:s1+s6] =	stream.strided.scatter [tilespmem:s17], [sflag:$0x10], $0x2000, s8, s6, $0x38;
	[tilespmem:$0x11900] =	vst v63  }
0x593: {  	_ =	swait.ge [sflag:s11], $0x2000  }
0x594: {  	s31 =	sld [smem:$0x7F6]  }
0x595: {  	[sflag:s11] =	ssyncset.done $0x0  }
0x596: {  	[sflag:s11] =	ssyncadd.s32 $0xFFFFE000  }
0x597: {  	[tilespmem:s21], [sflag:$0x4] =	stream.indirect.gather [hbm4b:s2+s5], $0x40, s31, s5, $0xb8;
	[tilespmem:$0x11900] =	vst v63  }
0x598: {  	_ =	swait.ge [sflag:s7], $0x2000  }
0x599: {  	s1 =	sld [smem:$0x7C4]  }
0x59a: {  	[sflag:s7] =	ssyncset.done $0x0  }
0x59b: {  	[sflag:s7] =	ssyncadd.s32 $0xFFFFE000  }
0x59c: {  	[hbm4b:s1+s6] =	stream.strided.scatter [tilespmem:s4], [sflag:$0x9], $0x2000, s8, s6, $0x38;
	[tilespmem:$0x11900] =	vst v63  }
0x59d: {  	_ =	swait.ge [sflag:s13], $0x2000  }
0x59e: {  	s31 =	sld [smem:$0x7F7]  }
0x59f: {  	[sflag:s13] =	ssyncset.done $0x0  }
0x5a0: {  	[sflag:s13] =	ssyncadd.s32 $0xFFFFE000  }
0x5a1: {  	[tilespmem:s22], [sflag:$0x5] =	stream.indirect.gather [hbm4b:s2+s5], $0x40, s31, s5, $0xb8;
	[tilespmem:$0x11900] =	vst v63  }
0x5a2: {  	_ =	swait.ge [sflag:s9], $0x2000  }
0x5a3: {  	s1 =	sld [smem:$0x7C5]  }
0x5a4: {  	[sflag:s9] =	ssyncset.done $0x0  }
0x5a5: {  	[sflag:s9] =	ssyncadd.s32 $0xFFFFE000  }
0x5a6: {  	[hbm4b:s1+s6] =	stream.strided.scatter [tilespmem:s3], [sflag:$0xA], $0x2000, s8, s6, $0x38;
	[tilespmem:$0x11900] =	vst v63  }
0x5a7: {  	_ =	swait.ge [sflag:s14], $0x2000  }
0x5a8: {  	s31 =	sld [smem:$0x7F8]  }
0x5a9: {  	[sflag:s14] =	ssyncset.done $0x0  }
0x5aa: {  	[sflag:s14] =	ssyncadd.s32 $0xFFFFE000  }
0x5ab: {  	[tilespmem:s19], [sflag:$0x6] =	stream.indirect.gather [hbm4b:s2+s5], $0x40, s31, s5, $0xb8;
	[tilespmem:$0x11900] =	vst v63  }
0x5ac: {  	_ =	swait.ge [sflag:s30], $0x2000  }
0x5ad: {  	s1 =	sld [smem:$0x7C6]  }
0x5ae: {  	[sflag:s30] =	ssyncset.done $0x0  }
0x5af: {  	[sflag:s30] =	ssyncadd.s32 $0xFFFFE000  }
0x5b0: {  	[hbm4b:s1+s6] =	stream.strided.scatter [tilespmem:s23], [sflag:$0xB], $0x2000, s8, s6, $0x38;
	[tilespmem:$0x11900] =	vst v63  }
0x5b1: {  	_ =	swait.ge [sflag:s16], $0x2000  }
0x5b2: {  	s23 =	sld [smem:$0x7F9]  }
0x5b3: {  	[sflag:s16] =	ssyncset.done $0x0  }
0x5b4: {  	[sflag:s16] =	ssyncadd.s32 $0xFFFFE000  }
0x5b5: {  	[tilespmem:s15], [sflag:$0x7] =	stream.indirect.gather [hbm4b:s2+s5], $0x40, s23, s5, $0xb8;
	[tilespmem:$0x11900] =	vst v63  }
0x5b6: {  	_ =	swait.ge [sflag:s29], $0x2000  }
0x5b7: {  	s30 =	sld [smem:$0x7C7]  }
0x5b8: {  	[sflag:s29] =	ssyncset.done $0x0  }
0x5b9: {  	[sflag:s29] =	ssyncadd.s32 $0xFFFFE000  }
0x5ba: {  	[hbm4b:s30+s6] =	stream.strided.scatter [tilespmem:s21], [sflag:$0xC], $0x2000, s8, s6, $0x38;
	[tilespmem:$0x11900] =	vst v63  }
0x5bb: {  	_ =	swait.ge [sflag:s20], $0x2000  }
0x5bc: {  	s31 =	sld [smem:$0x7FA]  }
0x5bd: {  	[sflag:s20] =	ssyncset.done $0x0  }
0x5be: {  	[sflag:s20] =	ssyncadd.s32 $0xFFFFE000  }
0x5bf: {  	[tilespmem:s17], [sflag:$0x8] =	stream.indirect.gather [hbm4b:s2+s5], $0x40, s31, s5, $0xb8;
	[tilespmem:$0x11900] =	vst v63  }
0x5c0: {  	_ =	swait.ge [sflag:s28], $0x2000  }
0x5c1: {  	s1 =	sld [smem:$0x7C8]  }
0x5c2: {  	[sflag:s28] =	ssyncset.done $0x0  }
0x5c3: {  	[sflag:s28] =	ssyncadd.s32 $0xFFFFE000  }
0x5c4: {  	[hbm4b:s1+s6] =	stream.strided.scatter [tilespmem:s22], [sflag:$0xD], $0x2000, s8, s6, $0x38;
	[tilespmem:$0x11900] =	vst v63  }
0x5c5: {  	_ =	swait.ge [sflag:s12], $0x2000  }
0x5c6: {  	s21 =	sld [smem:$0x7FB]  }
0x5c7: {  	[sflag:s12] =	ssyncset.done $0x0  }
0x5c8: {  	[sflag:s12] =	ssyncadd.s32 $0xFFFFE000  }
0x5c9: {  	[tilespmem:s4], [sflag:$0x1] =	stream.indirect.gather [hbm4b:s2+s5], $0x40, s21, s5, $0xb8;
	[tilespmem:$0x11900] =	vst v63  }
0x5ca: {  	_ =	swait.ge [sflag:s26], $0x2000  }
0x5cb: {  	s22 =	sld [smem:$0x7C9]  }
0x5cc: {  	[sflag:s26] =	ssyncset.done $0x0  }
0x5cd: {  	[sflag:s26] =	ssyncadd.s32 $0xFFFFE000  }
0x5ce: {  	[hbm4b:s22+s6] =	stream.strided.scatter [tilespmem:s19], [sflag:$0xE], $0x2000, s8, s6, $0x38;
	[tilespmem:$0x11900] =	vst v63  }
0x5cf: {  	_ =	swait.ge [sflag:s18], $0x2000  }
0x5d0: {  	s23 =	sld [smem:$0x7FC]  }
0x5d1: {  	[sflag:s18] =	ssyncset.done $0x0  }
0x5d2: {  	[sflag:s18] =	ssyncadd.s32 $0xFFFFE000  }
0x5d3: {  	[tilespmem:s3], [sflag:$0x2] =	stream.indirect.gather [hbm4b:s2+s5], $0x40, s23, s5, $0xb8;
	[tilespmem:$0x11900] =	vst v63  }
0x5d4: {  	_ =	swait.ge [sflag:s25], $0x2000  }
0x5d5: {  	s26 =	sld [smem:$0x7CA]  }
0x5d6: {  	[sflag:s25] =	ssyncset.done $0x0  }
0x5d7: {  	[sflag:s25] =	ssyncadd.s32 $0xFFFFE000  }
0x5d8: {  	[hbm4b:s26+s6] =	stream.strided.scatter [tilespmem:s15], [sflag:$0xF], $0x2000, s8, s6, $0x38;
	[tilespmem:$0x11900] =	vst v63  }
0x5d9: {  	_ =	swait.ge [sflag:s24], $0x2000  }
0x5da: {  	s28 =	sld [smem:$0x7CB]  }
0x5db: {  	[sflag:s24] =	ssyncset.done $0x0  }
0x5dc: {  	[sflag:s24] =	ssyncadd.s32 $0xFFFFE000  }
0x5dd: {  	[hbm4b:s28+s6] =	stream.strided.scatter [tilespmem:s17], [sflag:$0x10], $0x2000, s8, s6, $0x38;
	[tilespmem:$0x11900] =	vst v63  }
0x5de: {  	_ =	swait.ge [sflag:s7], $0x2000  }
0x5df: {  	s29 =	sld [smem:$0x7CC]  }
0x5e0: {  	[sflag:s7] =	ssyncset.done $0x0  }
0x5e1: {  	[sflag:s7] =	ssyncadd.s32 $0xFFFFE000  }
0x5e2: {  	[hbm4b:s29+s6] =	stream.strided.scatter [tilespmem:s4], [sflag:$0x9], $0x2000, s8, s6, $0x38;
	[tilespmem:$0x11900] =	vst v63  }
0x5e3: {  	_ =	swait.ge [sflag:s9], $0x2000  }
0x5e4: {  	s30 =	sld [smem:$0x7CE]  }
0x5e5: {  	[sflag:s9] =	ssyncset.done $0x0  }
0x5e6: {  	[sflag:s9] =	ssyncadd.s32 $0xFFFFE000  }
0x5e7: {  	[hbm4b:s30+s6] =	stream.strided.scatter [tilespmem:s3], [sflag:$0xA], $0x2000, s8, s6, $0x38;
	[tilespmem:$0x11900] =	vst v63  }
0x5e8: {  	_ =	swait.ge [sflag:s18], $0x2000  }
0x5e9: {  	[sflag:s18] =	ssyncset.done $0x0  }
0x5ea: {  	[sflag:s18] =	ssyncadd.s32 $0xFFFFE000  }
0x5eb: {  	_ =	swait.ge [sflag:s12], $0x2000  }
0x5ec: {  	[sflag:s12] =	ssyncset.done $0x0  }
0x5ed: {  	[sflag:s12] =	ssyncadd.s32 $0xFFFFE000  }
0x5ee: {  	_ =	swait.ge [sflag:s20], $0x2000  }
0x5ef: {  	[sflag:s20] =	ssyncset.done $0x0  }
0x5f0: {  	[sflag:s20] =	ssyncadd.s32 $0xFFFFE000  }
0x5f1: {  	_ =	swait.ge [sflag:s16], $0x2000  }
0x5f2: {  	[sflag:s16] =	ssyncset.done $0x0  }
0x5f3: {  	[sflag:s16] =	ssyncadd.s32 $0xFFFFE000  }
0x5f4: {  	_ =	swait.ge [sflag:s14], $0x2000  }
0x5f5: {  	[sflag:s14] =	ssyncset.done $0x0  }
0x5f6: {  	[sflag:s14] =	ssyncadd.s32 $0xFFFFE000  }
0x5f7: {  	_ =	swait.ge [sflag:s13], $0x2000  }
0x5f8: {  	[sflag:s13] =	ssyncset.done $0x0  }
0x5f9: {  	[sflag:s13] =	ssyncadd.s32 $0xFFFFE000  }
0x5fa: {  	_ =	swait.ge [sflag:s11], $0x2000  }
0x5fb: {  	[sflag:s11] =	ssyncset.done $0x0  }
0x5fc: {  	[sflag:s11] =	ssyncadd.s32 $0xFFFFE000  }
0x5fd: {  	_ =	swait.ge [sflag:s10], $0x2000  }
0x5fe: {  	[sflag:s10] =	ssyncset.done $0x0  }
0x5ff: {  	[sflag:s10] =	ssyncadd.s32 $0xFFFFE000  }
0x600: {  	_ =	sfence.sel $0x180000  }
0x601: {  	[bflag:$0x0] =	sbarrier.arrive $0xFFFF  }
0x602: {  	_ =	strace $0x90000047  }
0x603: {  	s31 =	stileid.u32;
	[bflag:$0x2] =	sbarrier.arrive $0xFFFF  }
0x604: {  	p0 =	sne.s32 s31, $0x0;
	s0 =	rddreg [dreg:$0x2]  }
0x605: {  	s0 =	sadd.s32 @!p0 $0x100000, s0  }
0x606: {  	[sflag:s0] =	ssyncadd.tile.s32 @!p0 $0x1;
	_ =	shalt  }
.Lfunc_end2:
_tile_overlayer_lowered:
.L_overlay_start_2:
0x607: {  	(tag) =	ssettag $0x2  }
0x608: {  	s0 =	rddreg [dreg:$0x0];
	s2 =	stileid.u32  }
0x609: {  	s1 =	rddreg [dreg:$0x1];
	p0 =	sne.s32 s2, $0x0  }
0x60a: {  	s3 =	rddreg [dreg:$0x2];
	[bflag:$0x3] =	sbarrier.arrive $0xFFFF;
	s2 =	simm.s32 @!p0 $0x1C11  }
0x60b: {  	[timem:s3], [sflag:s2] =	dma.local @!p0 [hbm:s0], s1  }
0x60c: {  	s0 =	simm.s32 @!p0 $0x11  }
0x60d: {  	_ =	swait.ge @!p0 [sflag:s0], s1  }
0x60e: {  	s1 =	ssub.s32 @!p0 $0x0, s1;
	[sflag:s0] =	ssyncset.done @!p0 $0x0  }
0x60f: {  	[sflag:s0] =	ssyncadd.s32 @!p0 s1  }
0x610: {  	[bflag:$0x3] =	sbarrier.arrive $0xFFFF  }
0x611: {  	_ =	shalt  }

// kernel: sparse-core-data-format-call.cloned.1.call-start
scs
called_computation_lowered:
.L_overlay_start_0:
0x0: {  	s2 =	sld [smem:$0x3FD9]  }
0x1: {  	s3 =	sld [smem:$0x3FFE];
	_ =	sdelay $0x1  }
0x2: {  	s1 =	srdreg.scid  }
0x3: {  	s0 =	sand.u32 $0x1, s1  }
0x4: {  	s18 =	sshll.u32 s0, $0xA;
	s2 =	sadd.s32 s3, s2  }
0x5: {  	s2 =	sadd.s32 s2, s18  }
0x6: {  	[smem:$0x3FC6] =	sst s2  }
0x7: {  	_ = 	snop  }
0x8: {  	s2 =	sld [smem:$0x3FD0];
	(tm) =	ssettm $0x1  }
0x9: {  	s19 =	sld [smem:$0x3FFB];
	_ =	sdelay $0x3  }
0xa: {  	_ =	strace s19  }
0xb: {  	s3 =	sld [smem:$0x3FFC];
	_ =	sdelay $0x3  }
0xc: {  	_ =	strace s3  }
0xd: {  	s3 =	sld [smem:$0x3FFD];
	_ =	sdelay $0x3  }
0xe: {  	_ =	strace s3  }
0xf: {  	_ =	strace $0x8FFFFFFF  }
0x10: {  	s20 =	sld [smem:$0x3FDB];
	_ =	sdelay $0x1  }
0x11: {  	s4 =	simm.s32 $_scs_section_size  }
0x12: {  	s5 =	simm.s32 $_size__tile_overlayer_lowered;
	s6 =	simm.s32 $_tile_overlayer_lowered  }
0x13: {  	s23 =	simm.s32 $0x1BFF;
	s22 =	sshll.u32 s6, $0x1;
	s3 =	sadd.s32 s4, s20  }
0x14: {  	s7 =	simm.s32 $0x0;
	s21 =	sshll.u32 s5, $0x1;
	s5 =	sadd.s32 s22, s3  }
0x15: {  	[timem:s7], [sflag:s23] =	dma.local [hbm:s5], s21  }
0x16: {  	_ =	swait.ge [sflag:s23], s21  }
0x17: {  	s4 =	ssub.s32 $0x0, s21;
	[sflag:s23] =	ssyncset.done $0x0  }
0x18: {  	[sflag:s23] =	ssyncadd.s32 s4;
	_ =	sdelay $0x1  }
0x19: {  	s24 =	simm.s32 $0x1B8B  }
0x1a: {  	_ =	swait.ge [sflag:s24], $0x1  }
0x1b: {  	[sflag:s24] =	ssyncset.done $0x0  }
0x1c: {  	s26 =	simm.s32 $0x1B8E;
	s25 =	sld [smem:$0x3FFE];
	[sflag:s24] =	ssyncadd.s32 $0xFFFFFFFF  }
0x1d: {  	s27 =	simm.s32 $execute0_lowered;
	[smem:$0x3FD2] =	sst s26  }
0x1e: {  	s5 =	sshll.u32 s27, $0x1;
	_ =	strace $0x80000049;
	[dreg:$0x1] =	wrdreg $0xFFFFFFFF  }
0x1f: {  	s28 =	simm.s32 $_size_execute0_lowered;
	s3 =	sadd.s32 s3, s5;
	[dreg:$0x0] =	wrdreg $0x0  }
0x20: {  	s5 =	sshll.u32 s28, $0x1;
	[dreg:$0x2] =	wrdreg s3  }
0x21: {  	[dreg:$0x3] =	wrdreg s5  }
0x22: {  	[dreg:$0x4] =	wrdreg $0xC0  }
0x23: {  	_ =	task [dreg:s7], $0x5FFFF  }
0x24: {  	[dreg:$0x1] =	wrdreg $0xFFFFFFFF  }
0x25: {  	[dreg:$0x0] =	wrdreg $0x60  }
0x26: {  	[dreg:$0x2] =	wrdreg s25  }
0x27: {  	[dreg:$0x3] =	wrdreg s2  }
0x28: {  	[dreg:$0x4] =	wrdreg $0x9  }
0x29: {  	_ =	task.clear_ibuf [dreg:s7], $0x5FFFF;
	_ =	strace $0x90000049  }
0x2a: {  	s29 =	simm.s32 $0x9;
	_ =	strace $0x8000004B  }
0x2b: {  	_ =	swait.ge [sflag:s29], $0x1  }
0x2c: {  	[sflag:s29] =	ssyncadd.s32 $0xFFFFFFFF  }
0x2d: {  	_ =	strace $0x9000004B  }
0x2e: {  	_ =	sfence  }
0x2f: {  	s30 =	sld [smem:$0x0];
	_ =	sdelay $0x2  }
0x30: {  	s31 =	sshll.u32 s1, $0xD;
	s1 =	sshrl.u32 s1, $0x2  }
0x31: {  	s3 =	sand.u32 $0x4000, s31;
	s1 =	sadd.s32 s1, s30  }
0x32: {  	s0 =	sor.u32 s3, s0;
	s1 =	sshll.u32 s1, $0x11  }
0x33: {  	s0 =	sor.u32 s1, s0  }
0x34: {  	s0 =	sadd.s32 $0x8F2B, s0  }
0x35: {  	[sflag:s0] =	ssyncadd.remote.s32 $0x1  }
0x36: {  	_ =	sfence.sel $0xFFFF  }
0x37: {  	[dreg:$0x0] =	wrdreg $0xFFFFFFFF;
	(pc) =	sbr.abs _section_cstart, $3  }
0x38: {  	[dreg:$0x1] =	wrdreg $0xFFFFFFFF  }
0x39: {  	_ =	task.clear_ibuf [dreg:s7], $0x2FFFF;
	_ =	strace $0x9FFFFFFF  }
0x3a: {  	(tm) =	ssettm $0x7FFFFFFF  }
0x3b: {  	_ =	shalt  }
tec
execute0_lowered:
.L_overlay_start_1:
0x0: {  	(tag) =	ssettag $0x1  }
0x1: {  	s0 =	srdreg.scid  }
0x2: {  	s1 =	sshll.u32 s0, $0x4  }
0x3: {  	s0 =	stileid.u32;
	s1 =	sand.u32 $0x10, s1  }
0x4: {  	s1 =	sor.u32 s0, s1  }
0x5: {  	s6 =	rddreg [dreg:$0x0];
	s4 =	simm.s32 $0x1;
	s2 =	sshll.u32 s1, $0x7  }
0x6: {  	s7 =	simm.s32 $0x2;
	s12 =	simm.s32 $0x0;
	s1 =	ssub.s32 $0x1000, s2  }
0x7: {  	s8 =	simm.s32 $0x8000;
	s13 =	simm.s32 $0x0;
	s3 =	sand.u32 $0xF80, s1  }
0x8: {  	s9 =	simm.s32 $0x0;
	s5 =	sshrl.u32 s1, $0xC;
	p0 =	sne.s32 s3, $0x0  }
.Ltmp0:
0x9: {  	s1 =	rddreg [dreg:$0x2];
	s4 =	simm.s32 @!p0 $0x0;
	(pc) =	sbr.rel .LBB1_1-.Ltmp0, $4  }
0xa: {  	s11 =	simm.s32 $0x0;
	s3 =	rddreg [dreg:$0x1];
	s5 =	sadd.s32 s4, s5  }
0xb: {  	_ =	strace $0x8000004A;
	s4 =	simm.s32 $0x1;
	s5 =	smul.u32 $0x32, s5  }
0xc: {  	s6 =	sadd.s32 $0xA00, s6;
	s10 =	smov.u32 s2;
	[sflag:s4] =	ssyncpa.u1 $0x0  }
0xd: {  	p0 =	por $0x0, $0x0;
	[sflag:s7] =	ssyncpa.u1 $0x0;
	s7 =	sor.u32 $0x1, s5  }
.LBB1_4:
0xe: {  	s16 =	sshll.u32 s13, $0x3;
	s17 =	sand.u32 $0x78, s13  }
0xf: {  	s30 =	sand.u32 $0x7E00, s13;
	s12 =	sshll.u32 s12, $0xF;
	s16 =	sand.u32 $0xC00, s16  }
0x10: {  	[tilespmem:s15+$0x810 ss:$0x81] =	vst.msk $0xffff, v2;
	s31 =	sand.u32 $0x7, s13;
	s16 =	sor.u32 s17, s16;
	s17 =	sadd.s32 s3, s30  }
0x11: {  	[tilespmem:s15+$0x1020 ss:$0x81] =	vst.msk $0xffff, v0;
	s13 =	sshll.u32 s31, $0x12;
	s12 =	sadd.s32 s12, s17;
	s16 =	sshrl.u32 s16, $0x3  }
0x12: {  	[tilespmem:s15+$0x0 ss:$0x81] =	vst.msk $0xffff, v1;
	s13 =	sor.u32 $0x400, s13;
	s12 =	sadd.s32 s16, s12  }
0x13: {  	[hbm4b:s12+s13] =	stream.strided.scatter [tilespmem:s14], [sflag:$0x2], $0x2000, s8, s13, $0x20;
	[tilespmem:$0x8080] =	vst v63  }
.LBB1_5:
0x14: {  	s14 =	sadd.s32 $0x1, s9  }
0x15: {  	s12 =	sadd.s32 $0x1000, s10;
	s16 =	smov.u32 s10;
	p2 =	sgt.s32 s14, $0x31  }
0x16: {  	s16 =	smov.u32 @p2 s12  }
0x17: {  	s14 =	simm.s32 @p2 $0x0;
	p2 =	sgt.s32 s16, $0xFFF  }
0x18: {  	s16 =	smov.u32 @p2 s2;
	p2 =	sne.s32 s11, s7  }
.Ltmp1:
0x19: {  	p1 =	slt.u32 s11, $0x2;
	(pc) =	sbr.rel @!p2 .LBB1_6-.Ltmp1, $4  }
0x1a: {  	s15 =	simm.s32 @!p1 $0x2  }
0x1b: {  	s13 =	smov.u32 s10;
	p0 =	por !p0, !p0;
	_ =	swait.ge @!p1 [sflag:s15], $0x2000  }
0x1c: {  	s12 =	smov.u32 s9;
	[sflag:s15] =	ssyncset.done @!p1 $0x0;
	s9 =	smov.u32 s14  }
0x1d: {  	s11 =	sadd.s32 $0x1, s11;
	[sflag:s15] =	ssyncadd.s32 @!p1 $0xFFFFE000;
	s10 =	smov.u32 s16  }
.LBB1_1:
0x1e: {  	p1 =	sge.u32 s11, s5  }
0x1f: {  	s14 =	sand.u32 @!p1 $0x1FFFFFF, s9  }
0x20: {  	s15 =	smulhi.u32 @!p1 $0x4924925, s14;
	_ =	sdelay $0x1  }
0x21: {  	s15 =	smul.u32 @!p1 $0x38, s15  }
0x22: {  	s16 =	sxor.u32 @!p1 $0xFFFFFFFF, s11;
	s17 =	smul.u32 @!p1 $0x380, s10  }
0x23: {  	s31 =	sadd.s32 $0xFFFFFFFF, s11;
	s16 =	sshll.u32 @!p1 s16, $0xD;
	s14 =	ssub.s32 @!p1 s14, s15  }
0x24: {  	s15 =	sand.u32 @!p1 $0x2000, s16;
	s16 =	sadd.s32 @!p1 s6, s17;
	s14 =	sshll.u32 @!p1 s14, $0x4  }
0x25: {  	s17 =	simm.s32 @!p1 $0x1C00;
	s14 =	sadd.s32 @!p1 s14, s16;
	s16 =	simm.s32 @!p1 $0x40  }
0x26: {  	[tilespmem:s15], [sflag:$0x1] =	stream.strided.gather @!p1 [hbm4b:s14+s16], $0x2000, s17, s16, $0x38;
	[tilespmem:$0x8080] =	vst v63  }
0x27: {  	p1 =	sge.u32 s31, s5  }
.Ltmp2:
0x28: {  	_ = 	snop;
	(pc) =	sbr.rel @p1 .LBB1_5-.Ltmp2, $1  }
0x29: {  	_ =	sdelay $0x3  }
0x2a: {  	s14 =	simm.s32 $0x1  }
0x2b: {  	_ =	swait.ge [sflag:s4], $0x2000;
	s14 =	simm.s32 @!p0 $0x0  }
0x2c: {  	[sflag:s4] =	ssyncset.done $0x0;
	s15 =	sshll.u32 s14, $0xD  }
0x2d: {  	[sflag:s4] =	ssyncadd.s32 $0xFFFFE000;
	s18 =	sor.u32 $0x20, s15  }
0x2e: {  	s14 =	smul.u32 $0x8100, s14;
	v3 =	vld [tilespmem:s18+$0x10]  }
0x2f: {  	s30 =	sand.u32 $0x1, s11;
	v2 =	vld [tilespmem:s18+$0xFFFFFFF0]  }
0x30: {  	s15 =	smul.u32 $0x8100, s30;
	s14 =	sshrl.u32 s14, $0x2;
	v0 =	vld [tilespmem:s18+$0x0]  }
0x31: {  	v1 =	vld [tilespmem:s18+$0xFFFFFFE0];
	s16 =	sor.u32 $0x4000, s14  }
0x32: {  	s31 =	sshrl.u32 s15, $0x2;
	s15 =	sadd.s32 $0x0, s16  }
0x33: {  	s17 =	simm.s32 $0x4;
	s18 =	sadd.s32 $0x40, s18;
	s14 =	sor.u32 $0x4000, s31;
	[tilespmem:s15+$0x1830 ss:$0x81] =	vst.msk $0xffff, v3  }
.LBB1_3:
0x34: {  	v3 =	vld [tilespmem:s18+$0x10];
	p1 =	sne.s32 s17, $0x1FC;
	[tilespmem:s15+$0x810 ss:$0x81] =	vst.msk $0xffff, v2;
	s19 =	smov.u32 s17;
	s17 =	sadd.s32 $0x4, s17  }
.Ltmp3:
0x35: {  	v2 =	vld [tilespmem:s18+$0xFFFFFFF0];
	[tilespmem:s15+$0x1020 ss:$0x81] =	vst.msk $0xffff, v0;
	(pc) =	sbr.rel @p1 .LBB1_3-.Ltmp3, $4  }
0x36: {  	v0 =	vld [tilespmem:s18+$0x0];
	[tilespmem:s15+$0x0 ss:$0x81] =	vst.msk $0xffff, v1  }
0x37: {  	s15 =	sshra.s32 s19, $0x2;
	v1 =	vld [tilespmem:s18+$0xFFFFFFE0]  }
0x38: {  	s15 =	sadd.s32 s15, s16  }
0x39: {  	s18 =	sadd.s32 $0x40, s18;
	[tilespmem:s15+$0x1830 ss:$0x81] =	vst.msk $0xffff, v3  }
.Ltmp4:
0x3a: {  	_ = 	snop;
	(pc) =	sbr.rel .LBB1_4-.Ltmp4, $1  }
0x3b: {  	_ =	sdelay $0x3  }
.LBB1_6:
0x3c: {  	_ =	sfence.sel $0x180000  }
0x3d: {  	s2 =	simm.s32 $0x1;
	[bflag:$0x0] =	sbarrier.arrive $0xFFFF  }
0x3e: {  	s31 =	simm.s32 $0x2;
	[sflag:s2] =	ssyncpa.u1 $0x1  }
0x3f: {  	[sflag:s31] =	ssyncpa.u1 $0x1  }
0x40: {  	p0 =	sne.s32 s0, $0x0;
	_ =	strace $0x9000004A  }
0x41: {  	s0 =	sadd.s32 @!p0 $0x100000, s1;
	[bflag:$0x2] =	sbarrier.arrive $0xFFFF  }
0x42: {  	[sflag:s0] =	ssyncadd.tile.s32 @!p0 $0x1;
	_ =	shalt  }
.Lfunc_end1:
_tile_overlayer_lowered:
.L_overlay_start_2:
0x43: {  	(tag) =	ssettag $0x2  }
0x44: {  	s0 =	rddreg [dreg:$0x0];
	s2 =	stileid.u32  }
0x45: {  	s1 =	rddreg [dreg:$0x1];
	p0 =	sne.s32 s2, $0x0  }
0x46: {  	s3 =	rddreg [dreg:$0x2];
	[bflag:$0x3] =	sbarrier.arrive $0xFFFF;
	s2 =	simm.s32 @!p0 $0x1C01  }
0x47: {  	[timem:s3], [sflag:s2] =	dma.local @!p0 [hbm:s0], s1  }
0x48: {  	s0 =	simm.s32 @!p0 $0x1  }
0x49: {  	_ =	swait.ge @!p0 [sflag:s0], s1  }
0x4a: {  	s1 =	ssub.s32 @!p0 $0x0, s1;
	[sflag:s0] =	ssyncset.done @!p0 $0x0  }
0x4b: {  	[sflag:s0] =	ssyncadd.s32 @!p0 s1  }
0x4c: {  	[bflag:$0x3] =	sbarrier.arrive $0xFFFF  }
0x4d: {  	_ =	shalt  }

</sc_bundles>
